<compile_context>
chip_gen: v7x
topology: tpu7x:2x2x1
jax: 0.10.2.dev20260603
libtpu: 0.0.44.dev20260713+nightly
codegen_flags: <defaults>
</compile_context>

<pallas_src>
import jax
import jax.numpy as jnp
import numpy as np
from jax import lax
from jax.experimental import pallas as pl
from jax.experimental.pallas import tpu as pltpu
from jax.experimental.pallas import tpu_sc as plsc

N = 50000
E = 800000
D = 20
FW = 340
FWP = 352
PW = 16
CHUNK = 5000
NPASS = 5
ACC_ROWS = 5120
T = 1000
ND = 3
G = 32
L16 = 16

_RSQRT_MAGIC = np.int32(0x5F3759DF)


def _splat_i32(v):
    return jnp.full((L16,), v, jnp.int32)


def _sc_body(nodetab, postab, edges, aggr,
             acc, colbuf, rowbuf, gcol, grow, lcol, gidx, xg, pg, shm, fbuf,
             sem_i, sem_g, sem_s):
    ci = lax.axis_index("c")
    si = lax.axis_index("s")
    lanes = lax.iota(jnp.int32, L16)
    zvec = jnp.zeros((L16,), jnp.float32)
    NT = E // 16 // T

    def edge_body(par, spar):
        def _eb(e, carry):
            sh_e = plsc.load_gather(shm, [lanes, _splat_i32(0) + e])
            fbuf[spar, e, pl.ds(0, L16)] = xg[par, e, pl.ds(0, L16)]
            fbuf[spar, e, pl.ds(L16, L16)] = xg[par, e, pl.ds(L16, L16)]
            p_splat = _splat_i32(0) + par
            e_splat = _splat_i32(0) + e
            for d_ in range(D):
                fb = plsc.load_gather(xg, [p_splat, e_splat, _splat_i32(d_)])
                fbuf[spar, e, pl.ds(D + d_ * L16, L16)] = fb * sh_e
            return carry
        return _eb

    def pass_body(p, carry):
        base = (ci * NPASS + p) * CHUNK

        def zrow(r, carry_z):
            for j in range(FWP // L16):
                fbuf[0, r, pl.ds(j * L16, L16)] = zvec
            return carry_z
        lax.fori_loop(0, L16, zrow, 0)
        r0 = si * (ACC_ROWS // 16)
        for j in range(ACC_ROWS // 16 // L16):
            pltpu.sync_copy(fbuf.at[0], acc.at[pl.ds(r0 + j * L16, L16)])
        plsc.subcore_barrier()

        ebase = si * (E // 16)

        pltpu.async_copy(edges.at[0, pl.ds(ebase, T)], rowbuf.at[pl.ds(0, T)], sem_i)
        pltpu.async_copy(edges.at[1, pl.ds(ebase, T)], colbuf.at[pl.ds(0, T)], sem_i)

        def tile_body(t, carry_t):
            toff = ebase + t * T
            pltpu.make_async_copy(edges.at[0, pl.ds(toff, T)],
                                  rowbuf.at[pl.ds(0, T)], sem_i).wait()
            pltpu.make_async_copy(edges.at[1, pl.ds(toff, T)],
                                  colbuf.at[pl.ds(0, T)], sem_i).wait()

            def scan_step(i, k):
                c = colbuf[pl.ds(i * L16, L16)]
                r = rowbuf[pl.ds(i * L16, L16)]
                m = ((c >= base) & (c < base + CHUNK)
                     & (i * L16 + lanes < T))
                mi = m.astype(jnp.int32)
                cs = plsc.cumsum(mi)
                idx = k + cs - 1
                plsc.store_scatter(gcol, [idx], c, mask=m)
                plsc.store_scatter(grow, [idx], r, mask=m)
                return k + cs[L16 - 1]

            k = lax.fori_loop(0, pl.cdiv(T, L16), scan_step, jnp.int32(0))

            plsc.store_scatter(gcol, [k + lanes], _splat_i32(0))
            plsc.store_scatter(grow, [k + lanes], _splat_i32(0))

            @pl.when(t + 1 < NT)
            def _prefetch_idx():
                toff2 = ebase + (t + 1) * T
                pltpu.async_copy(edges.at[0, pl.ds(toff2, T)],
                                 rowbuf.at[pl.ds(0, T)], sem_i)
                pltpu.async_copy(edges.at[1, pl.ds(toff2, T)],
                                 colbuf.at[pl.ds(0, T)], sem_i)

            nh = (k + (L16 - 1)) // L16

            def prime(dpre, carry_p):
                g1 = dpre * L16
                gidx[dpre, 0, pl.ds(0, L16)] = grow[pl.ds(g1, L16)]
                gidx[dpre, 1, pl.ds(0, L16)] = gcol[pl.ds(g1, L16)]
                pltpu.async_copy(nodetab.at[gidx.at[dpre, 0]], xg.at[dpre], sem_g.at[dpre])
                pltpu.async_copy(postab.at[gidx.at[dpre, 1]], pg.at[dpre], sem_g.at[dpre])
                return carry_p

            lax.fori_loop(0, jnp.minimum(nh, ND), prime, 0)

            def hbody(h, carry_h):
                par = h % ND
                spar = h % 2
                pltpu.make_async_copy(nodetab.at[gidx.at[par, 0]],
                                      xg.at[par], sem_g.at[par]).wait()
                pltpu.make_async_copy(postab.at[gidx.at[par, 1]],
                                      pg.at[par], sem_g.at[par]).wait()

                @pl.when(h >= 2)
                def _drain():
                    pltpu.make_async_copy(fbuf.at[spar], acc.at[lcol.at[spar]],
                                          sem_s.at[spar]).wait()

                p_splat = _splat_i32(0) + par
                px = plsc.load_gather(xg, [p_splat, lanes, _splat_i32(D)])
                py = plsc.load_gather(xg, [p_splat, lanes, _splat_i32(D + 1)])
                pz = plsc.load_gather(xg, [p_splat, lanes, _splat_i32(D + 2)])
                qx = plsc.load_gather(pg, [p_splat, lanes, _splat_i32(0)])
                qy = plsc.load_gather(pg, [p_splat, lanes, _splat_i32(1)])
                qz = plsc.load_gather(pg, [p_splat, lanes, _splat_i32(2)])
                dx = qx - px
                dy = qy - py
                dz = qz - pz
                s = jnp.maximum(dx * dx + dy * dy + dz * dz, 1e-24)
                yy = plsc.bitcast(
                    _RSQRT_MAGIC - (plsc.bitcast(s, jnp.int32) >> 1),
                    jnp.float32)
                for _ in range(3):
                    yy = yy * (1.5 - 0.5 * s * yy * yy)
                ux = dx * yy
                uy = dy * yy
                uz = dz * yy
                x2 = ux * ux
                y2 = uy * uy
                z2 = uz * uz
                sl = pl.ds(0, L16)
                shm[0, sl] = jnp.full((L16,), 0.28209479177387814, jnp.float32)
                shm[1, sl] = 0.4886025119029199 * uy
                shm[2, sl] = 0.4886025119029199 * uz
                shm[3, sl] = 0.4886025119029199 * ux
                shm[4, sl] = 1.0925484305920792 * ux * uy
                shm[5, sl] = 1.0925484305920792 * uy * uz
                shm[6, sl] = 0.31539156525252005 * (3.0 * z2 - 1.0)
                shm[7, sl] = 1.0925484305920792 * ux * uz
                shm[8, sl] = 0.5462742152960396 * (x2 - y2)
                shm[9, sl] = 0.5900435899266435 * uy * (3.0 * x2 - y2)
                shm[10, sl] = 2.890611442640554 * ux * uy * uz
                shm[11, sl] = 0.4570457994644658 * uy * (5.0 * z2 - 1.0)
                shm[12, sl] = 0.3731763325901154 * uz * (5.0 * z2 - 3.0)
                shm[13, sl] = 0.4570457994644658 * ux * (5.0 * z2 - 1.0)
                shm[14, sl] = 1.445305721320277 * uz * (x2 - y2)
                shm[15, sl] = 0.5900435899266435 * ux * (3.0 * x2 - y2)

                cg = gidx[par, 1, pl.ds(0, L16)]
                pos = lanes + h * L16
                lcol[spar, pl.ds(0, L16)] = jnp.where(
                    pos < k, cg - base, np.int32(CHUNK))

                lax.fori_loop(0, L16, edge_body(par, spar), 0)

                pltpu.async_copy(fbuf.at[spar], acc.at[lcol.at[spar]],
                                 sem_s.at[spar], add=True)

                @pl.when(h + ND < nh)
                def _prefetch_g():
                    g1 = (h + ND) * L16
                    gidx[par, 0, pl.ds(0, L16)] = grow[pl.ds(g1, L16)]
                    gidx[par, 1, pl.ds(0, L16)] = gcol[pl.ds(g1, L16)]
                    pltpu.async_copy(nodetab.at[gidx.at[par, 0]], xg.at[par], sem_g.at[par])
                    pltpu.async_copy(postab.at[gidx.at[par, 1]], pg.at[par], sem_g.at[par])
                return carry_h

            lax.fori_loop(0, nh, hbody, 0)

            @pl.when(nh >= 1)
            def _drain1():
                pltpu.make_async_copy(fbuf.at[0], acc.at[lcol.at[0]],
                                      sem_s.at[(nh + 1) % 2]).wait()

            @pl.when(nh >= 2)
            def _drain2():
                pltpu.make_async_copy(fbuf.at[1], acc.at[lcol.at[1]],
                                      sem_s.at[nh % 2]).wait()
            return carry_t

        lax.fori_loop(0, NT, tile_body, 0)
        plsc.subcore_barrier()

        w0 = si * 312
        pltpu.sync_copy(acc.at[pl.ds(w0, 312)], aggr.at[pl.ds(base + w0, 312)])

        @pl.when(si == 0)
        def _copy_tail():
            pltpu.sync_copy(acc.at[pl.ds(4992, 8)], aggr.at[pl.ds(base + 4992, 8)])

        plsc.subcore_barrier()
        return carry

    lax.fori_loop(0, NPASS, pass_body, 0)


def _sc_aggregate(nodetab, postab, edge_index):
    mesh = plsc.VectorSubcoreMesh(core_axis_name="c", subcore_axis_name="s")
    return pl.kernel(
        _sc_body,
        out_type=jax.ShapeDtypeStruct((N, FWP), jnp.float32),
        mesh=mesh,
        compiler_params=pltpu.CompilerParams(
            use_tc_tiling_on_sc=False, needs_layout_passes=False),
        scratch_types=[
            pltpu.VMEM_SHARED((ACC_ROWS, FWP), jnp.float32),
            pltpu.VMEM((T + L16,), jnp.int32),
            pltpu.VMEM((T + L16,), jnp.int32),
            pltpu.VMEM((T + 2 * L16,), jnp.int32),
            pltpu.VMEM((T + 2 * L16,), jnp.int32),
            pltpu.VMEM((2, L16), jnp.int32),
            pltpu.VMEM((ND, 2, L16), jnp.int32),
            pltpu.VMEM((ND, L16, 32), jnp.float32),
            pltpu.VMEM((ND, L16, PW), jnp.float32),
            pltpu.VMEM((L16, L16), jnp.float32),
            pltpu.VMEM((2, L16, FWP), jnp.float32),
            pltpu.SemaphoreType.DMA,
            pltpu.SemaphoreType.DMA((ND,)),
            pltpu.SemaphoreType.DMA((2,)),
        ],
    )(nodetab, postab, edge_index)


def _mlp_body(x_ref, wpre_ref, bpre_ref, wpost_ref, bpost_ref, wsc_ref, bsc_ref, o_ref):
    x = x_ref[...]
    h = jnp.maximum(jnp.dot(x, wpre_ref[...], preferred_element_type=jnp.float32)
                    + bpre_ref[...], 0.0)
    h = jnp.dot(h, wpost_ref[...], preferred_element_type=jnp.float32) + bpost_ref[...]
    o_ref[...] = h + jnp.dot(x, wsc_ref[...], preferred_element_type=jnp.float32) + bsc_ref[...]


def kernel(x, edge_index, positions, W_pre, b_pre, W_post, b_post, W_sc, b_sc):
    n, d = x.shape
    B = 5000
    out = pl.pallas_call(
        _mlp_body,
        grid=(n // B,),
        in_specs=[
            pl.BlockSpec((B, d), lambda i: (i, 0)),
            pl.BlockSpec((d, d), lambda i: (0, 0)),
            pl.BlockSpec((1, d), lambda i: (0, 0)),
            pl.BlockSpec((d, d), lambda i: (0, 0)),
            pl.BlockSpec((1, d), lambda i: (0, 0)),
            pl.BlockSpec((d, d), lambda i: (0, 0)),
            pl.BlockSpec((1, d), lambda i: (0, 0)),
        ],
        out_specs=pl.BlockSpec((B, d), lambda i: (i, 0)),
        out_shape=jax.ShapeDtypeStruct((n, d), jnp.float32),
    )(x, W_pre, b_pre.reshape(1, d), W_post, b_post.reshape(1, d),
      W_sc, b_sc.reshape(1, d))

    nodetab = jnp.concatenate(
        [x, positions, jnp.zeros((n, 32 - d - 3), jnp.float32)], axis=1)
    postab = jnp.concatenate(
        [positions, jnp.zeros((n, PW - 3), jnp.float32)], axis=1)
    aggr = _sc_aggregate(nodetab, postab, edge_index)
    return out, aggr[:, :FW]

# --- scband reference (transcript-rebuilt; emitter-appended) ---
"""Pipeline reference for scband-model-18124761989625 (READ-ONLY COPY).

The authoritative reference and input builder live on the scoring server;
editing this copy changes nothing except your own understanding.
"""

import jax, jax.numpy as jnp
import numpy as np

SH_LMAX = 3  # (lmax+1)^2 = 16 spherical-harmonic components


def _spherical_harmonics(vec):
    # real spherical harmonics up to l=3 of the normalized vector
    eps = 1e-12
    n = jnp.sqrt(jnp.sum(vec * vec, axis=-1, keepdims=True))
    u = vec / jnp.maximum(n, eps)
    x = u[:, 0]; y = u[:, 1]; z = u[:, 2]
    x2 = x * x; y2 = y * y; z2 = z * z
    comps = [
        0.28209479177387814 * jnp.ones_like(x),
        0.4886025119029199 * y,
        0.4886025119029199 * z,
        0.4886025119029199 * x,
        1.0925484305920792 * x * y,
        1.0925484305920792 * y * z,
        0.31539156525252005 * (3.0 * z2 - 1.0),
        1.0925484305920792 * x * z,
        0.5462742152960396 * (x2 - y2),
        0.5900435899266435 * y * (3.0 * x2 - y2),
        2.890611442640554 * x * y * z,
        0.4570457994644658 * y * (5.0 * z2 - 1.0),
        0.3731763325901154 * z * (5.0 * z2 - 3.0),
        0.4570457994644658 * x * (5.0 * z2 - 1.0),
        1.445305721320277 * z * (x2 - y2),
        0.5900435899266435 * x * (3.0 * x2 - y2),
    ]
    return jnp.stack(comps, axis=-1)


def setup_inputs(seed: int = 0) -> dict:
    key = jax.random.key(seed)
    ks = jax.random.split(key, 10)
    N = 50000
    E = 800000
    D = 20  # input_dim = target_dim = 20 per Model()
    x = jax.random.normal(ks[0], (N, D), dtype=jnp.float32)
    edge_index = jax.random.randint(ks[1], (2, E), 0, N, dtype=jnp.int32)
    positions = jax.random.normal(ks[2], (N, 3), dtype=jnp.float32)
    s = 1.0 / np.sqrt(D)
    W_pre = jax.random.uniform(ks[3], (D, D), jnp.float32, -s, s)
    b_pre = jax.random.uniform(ks[4], (D,), jnp.float32, -s, s)
    W_post = jax.random.uniform(ks[5], (D, D), jnp.float32, -s, s)
    b_post = jax.random.uniform(ks[6], (D,), jnp.float32, -s, s)
    W_sc = jax.random.uniform(ks[7], (D, D), jnp.float32, -s, s)
    b_sc = jax.random.uniform(ks[8], (D,), jnp.float32, -s, s)
    return {"x": x, "edge_index": edge_index, "positions": positions,
            "W_pre": W_pre, "b_pre": b_pre, "W_post": W_post, "b_post": b_post,
            "W_sc": W_sc, "b_sc": b_sc}


def reference(x, edge_index, positions, W_pre, b_pre, W_post, b_post, W_sc, b_sc):
    denominator = 1.0
    row = edge_index[0]
    col = edge_index[1]
    # edge pipeline: gather positions, spherical harmonics, gather sender feats,
    # tensor product, concat, scatter-add to destination nodes
    rel_pos = positions[col] - positions[row]
    sh = _spherical_harmonics(rel_pos)                       # [E, 16]
    sender_features = x[row]                                 # [E, 20]
    tensor_prod = (sender_features[:, :, None] * sh[:, None, :]).reshape(sender_features.shape[0], -1)  # [E, 320]
    edge_features = jnp.concatenate([sender_features, tensor_prod], axis=1)  # [E, 340]
    aggr_out = jax.ops.segment_sum(edge_features, col, num_segments=x.shape[0])  # [N, 340]
    # update(): note original module does not consume aggr_out in the residual MLP
    node_feats = x / denominator
    node_feats = jax.nn.relu(node_feats @ W_pre + b_pre)
    node_feats = node_feats @ W_post + b_post
    shortcut = x @ W_sc + b_sc
    out = shortcut + node_feats
    return out, aggr_out

if __name__ == "__main__":
    import jax
    _d = setup_inputs()
    print(jax.jit(kernel)(*tuple(_d.values())))

</pallas_src>

<mosaic_0001>
#map = affine_map<(d0, d1) -> (0, 0)>
module attributes {stable_mosaic.version = 14 : i64} {
  func.func @_sc_body(%arg0: i32, %arg1: i32, %arg2: memref<50000x32xf32, #tpu.memory_space<hbm>>, %arg3: memref<50000x16xf32, #tpu.memory_space<hbm>>, %arg4: memref<2x800000xi32, #tpu.memory_space<hbm>>, %arg5: memref<50000x352xf32, #tpu.memory_space<hbm>>, %arg6: memref<5120x352xf32, #tpu.memory_space<vmem_shared>>, %arg7: memref<1016xi32, #tpu.memory_space<vmem>>, %arg8: memref<1016xi32, #tpu.memory_space<vmem>>, %arg9: memref<1032xi32, #tpu.memory_space<vmem>>, %arg10: memref<1032xi32, #tpu.memory_space<vmem>>, %arg11: memref<2x16xi32, #tpu.memory_space<vmem>>, %arg12: memref<3x2x16xi32, #tpu.memory_space<vmem>>, %arg13: memref<3x16x32xf32, #tpu.memory_space<vmem>>, %arg14: memref<3x16x16xf32, #tpu.memory_space<vmem>>, %arg15: memref<16x16xf32, #tpu.memory_space<vmem>>, %arg16: memref<2x16x352xf32, #tpu.memory_space<vmem>>, %arg17: memref<!tpu.dma_semaphore, #tpu.memory_space<semaphore_mem>>, %arg18: memref<3x!tpu.dma_semaphore, #tpu.memory_space<semaphore_mem>>, %arg19: memref<2x!tpu.dma_semaphore, #tpu.memory_space<semaphore_mem>>) attributes {dimension_semantics = [#tpu.dimension_semantics<core_parallel>, #tpu.dimension_semantics<subcore_parallel>], iteration_bounds = array<i64: 2, 16>, scalar_prefetch = 0 : i64, scratch_operands = 14 : i64, tpu.core_type = #tpu.core_type<sc_vector_subcore>, window_params = [{transform_indices = #map}, {transform_indices = #map}, {transform_indices = #map}, {transform_indices = #map}]} {
    %iota3A = tpu.iota {dimensions = array<i32: 0>} : vector<16xi32>
    %broadcast_in_dim3A = arith.constant 0.000000e+00 : f32
    %broadcast_in_dim3A_0 = vector.broadcast %broadcast_in_dim3A : f32 to vector<16xf32>
    %scan3A = arith.constant 0 : i32
    %scan3A_1 = arith.constant 0 : i32
    %scan3A_2 = arith.constant 5 : i32
    %scan3A_3 = arith.addi %scan3A_1, %scan3A_2 : i32
    %scan3A_4 = arith.constant 1 : i32
    scf.for %scan3A_6 = %scan3A_1 to %scan3A_3 step %scan3A_4  : i32 {
      %mul3A = arith.constant 5 : i32
      %mul3A_7 = arith.muli %arg0, %mul3A : i32
      %add3A = arith.addi %mul3A_7, %scan3A_6 : i32
      %mul3A_8 = arith.constant 5000 : i32
      %mul3A_9 = arith.muli %add3A, %mul3A_8 : i32
      %scan3A_10 = arith.constant 0 : i32
      %scan3A_11 = arith.constant 0 : i32
      %scan3A_12 = arith.constant 16 : i32
      %scan3A_13 = arith.addi %scan3A_11, %scan3A_12 : i32
      %scan3A_14 = arith.constant 1 : i32
      scf.for %scan3A_109 = %scan3A_11 to %scan3A_13 step %scan3A_14  : i32 {
        %swap3A = arith.constant 0 : i32
        %swap3A_110 = arith.index_cast %swap3A : i32 to index
        %swap3A_111 = arith.index_cast %scan3A_109 : i32 to index
        %swap3A_112 = arith.constant 0 : index
        %swap3A_113 = tpu.vector_load %arg16[%swap3A_110, %swap3A_111, %swap3A_112] {strides = array<i32>} : memref<2x16x352xf32, #tpu.memory_space<vmem>>, vector<16xf32>,
        tpu.vector_store %arg16[%swap3A_110, %swap3A_111, %swap3A_112], %broadcast_in_dim3A_0 {strides = array<i32>} : memref<2x16x352xf32, #tpu.memory_space<vmem>>, vector<16xf32>,
        %swap3A_114 = arith.constant 0 : i32
        %swap3A_115 = arith.index_cast %swap3A_114 : i32 to index
        %swap3A_116 = arith.index_cast %scan3A_109 : i32 to index
        %swap3A_117 = arith.constant 16 : index
        %swap3A_118 = tpu.vector_load %arg16[%swap3A_115, %swap3A_116, %swap3A_117] {strides = array<i32>} : memref<2x16x352xf32, #tpu.memory_space<vmem>>, vector<16xf32>,
        tpu.vector_store %arg16[%swap3A_115, %swap3A_116, %swap3A_117], %broadcast_in_dim3A_0 {strides = array<i32>} : memref<2x16x352xf32, #tpu.memory_space<vmem>>, vector<16xf32>,
        %swap3A_119 = arith.constant 0 : i32
        %swap3A_120 = arith.index_cast %swap3A_119 : i32 to index
        %swap3A_121 = arith.index_cast %scan3A_109 : i32 to index
        %swap3A_122 = arith.constant 32 : index
        %swap3A_123 = tpu.vector_load %arg16[%swap3A_120, %swap3A_121, %swap3A_122] {strides = array<i32>} : memref<2x16x352xf32, #tpu.memory_space<vmem>>, vector<16xf32>,
        tpu.vector_store %arg16[%swap3A_120, %swap3A_121, %swap3A_122], %broadcast_in_dim3A_0 {strides = array<i32>} : memref<2x16x352xf32, #tpu.memory_space<vmem>>, vector<16xf32>,
        %swap3A_124 = arith.constant 0 : i32
        %swap3A_125 = arith.index_cast %swap3A_124 : i32 to index
        %swap3A_126 = arith.index_cast %scan3A_109 : i32 to index
        %swap3A_127 = arith.constant 48 : index
        %swap3A_128 = tpu.vector_load %arg16[%swap3A_125, %swap3A_126, %swap3A_127] {strides = array<i32>} : memref<2x16x352xf32, #tpu.memory_space<vmem>>, vector<16xf32>,
        tpu.vector_store %arg16[%swap3A_125, %swap3A_126, %swap3A_127], %broadcast_in_dim3A_0 {strides = array<i32>} : memref<2x16x352xf32, #tpu.memory_space<vmem>>, vector<16xf32>,
        %swap3A_129 = arith.constant 0 : i32
        %swap3A_130 = arith.index_cast %swap3A_129 : i32 to index
        %swap3A_131 = arith.index_cast %scan3A_109 : i32 to index
        %swap3A_132 = arith.constant 64 : index
        %swap3A_133 = tpu.vector_load %arg16[%swap3A_130, %swap3A_131, %swap3A_132] {strides = array<i32>} : memref<2x16x352xf32, #tpu.memory_space<vmem>>, vector<16xf32>,
        tpu.vector_store %arg16[%swap3A_130, %swap3A_131, %swap3A_132], %broadcast_in_dim3A_0 {strides = array<i32>} : memref<2x16x352xf32, #tpu.memory_space<vmem>>, vector<16xf32>,
        %swap3A_134 = arith.constant 0 : i32
        %swap3A_135 = arith.index_cast %swap3A_134 : i32 to index
        %swap3A_136 = arith.index_cast %scan3A_109 : i32 to index
        %swap3A_137 = arith.constant 80 : index
        %swap3A_138 = tpu.vector_load %arg16[%swap3A_135, %swap3A_136, %swap3A_137] {strides = array<i32>} : memref<2x16x352xf32, #tpu.memory_space<vmem>>, vector<16xf32>,
        tpu.vector_store %arg16[%swap3A_135, %swap3A_136, %swap3A_137], %broadcast_in_dim3A_0 {strides = array<i32>} : memref<2x16x352xf32, #tpu.memory_space<vmem>>, vector<16xf32>,
        %swap3A_139 = arith.constant 0 : i32
        %swap3A_140 = arith.index_cast %swap3A_139 : i32 to index
        %swap3A_141 = arith.index_cast %scan3A_109 : i32 to index
        %swap3A_142 = arith.constant 96 : index
        %swap3A_143 = tpu.vector_load %arg16[%swap3A_140, %swap3A_141, %swap3A_142] {strides = array<i32>} : memref<2x16x352xf32, #tpu.memory_space<vmem>>, vector<16xf32>,
        tpu.vector_store %arg16[%swap3A_140, %swap3A_141, %swap3A_142], %broadcast_in_dim3A_0 {strides = array<i32>} : memref<2x16x352xf32, #tpu.memory_space<vmem>>, vector<16xf32>,
        %swap3A_144 = arith.constant 0 : i32
        %swap3A_145 = arith.index_cast %swap3A_144 : i32 to index
        %swap3A_146 = arith.index_cast %scan3A_109 : i32 to index
        %swap3A_147 = arith.constant 112 : index
        %swap3A_148 = tpu.vector_load %arg16[%swap3A_145, %swap3A_146, %swap3A_147] {strides = array<i32>} : memref<2x16x352xf32, #tpu.memory_space<vmem>>, vector<16xf32>,
        tpu.vector_store %arg16[%swap3A_145, %swap3A_146, %swap3A_147], %broadcast_in_dim3A_0 {strides = array<i32>} : memref<2x16x352xf32, #tpu.memory_space<vmem>>, vector<16xf32>,
        %swap3A_149 = arith.constant 0 : i32
        %swap3A_150 = arith.index_cast %swap3A_149 : i32 to index
        %swap3A_151 = arith.index_cast %scan3A_109 : i32 to index
        %swap3A_152 = arith.constant 128 : index
        %swap3A_153 = tpu.vector_load %arg16[%swap3A_150, %swap3A_151, %swap3A_152] {strides = array<i32>} : memref<2x16x352xf32, #tpu.memory_space<vmem>>, vector<16xf32>,
        tpu.vector_store %arg16[%swap3A_150, %swap3A_151, %swap3A_152], %broadcast_in_dim3A_0 {strides = array<i32>} : memref<2x16x352xf32, #tpu.memory_space<vmem>>, vector<16xf32>,
        %swap3A_154 = arith.constant 0 : i32
        %swap3A_155 = arith.index_cast %swap3A_154 : i32 to index
        %swap3A_156 = arith.index_cast %scan3A_109 : i32 to index
        %swap3A_157 = arith.constant 144 : index
        %swap3A_158 = tpu.vector_load %arg16[%swap3A_155, %swap3A_156, %swap3A_157] {strides = array<i32>} : memref<2x16x352xf32, #tpu.memory_space<vmem>>, vector<16xf32>,
        tpu.vector_store %arg16[%swap3A_155, %swap3A_156, %swap3A_157], %broadcast_in_dim3A_0 {strides = array<i32>} : memref<2x16x352xf32, #tpu.memory_space<vmem>>, vector<16xf32>,
        %swap3A_159 = arith.constant 0 : i32
        %swap3A_160 = arith.index_cast %swap3A_159 : i32 to index
        %swap3A_161 = arith.index_cast %scan3A_109 : i32 to index
        %swap3A_162 = arith.constant 160 : index
        %swap3A_163 = tpu.vector_load %arg16[%swap3A_160, %swap3A_161, %swap3A_162] {strides = array<i32>} : memref<2x16x352xf32, #tpu.memory_space<vmem>>, vector<16xf32>,
        tpu.vector_store %arg16[%swap3A_160, %swap3A_161, %swap3A_162], %broadcast_in_dim3A_0 {strides = array<i32>} : memref<2x16x352xf32, #tpu.memory_space<vmem>>, vector<16xf32>,
        %swap3A_164 = arith.constant 0 : i32
        %swap3A_165 = arith.index_cast %swap3A_164 : i32 to index
        %swap3A_166 = arith.index_cast %scan3A_109 : i32 to index
        %swap3A_167 = arith.constant 176 : index
        %swap3A_168 = tpu.vector_load %arg16[%swap3A_165, %swap3A_166, %swap3A_167] {strides = array<i32>} : memref<2x16x352xf32, #tpu.memory_space<vmem>>, vector<16xf32>,
        tpu.vector_store %arg16[%swap3A_165, %swap3A_166, %swap3A_167], %broadcast_in_dim3A_0 {strides = array<i32>} : memref<2x16x352xf32, #tpu.memory_space<vmem>>, vector<16xf32>,
        %swap3A_169 = arith.constant 0 : i32
        %swap3A_170 = arith.index_cast %swap3A_169 : i32 to index
        %swap3A_171 = arith.index_cast %scan3A_109 : i32 to index
        %swap3A_172 = arith.constant 192 : index
        %swap3A_173 = tpu.vector_load %arg16[%swap3A_170, %swap3A_171, %swap3A_172] {strides = array<i32>} : memref<2x16x352xf32, #tpu.memory_space<vmem>>, vector<16xf32>,
        tpu.vector_store %arg16[%swap3A_170, %swap3A_171, %swap3A_172], %broadcast_in_dim3A_0 {strides = array<i32>} : memref<2x16x352xf32, #tpu.memory_space<vmem>>, vector<16xf32>,
        %swap3A_174 = arith.constant 0 : i32
        %swap3A_175 = arith.index_cast %swap3A_174 : i32 to index
        %swap3A_176 = arith.index_cast %scan3A_109 : i32 to index
        %swap3A_177 = arith.constant 208 : index
        %swap3A_178 = tpu.vector_load %arg16[%swap3A_175, %swap3A_176, %swap3A_177] {strides = array<i32>} : memref<2x16x352xf32, #tpu.memory_space<vmem>>, vector<16xf32>,
        tpu.vector_store %arg16[%swap3A_175, %swap3A_176, %swap3A_177], %broadcast_in_dim3A_0 {strides = array<i32>} : memref<2x16x352xf32, #tpu.memory_space<vmem>>, vector<16xf32>,
        %swap3A_179 = arith.constant 0 : i32
        %swap3A_180 = arith.index_cast %swap3A_179 : i32 to index
        %swap3A_181 = arith.index_cast %scan3A_109 : i32 to index
        %swap3A_182 = arith.constant 224 : index
        %swap3A_183 = tpu.vector_load %arg16[%swap3A_180, %swap3A_181, %swap3A_182] {strides = array<i32>} : memref<2x16x352xf32, #tpu.memory_space<vmem>>, vector<16xf32>,
        tpu.vector_store %arg16[%swap3A_180, %swap3A_181, %swap3A_182], %broadcast_in_dim3A_0 {strides = array<i32>} : memref<2x16x352xf32, #tpu.memory_space<vmem>>, vector<16xf32>,
        %swap3A_184 = arith.constant 0 : i32
        %swap3A_185 = arith.index_cast %swap3A_184 : i32 to index
        %swap3A_186 = arith.index_cast %scan3A_109 : i32 to index
        %swap3A_187 = arith.constant 240 : index
        %swap3A_188 = tpu.vector_load %arg16[%swap3A_185, %swap3A_186, %swap3A_187] {strides = array<i32>} : memref<2x16x352xf32, #tpu.memory_space<vmem>>, vector<16xf32>,
        tpu.vector_store %arg16[%swap3A_185, %swap3A_186, %swap3A_187], %broadcast_in_dim3A_0 {strides = array<i32>} : memref<2x16x352xf32, #tpu.memory_space<vmem>>, vector<16xf32>,
        %swap3A_189 = arith.constant 0 : i32
        %swap3A_190 = arith.index_cast %swap3A_189 : i32 to index
        %swap3A_191 = arith.index_cast %scan3A_109 : i32 to index
        %swap3A_192 = arith.constant 256 : index
        %swap3A_193 = tpu.vector_load %arg16[%swap3A_190, %swap3A_191, %swap3A_192] {strides = array<i32>} : memref<2x16x352xf32, #tpu.memory_space<vmem>>, vector<16xf32>,
        tpu.vector_store %arg16[%swap3A_190, %swap3A_191, %swap3A_192], %broadcast_in_dim3A_0 {strides = array<i32>} : memref<2x16x352xf32, #tpu.memory_space<vmem>>, vector<16xf32>,
        %swap3A_194 = arith.constant 0 : i32
        %swap3A_195 = arith.index_cast %swap3A_194 : i32 to index
        %swap3A_196 = arith.index_cast %scan3A_109 : i32 to index
        %swap3A_197 = arith.constant 272 : index
        %swap3A_198 = tpu.vector_load %arg16[%swap3A_195, %swap3A_196, %swap3A_197] {strides = array<i32>} : memref<2x16x352xf32, #tpu.memory_space<vmem>>, vector<16xf32>,
        tpu.vector_store %arg16[%swap3A_195, %swap3A_196, %swap3A_197], %broadcast_in_dim3A_0 {strides = array<i32>} : memref<2x16x352xf32, #tpu.memory_space<vmem>>, vector<16xf32>,
        %swap3A_199 = arith.constant 0 : i32
        %swap3A_200 = arith.index_cast %swap3A_199 : i32 to index
        %swap3A_201 = arith.index_cast %scan3A_109 : i32 to index
        %swap3A_202 = arith.constant 288 : index
        %swap3A_203 = tpu.vector_load %arg16[%swap3A_200, %swap3A_201, %swap3A_202] {strides = array<i32>} : memref<2x16x352xf32, #tpu.memory_space<vmem>>, vector<16xf32>,
        tpu.vector_store %arg16[%swap3A_200, %swap3A_201, %swap3A_202], %broadcast_in_dim3A_0 {strides = array<i32>} : memref<2x16x352xf32, #tpu.memory_space<vmem>>, vector<16xf32>,
        %swap3A_204 = arith.constant 0 : i32
        %swap3A_205 = arith.index_cast %swap3A_204 : i32 to index
        %swap3A_206 = arith.index_cast %scan3A_109 : i32 to index
        %swap3A_207 = arith.constant 304 : index
        %swap3A_208 = tpu.vector_load %arg16[%swap3A_205, %swap3A_206, %swap3A_207] {strides = array<i32>} : memref<2x16x352xf32, #tpu.memory_space<vmem>>, vector<16xf32>,
        tpu.vector_store %arg16[%swap3A_205, %swap3A_206, %swap3A_207], %broadcast_in_dim3A_0 {strides = array<i32>} : memref<2x16x352xf32, #tpu.memory_space<vmem>>, vector<16xf32>,
        %swap3A_209 = arith.constant 0 : i32
        %swap3A_210 = arith.index_cast %swap3A_209 : i32 to index
        %swap3A_211 = arith.index_cast %scan3A_109 : i32 to index
        %swap3A_212 = arith.constant 320 : index
        %swap3A_213 = tpu.vector_load %arg16[%swap3A_210, %swap3A_211, %swap3A_212] {strides = array<i32>} : memref<2x16x352xf32, #tpu.memory_space<vmem>>, vector<16xf32>,
        tpu.vector_store %arg16[%swap3A_210, %swap3A_211, %swap3A_212], %broadcast_in_dim3A_0 {strides = array<i32>} : memref<2x16x352xf32, #tpu.memory_space<vmem>>, vector<16xf32>,
        %swap3A_214 = arith.constant 0 : i32
        %swap3A_215 = arith.index_cast %swap3A_214 : i32 to index
        %swap3A_216 = arith.index_cast %scan3A_109 : i32 to index
        %swap3A_217 = arith.constant 336 : index
        %swap3A_218 = tpu.vector_load %arg16[%swap3A_215, %swap3A_216, %swap3A_217] {strides = array<i32>} : memref<2x16x352xf32, #tpu.memory_space<vmem>>, vector<16xf32>,
        tpu.vector_store %arg16[%swap3A_215, %swap3A_216, %swap3A_217], %broadcast_in_dim3A_0 {strides = array<i32>} : memref<2x16x352xf32, #tpu.memory_space<vmem>>, vector<16xf32>,
      }
      %scan3A_15 = arith.constant 16 : i32
      %mul3A_16 = arith.constant 320 : i32
      %mul3A_17 = arith.muli %arg1, %mul3A_16 : i32
      %add3A_18 = arith.constant 0 : i32
      %add3A_19 = arith.addi %mul3A_17, %add3A_18 : i32
      %run_scoped3A = arith.constant 0 : i32
      "tpu.region"() ({
        %run_scoped3A_109 = tpu.sem_alloc : memref<!tpu.dma_semaphore, #tpu.memory_space<semaphore_mem>>
        %dma_start3A_110 = arith.constant 0 : i32
        %dma_start3A_111 = arith.constant 0 : i32
        %dma_start3A_112 = tpu.memref_slice %arg16[%run_scoped3A, %dma_start3A_110, %dma_start3A_111] : memref<2x16x352xf32, #tpu.memory_space<vmem>> -> memref<1x16x352xf32, #tpu.memory_space<vmem>>
        %dma_start3A_113 = tpu.memref_squeeze %dma_start3A_112 : memref<1x16x352xf32, #tpu.memory_space<vmem>> -> memref<16x352xf32, #tpu.memory_space<vmem>>
        %dma_start3A_114 = arith.constant 0 : i32
        %dma_start3A_115 = tpu.memref_slice %arg6[%add3A_19, %dma_start3A_114] : memref<5120x352xf32, #tpu.memory_space<vmem_shared>> -> memref<16x352xf32, #tpu.memory_space<vmem_shared>>
        %dma_start3A_116 = arith.constant 0 : i32
        %dma_start3A_117 = tpu.memref_slice %arg6[%add3A_19, %dma_start3A_116] : memref<5120x352xf32, #tpu.memory_space<vmem_shared>> -> memref<16x352xf32, #tpu.memory_space<vmem_shared>>
        %dma_start3A_118 = arith.constant 0 : i32
        %dma_start3A_119 = arith.constant 0 : i32
        %dma_start3A_120 = tpu.memref_slice %arg16[%run_scoped3A, %dma_start3A_118, %dma_start3A_119] : memref<2x16x352xf32, #tpu.memory_space<vmem>> -> memref<1x16x352xf32, #tpu.memory_space<vmem>>
        %dma_start3A_121 = tpu.memref_squeeze %dma_start3A_120 : memref<1x16x352xf32, #tpu.memory_space<vmem>> -> memref<16x352xf32, #tpu.memory_space<vmem>>
        tpu.enqueue_dma source(%dma_start3A_121 : memref<16x352xf32, #tpu.memory_space<vmem>>) target(%dma_start3A_117 : memref<16x352xf32, #tpu.memory_space<vmem_shared>>) target_semaphore(%run_scoped3A_109 : memref<!tpu.dma_semaphore, #tpu.memory_space<semaphore_mem>>)
        %dma_wait3A = arith.constant 0 : i32
        %dma_wait3A_122 = arith.constant 0 : i32
        %dma_wait3A_123 = tpu.memref_slice %arg16[%run_scoped3A, %dma_wait3A, %dma_wait3A_122] : memref<2x16x352xf32, #tpu.memory_space<vmem>> -> memref<1x16x352xf32, #tpu.memory_space<vmem>>
        %dma_wait3A_124 = tpu.memref_squeeze %dma_wait3A_123 : memref<1x16x352xf32, #tpu.memory_space<vmem>> -> memref<16x352xf32, #tpu.memory_space<vmem>>
        %dma_wait3A_125 = arith.constant 0 : i32
        %dma_wait3A_126 = tpu.memref_slice %arg6[%add3A_19, %dma_wait3A_125] : memref<5120x352xf32, #tpu.memory_space<vmem_shared>> -> memref<16x352xf32, #tpu.memory_space<vmem_shared>>
        %dma_wait3A_127 = arith.constant 0 : i32
        %dma_wait3A_128 = tpu.memref_slice %arg6[%add3A_19, %dma_wait3A_127] : memref<5120x352xf32, #tpu.memory_space<vmem_shared>> -> memref<16x352xf32, #tpu.memory_space<vmem_shared>>
        %dma_wait3A_129 = arith.constant 0 : i32
        %dma_wait3A_130 = arith.constant 0 : i32
        %dma_wait3A_131 = tpu.memref_slice %arg16[%run_scoped3A, %dma_wait3A_129, %dma_wait3A_130] : memref<2x16x352xf32, #tpu.memory_space<vmem>> -> memref<1x16x352xf32, #tpu.memory_space<vmem>>
        %dma_wait3A_132 = tpu.memref_squeeze %dma_wait3A_131 : memref<1x16x352xf32, #tpu.memory_space<vmem>> -> memref<16x352xf32, #tpu.memory_space<vmem>>
        tpu.wait_dma2 semaphore(%run_scoped3A_109 : memref<!tpu.dma_semaphore, #tpu.memory_space<semaphore_mem>>) src(%dma_wait3A_132 : memref<16x352xf32, #tpu.memory_space<vmem>>) dst(%dma_wait3A_128 : memref<16x352xf32, #tpu.memory_space<vmem_shared>>)
        tpu.yield
      }) : () -> ()
      %add3A_20 = arith.constant 16 : i32
      %add3A_21 = arith.addi %mul3A_17, %add3A_20 : i32
      %run_scoped3A_22 = arith.constant 0 : i32
      "tpu.region"() ({
        %run_scoped3A_109 = tpu.sem_alloc : memref<!tpu.dma_semaphore, #tpu.memory_space<semaphore_mem>>
        %dma_start3A_110 = arith.constant 0 : i32
        %dma_start3A_111 = arith.constant 0 : i32
        %dma_start3A_112 = tpu.memref_slice %arg16[%run_scoped3A_22, %dma_start3A_110, %dma_start3A_111] : memref<2x16x352xf32, #tpu.memory_space<vmem>> -> memref<1x16x352xf32, #tpu.memory_space<vmem>>
        %dma_start3A_113 = tpu.memref_squeeze %dma_start3A_112 : memref<1x16x352xf32, #tpu.memory_space<vmem>> -> memref<16x352xf32, #tpu.memory_space<vmem>>
        %dma_start3A_114 = arith.constant 0 : i32
        %dma_start3A_115 = tpu.memref_slice %arg6[%add3A_21, %dma_start3A_114] : memref<5120x352xf32, #tpu.memory_space<vmem_shared>> -> memref<16x352xf32, #tpu.memory_space<vmem_shared>>
        %dma_start3A_116 = arith.constant 0 : i32
        %dma_start3A_117 = tpu.memref_slice %arg6[%add3A_21, %dma_start3A_116] : memref<5120x352xf32, #tpu.memory_space<vmem_shared>> -> memref<16x352xf32, #tpu.memory_space<vmem_shared>>
        %dma_start3A_118 = arith.constant 0 : i32
        %dma_start3A_119 = arith.constant 0 : i32
        %dma_start3A_120 = tpu.memref_slice %arg16[%run_scoped3A_22, %dma_start3A_118, %dma_start3A_119] : memref<2x16x352xf32, #tpu.memory_space<vmem>> -> memref<1x16x352xf32, #tpu.memory_space<vmem>>
        %dma_start3A_121 = tpu.memref_squeeze %dma_start3A_120 : memref<1x16x352xf32, #tpu.memory_space<vmem>> -> memref<16x352xf32, #tpu.memory_space<vmem>>
        tpu.enqueue_dma source(%dma_start3A_121 : memref<16x352xf32, #tpu.memory_space<vmem>>) target(%dma_start3A_117 : memref<16x352xf32, #tpu.memory_space<vmem_shared>>) target_semaphore(%run_scoped3A_109 : memref<!tpu.dma_semaphore, #tpu.memory_space<semaphore_mem>>)
        %dma_wait3A = arith.constant 0 : i32
        %dma_wait3A_122 = arith.constant 0 : i32
        %dma_wait3A_123 = tpu.memref_slice %arg16[%run_scoped3A_22, %dma_wait3A, %dma_wait3A_122] : memref<2x16x352xf32, #tpu.memory_space<vmem>> -> memref<1x16x352xf32, #tpu.memory_space<vmem>>
        %dma_wait3A_124 = tpu.memref_squeeze %dma_wait3A_123 : memref<1x16x352xf32, #tpu.memory_space<vmem>> -> memref<16x352xf32, #tpu.memory_space<vmem>>
        %dma_wait3A_125 = arith.constant 0 : i32
        %dma_wait3A_126 = tpu.memref_slice %arg6[%add3A_21, %dma_wait3A_125] : memref<5120x352xf32, #tpu.memory_space<vmem_shared>> -> memref<16x352xf32, #tpu.memory_space<vmem_shared>>
        %dma_wait3A_127 = arith.constant 0 : i32
        %dma_wait3A_128 = tpu.memref_slice %arg6[%add3A_21, %dma_wait3A_127] : memref<5120x352xf32, #tpu.memory_space<vmem_shared>> -> memref<16x352xf32, #tpu.memory_space<vmem_shared>>
        %dma_wait3A_129 = arith.constant 0 : i32
        %dma_wait3A_130 = arith.constant 0 : i32
        %dma_wait3A_131 = tpu.memref_slice %arg16[%run_scoped3A_22, %dma_wait3A_129, %dma_wait3A_130] : memref<2x16x352xf32, #tpu.memory_space<vmem>> -> memref<1x16x352xf32, #tpu.memory_space<vmem>>
        %dma_wait3A_132 = tpu.memref_squeeze %dma_wait3A_131 : memref<1x16x352xf32, #tpu.memory_space<vmem>> -> memref<16x352xf32, #tpu.memory_space<vmem>>
        tpu.wait_dma2 semaphore(%run_scoped3A_109 : memref<!tpu.dma_semaphore, #tpu.memory_space<semaphore_mem>>) src(%dma_wait3A_132 : memref<16x352xf32, #tpu.memory_space<vmem>>) dst(%dma_wait3A_128 : memref<16x352xf32, #tpu.memory_space<vmem_shared>>)
        tpu.yield
      }) : () -> ()
      %add3A_23 = arith.constant 32 : i32
      %add3A_24 = arith.addi %mul3A_17, %add3A_23 : i32
      %run_scoped3A_25 = arith.constant 0 : i32
      "tpu.region"() ({
        %run_scoped3A_109 = tpu.sem_alloc : memref<!tpu.dma_semaphore, #tpu.memory_space<semaphore_mem>>
        %dma_start3A_110 = arith.constant 0 : i32
        %dma_start3A_111 = arith.constant 0 : i32
        %dma_start3A_112 = tpu.memref_slice %arg16[%run_scoped3A_25, %dma_start3A_110, %dma_start3A_111] : memref<2x16x352xf32, #tpu.memory_space<vmem>> -> memref<1x16x352xf32, #tpu.memory_space<vmem>>
        %dma_start3A_113 = tpu.memref_squeeze %dma_start3A_112 : memref<1x16x352xf32, #tpu.memory_space<vmem>> -> memref<16x352xf32, #tpu.memory_space<vmem>>
        %dma_start3A_114 = arith.constant 0 : i32
        %dma_start3A_115 = tpu.memref_slice %arg6[%add3A_24, %dma_start3A_114] : memref<5120x352xf32, #tpu.memory_space<vmem_shared>> -> memref<16x352xf32, #tpu.memory_space<vmem_shared>>
        %dma_start3A_116 = arith.constant 0 : i32
        %dma_start3A_117 = tpu.memref_slice %arg6[%add3A_24, %dma_start3A_116] : memref<5120x352xf32, #tpu.memory_space<vmem_shared>> -> memref<16x352xf32, #tpu.memory_space<vmem_shared>>
        %dma_start3A_118 = arith.constant 0 : i32
        %dma_start3A_119 = arith.constant 0 : i32
        %dma_start3A_120 = tpu.memref_slice %arg16[%run_scoped3A_25, %dma_start3A_118, %dma_start3A_119] : memref<2x16x352xf32, #tpu.memory_space<vmem>> -> memref<1x16x352xf32, #tpu.memory_space<vmem>>
        %dma_start3A_121 = tpu.memref_squeeze %dma_start3A_120 : memref<1x16x352xf32, #tpu.memory_space<vmem>> -> memref<16x352xf32, #tpu.memory_space<vmem>>
        tpu.enqueue_dma source(%dma_start3A_121 : memref<16x352xf32, #tpu.memory_space<vmem>>) target(%dma_start3A_117 : memref<16x352xf32, #tpu.memory_space<vmem_shared>>) target_semaphore(%run_scoped3A_109 : memref<!tpu.dma_semaphore, #tpu.memory_space<semaphore_mem>>)
        %dma_wait3A = arith.constant 0 : i32
        %dma_wait3A_122 = arith.constant 0 : i32
        %dma_wait3A_123 = tpu.memref_slice %arg16[%run_scoped3A_25, %dma_wait3A, %dma_wait3A_122] : memref<2x16x352xf32, #tpu.memory_space<vmem>> -> memref<1x16x352xf32, #tpu.memory_space<vmem>>
        %dma_wait3A_124 = tpu.memref_squeeze %dma_wait3A_123 : memref<1x16x352xf32, #tpu.memory_space<vmem>> -> memref<16x352xf32, #tpu.memory_space<vmem>>
        %dma_wait3A_125 = arith.constant 0 : i32
        %dma_wait3A_126 = tpu.memref_slice %arg6[%add3A_24, %dma_wait3A_125] : memref<5120x352xf32, #tpu.memory_space<vmem_shared>> -> memref<16x352xf32, #tpu.memory_space<vmem_shared>>
        %dma_wait3A_127 = arith.constant 0 : i32
        %dma_wait3A_128 = tpu.memref_slice %arg6[%add3A_24, %dma_wait3A_127] : memref<5120x352xf32, #tpu.memory_space<vmem_shared>> -> memref<16x352xf32, #tpu.memory_space<vmem_shared>>
        %dma_wait3A_129 = arith.constant 0 : i32
        %dma_wait3A_130 = arith.constant 0 : i32
        %dma_wait3A_131 = tpu.memref_slice %arg16[%run_scoped3A_25, %dma_wait3A_129, %dma_wait3A_130] : memref<2x16x352xf32, #tpu.memory_space<vmem>> -> memref<1x16x352xf32, #tpu.memory_space<vmem>>
        %dma_wait3A_132 = tpu.memref_squeeze %dma_wait3A_131 : memref<1x16x352xf32, #tpu.memory_space<vmem>> -> memref<16x352xf32, #tpu.memory_space<vmem>>
        tpu.wait_dma2 semaphore(%run_scoped3A_109 : memref<!tpu.dma_semaphore, #tpu.memory_space<semaphore_mem>>) src(%dma_wait3A_132 : memref<16x352xf32, #tpu.memory_space<vmem>>) dst(%dma_wait3A_128 : memref<16x352xf32, #tpu.memory_space<vmem_shared>>)
        tpu.yield
      }) : () -> ()
      %add3A_26 = arith.constant 48 : i32
      %add3A_27 = arith.addi %mul3A_17, %add3A_26 : i32
      %run_scoped3A_28 = arith.constant 0 : i32
      "tpu.region"() ({
        %run_scoped3A_109 = tpu.sem_alloc : memref<!tpu.dma_semaphore, #tpu.memory_space<semaphore_mem>>
        %dma_start3A_110 = arith.constant 0 : i32
        %dma_start3A_111 = arith.constant 0 : i32
        %dma_start3A_112 = tpu.memref_slice %arg16[%run_scoped3A_28, %dma_start3A_110, %dma_start3A_111] : memref<2x16x352xf32, #tpu.memory_space<vmem>> -> memref<1x16x352xf32, #tpu.memory_space<vmem>>
        %dma_start3A_113 = tpu.memref_squeeze %dma_start3A_112 : memref<1x16x352xf32, #tpu.memory_space<vmem>> -> memref<16x352xf32, #tpu.memory_space<vmem>>
        %dma_start3A_114 = arith.constant 0 : i32
        %dma_start3A_115 = tpu.memref_slice %arg6[%add3A_27, %dma_start3A_114] : memref<5120x352xf32, #tpu.memory_space<vmem_shared>> -> memref<16x352xf32, #tpu.memory_space<vmem_shared>>
        %dma_start3A_116 = arith.constant 0 : i32
        %dma_start3A_117 = tpu.memref_slice %arg6[%add3A_27, %dma_start3A_116] : memref<5120x352xf32, #tpu.memory_space<vmem_shared>> -> memref<16x352xf32, #tpu.memory_space<vmem_shared>>
        %dma_start3A_118 = arith.constant 0 : i32
        %dma_start3A_119 = arith.constant 0 : i32
        %dma_start3A_120 = tpu.memref_slice %arg16[%run_scoped3A_28, %dma_start3A_118, %dma_start3A_119] : memref<2x16x352xf32, #tpu.memory_space<vmem>> -> memref<1x16x352xf32, #tpu.memory_space<vmem>>
        %dma_start3A_121 = tpu.memref_squeeze %dma_start3A_120 : memref<1x16x352xf32, #tpu.memory_space<vmem>> -> memref<16x352xf32, #tpu.memory_space<vmem>>
        tpu.enqueue_dma source(%dma_start3A_121 : memref<16x352xf32, #tpu.memory_space<vmem>>) target(%dma_start3A_117 : memref<16x352xf32, #tpu.memory_space<vmem_shared>>) target_semaphore(%run_scoped3A_109 : memref<!tpu.dma_semaphore, #tpu.memory_space<semaphore_mem>>)
        %dma_wait3A = arith.constant 0 : i32
        %dma_wait3A_122 = arith.constant 0 : i32
        %dma_wait3A_123 = tpu.memref_slice %arg16[%run_scoped3A_28, %dma_wait3A, %dma_wait3A_122] : memref<2x16x352xf32, #tpu.memory_space<vmem>> -> memref<1x16x352xf32, #tpu.memory_space<vmem>>
        %dma_wait3A_124 = tpu.memref_squeeze %dma_wait3A_123 : memref<1x16x352xf32, #tpu.memory_space<vmem>> -> memref<16x352xf32, #tpu.memory_space<vmem>>
        %dma_wait3A_125 = arith.constant 0 : i32
        %dma_wait3A_126 = tpu.memref_slice %arg6[%add3A_27, %dma_wait3A_125] : memref<5120x352xf32, #tpu.memory_space<vmem_shared>> -> memref<16x352xf32, #tpu.memory_space<vmem_shared>>
        %dma_wait3A_127 = arith.constant 0 : i32
        %dma_wait3A_128 = tpu.memref_slice %arg6[%add3A_27, %dma_wait3A_127] : memref<5120x352xf32, #tpu.memory_space<vmem_shared>> -> memref<16x352xf32, #tpu.memory_space<vmem_shared>>
        %dma_wait3A_129 = arith.constant 0 : i32
        %dma_wait3A_130 = arith.constant 0 : i32
        %dma_wait3A_131 = tpu.memref_slice %arg16[%run_scoped3A_28, %dma_wait3A_129, %dma_wait3A_130] : memref<2x16x352xf32, #tpu.memory_space<vmem>> -> memref<1x16x352xf32, #tpu.memory_space<vmem>>
        %dma_wait3A_132 = tpu.memref_squeeze %dma_wait3A_131 : memref<1x16x352xf32, #tpu.memory_space<vmem>> -> memref<16x352xf32, #tpu.memory_space<vmem>>
        tpu.wait_dma2 semaphore(%run_scoped3A_109 : memref<!tpu.dma_semaphore, #tpu.memory_space<semaphore_mem>>) src(%dma_wait3A_132 : memref<16x352xf32, #tpu.memory_space<vmem>>) dst(%dma_wait3A_128 : memref<16x352xf32, #tpu.memory_space<vmem_shared>>)
        tpu.yield
      }) : () -> ()
      %add3A_29 = arith.constant 64 : i32
      %add3A_30 = arith.addi %mul3A_17, %add3A_29 : i32
      %run_scoped3A_31 = arith.constant 0 : i32
      "tpu.region"() ({
        %run_scoped3A_109 = tpu.sem_alloc : memref<!tpu.dma_semaphore, #tpu.memory_space<semaphore_mem>>
        %dma_start3A_110 = arith.constant 0 : i32
        %dma_start3A_111 = arith.constant 0 : i32
        %dma_start3A_112 = tpu.memref_slice %arg16[%run_scoped3A_31, %dma_start3A_110, %dma_start3A_111] : memref<2x16x352xf32, #tpu.memory_space<vmem>> -> memref<1x16x352xf32, #tpu.memory_space<vmem>>
        %dma_start3A_113 = tpu.memref_squeeze %dma_start3A_112 : memref<1x16x352xf32, #tpu.memory_space<vmem>> -> memref<16x352xf32, #tpu.memory_space<vmem>>
        %dma_start3A_114 = arith.constant 0 : i32
        %dma_start3A_115 = tpu.memref_slice %arg6[%add3A_30, %dma_start3A_114] : memref<5120x352xf32, #tpu.memory_space<vmem_shared>> -> memref<16x352xf32, #tpu.memory_space<vmem_shared>>
        %dma_start3A_116 = arith.constant 0 : i32
        %dma_start3A_117 = tpu.memref_slice %arg6[%add3A_30, %dma_start3A_116] : memref<5120x352xf32, #tpu.memory_space<vmem_shared>> -> memref<16x352xf32, #tpu.memory_space<vmem_shared>>
        %dma_start3A_118 = arith.constant 0 : i32
        %dma_start3A_119 = arith.constant 0 : i32
        %dma_start3A_120 = tpu.memref_slice %arg16[%run_scoped3A_31, %dma_start3A_118, %dma_start3A_119] : memref<2x16x352xf32, #tpu.memory_space<vmem>> -> memref<1x16x352xf32, #tpu.memory_space<vmem>>
        %dma_start3A_121 = tpu.memref_squeeze %dma_start3A_120 : memref<1x16x352xf32, #tpu.memory_space<vmem>> -> memref<16x352xf32, #tpu.memory_space<vmem>>
        tpu.enqueue_dma source(%dma_start3A_121 : memref<16x352xf32, #tpu.memory_space<vmem>>) target(%dma_start3A_117 : memref<16x352xf32, #tpu.memory_space<vmem_shared>>) target_semaphore(%run_scoped3A_109 : memref<!tpu.dma_semaphore, #tpu.memory_space<semaphore_mem>>)
        %dma_wait3A = arith.constant 0 : i32
        %dma_wait3A_122 = arith.constant 0 : i32
        %dma_wait3A_123 = tpu.memref_slice %arg16[%run_scoped3A_31, %dma_wait3A, %dma_wait3A_122] : memref<2x16x352xf32, #tpu.memory_space<vmem>> -> memref<1x16x352xf32, #tpu.memory_space<vmem>>
        %dma_wait3A_124 = tpu.memref_squeeze %dma_wait3A_123 : memref<1x16x352xf32, #tpu.memory_space<vmem>> -> memref<16x352xf32, #tpu.memory_space<vmem>>
        %dma_wait3A_125 = arith.constant 0 : i32
        %dma_wait3A_126 = tpu.memref_slice %arg6[%add3A_30, %dma_wait3A_125] : memref<5120x352xf32, #tpu.memory_space<vmem_shared>> -> memref<16x352xf32, #tpu.memory_space<vmem_shared>>
        %dma_wait3A_127 = arith.constant 0 : i32
        %dma_wait3A_128 = tpu.memref_slice %arg6[%add3A_30, %dma_wait3A_127] : memref<5120x352xf32, #tpu.memory_space<vmem_shared>> -> memref<16x352xf32, #tpu.memory_space<vmem_shared>>
        %dma_wait3A_129 = arith.constant 0 : i32
        %dma_wait3A_130 = arith.constant 0 : i32
        %dma_wait3A_131 = tpu.memref_slice %arg16[%run_scoped3A_31, %dma_wait3A_129, %dma_wait3A_130] : memref<2x16x352xf32, #tpu.memory_space<vmem>> -> memref<1x16x352xf32, #tpu.memory_space<vmem>>
        %dma_wait3A_132 = tpu.memref_squeeze %dma_wait3A_131 : memref<1x16x352xf32, #tpu.memory_space<vmem>> -> memref<16x352xf32, #tpu.memory_space<vmem>>
        tpu.wait_dma2 semaphore(%run_scoped3A_109 : memref<!tpu.dma_semaphore, #tpu.memory_space<semaphore_mem>>) src(%dma_wait3A_132 : memref<16x352xf32, #tpu.memory_space<vmem>>) dst(%dma_wait3A_128 : memref<16x352xf32, #tpu.memory_space<vmem_shared>>)
        tpu.yield
      }) : () -> ()
      %add3A_32 = arith.constant 80 : i32
      %add3A_33 = arith.addi %mul3A_17, %add3A_32 : i32
      %run_scoped3A_34 = arith.constant 0 : i32
      "tpu.region"() ({
        %run_scoped3A_109 = tpu.sem_alloc : memref<!tpu.dma_semaphore, #tpu.memory_space<semaphore_mem>>
        %dma_start3A_110 = arith.constant 0 : i32
        %dma_start3A_111 = arith.constant 0 : i32
        %dma_start3A_112 = tpu.memref_slice %arg16[%run_scoped3A_34, %dma_start3A_110, %dma_start3A_111] : memref<2x16x352xf32, #tpu.memory_space<vmem>> -> memref<1x16x352xf32, #tpu.memory_space<vmem>>
        %dma_start3A_113 = tpu.memref_squeeze %dma_start3A_112 : memref<1x16x352xf32, #tpu.memory_space<vmem>> -> memref<16x352xf32, #tpu.memory_space<vmem>>
        %dma_start3A_114 = arith.constant 0 : i32
        %dma_start3A_115 = tpu.memref_slice %arg6[%add3A_33, %dma_start3A_114] : memref<5120x352xf32, #tpu.memory_space<vmem_shared>> -> memref<16x352xf32, #tpu.memory_space<vmem_shared>>
        %dma_start3A_116 = arith.constant 0 : i32
        %dma_start3A_117 = tpu.memref_slice %arg6[%add3A_33, %dma_start3A_116] : memref<5120x352xf32, #tpu.memory_space<vmem_shared>> -> memref<16x352xf32, #tpu.memory_space<vmem_shared>>
        %dma_start3A_118 = arith.constant 0 : i32
        %dma_start3A_119 = arith.constant 0 : i32
        %dma_start3A_120 = tpu.memref_slice %arg16[%run_scoped3A_34, %dma_start3A_118, %dma_start3A_119] : memref<2x16x352xf32, #tpu.memory_space<vmem>> -> memref<1x16x352xf32, #tpu.memory_space<vmem>>
        %dma_start3A_121 = tpu.memref_squeeze %dma_start3A_120 : memref<1x16x352xf32, #tpu.memory_space<vmem>> -> memref<16x352xf32, #tpu.memory_space<vmem>>
        tpu.enqueue_dma source(%dma_start3A_121 : memref<16x352xf32, #tpu.memory_space<vmem>>) target(%dma_start3A_117 : memref<16x352xf32, #tpu.memory_space<vmem_shared>>) target_semaphore(%run_scoped3A_109 : memref<!tpu.dma_semaphore, #tpu.memory_space<semaphore_mem>>)
        %dma_wait3A = arith.constant 0 : i32
        %dma_wait3A_122 = arith.constant 0 : i32
        %dma_wait3A_123 = tpu.memref_slice %arg16[%run_scoped3A_34, %dma_wait3A, %dma_wait3A_122] : memref<2x16x352xf32, #tpu.memory_space<vmem>> -> memref<1x16x352xf32, #tpu.memory_space<vmem>>
        %dma_wait3A_124 = tpu.memref_squeeze %dma_wait3A_123 : memref<1x16x352xf32, #tpu.memory_space<vmem>> -> memref<16x352xf32, #tpu.memory_space<vmem>>
        %dma_wait3A_125 = arith.constant 0 : i32
        %dma_wait3A_126 = tpu.memref_slice %arg6[%add3A_33, %dma_wait3A_125] : memref<5120x352xf32, #tpu.memory_space<vmem_shared>> -> memref<16x352xf32, #tpu.memory_space<vmem_shared>>
        %dma_wait3A_127 = arith.constant 0 : i32
        %dma_wait3A_128 = tpu.memref_slice %arg6[%add3A_33, %dma_wait3A_127] : memref<5120x352xf32, #tpu.memory_space<vmem_shared>> -> memref<16x352xf32, #tpu.memory_space<vmem_shared>>
        %dma_wait3A_129 = arith.constant 0 : i32
        %dma_wait3A_130 = arith.constant 0 : i32
        %dma_wait3A_131 = tpu.memref_slice %arg16[%run_scoped3A_34, %dma_wait3A_129, %dma_wait3A_130] : memref<2x16x352xf32, #tpu.memory_space<vmem>> -> memref<1x16x352xf32, #tpu.memory_space<vmem>>
        %dma_wait3A_132 = tpu.memref_squeeze %dma_wait3A_131 : memref<1x16x352xf32, #tpu.memory_space<vmem>> -> memref<16x352xf32, #tpu.memory_space<vmem>>
        tpu.wait_dma2 semaphore(%run_scoped3A_109 : memref<!tpu.dma_semaphore, #tpu.memory_space<semaphore_mem>>) src(%dma_wait3A_132 : memref<16x352xf32, #tpu.memory_space<vmem>>) dst(%dma_wait3A_128 : memref<16x352xf32, #tpu.memory_space<vmem_shared>>)
        tpu.yield
      }) : () -> ()
      %add3A_35 = arith.constant 96 : i32
      %add3A_36 = arith.addi %mul3A_17, %add3A_35 : i32
      %run_scoped3A_37 = arith.constant 0 : i32
      "tpu.region"() ({
        %run_scoped3A_109 = tpu.sem_alloc : memref<!tpu.dma_semaphore, #tpu.memory_space<semaphore_mem>>
        %dma_start3A_110 = arith.constant 0 : i32
        %dma_start3A_111 = arith.constant 0 : i32
        %dma_start3A_112 = tpu.memref_slice %arg16[%run_scoped3A_37, %dma_start3A_110, %dma_start3A_111] : memref<2x16x352xf32, #tpu.memory_space<vmem>> -> memref<1x16x352xf32, #tpu.memory_space<vmem>>
        %dma_start3A_113 = tpu.memref_squeeze %dma_start3A_112 : memref<1x16x352xf32, #tpu.memory_space<vmem>> -> memref<16x352xf32, #tpu.memory_space<vmem>>
        %dma_start3A_114 = arith.constant 0 : i32
        %dma_start3A_115 = tpu.memref_slice %arg6[%add3A_36, %dma_start3A_114] : memref<5120x352xf32, #tpu.memory_space<vmem_shared>> -> memref<16x352xf32, #tpu.memory_space<vmem_shared>>
        %dma_start3A_116 = arith.constant 0 : i32
        %dma_start3A_117 = tpu.memref_slice %arg6[%add3A_36, %dma_start3A_116] : memref<5120x352xf32, #tpu.memory_space<vmem_shared>> -> memref<16x352xf32, #tpu.memory_space<vmem_shared>>
        %dma_start3A_118 = arith.constant 0 : i32
        %dma_start3A_119 = arith.constant 0 : i32
        %dma_start3A_120 = tpu.memref_slice %arg16[%run_scoped3A_37, %dma_start3A_118, %dma_start3A_119] : memref<2x16x352xf32, #tpu.memory_space<vmem>> -> memref<1x16x352xf32, #tpu.memory_space<vmem>>
        %dma_start3A_121 = tpu.memref_squeeze %dma_start3A_120 : memref<1x16x352xf32, #tpu.memory_space<vmem>> -> memref<16x352xf32, #tpu.memory_space<vmem>>
        tpu.enqueue_dma source(%dma_start3A_121 : memref<16x352xf32, #tpu.memory_space<vmem>>) target(%dma_start3A_117 : memref<16x352xf32, #tpu.memory_space<vmem_shared>>) target_semaphore(%run_scoped3A_109 : memref<!tpu.dma_semaphore, #tpu.memory_space<semaphore_mem>>)
        %dma_wait3A = arith.constant 0 : i32
        %dma_wait3A_122 = arith.constant 0 : i32
        %dma_wait3A_123 = tpu.memref_slice %arg16[%run_scoped3A_37, %dma_wait3A, %dma_wait3A_122] : memref<2x16x352xf32, #tpu.memory_space<vmem>> -> memref<1x16x352xf32, #tpu.memory_space<vmem>>
        %dma_wait3A_124 = tpu.memref_squeeze %dma_wait3A_123 : memref<1x16x352xf32, #tpu.memory_space<vmem>> -> memref<16x352xf32, #tpu.memory_space<vmem>>
        %dma_wait3A_125 = arith.constant 0 : i32
        %dma_wait3A_126 = tpu.memref_slice %arg6[%add3A_36, %dma_wait3A_125] : memref<5120x352xf32, #tpu.memory_space<vmem_shared>> -> memref<16x352xf32, #tpu.memory_space<vmem_shared>>
        %dma_wait3A_127 = arith.constant 0 : i32
        %dma_wait3A_128 = tpu.memref_slice %arg6[%add3A_36, %dma_wait3A_127] : memref<5120x352xf32, #tpu.memory_space<vmem_shared>> -> memref<16x352xf32, #tpu.memory_space<vmem_shared>>
        %dma_wait3A_129 = arith.constant 0 : i32
        %dma_wait3A_130 = arith.constant 0 : i32
        %dma_wait3A_131 = tpu.memref_slice %arg16[%run_scoped3A_37, %dma_wait3A_129, %dma_wait3A_130] : memref<2x16x352xf32, #tpu.memory_space<vmem>> -> memref<1x16x352xf32, #tpu.memory_space<vmem>>
        %dma_wait3A_132 = tpu.memref_squeeze %dma_wait3A_131 : memref<1x16x352xf32, #tpu.memory_space<vmem>> -> memref<16x352xf32, #tpu.memory_space<vmem>>
        tpu.wait_dma2 semaphore(%run_scoped3A_109 : memref<!tpu.dma_semaphore, #tpu.memory_space<semaphore_mem>>) src(%dma_wait3A_132 : memref<16x352xf32, #tpu.memory_space<vmem>>) dst(%dma_wait3A_128 : memref<16x352xf32, #tpu.memory_space<vmem_shared>>)
        tpu.yield
      }) : () -> ()
      %add3A_38 = arith.constant 112 : i32
      %add3A_39 = arith.addi %mul3A_17, %add3A_38 : i32
      %run_scoped3A_40 = arith.constant 0 : i32
      "tpu.region"() ({
        %run_scoped3A_109 = tpu.sem_alloc : memref<!tpu.dma_semaphore, #tpu.memory_space<semaphore_mem>>
        %dma_start3A_110 = arith.constant 0 : i32
        %dma_start3A_111 = arith.constant 0 : i32
        %dma_start3A_112 = tpu.memref_slice %arg16[%run_scoped3A_40, %dma_start3A_110, %dma_start3A_111] : memref<2x16x352xf32, #tpu.memory_space<vmem>> -> memref<1x16x352xf32, #tpu.memory_space<vmem>>
        %dma_start3A_113 = tpu.memref_squeeze %dma_start3A_112 : memref<1x16x352xf32, #tpu.memory_space<vmem>> -> memref<16x352xf32, #tpu.memory_space<vmem>>
        %dma_start3A_114 = arith.constant 0 : i32
        %dma_start3A_115 = tpu.memref_slice %arg6[%add3A_39, %dma_start3A_114] : memref<5120x352xf32, #tpu.memory_space<vmem_shared>> -> memref<16x352xf32, #tpu.memory_space<vmem_shared>>
        %dma_start3A_116 = arith.constant 0 : i32
        %dma_start3A_117 = tpu.memref_slice %arg6[%add3A_39, %dma_start3A_116] : memref<5120x352xf32, #tpu.memory_space<vmem_shared>> -> memref<16x352xf32, #tpu.memory_space<vmem_shared>>
        %dma_start3A_118 = arith.constant 0 : i32
        %dma_start3A_119 = arith.constant 0 : i32
        %dma_start3A_120 = tpu.memref_slice %arg16[%run_scoped3A_40, %dma_start3A_118, %dma_start3A_119] : memref<2x16x352xf32, #tpu.memory_space<vmem>> -> memref<1x16x352xf32, #tpu.memory_space<vmem>>
        %dma_start3A_121 = tpu.memref_squeeze %dma_start3A_120 : memref<1x16x352xf32, #tpu.memory_space<vmem>> -> memref<16x352xf32, #tpu.memory_space<vmem>>
        tpu.enqueue_dma source(%dma_start3A_121 : memref<16x352xf32, #tpu.memory_space<vmem>>) target(%dma_start3A_117 : memref<16x352xf32, #tpu.memory_space<vmem_shared>>) target_semaphore(%run_scoped3A_109 : memref<!tpu.dma_semaphore, #tpu.memory_space<semaphore_mem>>)
        %dma_wait3A = arith.constant 0 : i32
        %dma_wait3A_122 = arith.constant 0 : i32
        %dma_wait3A_123 = tpu.memref_slice %arg16[%run_scoped3A_40, %dma_wait3A, %dma_wait3A_122] : memref<2x16x352xf32, #tpu.memory_space<vmem>> -> memref<1x16x352xf32, #tpu.memory_space<vmem>>
        %dma_wait3A_124 = tpu.memref_squeeze %dma_wait3A_123 : memref<1x16x352xf32, #tpu.memory_space<vmem>> -> memref<16x352xf32, #tpu.memory_space<vmem>>
        %dma_wait3A_125 = arith.constant 0 : i32
        %dma_wait3A_126 = tpu.memref_slice %arg6[%add3A_39, %dma_wait3A_125] : memref<5120x352xf32, #tpu.memory_space<vmem_shared>> -> memref<16x352xf32, #tpu.memory_space<vmem_shared>>
        %dma_wait3A_127 = arith.constant 0 : i32
        %dma_wait3A_128 = tpu.memref_slice %arg6[%add3A_39, %dma_wait3A_127] : memref<5120x352xf32, #tpu.memory_space<vmem_shared>> -> memref<16x352xf32, #tpu.memory_space<vmem_shared>>
        %dma_wait3A_129 = arith.constant 0 : i32
        %dma_wait3A_130 = arith.constant 0 : i32
        %dma_wait3A_131 = tpu.memref_slice %arg16[%run_scoped3A_40, %dma_wait3A_129, %dma_wait3A_130] : memref<2x16x352xf32, #tpu.memory_space<vmem>> -> memref<1x16x352xf32, #tpu.memory_space<vmem>>
        %dma_wait3A_132 = tpu.memref_squeeze %dma_wait3A_131 : memref<1x16x352xf32, #tpu.memory_space<vmem>> -> memref<16x352xf32, #tpu.memory_space<vmem>>
        tpu.wait_dma2 semaphore(%run_scoped3A_109 : memref<!tpu.dma_semaphore, #tpu.memory_space<semaphore_mem>>) src(%dma_wait3A_132 : memref<16x352xf32, #tpu.memory_space<vmem>>) dst(%dma_wait3A_128 : memref<16x352xf32, #tpu.memory_space<vmem_shared>>)
        tpu.yield
      }) : () -> ()
      %add3A_41 = arith.constant 128 : i32
      %add3A_42 = arith.addi %mul3A_17, %add3A_41 : i32
      %run_scoped3A_43 = arith.constant 0 : i32
      "tpu.region"() ({
        %run_scoped3A_109 = tpu.sem_alloc : memref<!tpu.dma_semaphore, #tpu.memory_space<semaphore_mem>>
        %dma_start3A_110 = arith.constant 0 : i32
        %dma_start3A_111 = arith.constant 0 : i32
        %dma_start3A_112 = tpu.memref_slice %arg16[%run_scoped3A_43, %dma_start3A_110, %dma_start3A_111] : memref<2x16x352xf32, #tpu.memory_space<vmem>> -> memref<1x16x352xf32, #tpu.memory_space<vmem>>
        %dma_start3A_113 = tpu.memref_squeeze %dma_start3A_112 : memref<1x16x352xf32, #tpu.memory_space<vmem>> -> memref<16x352xf32, #tpu.memory_space<vmem>>
        %dma_start3A_114 = arith.constant 0 : i32
        %dma_start3A_115 = tpu.memref_slice %arg6[%add3A_42, %dma_start3A_114] : memref<5120x352xf32, #tpu.memory_space<vmem_shared>> -> memref<16x352xf32, #tpu.memory_space<vmem_shared>>
        %dma_start3A_116 = arith.constant 0 : i32
        %dma_start3A_117 = tpu.memref_slice %arg6[%add3A_42, %dma_start3A_116] : memref<5120x352xf32, #tpu.memory_space<vmem_shared>> -> memref<16x352xf32, #tpu.memory_space<vmem_shared>>
        %dma_start3A_118 = arith.constant 0 : i32
        %dma_start3A_119 = arith.constant 0 : i32
        %dma_start3A_120 = tpu.memref_slice %arg16[%run_scoped3A_43, %dma_start3A_118, %dma_start3A_119] : memref<2x16x352xf32, #tpu.memory_space<vmem>> -> memref<1x16x352xf32, #tpu.memory_space<vmem>>
        %dma_start3A_121 = tpu.memref_squeeze %dma_start3A_120 : memref<1x16x352xf32, #tpu.memory_space<vmem>> -> memref<16x352xf32, #tpu.memory_space<vmem>>
        tpu.enqueue_dma source(%dma_start3A_121 : memref<16x352xf32, #tpu.memory_space<vmem>>) target(%dma_start3A_117 : memref<16x352xf32, #tpu.memory_space<vmem_shared>>) target_semaphore(%run_scoped3A_109 : memref<!tpu.dma_semaphore, #tpu.memory_space<semaphore_mem>>)
        %dma_wait3A = arith.constant 0 : i32
        %dma_wait3A_122 = arith.constant 0 : i32
        %dma_wait3A_123 = tpu.memref_slice %arg16[%run_scoped3A_43, %dma_wait3A, %dma_wait3A_122] : memref<2x16x352xf32, #tpu.memory_space<vmem>> -> memref<1x16x352xf32, #tpu.memory_space<vmem>>
        %dma_wait3A_124 = tpu.memref_squeeze %dma_wait3A_123 : memref<1x16x352xf32, #tpu.memory_space<vmem>> -> memref<16x352xf32, #tpu.memory_space<vmem>>
        %dma_wait3A_125 = arith.constant 0 : i32
        %dma_wait3A_126 = tpu.memref_slice %arg6[%add3A_42, %dma_wait3A_125] : memref<5120x352xf32, #tpu.memory_space<vmem_shared>> -> memref<16x352xf32, #tpu.memory_space<vmem_shared>>
        %dma_wait3A_127 = arith.constant 0 : i32
        %dma_wait3A_128 = tpu.memref_slice %arg6[%add3A_42, %dma_wait3A_127] : memref<5120x352xf32, #tpu.memory_space<vmem_shared>> -> memref<16x352xf32, #tpu.memory_space<vmem_shared>>
        %dma_wait3A_129 = arith.constant 0 : i32
        %dma_wait3A_130 = arith.constant 0 : i32
        %dma_wait3A_131 = tpu.memref_slice %arg16[%run_scoped3A_43, %dma_wait3A_129, %dma_wait3A_130] : memref<2x16x352xf32, #tpu.memory_space<vmem>> -> memref<1x16x352xf32, #tpu.memory_space<vmem>>
        %dma_wait3A_132 = tpu.memref_squeeze %dma_wait3A_131 : memref<1x16x352xf32, #tpu.memory_space<vmem>> -> memref<16x352xf32, #tpu.memory_space<vmem>>
        tpu.wait_dma2 semaphore(%run_scoped3A_109 : memref<!tpu.dma_semaphore, #tpu.memory_space<semaphore_mem>>) src(%dma_wait3A_132 : memref<16x352xf32, #tpu.memory_space<vmem>>) dst(%dma_wait3A_128 : memref<16x352xf32, #tpu.memory_space<vmem_shared>>)
        tpu.yield
      }) : () -> ()
      %add3A_44 = arith.constant 144 : i32
      %add3A_45 = arith.addi %mul3A_17, %add3A_44 : i32
      %run_scoped3A_46 = arith.constant 0 : i32
      "tpu.region"() ({
        %run_scoped3A_109 = tpu.sem_alloc : memref<!tpu.dma_semaphore, #tpu.memory_space<semaphore_mem>>
        %dma_start3A_110 = arith.constant 0 : i32
        %dma_start3A_111 = arith.constant 0 : i32
        %dma_start3A_112 = tpu.memref_slice %arg16[%run_scoped3A_46, %dma_start3A_110, %dma_start3A_111] : memref<2x16x352xf32, #tpu.memory_space<vmem>> -> memref<1x16x352xf32, #tpu.memory_space<vmem>>
        %dma_start3A_113 = tpu.memref_squeeze %dma_start3A_112 : memref<1x16x352xf32, #tpu.memory_space<vmem>> -> memref<16x352xf32, #tpu.memory_space<vmem>>
        %dma_start3A_114 = arith.constant 0 : i32
        %dma_start3A_115 = tpu.memref_slice %arg6[%add3A_45, %dma_start3A_114] : memref<5120x352xf32, #tpu.memory_space<vmem_shared>> -> memref<16x352xf32, #tpu.memory_space<vmem_shared>>
        %dma_start3A_116 = arith.constant 0 : i32
        %dma_start3A_117 = tpu.memref_slice %arg6[%add3A_45, %dma_start3A_116] : memref<5120x352xf32, #tpu.memory_space<vmem_shared>> -> memref<16x352xf32, #tpu.memory_space<vmem_shared>>
        %dma_start3A_118 = arith.constant 0 : i32
        %dma_start3A_119 = arith.constant 0 : i32
        %dma_start3A_120 = tpu.memref_slice %arg16[%run_scoped3A_46, %dma_start3A_118, %dma_start3A_119] : memref<2x16x352xf32, #tpu.memory_space<vmem>> -> memref<1x16x352xf32, #tpu.memory_space<vmem>>
        %dma_start3A_121 = tpu.memref_squeeze %dma_start3A_120 : memref<1x16x352xf32, #tpu.memory_space<vmem>> -> memref<16x352xf32, #tpu.memory_space<vmem>>
        tpu.enqueue_dma source(%dma_start3A_121 : memref<16x352xf32, #tpu.memory_space<vmem>>) target(%dma_start3A_117 : memref<16x352xf32, #tpu.memory_space<vmem_shared>>) target_semaphore(%run_scoped3A_109 : memref<!tpu.dma_semaphore, #tpu.memory_space<semaphore_mem>>)
        %dma_wait3A = arith.constant 0 : i32
        %dma_wait3A_122 = arith.constant 0 : i32
        %dma_wait3A_123 = tpu.memref_slice %arg16[%run_scoped3A_46, %dma_wait3A, %dma_wait3A_122] : memref<2x16x352xf32, #tpu.memory_space<vmem>> -> memref<1x16x352xf32, #tpu.memory_space<vmem>>
        %dma_wait3A_124 = tpu.memref_squeeze %dma_wait3A_123 : memref<1x16x352xf32, #tpu.memory_space<vmem>> -> memref<16x352xf32, #tpu.memory_space<vmem>>
        %dma_wait3A_125 = arith.constant 0 : i32
        %dma_wait3A_126 = tpu.memref_slice %arg6[%add3A_45, %dma_wait3A_125] : memref<5120x352xf32, #tpu.memory_space<vmem_shared>> -> memref<16x352xf32, #tpu.memory_space<vmem_shared>>
        %dma_wait3A_127 = arith.constant 0 : i32
        %dma_wait3A_128 = tpu.memref_slice %arg6[%add3A_45, %dma_wait3A_127] : memref<5120x352xf32, #tpu.memory_space<vmem_shared>> -> memref<16x352xf32, #tpu.memory_space<vmem_shared>>
        %dma_wait3A_129 = arith.constant 0 : i32
        %dma_wait3A_130 = arith.constant 0 : i32
        %dma_wait3A_131 = tpu.memref_slice %arg16[%run_scoped3A_46, %dma_wait3A_129, %dma_wait3A_130] : memref<2x16x352xf32, #tpu.memory_space<vmem>> -> memref<1x16x352xf32, #tpu.memory_space<vmem>>
        %dma_wait3A_132 = tpu.memref_squeeze %dma_wait3A_131 : memref<1x16x352xf32, #tpu.memory_space<vmem>> -> memref<16x352xf32, #tpu.memory_space<vmem>>
        tpu.wait_dma2 semaphore(%run_scoped3A_109 : memref<!tpu.dma_semaphore, #tpu.memory_space<semaphore_mem>>) src(%dma_wait3A_132 : memref<16x352xf32, #tpu.memory_space<vmem>>) dst(%dma_wait3A_128 : memref<16x352xf32, #tpu.memory_space<vmem_shared>>)
        tpu.yield
      }) : () -> ()
      %add3A_47 = arith.constant 160 : i32
      %add3A_48 = arith.addi %mul3A_17, %add3A_47 : i32
      %run_scoped3A_49 = arith.constant 0 : i32
      "tpu.region"() ({
        %run_scoped3A_109 = tpu.sem_alloc : memref<!tpu.dma_semaphore, #tpu.memory_space<semaphore_mem>>
        %dma_start3A_110 = arith.constant 0 : i32
        %dma_start3A_111 = arith.constant 0 : i32
        %dma_start3A_112 = tpu.memref_slice %arg16[%run_scoped3A_49, %dma_start3A_110, %dma_start3A_111] : memref<2x16x352xf32, #tpu.memory_space<vmem>> -> memref<1x16x352xf32, #tpu.memory_space<vmem>>
        %dma_start3A_113 = tpu.memref_squeeze %dma_start3A_112 : memref<1x16x352xf32, #tpu.memory_space<vmem>> -> memref<16x352xf32, #tpu.memory_space<vmem>>
        %dma_start3A_114 = arith.constant 0 : i32
        %dma_start3A_115 = tpu.memref_slice %arg6[%add3A_48, %dma_start3A_114] : memref<5120x352xf32, #tpu.memory_space<vmem_shared>> -> memref<16x352xf32, #tpu.memory_space<vmem_shared>>
        %dma_start3A_116 = arith.constant 0 : i32
        %dma_start3A_117 = tpu.memref_slice %arg6[%add3A_48, %dma_start3A_116] : memref<5120x352xf32, #tpu.memory_space<vmem_shared>> -> memref<16x352xf32, #tpu.memory_space<vmem_shared>>
        %dma_start3A_118 = arith.constant 0 : i32
        %dma_start3A_119 = arith.constant 0 : i32
        %dma_start3A_120 = tpu.memref_slice %arg16[%run_scoped3A_49, %dma_start3A_118, %dma_start3A_119] : memref<2x16x352xf32, #tpu.memory_space<vmem>> -> memref<1x16x352xf32, #tpu.memory_space<vmem>>
        %dma_start3A_121 = tpu.memref_squeeze %dma_start3A_120 : memref<1x16x352xf32, #tpu.memory_space<vmem>> -> memref<16x352xf32, #tpu.memory_space<vmem>>
        tpu.enqueue_dma source(%dma_start3A_121 : memref<16x352xf32, #tpu.memory_space<vmem>>) target(%dma_start3A_117 : memref<16x352xf32, #tpu.memory_space<vmem_shared>>) target_semaphore(%run_scoped3A_109 : memref<!tpu.dma_semaphore, #tpu.memory_space<semaphore_mem>>)
        %dma_wait3A = arith.constant 0 : i32
        %dma_wait3A_122 = arith.constant 0 : i32
        %dma_wait3A_123 = tpu.memref_slice %arg16[%run_scoped3A_49, %dma_wait3A, %dma_wait3A_122] : memref<2x16x352xf32, #tpu.memory_space<vmem>> -> memref<1x16x352xf32, #tpu.memory_space<vmem>>
        %dma_wait3A_124 = tpu.memref_squeeze %dma_wait3A_123 : memref<1x16x352xf32, #tpu.memory_space<vmem>> -> memref<16x352xf32, #tpu.memory_space<vmem>>
        %dma_wait3A_125 = arith.constant 0 : i32
        %dma_wait3A_126 = tpu.memref_slice %arg6[%add3A_48, %dma_wait3A_125] : memref<5120x352xf32, #tpu.memory_space<vmem_shared>> -> memref<16x352xf32, #tpu.memory_space<vmem_shared>>
        %dma_wait3A_127 = arith.constant 0 : i32
        %dma_wait3A_128 = tpu.memref_slice %arg6[%add3A_48, %dma_wait3A_127] : memref<5120x352xf32, #tpu.memory_space<vmem_shared>> -> memref<16x352xf32, #tpu.memory_space<vmem_shared>>
        %dma_wait3A_129 = arith.constant 0 : i32
        %dma_wait3A_130 = arith.constant 0 : i32
        %dma_wait3A_131 = tpu.memref_slice %arg16[%run_scoped3A_49, %dma_wait3A_129, %dma_wait3A_130] : memref<2x16x352xf32, #tpu.memory_space<vmem>> -> memref<1x16x352xf32, #tpu.memory_space<vmem>>
        %dma_wait3A_132 = tpu.memref_squeeze %dma_wait3A_131 : memref<1x16x352xf32, #tpu.memory_space<vmem>> -> memref<16x352xf32, #tpu.memory_space<vmem>>
        tpu.wait_dma2 semaphore(%run_scoped3A_109 : memref<!tpu.dma_semaphore, #tpu.memory_space<semaphore_mem>>) src(%dma_wait3A_132 : memref<16x352xf32, #tpu.memory_space<vmem>>) dst(%dma_wait3A_128 : memref<16x352xf32, #tpu.memory_space<vmem_shared>>)
        tpu.yield
      }) : () -> ()
      %add3A_50 = arith.constant 176 : i32
      %add3A_51 = arith.addi %mul3A_17, %add3A_50 : i32
      %run_scoped3A_52 = arith.constant 0 : i32
      "tpu.region"() ({
        %run_scoped3A_109 = tpu.sem_alloc : memref<!tpu.dma_semaphore, #tpu.memory_space<semaphore_mem>>
        %dma_start3A_110 = arith.constant 0 : i32
        %dma_start3A_111 = arith.constant 0 : i32
        %dma_start3A_112 = tpu.memref_slice %arg16[%run_scoped3A_52, %dma_start3A_110, %dma_start3A_111] : memref<2x16x352xf32, #tpu.memory_space<vmem>> -> memref<1x16x352xf32, #tpu.memory_space<vmem>>
        %dma_start3A_113 = tpu.memref_squeeze %dma_start3A_112 : memref<1x16x352xf32, #tpu.memory_space<vmem>> -> memref<16x352xf32, #tpu.memory_space<vmem>>
        %dma_start3A_114 = arith.constant 0 : i32
        %dma_start3A_115 = tpu.memref_slice %arg6[%add3A_51, %dma_start3A_114] : memref<5120x352xf32, #tpu.memory_space<vmem_shared>> -> memref<16x352xf32, #tpu.memory_space<vmem_shared>>
        %dma_start3A_116 = arith.constant 0 : i32
        %dma_start3A_117 = tpu.memref_slice %arg6[%add3A_51, %dma_start3A_116] : memref<5120x352xf32, #tpu.memory_space<vmem_shared>> -> memref<16x352xf32, #tpu.memory_space<vmem_shared>>
        %dma_start3A_118 = arith.constant 0 : i32
        %dma_start3A_119 = arith.constant 0 : i32
        %dma_start3A_120 = tpu.memref_slice %arg16[%run_scoped3A_52, %dma_start3A_118, %dma_start3A_119] : memref<2x16x352xf32, #tpu.memory_space<vmem>> -> memref<1x16x352xf32, #tpu.memory_space<vmem>>
        %dma_start3A_121 = tpu.memref_squeeze %dma_start3A_120 : memref<1x16x352xf32, #tpu.memory_space<vmem>> -> memref<16x352xf32, #tpu.memory_space<vmem>>
        tpu.enqueue_dma source(%dma_start3A_121 : memref<16x352xf32, #tpu.memory_space<vmem>>) target(%dma_start3A_117 : memref<16x352xf32, #tpu.memory_space<vmem_shared>>) target_semaphore(%run_scoped3A_109 : memref<!tpu.dma_semaphore, #tpu.memory_space<semaphore_mem>>)
        %dma_wait3A = arith.constant 0 : i32
        %dma_wait3A_122 = arith.constant 0 : i32
        %dma_wait3A_123 = tpu.memref_slice %arg16[%run_scoped3A_52, %dma_wait3A, %dma_wait3A_122] : memref<2x16x352xf32, #tpu.memory_space<vmem>> -> memref<1x16x352xf32, #tpu.memory_space<vmem>>
        %dma_wait3A_124 = tpu.memref_squeeze %dma_wait3A_123 : memref<1x16x352xf32, #tpu.memory_space<vmem>> -> memref<16x352xf32, #tpu.memory_space<vmem>>
        %dma_wait3A_125 = arith.constant 0 : i32
        %dma_wait3A_126 = tpu.memref_slice %arg6[%add3A_51, %dma_wait3A_125] : memref<5120x352xf32, #tpu.memory_space<vmem_shared>> -> memref<16x352xf32, #tpu.memory_space<vmem_shared>>
        %dma_wait3A_127 = arith.constant 0 : i32
        %dma_wait3A_128 = tpu.memref_slice %arg6[%add3A_51, %dma_wait3A_127] : memref<5120x352xf32, #tpu.memory_space<vmem_shared>> -> memref<16x352xf32, #tpu.memory_space<vmem_shared>>
        %dma_wait3A_129 = arith.constant 0 : i32
        %dma_wait3A_130 = arith.constant 0 : i32
        %dma_wait3A_131 = tpu.memref_slice %arg16[%run_scoped3A_52, %dma_wait3A_129, %dma_wait3A_130] : memref<2x16x352xf32, #tpu.memory_space<vmem>> -> memref<1x16x352xf32, #tpu.memory_space<vmem>>
        %dma_wait3A_132 = tpu.memref_squeeze %dma_wait3A_131 : memref<1x16x352xf32, #tpu.memory_space<vmem>> -> memref<16x352xf32, #tpu.memory_space<vmem>>
        tpu.wait_dma2 semaphore(%run_scoped3A_109 : memref<!tpu.dma_semaphore, #tpu.memory_space<semaphore_mem>>) src(%dma_wait3A_132 : memref<16x352xf32, #tpu.memory_space<vmem>>) dst(%dma_wait3A_128 : memref<16x352xf32, #tpu.memory_space<vmem_shared>>)
        tpu.yield
      }) : () -> ()
      %add3A_53 = arith.constant 192 : i32
      %add3A_54 = arith.addi %mul3A_17, %add3A_53 : i32
      %run_scoped3A_55 = arith.constant 0 : i32
      "tpu.region"() ({
        %run_scoped3A_109 = tpu.sem_alloc : memref<!tpu.dma_semaphore, #tpu.memory_space<semaphore_mem>>
        %dma_start3A_110 = arith.constant 0 : i32
        %dma_start3A_111 = arith.constant 0 : i32
        %dma_start3A_112 = tpu.memref_slice %arg16[%run_scoped3A_55, %dma_start3A_110, %dma_start3A_111] : memref<2x16x352xf32, #tpu.memory_space<vmem>> -> memref<1x16x352xf32, #tpu.memory_space<vmem>>
        %dma_start3A_113 = tpu.memref_squeeze %dma_start3A_112 : memref<1x16x352xf32, #tpu.memory_space<vmem>> -> memref<16x352xf32, #tpu.memory_space<vmem>>
        %dma_start3A_114 = arith.constant 0 : i32
        %dma_start3A_115 = tpu.memref_slice %arg6[%add3A_54, %dma_start3A_114] : memref<5120x352xf32, #tpu.memory_space<vmem_shared>> -> memref<16x352xf32, #tpu.memory_space<vmem_shared>>
        %dma_start3A_116 = arith.constant 0 : i32
        %dma_start3A_117 = tpu.memref_slice %arg6[%add3A_54, %dma_start3A_116] : memref<5120x352xf32, #tpu.memory_space<vmem_shared>> -> memref<16x352xf32, #tpu.memory_space<vmem_shared>>
        %dma_start3A_118 = arith.constant 0 : i32
        %dma_start3A_119 = arith.constant 0 : i32
        %dma_start3A_120 = tpu.memref_slice %arg16[%run_scoped3A_55, %dma_start3A_118, %dma_start3A_119] : memref<2x16x352xf32, #tpu.memory_space<vmem>> -> memref<1x16x352xf32, #tpu.memory_space<vmem>>
        %dma_start3A_121 = tpu.memref_squeeze %dma_start3A_120 : memref<1x16x352xf32, #tpu.memory_space<vmem>> -> memref<16x352xf32, #tpu.memory_space<vmem>>
        tpu.enqueue_dma source(%dma_start3A_121 : memref<16x352xf32, #tpu.memory_space<vmem>>) target(%dma_start3A_117 : memref<16x352xf32, #tpu.memory_space<vmem_shared>>) target_semaphore(%run_scoped3A_109 : memref<!tpu.dma_semaphore, #tpu.memory_space<semaphore_mem>>)
        %dma_wait3A = arith.constant 0 : i32
        %dma_wait3A_122 = arith.constant 0 : i32
        %dma_wait3A_123 = tpu.memref_slice %arg16[%run_scoped3A_55, %dma_wait3A, %dma_wait3A_122] : memref<2x16x352xf32, #tpu.memory_space<vmem>> -> memref<1x16x352xf32, #tpu.memory_space<vmem>>
        %dma_wait3A_124 = tpu.memref_squeeze %dma_wait3A_123 : memref<1x16x352xf32, #tpu.memory_space<vmem>> -> memref<16x352xf32, #tpu.memory_space<vmem>>
        %dma_wait3A_125 = arith.constant 0 : i32
        %dma_wait3A_126 = tpu.memref_slice %arg6[%add3A_54, %dma_wait3A_125] : memref<5120x352xf32, #tpu.memory_space<vmem_shared>> -> memref<16x352xf32, #tpu.memory_space<vmem_shared>>
        %dma_wait3A_127 = arith.constant 0 : i32
        %dma_wait3A_128 = tpu.memref_slice %arg6[%add3A_54, %dma_wait3A_127] : memref<5120x352xf32, #tpu.memory_space<vmem_shared>> -> memref<16x352xf32, #tpu.memory_space<vmem_shared>>
        %dma_wait3A_129 = arith.constant 0 : i32
        %dma_wait3A_130 = arith.constant 0 : i32
        %dma_wait3A_131 = tpu.memref_slice %arg16[%run_scoped3A_55, %dma_wait3A_129, %dma_wait3A_130] : memref<2x16x352xf32, #tpu.memory_space<vmem>> -> memref<1x16x352xf32, #tpu.memory_space<vmem>>
        %dma_wait3A_132 = tpu.memref_squeeze %dma_wait3A_131 : memref<1x16x352xf32, #tpu.memory_space<vmem>> -> memref<16x352xf32, #tpu.memory_space<vmem>>
        tpu.wait_dma2 semaphore(%run_scoped3A_109 : memref<!tpu.dma_semaphore, #tpu.memory_space<semaphore_mem>>) src(%dma_wait3A_132 : memref<16x352xf32, #tpu.memory_space<vmem>>) dst(%dma_wait3A_128 : memref<16x352xf32, #tpu.memory_space<vmem_shared>>)
        tpu.yield
      }) : () -> ()
      %add3A_56 = arith.constant 208 : i32
      %add3A_57 = arith.addi %mul3A_17, %add3A_56 : i32
      %run_scoped3A_58 = arith.constant 0 : i32
      "tpu.region"() ({
        %run_scoped3A_109 = tpu.sem_alloc : memref<!tpu.dma_semaphore, #tpu.memory_space<semaphore_mem>>
        %dma_start3A_110 = arith.constant 0 : i32
        %dma_start3A_111 = arith.constant 0 : i32
        %dma_start3A_112 = tpu.memref_slice %arg16[%run_scoped3A_58, %dma_start3A_110, %dma_start3A_111] : memref<2x16x352xf32, #tpu.memory_space<vmem>> -> memref<1x16x352xf32, #tpu.memory_space<vmem>>
        %dma_start3A_113 = tpu.memref_squeeze %dma_start3A_112 : memref<1x16x352xf32, #tpu.memory_space<vmem>> -> memref<16x352xf32, #tpu.memory_space<vmem>>
        %dma_start3A_114 = arith.constant 0 : i32
        %dma_start3A_115 = tpu.memref_slice %arg6[%add3A_57, %dma_start3A_114] : memref<5120x352xf32, #tpu.memory_space<vmem_shared>> -> memref<16x352xf32, #tpu.memory_space<vmem_shared>>
        %dma_start3A_116 = arith.constant 0 : i32
        %dma_start3A_117 = tpu.memref_slice %arg6[%add3A_57, %dma_start3A_116] : memref<5120x352xf32, #tpu.memory_space<vmem_shared>> -> memref<16x352xf32, #tpu.memory_space<vmem_shared>>
        %dma_start3A_118 = arith.constant 0 : i32
        %dma_start3A_119 = arith.constant 0 : i32
        %dma_start3A_120 = tpu.memref_slice %arg16[%run_scoped3A_58, %dma_start3A_118, %dma_start3A_119] : memref<2x16x352xf32, #tpu.memory_space<vmem>> -> memref<1x16x352xf32, #tpu.memory_space<vmem>>
        %dma_start3A_121 = tpu.memref_squeeze %dma_start3A_120 : memref<1x16x352xf32, #tpu.memory_space<vmem>> -> memref<16x352xf32, #tpu.memory_space<vmem>>
        tpu.enqueue_dma source(%dma_start3A_121 : memref<16x352xf32, #tpu.memory_space<vmem>>) target(%dma_start3A_117 : memref<16x352xf32, #tpu.memory_space<vmem_shared>>) target_semaphore(%run_scoped3A_109 : memref<!tpu.dma_semaphore, #tpu.memory_space<semaphore_mem>>)
        %dma_wait3A = arith.constant 0 : i32
        %dma_wait3A_122 = arith.constant 0 : i32
        %dma_wait3A_123 = tpu.memref_slice %arg16[%run_scoped3A_58, %dma_wait3A, %dma_wait3A_122] : memref<2x16x352xf32, #tpu.memory_space<vmem>> -> memref<1x16x352xf32, #tpu.memory_space<vmem>>
        %dma_wait3A_124 = tpu.memref_squeeze %dma_wait3A_123 : memref<1x16x352xf32, #tpu.memory_space<vmem>> -> memref<16x352xf32, #tpu.memory_space<vmem>>
        %dma_wait3A_125 = arith.constant 0 : i32
        %dma_wait3A_126 = tpu.memref_slice %arg6[%add3A_57, %dma_wait3A_125] : memref<5120x352xf32, #tpu.memory_space<vmem_shared>> -> memref<16x352xf32, #tpu.memory_space<vmem_shared>>
        %dma_wait3A_127 = arith.constant 0 : i32
        %dma_wait3A_128 = tpu.memref_slice %arg6[%add3A_57, %dma_wait3A_127] : memref<5120x352xf32, #tpu.memory_space<vmem_shared>> -> memref<16x352xf32, #tpu.memory_space<vmem_shared>>
        %dma_wait3A_129 = arith.constant 0 : i32
        %dma_wait3A_130 = arith.constant 0 : i32
        %dma_wait3A_131 = tpu.memref_slice %arg16[%run_scoped3A_58, %dma_wait3A_129, %dma_wait3A_130] : memref<2x16x352xf32, #tpu.memory_space<vmem>> -> memref<1x16x352xf32, #tpu.memory_space<vmem>>
        %dma_wait3A_132 = tpu.memref_squeeze %dma_wait3A_131 : memref<1x16x352xf32, #tpu.memory_space<vmem>> -> memref<16x352xf32, #tpu.memory_space<vmem>>
        tpu.wait_dma2 semaphore(%run_scoped3A_109 : memref<!tpu.dma_semaphore, #tpu.memory_space<semaphore_mem>>) src(%dma_wait3A_132 : memref<16x352xf32, #tpu.memory_space<vmem>>) dst(%dma_wait3A_128 : memref<16x352xf32, #tpu.memory_space<vmem_shared>>)
        tpu.yield
      }) : () -> ()
      %add3A_59 = arith.constant 224 : i32
      %add3A_60 = arith.addi %mul3A_17, %add3A_59 : i32
      %run_scoped3A_61 = arith.constant 0 : i32
      "tpu.region"() ({
        %run_scoped3A_109 = tpu.sem_alloc : memref<!tpu.dma_semaphore, #tpu.memory_space<semaphore_mem>>
        %dma_start3A_110 = arith.constant 0 : i32
        %dma_start3A_111 = arith.constant 0 : i32
        %dma_start3A_112 = tpu.memref_slice %arg16[%run_scoped3A_61, %dma_start3A_110, %dma_start3A_111] : memref<2x16x352xf32, #tpu.memory_space<vmem>> -> memref<1x16x352xf32, #tpu.memory_space<vmem>>
        %dma_start3A_113 = tpu.memref_squeeze %dma_start3A_112 : memref<1x16x352xf32, #tpu.memory_space<vmem>> -> memref<16x352xf32, #tpu.memory_space<vmem>>
        %dma_start3A_114 = arith.constant 0 : i32
        %dma_start3A_115 = tpu.memref_slice %arg6[%add3A_60, %dma_start3A_114] : memref<5120x352xf32, #tpu.memory_space<vmem_shared>> -> memref<16x352xf32, #tpu.memory_space<vmem_shared>>
        %dma_start3A_116 = arith.constant 0 : i32
        %dma_start3A_117 = tpu.memref_slice %arg6[%add3A_60, %dma_start3A_116] : memref<5120x352xf32, #tpu.memory_space<vmem_shared>> -> memref<16x352xf32, #tpu.memory_space<vmem_shared>>
        %dma_start3A_118 = arith.constant 0 : i32
        %dma_start3A_119 = arith.constant 0 : i32
        %dma_start3A_120 = tpu.memref_slice %arg16[%run_scoped3A_61, %dma_start3A_118, %dma_start3A_119] : memref<2x16x352xf32, #tpu.memory_space<vmem>> -> memref<1x16x352xf32, #tpu.memory_space<vmem>>
        %dma_start3A_121 = tpu.memref_squeeze %dma_start3A_120 : memref<1x16x352xf32, #tpu.memory_space<vmem>> -> memref<16x352xf32, #tpu.memory_space<vmem>>
        tpu.enqueue_dma source(%dma_start3A_121 : memref<16x352xf32, #tpu.memory_space<vmem>>) target(%dma_start3A_117 : memref<16x352xf32, #tpu.memory_space<vmem_shared>>) target_semaphore(%run_scoped3A_109 : memref<!tpu.dma_semaphore, #tpu.memory_space<semaphore_mem>>)
        %dma_wait3A = arith.constant 0 : i32
        %dma_wait3A_122 = arith.constant 0 : i32
        %dma_wait3A_123 = tpu.memref_slice %arg16[%run_scoped3A_61, %dma_wait3A, %dma_wait3A_122] : memref<2x16x352xf32, #tpu.memory_space<vmem>> -> memref<1x16x352xf32, #tpu.memory_space<vmem>>
        %dma_wait3A_124 = tpu.memref_squeeze %dma_wait3A_123 : memref<1x16x352xf32, #tpu.memory_space<vmem>> -> memref<16x352xf32, #tpu.memory_space<vmem>>
        %dma_wait3A_125 = arith.constant 0 : i32
        %dma_wait3A_126 = tpu.memref_slice %arg6[%add3A_60, %dma_wait3A_125] : memref<5120x352xf32, #tpu.memory_space<vmem_shared>> -> memref<16x352xf32, #tpu.memory_space<vmem_shared>>
        %dma_wait3A_127 = arith.constant 0 : i32
        %dma_wait3A_128 = tpu.memref_slice %arg6[%add3A_60, %dma_wait3A_127] : memref<5120x352xf32, #tpu.memory_space<vmem_shared>> -> memref<16x352xf32, #tpu.memory_space<vmem_shared>>
        %dma_wait3A_129 = arith.constant 0 : i32
        %dma_wait3A_130 = arith.constant 0 : i32
        %dma_wait3A_131 = tpu.memref_slice %arg16[%run_scoped3A_61, %dma_wait3A_129, %dma_wait3A_130] : memref<2x16x352xf32, #tpu.memory_space<vmem>> -> memref<1x16x352xf32, #tpu.memory_space<vmem>>
        %dma_wait3A_132 = tpu.memref_squeeze %dma_wait3A_131 : memref<1x16x352xf32, #tpu.memory_space<vmem>> -> memref<16x352xf32, #tpu.memory_space<vmem>>
        tpu.wait_dma2 semaphore(%run_scoped3A_109 : memref<!tpu.dma_semaphore, #tpu.memory_space<semaphore_mem>>) src(%dma_wait3A_132 : memref<16x352xf32, #tpu.memory_space<vmem>>) dst(%dma_wait3A_128 : memref<16x352xf32, #tpu.memory_space<vmem_shared>>)
        tpu.yield
      }) : () -> ()
      %add3A_62 = arith.constant 240 : i32
      %add3A_63 = arith.addi %mul3A_17, %add3A_62 : i32
      %run_scoped3A_64 = arith.constant 0 : i32
      "tpu.region"() ({
        %run_scoped3A_109 = tpu.sem_alloc : memref<!tpu.dma_semaphore, #tpu.memory_space<semaphore_mem>>
        %dma_start3A_110 = arith.constant 0 : i32
        %dma_start3A_111 = arith.constant 0 : i32
        %dma_start3A_112 = tpu.memref_slice %arg16[%run_scoped3A_64, %dma_start3A_110, %dma_start3A_111] : memref<2x16x352xf32, #tpu.memory_space<vmem>> -> memref<1x16x352xf32, #tpu.memory_space<vmem>>
        %dma_start3A_113 = tpu.memref_squeeze %dma_start3A_112 : memref<1x16x352xf32, #tpu.memory_space<vmem>> -> memref<16x352xf32, #tpu.memory_space<vmem>>
        %dma_start3A_114 = arith.constant 0 : i32
        %dma_start3A_115 = tpu.memref_slice %arg6[%add3A_63, %dma_start3A_114] : memref<5120x352xf32, #tpu.memory_space<vmem_shared>> -> memref<16x352xf32, #tpu.memory_space<vmem_shared>>
        %dma_start3A_116 = arith.constant 0 : i32
        %dma_start3A_117 = tpu.memref_slice %arg6[%add3A_63, %dma_start3A_116] : memref<5120x352xf32, #tpu.memory_space<vmem_shared>> -> memref<16x352xf32, #tpu.memory_space<vmem_shared>>
        %dma_start3A_118 = arith.constant 0 : i32
        %dma_start3A_119 = arith.constant 0 : i32
        %dma_start3A_120 = tpu.memref_slice %arg16[%run_scoped3A_64, %dma_start3A_118, %dma_start3A_119] : memref<2x16x352xf32, #tpu.memory_space<vmem>> -> memref<1x16x352xf32, #tpu.memory_space<vmem>>
        %dma_start3A_121 = tpu.memref_squeeze %dma_start3A_120 : memref<1x16x352xf32, #tpu.memory_space<vmem>> -> memref<16x352xf32, #tpu.memory_space<vmem>>
        tpu.enqueue_dma source(%dma_start3A_121 : memref<16x352xf32, #tpu.memory_space<vmem>>) target(%dma_start3A_117 : memref<16x352xf32, #tpu.memory_space<vmem_shared>>) target_semaphore(%run_scoped3A_109 : memref<!tpu.dma_semaphore, #tpu.memory_space<semaphore_mem>>)
        %dma_wait3A = arith.constant 0 : i32
        %dma_wait3A_122 = arith.constant 0 : i32
        %dma_wait3A_123 = tpu.memref_slice %arg16[%run_scoped3A_64, %dma_wait3A, %dma_wait3A_122] : memref<2x16x352xf32, #tpu.memory_space<vmem>> -> memref<1x16x352xf32, #tpu.memory_space<vmem>>
        %dma_wait3A_124 = tpu.memref_squeeze %dma_wait3A_123 : memref<1x16x352xf32, #tpu.memory_space<vmem>> -> memref<16x352xf32, #tpu.memory_space<vmem>>
        %dma_wait3A_125 = arith.constant 0 : i32
        %dma_wait3A_126 = tpu.memref_slice %arg6[%add3A_63, %dma_wait3A_125] : memref<5120x352xf32, #tpu.memory_space<vmem_shared>> -> memref<16x352xf32, #tpu.memory_space<vmem_shared>>
        %dma_wait3A_127 = arith.constant 0 : i32
        %dma_wait3A_128 = tpu.memref_slice %arg6[%add3A_63, %dma_wait3A_127] : memref<5120x352xf32, #tpu.memory_space<vmem_shared>> -> memref<16x352xf32, #tpu.memory_space<vmem_shared>>
        %dma_wait3A_129 = arith.constant 0 : i32
        %dma_wait3A_130 = arith.constant 0 : i32
        %dma_wait3A_131 = tpu.memref_slice %arg16[%run_scoped3A_64, %dma_wait3A_129, %dma_wait3A_130] : memref<2x16x352xf32, #tpu.memory_space<vmem>> -> memref<1x16x352xf32, #tpu.memory_space<vmem>>
        %dma_wait3A_132 = tpu.memref_squeeze %dma_wait3A_131 : memref<1x16x352xf32, #tpu.memory_space<vmem>> -> memref<16x352xf32, #tpu.memory_space<vmem>>
        tpu.wait_dma2 semaphore(%run_scoped3A_109 : memref<!tpu.dma_semaphore, #tpu.memory_space<semaphore_mem>>) src(%dma_wait3A_132 : memref<16x352xf32, #tpu.memory_space<vmem>>) dst(%dma_wait3A_128 : memref<16x352xf32, #tpu.memory_space<vmem_shared>>)
        tpu.yield
      }) : () -> ()
      %add3A_65 = arith.constant 256 : i32
      %add3A_66 = arith.addi %mul3A_17, %add3A_65 : i32
      %run_scoped3A_67 = arith.constant 0 : i32
      "tpu.region"() ({
        %run_scoped3A_109 = tpu.sem_alloc : memref<!tpu.dma_semaphore, #tpu.memory_space<semaphore_mem>>
        %dma_start3A_110 = arith.constant 0 : i32
        %dma_start3A_111 = arith.constant 0 : i32
        %dma_start3A_112 = tpu.memref_slice %arg16[%run_scoped3A_67, %dma_start3A_110, %dma_start3A_111] : memref<2x16x352xf32, #tpu.memory_space<vmem>> -> memref<1x16x352xf32, #tpu.memory_space<vmem>>
        %dma_start3A_113 = tpu.memref_squeeze %dma_start3A_112 : memref<1x16x352xf32, #tpu.memory_space<vmem>> -> memref<16x352xf32, #tpu.memory_space<vmem>>
        %dma_start3A_114 = arith.constant 0 : i32
        %dma_start3A_115 = tpu.memref_slice %arg6[%add3A_66, %dma_start3A_114] : memref<5120x352xf32, #tpu.memory_space<vmem_shared>> -> memref<16x352xf32, #tpu.memory_space<vmem_shared>>
        %dma_start3A_116 = arith.constant 0 : i32
        %dma_start3A_117 = tpu.memref_slice %arg6[%add3A_66, %dma_start3A_116] : memref<5120x352xf32, #tpu.memory_space<vmem_shared>> -> memref<16x352xf32, #tpu.memory_space<vmem_shared>>
        %dma_start3A_118 = arith.constant 0 : i32
        %dma_start3A_119 = arith.constant 0 : i32
        %dma_start3A_120 = tpu.memref_slice %arg16[%run_scoped3A_67, %dma_start3A_118, %dma_start3A_119] : memref<2x16x352xf32, #tpu.memory_space<vmem>> -> memref<1x16x352xf32, #tpu.memory_space<vmem>>
        %dma_start3A_121 = tpu.memref_squeeze %dma_start3A_120 : memref<1x16x352xf32, #tpu.memory_space<vmem>> -> memref<16x352xf32, #tpu.memory_space<vmem>>
        tpu.enqueue_dma source(%dma_start3A_121 : memref<16x352xf32, #tpu.memory_space<vmem>>) target(%dma_start3A_117 : memref<16x352xf32, #tpu.memory_space<vmem_shared>>) target_semaphore(%run_scoped3A_109 : memref<!tpu.dma_semaphore, #tpu.memory_space<semaphore_mem>>)
        %dma_wait3A = arith.constant 0 : i32
        %dma_wait3A_122 = arith.constant 0 : i32
        %dma_wait3A_123 = tpu.memref_slice %arg16[%run_scoped3A_67, %dma_wait3A, %dma_wait3A_122] : memref<2x16x352xf32, #tpu.memory_space<vmem>> -> memref<1x16x352xf32, #tpu.memory_space<vmem>>
        %dma_wait3A_124 = tpu.memref_squeeze %dma_wait3A_123 : memref<1x16x352xf32, #tpu.memory_space<vmem>> -> memref<16x352xf32, #tpu.memory_space<vmem>>
        %dma_wait3A_125 = arith.constant 0 : i32
        %dma_wait3A_126 = tpu.memref_slice %arg6[%add3A_66, %dma_wait3A_125] : memref<5120x352xf32, #tpu.memory_space<vmem_shared>> -> memref<16x352xf32, #tpu.memory_space<vmem_shared>>
        %dma_wait3A_127 = arith.constant 0 : i32
        %dma_wait3A_128 = tpu.memref_slice %arg6[%add3A_66, %dma_wait3A_127] : memref<5120x352xf32, #tpu.memory_space<vmem_shared>> -> memref<16x352xf32, #tpu.memory_space<vmem_shared>>
        %dma_wait3A_129 = arith.constant 0 : i32
        %dma_wait3A_130 = arith.constant 0 : i32
        %dma_wait3A_131 = tpu.memref_slice %arg16[%run_scoped3A_67, %dma_wait3A_129, %dma_wait3A_130] : memref<2x16x352xf32, #tpu.memory_space<vmem>> -> memref<1x16x352xf32, #tpu.memory_space<vmem>>
        %dma_wait3A_132 = tpu.memref_squeeze %dma_wait3A_131 : memref<1x16x352xf32, #tpu.memory_space<vmem>> -> memref<16x352xf32, #tpu.memory_space<vmem>>
        tpu.wait_dma2 semaphore(%run_scoped3A_109 : memref<!tpu.dma_semaphore, #tpu.memory_space<semaphore_mem>>) src(%dma_wait3A_132 : memref<16x352xf32, #tpu.memory_space<vmem>>) dst(%dma_wait3A_128 : memref<16x352xf32, #tpu.memory_space<vmem_shared>>)
        tpu.yield
      }) : () -> ()
      %add3A_68 = arith.constant 272 : i32
      %add3A_69 = arith.addi %mul3A_17, %add3A_68 : i32
      %run_scoped3A_70 = arith.constant 0 : i32
      "tpu.region"() ({
        %run_scoped3A_109 = tpu.sem_alloc : memref<!tpu.dma_semaphore, #tpu.memory_space<semaphore_mem>>
        %dma_start3A_110 = arith.constant 0 : i32
        %dma_start3A_111 = arith.constant 0 : i32
        %dma_start3A_112 = tpu.memref_slice %arg16[%run_scoped3A_70, %dma_start3A_110, %dma_start3A_111] : memref<2x16x352xf32, #tpu.memory_space<vmem>> -> memref<1x16x352xf32, #tpu.memory_space<vmem>>
        %dma_start3A_113 = tpu.memref_squeeze %dma_start3A_112 : memref<1x16x352xf32, #tpu.memory_space<vmem>> -> memref<16x352xf32, #tpu.memory_space<vmem>>
        %dma_start3A_114 = arith.constant 0 : i32
        %dma_start3A_115 = tpu.memref_slice %arg6[%add3A_69, %dma_start3A_114] : memref<5120x352xf32, #tpu.memory_space<vmem_shared>> -> memref<16x352xf32, #tpu.memory_space<vmem_shared>>
        %dma_start3A_116 = arith.constant 0 : i32
        %dma_start3A_117 = tpu.memref_slice %arg6[%add3A_69, %dma_start3A_116] : memref<5120x352xf32, #tpu.memory_space<vmem_shared>> -> memref<16x352xf32, #tpu.memory_space<vmem_shared>>
        %dma_start3A_118 = arith.constant 0 : i32
        %dma_start3A_119 = arith.constant 0 : i32
        %dma_start3A_120 = tpu.memref_slice %arg16[%run_scoped3A_70, %dma_start3A_118, %dma_start3A_119] : memref<2x16x352xf32, #tpu.memory_space<vmem>> -> memref<1x16x352xf32, #tpu.memory_space<vmem>>
        %dma_start3A_121 = tpu.memref_squeeze %dma_start3A_120 : memref<1x16x352xf32, #tpu.memory_space<vmem>> -> memref<16x352xf32, #tpu.memory_space<vmem>>
        tpu.enqueue_dma source(%dma_start3A_121 : memref<16x352xf32, #tpu.memory_space<vmem>>) target(%dma_start3A_117 : memref<16x352xf32, #tpu.memory_space<vmem_shared>>) target_semaphore(%run_scoped3A_109 : memref<!tpu.dma_semaphore, #tpu.memory_space<semaphore_mem>>)
        %dma_wait3A = arith.constant 0 : i32
        %dma_wait3A_122 = arith.constant 0 : i32
        %dma_wait3A_123 = tpu.memref_slice %arg16[%run_scoped3A_70, %dma_wait3A, %dma_wait3A_122] : memref<2x16x352xf32, #tpu.memory_space<vmem>> -> memref<1x16x352xf32, #tpu.memory_space<vmem>>
        %dma_wait3A_124 = tpu.memref_squeeze %dma_wait3A_123 : memref<1x16x352xf32, #tpu.memory_space<vmem>> -> memref<16x352xf32, #tpu.memory_space<vmem>>
        %dma_wait3A_125 = arith.constant 0 : i32
        %dma_wait3A_126 = tpu.memref_slice %arg6[%add3A_69, %dma_wait3A_125] : memref<5120x352xf32, #tpu.memory_space<vmem_shared>> -> memref<16x352xf32, #tpu.memory_space<vmem_shared>>
        %dma_wait3A_127 = arith.constant 0 : i32
        %dma_wait3A_128 = tpu.memref_slice %arg6[%add3A_69, %dma_wait3A_127] : memref<5120x352xf32, #tpu.memory_space<vmem_shared>> -> memref<16x352xf32, #tpu.memory_space<vmem_shared>>
        %dma_wait3A_129 = arith.constant 0 : i32
        %dma_wait3A_130 = arith.constant 0 : i32
        %dma_wait3A_131 = tpu.memref_slice %arg16[%run_scoped3A_70, %dma_wait3A_129, %dma_wait3A_130] : memref<2x16x352xf32, #tpu.memory_space<vmem>> -> memref<1x16x352xf32, #tpu.memory_space<vmem>>
        %dma_wait3A_132 = tpu.memref_squeeze %dma_wait3A_131 : memref<1x16x352xf32, #tpu.memory_space<vmem>> -> memref<16x352xf32, #tpu.memory_space<vmem>>
        tpu.wait_dma2 semaphore(%run_scoped3A_109 : memref<!tpu.dma_semaphore, #tpu.memory_space<semaphore_mem>>) src(%dma_wait3A_132 : memref<16x352xf32, #tpu.memory_space<vmem>>) dst(%dma_wait3A_128 : memref<16x352xf32, #tpu.memory_space<vmem_shared>>)
        tpu.yield
      }) : () -> ()
      %add3A_71 = arith.constant 288 : i32
      %add3A_72 = arith.addi %mul3A_17, %add3A_71 : i32
      %run_scoped3A_73 = arith.constant 0 : i32
      "tpu.region"() ({
        %run_scoped3A_109 = tpu.sem_alloc : memref<!tpu.dma_semaphore, #tpu.memory_space<semaphore_mem>>
        %dma_start3A_110 = arith.constant 0 : i32
        %dma_start3A_111 = arith.constant 0 : i32
        %dma_start3A_112 = tpu.memref_slice %arg16[%run_scoped3A_73, %dma_start3A_110, %dma_start3A_111] : memref<2x16x352xf32, #tpu.memory_space<vmem>> -> memref<1x16x352xf32, #tpu.memory_space<vmem>>
        %dma_start3A_113 = tpu.memref_squeeze %dma_start3A_112 : memref<1x16x352xf32, #tpu.memory_space<vmem>> -> memref<16x352xf32, #tpu.memory_space<vmem>>
        %dma_start3A_114 = arith.constant 0 : i32
        %dma_start3A_115 = tpu.memref_slice %arg6[%add3A_72, %dma_start3A_114] : memref<5120x352xf32, #tpu.memory_space<vmem_shared>> -> memref<16x352xf32, #tpu.memory_space<vmem_shared>>
        %dma_start3A_116 = arith.constant 0 : i32
        %dma_start3A_117 = tpu.memref_slice %arg6[%add3A_72, %dma_start3A_116] : memref<5120x352xf32, #tpu.memory_space<vmem_shared>> -> memref<16x352xf32, #tpu.memory_space<vmem_shared>>
        %dma_start3A_118 = arith.constant 0 : i32
        %dma_start3A_119 = arith.constant 0 : i32
        %dma_start3A_120 = tpu.memref_slice %arg16[%run_scoped3A_73, %dma_start3A_118, %dma_start3A_119] : memref<2x16x352xf32, #tpu.memory_space<vmem>> -> memref<1x16x352xf32, #tpu.memory_space<vmem>>
        %dma_start3A_121 = tpu.memref_squeeze %dma_start3A_120 : memref<1x16x352xf32, #tpu.memory_space<vmem>> -> memref<16x352xf32, #tpu.memory_space<vmem>>
        tpu.enqueue_dma source(%dma_start3A_121 : memref<16x352xf32, #tpu.memory_space<vmem>>) target(%dma_start3A_117 : memref<16x352xf32, #tpu.memory_space<vmem_shared>>) target_semaphore(%run_scoped3A_109 : memref<!tpu.dma_semaphore, #tpu.memory_space<semaphore_mem>>)
        %dma_wait3A = arith.constant 0 : i32
        %dma_wait3A_122 = arith.constant 0 : i32
        %dma_wait3A_123 = tpu.memref_slice %arg16[%run_scoped3A_73, %dma_wait3A, %dma_wait3A_122] : memref<2x16x352xf32, #tpu.memory_space<vmem>> -> memref<1x16x352xf32, #tpu.memory_space<vmem>>
        %dma_wait3A_124 = tpu.memref_squeeze %dma_wait3A_123 : memref<1x16x352xf32, #tpu.memory_space<vmem>> -> memref<16x352xf32, #tpu.memory_space<vmem>>
        %dma_wait3A_125 = arith.constant 0 : i32
        %dma_wait3A_126 = tpu.memref_slice %arg6[%add3A_72, %dma_wait3A_125] : memref<5120x352xf32, #tpu.memory_space<vmem_shared>> -> memref<16x352xf32, #tpu.memory_space<vmem_shared>>
        %dma_wait3A_127 = arith.constant 0 : i32
        %dma_wait3A_128 = tpu.memref_slice %arg6[%add3A_72, %dma_wait3A_127] : memref<5120x352xf32, #tpu.memory_space<vmem_shared>> -> memref<16x352xf32, #tpu.memory_space<vmem_shared>>
        %dma_wait3A_129 = arith.constant 0 : i32
        %dma_wait3A_130 = arith.constant 0 : i32
        %dma_wait3A_131 = tpu.memref_slice %arg16[%run_scoped3A_73, %dma_wait3A_129, %dma_wait3A_130] : memref<2x16x352xf32, #tpu.memory_space<vmem>> -> memref<1x16x352xf32, #tpu.memory_space<vmem>>
        %dma_wait3A_132 = tpu.memref_squeeze %dma_wait3A_131 : memref<1x16x352xf32, #tpu.memory_space<vmem>> -> memref<16x352xf32, #tpu.memory_space<vmem>>
        tpu.wait_dma2 semaphore(%run_scoped3A_109 : memref<!tpu.dma_semaphore, #tpu.memory_space<semaphore_mem>>) src(%dma_wait3A_132 : memref<16x352xf32, #tpu.memory_space<vmem>>) dst(%dma_wait3A_128 : memref<16x352xf32, #tpu.memory_space<vmem_shared>>)
        tpu.yield
      }) : () -> ()
      %add3A_74 = arith.constant 304 : i32
      %add3A_75 = arith.addi %mul3A_17, %add3A_74 : i32
      %run_scoped3A_76 = arith.constant 0 : i32
      "tpu.region"() ({
        %run_scoped3A_109 = tpu.sem_alloc : memref<!tpu.dma_semaphore, #tpu.memory_space<semaphore_mem>>
        %dma_start3A_110 = arith.constant 0 : i32
        %dma_start3A_111 = arith.constant 0 : i32
        %dma_start3A_112 = tpu.memref_slice %arg16[%run_scoped3A_76, %dma_start3A_110, %dma_start3A_111] : memref<2x16x352xf32, #tpu.memory_space<vmem>> -> memref<1x16x352xf32, #tpu.memory_space<vmem>>
        %dma_start3A_113 = tpu.memref_squeeze %dma_start3A_112 : memref<1x16x352xf32, #tpu.memory_space<vmem>> -> memref<16x352xf32, #tpu.memory_space<vmem>>
        %dma_start3A_114 = arith.constant 0 : i32
        %dma_start3A_115 = tpu.memref_slice %arg6[%add3A_75, %dma_start3A_114] : memref<5120x352xf32, #tpu.memory_space<vmem_shared>> -> memref<16x352xf32, #tpu.memory_space<vmem_shared>>
        %dma_start3A_116 = arith.constant 0 : i32
        %dma_start3A_117 = tpu.memref_slice %arg6[%add3A_75, %dma_start3A_116] : memref<5120x352xf32, #tpu.memory_space<vmem_shared>> -> memref<16x352xf32, #tpu.memory_space<vmem_shared>>
        %dma_start3A_118 = arith.constant 0 : i32
        %dma_start3A_119 = arith.constant 0 : i32
        %dma_start3A_120 = tpu.memref_slice %arg16[%run_scoped3A_76, %dma_start3A_118, %dma_start3A_119] : memref<2x16x352xf32, #tpu.memory_space<vmem>> -> memref<1x16x352xf32, #tpu.memory_space<vmem>>
        %dma_start3A_121 = tpu.memref_squeeze %dma_start3A_120 : memref<1x16x352xf32, #tpu.memory_space<vmem>> -> memref<16x352xf32, #tpu.memory_space<vmem>>
        tpu.enqueue_dma source(%dma_start3A_121 : memref<16x352xf32, #tpu.memory_space<vmem>>) target(%dma_start3A_117 : memref<16x352xf32, #tpu.memory_space<vmem_shared>>) target_semaphore(%run_scoped3A_109 : memref<!tpu.dma_semaphore, #tpu.memory_space<semaphore_mem>>)
        %dma_wait3A = arith.constant 0 : i32
        %dma_wait3A_122 = arith.constant 0 : i32
        %dma_wait3A_123 = tpu.memref_slice %arg16[%run_scoped3A_76, %dma_wait3A, %dma_wait3A_122] : memref<2x16x352xf32, #tpu.memory_space<vmem>> -> memref<1x16x352xf32, #tpu.memory_space<vmem>>
        %dma_wait3A_124 = tpu.memref_squeeze %dma_wait3A_123 : memref<1x16x352xf32, #tpu.memory_space<vmem>> -> memref<16x352xf32, #tpu.memory_space<vmem>>
        %dma_wait3A_125 = arith.constant 0 : i32
        %dma_wait3A_126 = tpu.memref_slice %arg6[%add3A_75, %dma_wait3A_125] : memref<5120x352xf32, #tpu.memory_space<vmem_shared>> -> memref<16x352xf32, #tpu.memory_space<vmem_shared>>
        %dma_wait3A_127 = arith.constant 0 : i32
        %dma_wait3A_128 = tpu.memref_slice %arg6[%add3A_75, %dma_wait3A_127] : memref<5120x352xf32, #tpu.memory_space<vmem_shared>> -> memref<16x352xf32, #tpu.memory_space<vmem_shared>>
        %dma_wait3A_129 = arith.constant 0 : i32
        %dma_wait3A_130 = arith.constant 0 : i32
        %dma_wait3A_131 = tpu.memref_slice %arg16[%run_scoped3A_76, %dma_wait3A_129, %dma_wait3A_130] : memref<2x16x352xf32, #tpu.memory_space<vmem>> -> memref<1x16x352xf32, #tpu.memory_space<vmem>>
        %dma_wait3A_132 = tpu.memref_squeeze %dma_wait3A_131 : memref<1x16x352xf32, #tpu.memory_space<vmem>> -> memref<16x352xf32, #tpu.memory_space<vmem>>
        tpu.wait_dma2 semaphore(%run_scoped3A_109 : memref<!tpu.dma_semaphore, #tpu.memory_space<semaphore_mem>>) src(%dma_wait3A_132 : memref<16x352xf32, #tpu.memory_space<vmem>>) dst(%dma_wait3A_128 : memref<16x352xf32, #tpu.memory_space<vmem_shared>>)
        tpu.yield
      }) : () -> ()
      %barrier3A = arith.constant 0 : index
      tpu.barrier barrier_id(%barrier3A)
      %mul3A_77 = arith.constant 50000 : i32
      %mul3A_78 = arith.muli %arg1, %mul3A_77 : i32
      %dma_start3A = arith.constant 0 : i32
      %dma_start3A_79 = arith.constant 0 : i32
      %dma_start3A_80 = tpu.memref_slice %arg8[%dma_start3A_79] : memref<1016xi32, #tpu.memory_space<vmem>> -> memref<1000xi32, #tpu.memory_space<vmem>>
      %dma_start3A_81 = tpu.memref_slice %arg4[%dma_start3A, %mul3A_78] : memref<2x800000xi32, #tpu.memory_space<hbm>> -> memref<1x1000xi32, #tpu.memory_space<hbm>>
      %dma_start3A_82 = tpu.memref_squeeze %dma_start3A_81 : memref<1x1000xi32, #tpu.memory_space<hbm>> -> memref<1000xi32, #tpu.memory_space<hbm>>
      %dma_start3A_83 = arith.constant 0 : i32
      %dma_start3A_84 = tpu.memref_slice %arg8[%dma_start3A_83] : memref<1016xi32, #tpu.memory_space<vmem>> -> memref<1000xi32, #tpu.memory_space<vmem>>
      %dma_start3A_85 = tpu.memref_slice %arg4[%dma_start3A, %mul3A_78] : memref<2x800000xi32, #tpu.memory_space<hbm>> -> memref<1x1000xi32, #tpu.memory_space<hbm>>
      %dma_start3A_86 = tpu.memref_squeeze %dma_start3A_85 : memref<1x1000xi32, #tpu.memory_space<hbm>> -> memref<1000xi32, #tpu.memory_space<hbm>>
      tpu.enqueue_dma source(%dma_start3A_86 : memref<1000xi32, #tpu.memory_space<hbm>>) target(%dma_start3A_84 : memref<1000xi32, #tpu.memory_space<vmem>>) target_semaphore(%arg17 : memref<!tpu.dma_semaphore, #tpu.memory_space<semaphore_mem>>)
      %dma_start3A_87 = arith.constant 1 : i32
      %dma_start3A_88 = arith.constant 0 : i32
      %dma_start3A_89 = tpu.memref_slice %arg7[%dma_start3A_88] : memref<1016xi32, #tpu.memory_space<vmem>> -> memref<1000xi32, #tpu.memory_space<vmem>>
      %dma_start3A_90 = tpu.memref_slice %arg4[%dma_start3A_87, %mul3A_78] : memref<2x800000xi32, #tpu.memory_space<hbm>> -> memref<1x1000xi32, #tpu.memory_space<hbm>>
      %dma_start3A_91 = tpu.memref_squeeze %dma_start3A_90 : memref<1x1000xi32, #tpu.memory_space<hbm>> -> memref<1000xi32, #tpu.memory_space<hbm>>
      %dma_start3A_92 = arith.constant 0 : i32
      %dma_start3A_93 = tpu.memref_slice %arg7[%dma_start3A_92] : memref<1016xi32, #tpu.memory_space<vmem>> -> memref<1000xi32, #tpu.memory_space<vmem>>
      %dma_start3A_94 = tpu.memref_slice %arg4[%dma_start3A_87, %mul3A_78] : memref<2x800000xi32, #tpu.memory_space<hbm>> -> memref<1x1000xi32, #tpu.memory_space<hbm>>
      %dma_start3A_95 = tpu.memref_squeeze %dma_start3A_94 : memref<1x1000xi32, #tpu.memory_space<hbm>> -> memref<1000xi32, #tpu.memory_space<hbm>>
      tpu.enqueue_dma source(%dma_start3A_95 : memref<1000xi32, #tpu.memory_space<hbm>>) target(%dma_start3A_93 : memref<1000xi32, #tpu.memory_space<vmem>>) target_semaphore(%arg17 : memref<!tpu.dma_semaphore, #tpu.memory_space<semaphore_mem>>)
      %scan3A_96 = arith.constant 0 : i32
      %scan3A_97 = arith.constant 0 : i32
      %scan3A_98 = arith.constant 50 : i32
      %scan3A_99 = arith.addi %scan3A_97, %scan3A_98 : i32
      %scan3A_100 = arith.constant 1 : i32
      scf.for %scan3A_109 = %scan3A_97 to %scan3A_99 step %scan3A_100  : i32 {
        %mul3A_110 = arith.constant 1000 : i32
        %mul3A_111 = arith.muli %scan3A_109, %mul3A_110 : i32
        %add3A_112 = arith.addi %mul3A_78, %mul3A_111 : i32
        %dma_wait3A = arith.constant 0 : i32
        %dma_wait3A_113 = arith.constant 0 : i32
        %dma_wait3A_114 = tpu.memref_slice %arg8[%dma_wait3A_113] : memref<1016xi32, #tpu.memory_space<vmem>> -> memref<1000xi32, #tpu.memory_space<vmem>>
        %dma_wait3A_115 = tpu.memref_slice %arg4[%dma_wait3A, %add3A_112] : memref<2x800000xi32, #tpu.memory_space<hbm>> -> memref<1x1000xi32, #tpu.memory_space<hbm>>
        %dma_wait3A_116 = tpu.memref_squeeze %dma_wait3A_115 : memref<1x1000xi32, #tpu.memory_space<hbm>> -> memref<1000xi32, #tpu.memory_space<hbm>>
        %dma_wait3A_117 = arith.constant 0 : i32
        %dma_wait3A_118 = tpu.memref_slice %arg8[%dma_wait3A_117] : memref<1016xi32, #tpu.memory_space<vmem>> -> memref<1000xi32, #tpu.memory_space<vmem>>
        %dma_wait3A_119 = tpu.memref_slice %arg4[%dma_wait3A, %add3A_112] : memref<2x800000xi32, #tpu.memory_space<hbm>> -> memref<1x1000xi32, #tpu.memory_space<hbm>>
        %dma_wait3A_120 = tpu.memref_squeeze %dma_wait3A_119 : memref<1x1000xi32, #tpu.memory_space<hbm>> -> memref<1000xi32, #tpu.memory_space<hbm>>
        tpu.wait_dma2 semaphore(%arg17 : memref<!tpu.dma_semaphore, #tpu.memory_space<semaphore_mem>>) src(%dma_wait3A_120 : memref<1000xi32, #tpu.memory_space<hbm>>) dst(%dma_wait3A_118 : memref<1000xi32, #tpu.memory_space<vmem>>)
        %dma_wait3A_121 = arith.constant 1 : i32
        %dma_wait3A_122 = arith.constant 0 : i32
        %dma_wait3A_123 = tpu.memref_slice %arg7[%dma_wait3A_122] : memref<1016xi32, #tpu.memory_space<vmem>> -> memref<1000xi32, #tpu.memory_space<vmem>>
        %dma_wait3A_124 = tpu.memref_slice %arg4[%dma_wait3A_121, %add3A_112] : memref<2x800000xi32, #tpu.memory_space<hbm>> -> memref<1x1000xi32, #tpu.memory_space<hbm>>
        %dma_wait3A_125 = tpu.memref_squeeze %dma_wait3A_124 : memref<1x1000xi32, #tpu.memory_space<hbm>> -> memref<1000xi32, #tpu.memory_space<hbm>>
        %dma_wait3A_126 = arith.constant 0 : i32
        %dma_wait3A_127 = tpu.memref_slice %arg7[%dma_wait3A_126] : memref<1016xi32, #tpu.memory_space<vmem>> -> memref<1000xi32, #tpu.memory_space<vmem>>
        %dma_wait3A_128 = tpu.memref_slice %arg4[%dma_wait3A_121, %add3A_112] : memref<2x800000xi32, #tpu.memory_space<hbm>> -> memref<1x1000xi32, #tpu.memory_space<hbm>>
        %dma_wait3A_129 = tpu.memref_squeeze %dma_wait3A_128 : memref<1x1000xi32, #tpu.memory_space<hbm>> -> memref<1000xi32, #tpu.memory_space<hbm>>
        tpu.wait_dma2 semaphore(%arg17 : memref<!tpu.dma_semaphore, #tpu.memory_space<semaphore_mem>>) src(%dma_wait3A_129 : memref<1000xi32, #tpu.memory_space<hbm>>) dst(%dma_wait3A_127 : memref<1000xi32, #tpu.memory_space<vmem>>)
        %scan3A_130 = arith.constant 0 : i32
        %scan3A_131 = arith.constant 0 : i32
        %scan3A_132 = arith.constant 63 : i32
        %scan3A_133 = arith.addi %scan3A_131, %scan3A_132 : i32
        %scan3A_134 = arith.constant 1 : i32
        %scan3A_135 = scf.for %scan3A_198 = %scan3A_131 to %scan3A_133 step %scan3A_134 iter_args(%scan3A_199 = %scan3A_130) -> (i32)  : i32 {
          %mul3A_200 = arith.constant 16 : i32
          %mul3A_201 = arith.muli %scan3A_198, %mul3A_200 : i32
          %get3A = arith.index_cast %mul3A_201 : i32 to index
          %get3A_202 = tpu.vector_load %arg7[%get3A] {strides = array<i32>} : memref<1016xi32, #tpu.memory_space<vmem>>, vector<16xi32>,
          %mul3A_203 = arith.constant 16 : i32
          %mul3A_204 = arith.muli %scan3A_198, %mul3A_203 : i32
          %get3A_205 = arith.index_cast %mul3A_204 : i32 to index
          %get3A_206 = tpu.vector_load %arg8[%get3A_205] {strides = array<i32>} : memref<1016xi32, #tpu.memory_space<vmem>>, vector<16xi32>,
          %ge3A_207 = vector.broadcast %mul3A_9 : i32 to vector<16xi32>
          %ge3A_208 = arith.cmpi sge, %get3A_202, %ge3A_207 : vector<16xi32>
          %add3A_209 = arith.constant 5000 : i32
          %add3A_210 = arith.addi %mul3A_9, %add3A_209 : i32
          %lt3A_211 = vector.broadcast %add3A_210 : i32 to vector<16xi32>
          %lt3A_212 = arith.cmpi slt, %get3A_202, %lt3A_211 : vector<16xi32>
          %and3A_213 = arith.andi %ge3A_208, %lt3A_212 : vector<16xi1>
          %mul3A_214 = arith.constant 16 : i32
          %mul3A_215 = arith.muli %scan3A_198, %mul3A_214 : i32
          %add3A_216 = vector.broadcast %mul3A_215 : i32 to vector<16xi32>
          %add3A_217 = arith.addi %add3A_216, %iota3A : vector<16xi32>
          %lt3A_218 = arith.constant 1000 : i32
          %lt3A_219 = vector.broadcast %lt3A_218 : i32 to vector<16xi32>
          %lt3A_220 = arith.cmpi slt, %add3A_217, %lt3A_219 : vector<16xi32>
          %and3A_221 = arith.andi %and3A_213, %lt3A_220 : vector<16xi1>
          %convert_element_type3A_222 = arith.extui %and3A_221 : vector<16xi1> to vector<16xi32>
          %broadcast_in_dim3A_223 = arith.constant true
          %broadcast_in_dim3A_224 = vector.broadcast %broadcast_in_dim3A_223 : i1 to vector<16xi1>
          %masked_cumsum3A = tpu.scan <sum>, %convert_element_type3A_222 masked %broadcast_in_dim3A_224 : vector<16xi32>, vector<16xi1> -> vector<16xi32>
          %add3A_225 = vector.broadcast %scan3A_199 : i32 to vector<16xi32>
          %add3A_226 = arith.addi %add3A_225, %masked_cumsum3A : vector<16xi32>
          %sub3A_227 = arith.constant 1 : i32
          %sub3A_228 = vector.broadcast %sub3A_227 : i32 to vector<16xi32>
          %sub3A_229 = arith.subi %add3A_226, %sub3A_228 : vector<16xi32>
          tpu.vector_store_idx %arg9[%sub3A_229], %get3A_202 masked %and3A_221 : memref<1032xi32, #tpu.memory_space<vmem>>[vector<16xi32>], vector<16xi32>, vector<16xi1>
          tpu.vector_store_idx %arg10[%sub3A_229], %get3A_206 masked %and3A_221 : memref<1032xi32, #tpu.memory_space<vmem>>[vector<16xi32>], vector<16xi32>, vector<16xi1>
          %slice3A = vector.extract_strided_slice %masked_cumsum3A {offsets = [15], sizes = [1], strides = [1]} : vector<16xi32> to vector<1xi32>
          %squeeze3A = vector.extract %slice3A[0] : i32 from vector<1xi32>
          %add3A_230 = arith.addi %scan3A_199, %squeeze3A : i32
          scf.yield %add3A_230 : i32
        }
        %scan3A_136 = arith.constant 63 : i32
        %add3A_137 = vector.broadcast %scan3A_135 : i32 to vector<16xi32>
        %add3A_138 = arith.addi %add3A_137, %iota3A : vector<16xi32>
        %broadcast_in_dim3A_139 = arith.constant 0 : i32
        %broadcast_in_dim3A_140 = vector.broadcast %broadcast_in_dim3A_139 : i32 to vector<16xi32>
        tpu.vector_store_idx %arg9[%add3A_138], %broadcast_in_dim3A_140 : memref<1032xi32, #tpu.memory_space<vmem>>[vector<16xi32>], vector<16xi32>,
        %add3A_141 = vector.broadcast %scan3A_135 : i32 to vector<16xi32>
        %add3A_142 = arith.addi %add3A_141, %iota3A : vector<16xi32>
        %broadcast_in_dim3A_143 = arith.constant 0 : i32
        %broadcast_in_dim3A_144 = vector.broadcast %broadcast_in_dim3A_143 : i32 to vector<16xi32>
        tpu.vector_store_idx %arg10[%add3A_142], %broadcast_in_dim3A_144 : memref<1032xi32, #tpu.memory_space<vmem>>[vector<16xi32>], vector<16xi32>,
        %add3A_145 = arith.constant 1 : i32
        %add3A_146 = arith.addi %scan3A_109, %add3A_145 : i32
        %lt3A = arith.constant 50 : i32
        %lt3A_147 = arith.cmpi slt, %add3A_146, %lt3A : i32
        %convert_element_type3A_148 = arith.extui %lt3A_147 : i1 to i32
        %cond3A_149 = arith.constant 0 : i32
        %cond3A_150 = arith.cmpi ne, %convert_element_type3A_148, %cond3A_149 : i32
        scf.if %cond3A_150 {
          %add3A_198 = arith.constant 1 : i32
          %add3A_199 = arith.addi %scan3A_109, %add3A_198 : i32
          %mul3A_200 = arith.constant 1000 : i32
          %mul3A_201 = arith.muli %add3A_199, %mul3A_200 : i32
          %add3A_202 = arith.addi %mul3A_78, %mul3A_201 : i32
          %dma_start3A_203 = arith.constant 0 : i32
          %dma_start3A_204 = arith.constant 0 : i32
          %dma_start3A_205 = tpu.memref_slice %arg8[%dma_start3A_204] : memref<1016xi32, #tpu.memory_space<vmem>> -> memref<1000xi32, #tpu.memory_space<vmem>>
          %dma_start3A_206 = tpu.memref_slice %arg4[%dma_start3A_203, %add3A_202] : memref<2x800000xi32, #tpu.memory_space<hbm>> -> memref<1x1000xi32, #tpu.memory_space<hbm>>
          %dma_start3A_207 = tpu.memref_squeeze %dma_start3A_206 : memref<1x1000xi32, #tpu.memory_space<hbm>> -> memref<1000xi32, #tpu.memory_space<hbm>>
          %dma_start3A_208 = arith.constant 0 : i32
          %dma_start3A_209 = tpu.memref_slice %arg8[%dma_start3A_208] : memref<1016xi32, #tpu.memory_space<vmem>> -> memref<1000xi32, #tpu.memory_space<vmem>>
          %dma_start3A_210 = tpu.memref_slice %arg4[%dma_start3A_203, %add3A_202] : memref<2x800000xi32, #tpu.memory_space<hbm>> -> memref<1x1000xi32, #tpu.memory_space<hbm>>
          %dma_start3A_211 = tpu.memref_squeeze %dma_start3A_210 : memref<1x1000xi32, #tpu.memory_space<hbm>> -> memref<1000xi32, #tpu.memory_space<hbm>>
          tpu.enqueue_dma source(%dma_start3A_211 : memref<1000xi32, #tpu.memory_space<hbm>>) target(%dma_start3A_209 : memref<1000xi32, #tpu.memory_space<vmem>>) target_semaphore(%arg17 : memref<!tpu.dma_semaphore, #tpu.memory_space<semaphore_mem>>)
          %dma_start3A_212 = arith.constant 1 : i32
          %dma_start3A_213 = arith.constant 0 : i32
          %dma_start3A_214 = tpu.memref_slice %arg7[%dma_start3A_213] : memref<1016xi32, #tpu.memory_space<vmem>> -> memref<1000xi32, #tpu.memory_space<vmem>>
          %dma_start3A_215 = tpu.memref_slice %arg4[%dma_start3A_212, %add3A_202] : memref<2x800000xi32, #tpu.memory_space<hbm>> -> memref<1x1000xi32, #tpu.memory_space<hbm>>
          %dma_start3A_216 = tpu.memref_squeeze %dma_start3A_215 : memref<1x1000xi32, #tpu.memory_space<hbm>> -> memref<1000xi32, #tpu.memory_space<hbm>>
          %dma_start3A_217 = arith.constant 0 : i32
          %dma_start3A_218 = tpu.memref_slice %arg7[%dma_start3A_217] : memref<1016xi32, #tpu.memory_space<vmem>> -> memref<1000xi32, #tpu.memory_space<vmem>>
          %dma_start3A_219 = tpu.memref_slice %arg4[%dma_start3A_212, %add3A_202] : memref<2x800000xi32, #tpu.memory_space<hbm>> -> memref<1x1000xi32, #tpu.memory_space<hbm>>
          %dma_start3A_220 = tpu.memref_squeeze %dma_start3A_219 : memref<1x1000xi32, #tpu.memory_space<hbm>> -> memref<1000xi32, #tpu.memory_space<hbm>>
          tpu.enqueue_dma source(%dma_start3A_220 : memref<1000xi32, #tpu.memory_space<hbm>>) target(%dma_start3A_218 : memref<1000xi32, #tpu.memory_space<vmem>>) target_semaphore(%arg17 : memref<!tpu.dma_semaphore, #tpu.memory_space<semaphore_mem>>)
        } else {
        }
        %add3A_151 = arith.constant 15 : i32
        %add3A_152 = arith.addi %scan3A_135, %add3A_151 : i32
        %jit3A = arith.constant 16 : i32
        %div3A = arith.divsi %add3A_152, %jit3A : i32
        %sign3A = arith.constant 0 : i32
        %sign3A_153 = arith.cmpi sgt, %add3A_152, %sign3A : i32
        %sign3A_154 = arith.extui %sign3A_153 : i1 to i32
        %sign3A_155 = arith.constant 0 : i32
        %sign3A_156 = arith.cmpi slt, %add3A_152, %sign3A_155 : i32
        %sign3A_157 = arith.extui %sign3A_156 : i1 to i32
        %sign3A_158 = arith.subi %sign3A_154, %sign3A_157 : i32
        %sign3A_159 = arith.constant 0 : i32
        %sign3A_160 = arith.cmpi sgt, %jit3A, %sign3A_159 : i32
        %sign3A_161 = arith.extui %sign3A_160 : i1 to i32
        %sign3A_162 = arith.constant 0 : i32
        %sign3A_163 = arith.cmpi slt, %jit3A, %sign3A_162 : i32
        %sign3A_164 = arith.extui %sign3A_163 : i1 to i32
        %sign3A_165 = arith.subi %sign3A_161, %sign3A_164 : i32
        %ne3A = arith.cmpi ne, %sign3A_158, %sign3A_165 : i32
        %rem3A = arith.remsi %add3A_152, %jit3A : i32
        %ne3A_166 = arith.constant 0 : i32
        %ne3A_167 = arith.cmpi ne, %rem3A, %ne3A_166 : i32
        %and3A = arith.andi %ne3A, %ne3A_167 : i1
        %sub3A = arith.constant 1 : i32
        %sub3A_168 = arith.subi %div3A, %sub3A : i32
        %select_n3A = arith.select %and3A, %sub3A_168, %div3A : i32
        %min3A = arith.constant 3 : i32
        %min3A_169 = arith.minsi %select_n3A, %min3A : i32
        %while3A = arith.constant 0 : i32
        %while3A_170 = arith.constant 0 : i32
        %while3A_171 = arith.subi %min3A_169, %while3A_170 : i32
        %while3A_172 = arith.addi %while3A_170, %while3A_171 : i32
        %while3A_173 = arith.constant 1 : i32
        %while3A_174 = arith.divsi %while3A_171, %while3A_173 : i32
        %while3A_175 = arith.muli %while3A_174, %while3A_173 : i32
        %while3A_176 = arith.addi %while3A_170, %while3A_175 : i32
        %while3A_177 = arith.constant 1 : i32
        scf.for %while3A_198 = %while3A_170 to %while3A_176 step %while3A_177  : i32 {
          %mul3A_199 = arith.constant 16 : i32
          %mul3A_200 = arith.muli %while3A_198, %mul3A_199 : i32
          %get3A = arith.index_cast %mul3A_200 : i32 to index
          %get3A_201 = tpu.vector_load %arg10[%get3A] {strides = array<i32>} : memref<1032xi32, #tpu.memory_space<vmem>>, vector<16xi32>,
          %swap3A = arith.constant 0 : i32
          %swap3A_202 = arith.index_cast %while3A_198 : i32 to index
          %swap3A_203 = arith.index_cast %swap3A : i32 to index
          %swap3A_204 = arith.constant 0 : index
          %swap3A_205 = tpu.vector_load %arg12[%swap3A_202, %swap3A_203, %swap3A_204] {strides = array<i32>} : memref<3x2x16xi32, #tpu.memory_space<vmem>>, vector<16xi32>,
          tpu.vector_store %arg12[%swap3A_202, %swap3A_203, %swap3A_204], %get3A_201 {strides = array<i32>} : memref<3x2x16xi32, #tpu.memory_space<vmem>>, vector<16xi32>,
          %get3A_206 = arith.index_cast %mul3A_200 : i32 to index
          %get3A_207 = tpu.vector_load %arg9[%get3A_206] {strides = array<i32>} : memref<1032xi32, #tpu.memory_space<vmem>>, vector<16xi32>,
          %swap3A_208 = arith.constant 1 : i32
          %swap3A_209 = arith.index_cast %while3A_198 : i32 to index
          %swap3A_210 = arith.index_cast %swap3A_208 : i32 to index
          %swap3A_211 = arith.constant 0 : index
          %swap3A_212 = tpu.vector_load %arg12[%swap3A_209, %swap3A_210, %swap3A_211] {strides = array<i32>} : memref<3x2x16xi32, #tpu.memory_space<vmem>>, vector<16xi32>,
          tpu.vector_store %arg12[%swap3A_209, %swap3A_210, %swap3A_211], %get3A_207 {strides = array<i32>} : memref<3x2x16xi32, #tpu.memory_space<vmem>>, vector<16xi32>,
          %dma_start3A_213 = arith.constant 0 : i32
          %dma_start3A_214 = arith.constant 0 : i32
          %dma_start3A_215 = arith.constant 0 : i32
          %dma_start3A_216 = tpu.memref_slice %arg13[%while3A_198, %dma_start3A_214, %dma_start3A_215] : memref<3x16x32xf32, #tpu.memory_space<vmem>> -> memref<1x16x32xf32, #tpu.memory_space<vmem>>
          %dma_start3A_217 = tpu.memref_squeeze %dma_start3A_216 : memref<1x16x32xf32, #tpu.memory_space<vmem>> -> memref<16x32xf32, #tpu.memory_space<vmem>>
          %dma_start3A_218 = arith.constant 0 : i32
          %dma_start3A_219 = tpu.memref_slice %arg12[%while3A_198, %dma_start3A_213, %dma_start3A_218] : memref<3x2x16xi32, #tpu.memory_space<vmem>> -> memref<1x1x16xi32, #tpu.memory_space<vmem>>
          %dma_start3A_220 = tpu.memref_squeeze %dma_start3A_219 : memref<1x1x16xi32, #tpu.memory_space<vmem>> -> memref<16xi32, #tpu.memory_space<vmem>>
          %dma_start3A_221 = arith.constant 0 : i32
          %dma_start3A_222 = arith.constant 0 : i32
          %dma_start3A_223 = tpu.memref_slice %arg2[%dma_start3A_221, %dma_start3A_222] : memref<50000x32xf32, #tpu.memory_space<hbm>> -> memref<50000x32xf32, #tpu.memory_space<hbm>>
          %dma_start3A_224 = tpu.memref_slice %arg18[%while3A_198] : memref<3x!tpu.dma_semaphore, #tpu.memory_space<semaphore_mem>> -> memref<1x!tpu.dma_semaphore, #tpu.memory_space<semaphore_mem>>
          %dma_start3A_225 = tpu.memref_squeeze %dma_start3A_224 : memref<1x!tpu.dma_semaphore, #tpu.memory_space<semaphore_mem>> -> memref<!tpu.dma_semaphore, #tpu.memory_space<semaphore_mem>>
          tpu.enqueue_indirect_dma source(%dma_start3A_223 : memref<50000x32xf32, #tpu.memory_space<hbm>>) target(%dma_start3A_217 : memref<16x32xf32, #tpu.memory_space<vmem>>) offsets(%dma_start3A_220 : memref<16xi32, #tpu.memory_space<vmem>>) semaphore(%dma_start3A_225 : memref<!tpu.dma_semaphore, #tpu.memory_space<semaphore_mem>>)
          %dma_start3A_226 = arith.constant 1 : i32
          %dma_start3A_227 = arith.constant 0 : i32
          %dma_start3A_228 = arith.constant 0 : i32
          %dma_start3A_229 = tpu.memref_slice %arg14[%while3A_198, %dma_start3A_227, %dma_start3A_228] : memref<3x16x16xf32, #tpu.memory_space<vmem>> -> memref<1x16x16xf32, #tpu.memory_space<vmem>>
          %dma_start3A_230 = tpu.memref_squeeze %dma_start3A_229 : memref<1x16x16xf32, #tpu.memory_space<vmem>> -> memref<16x16xf32, #tpu.memory_space<vmem>>
          %dma_start3A_231 = arith.constant 0 : i32
          %dma_start3A_232 = tpu.memref_slice %arg12[%while3A_198, %dma_start3A_226, %dma_start3A_231] : memref<3x2x16xi32, #tpu.memory_space<vmem>> -> memref<1x1x16xi32, #tpu.memory_space<vmem>>
          %dma_start3A_233 = tpu.memref_squeeze %dma_start3A_232 : memref<1x1x16xi32, #tpu.memory_space<vmem>> -> memref<16xi32, #tpu.memory_space<vmem>>
          %dma_start3A_234 = arith.constant 0 : i32
          %dma_start3A_235 = arith.constant 0 : i32
          %dma_start3A_236 = tpu.memref_slice %arg3[%dma_start3A_234, %dma_start3A_235] : memref<50000x16xf32, #tpu.memory_space<hbm>> -> memref<50000x16xf32, #tpu.memory_space<hbm>>
          %dma_start3A_237 = tpu.memref_slice %arg18[%while3A_198] : memref<3x!tpu.dma_semaphore, #tpu.memory_space<semaphore_mem>> -> memref<1x!tpu.dma_semaphore, #tpu.memory_space<semaphore_mem>>
          %dma_start3A_238 = tpu.memref_squeeze %dma_start3A_237 : memref<1x!tpu.dma_semaphore, #tpu.memory_space<semaphore_mem>> -> memref<!tpu.dma_semaphore, #tpu.memory_space<semaphore_mem>>
          tpu.enqueue_indirect_dma source(%dma_start3A_236 : memref<50000x16xf32, #tpu.memory_space<hbm>>) target(%dma_start3A_230 : memref<16x16xf32, #tpu.memory_space<vmem>>) offsets(%dma_start3A_233 : memref<16xi32, #tpu.memory_space<vmem>>) semaphore(%dma_start3A_238 : memref<!tpu.dma_semaphore, #tpu.memory_space<semaphore_mem>>)
        }
        %while3A_178 = arith.constant 1 : i32
        scf.for %while3A_198 = %while3A_176 to %while3A_172 step %while3A_178  : i32 {
          %mul3A_199 = arith.constant 16 : i32
          %mul3A_200 = arith.muli %while3A_198, %mul3A_199 : i32
          %get3A = arith.index_cast %mul3A_200 : i32 to index
          %get3A_201 = tpu.vector_load %arg10[%get3A] {strides = array<i32>} : memref<1032xi32, #tpu.memory_space<vmem>>, vector<16xi32>,
          %swap3A = arith.constant 0 : i32
          %swap3A_202 = arith.index_cast %while3A_198 : i32 to index
          %swap3A_203 = arith.index_cast %swap3A : i32 to index
          %swap3A_204 = arith.constant 0 : index
          %swap3A_205 = tpu.vector_load %arg12[%swap3A_202, %swap3A_203, %swap3A_204] {strides = array<i32>} : memref<3x2x16xi32, #tpu.memory_space<vmem>>, vector<16xi32>,
          tpu.vector_store %arg12[%swap3A_202, %swap3A_203, %swap3A_204], %get3A_201 {strides = array<i32>} : memref<3x2x16xi32, #tpu.memory_space<vmem>>, vector<16xi32>,
          %get3A_206 = arith.index_cast %mul3A_200 : i32 to index
          %get3A_207 = tpu.vector_load %arg9[%get3A_206] {strides = array<i32>} : memref<1032xi32, #tpu.memory_space<vmem>>, vector<16xi32>,
          %swap3A_208 = arith.constant 1 : i32
          %swap3A_209 = arith.index_cast %while3A_198 : i32 to index
          %swap3A_210 = arith.index_cast %swap3A_208 : i32 to index
          %swap3A_211 = arith.constant 0 : index
          %swap3A_212 = tpu.vector_load %arg12[%swap3A_209, %swap3A_210, %swap3A_211] {strides = array<i32>} : memref<3x2x16xi32, #tpu.memory_space<vmem>>, vector<16xi32>,
          tpu.vector_store %arg12[%swap3A_209, %swap3A_210, %swap3A_211], %get3A_207 {strides = array<i32>} : memref<3x2x16xi32, #tpu.memory_space<vmem>>, vector<16xi32>,
          %dma_start3A_213 = arith.constant 0 : i32
          %dma_start3A_214 = arith.constant 0 : i32
          %dma_start3A_215 = arith.constant 0 : i32
          %dma_start3A_216 = tpu.memref_slice %arg13[%while3A_198, %dma_start3A_214, %dma_start3A_215] : memref<3x16x32xf32, #tpu.memory_space<vmem>> -> memref<1x16x32xf32, #tpu.memory_space<vmem>>
          %dma_start3A_217 = tpu.memref_squeeze %dma_start3A_216 : memref<1x16x32xf32, #tpu.memory_space<vmem>> -> memref<16x32xf32, #tpu.memory_space<vmem>>
          %dma_start3A_218 = arith.constant 0 : i32
          %dma_start3A_219 = tpu.memref_slice %arg12[%while3A_198, %dma_start3A_213, %dma_start3A_218] : memref<3x2x16xi32, #tpu.memory_space<vmem>> -> memref<1x1x16xi32, #tpu.memory_space<vmem>>
          %dma_start3A_220 = tpu.memref_squeeze %dma_start3A_219 : memref<1x1x16xi32, #tpu.memory_space<vmem>> -> memref<16xi32, #tpu.memory_space<vmem>>
          %dma_start3A_221 = arith.constant 0 : i32
          %dma_start3A_222 = arith.constant 0 : i32
          %dma_start3A_223 = tpu.memref_slice %arg2[%dma_start3A_221, %dma_start3A_222] : memref<50000x32xf32, #tpu.memory_space<hbm>> -> memref<50000x32xf32, #tpu.memory_space<hbm>>
          %dma_start3A_224 = tpu.memref_slice %arg18[%while3A_198] : memref<3x!tpu.dma_semaphore, #tpu.memory_space<semaphore_mem>> -> memref<1x!tpu.dma_semaphore, #tpu.memory_space<semaphore_mem>>
          %dma_start3A_225 = tpu.memref_squeeze %dma_start3A_224 : memref<1x!tpu.dma_semaphore, #tpu.memory_space<semaphore_mem>> -> memref<!tpu.dma_semaphore, #tpu.memory_space<semaphore_mem>>
          tpu.enqueue_indirect_dma source(%dma_start3A_223 : memref<50000x32xf32, #tpu.memory_space<hbm>>) target(%dma_start3A_217 : memref<16x32xf32, #tpu.memory_space<vmem>>) offsets(%dma_start3A_220 : memref<16xi32, #tpu.memory_space<vmem>>) semaphore(%dma_start3A_225 : memref<!tpu.dma_semaphore, #tpu.memory_space<semaphore_mem>>)
          %dma_start3A_226 = arith.constant 1 : i32
          %dma_start3A_227 = arith.constant 0 : i32
          %dma_start3A_228 = arith.constant 0 : i32
          %dma_start3A_229 = tpu.memref_slice %arg14[%while3A_198, %dma_start3A_227, %dma_start3A_228] : memref<3x16x16xf32, #tpu.memory_space<vmem>> -> memref<1x16x16xf32, #tpu.memory_space<vmem>>
          %dma_start3A_230 = tpu.memref_squeeze %dma_start3A_229 : memref<1x16x16xf32, #tpu.memory_space<vmem>> -> memref<16x16xf32, #tpu.memory_space<vmem>>
          %dma_start3A_231 = arith.constant 0 : i32
          %dma_start3A_232 = tpu.memref_slice %arg12[%while3A_198, %dma_start3A_226, %dma_start3A_231] : memref<3x2x16xi32, #tpu.memory_space<vmem>> -> memref<1x1x16xi32, #tpu.memory_space<vmem>>
          %dma_start3A_233 = tpu.memref_squeeze %dma_start3A_232 : memref<1x1x16xi32, #tpu.memory_space<vmem>> -> memref<16xi32, #tpu.memory_space<vmem>>
          %dma_start3A_234 = arith.constant 0 : i32
          %dma_start3A_235 = arith.constant 0 : i32
          %dma_start3A_236 = tpu.memref_slice %arg3[%dma_start3A_234, %dma_start3A_235] : memref<50000x16xf32, #tpu.memory_space<hbm>> -> memref<50000x16xf32, #tpu.memory_space<hbm>>
          %dma_start3A_237 = tpu.memref_slice %arg18[%while3A_198] : memref<3x!tpu.dma_semaphore, #tpu.memory_space<semaphore_mem>> -> memref<1x!tpu.dma_semaphore, #tpu.memory_space<semaphore_mem>>
          %dma_start3A_238 = tpu.memref_squeeze %dma_start3A_237 : memref<1x!tpu.dma_semaphore, #tpu.memory_space<semaphore_mem>> -> memref<!tpu.dma_semaphore, #tpu.memory_space<semaphore_mem>>
          tpu.enqueue_indirect_dma source(%dma_start3A_236 : memref<50000x16xf32, #tpu.memory_space<hbm>>) target(%dma_start3A_230 : memref<16x16xf32, #tpu.memory_space<vmem>>) offsets(%dma_start3A_233 : memref<16xi32, #tpu.memory_space<vmem>>) semaphore(%dma_start3A_238 : memref<!tpu.dma_semaphore, #tpu.memory_space<semaphore_mem>>)
        }
        %while3A_179 = arith.constant 0 : i32
        %while3A_180 = arith.constant 0 : i32
        %while3A_181 = arith.subi %select_n3A, %while3A_180 : i32
        %while3A_182 = arith.addi %while3A_180, %while3A_181 : i32
        %while3A_183 = arith.constant 1 : i32
        %while3A_184 = arith.divsi %while3A_181, %while3A_183 : i32
        %while3A_185 = arith.muli %while3A_184, %while3A_183 : i32
        %while3A_186 = arith.addi %while3A_180, %while3A_185 : i32
        %while3A_187 = arith.constant 1 : i32
        scf.for %while3A_198 = %while3A_180 to %while3A_186 step %while3A_187  : i32 {
          %jit3A_199 = arith.constant 3 : i32
          %eq3A_200 = arith.constant 0 : i32
          %eq3A_201 = arith.cmpi eq, %jit3A_199, %eq3A_200 : i32
          %jit3A_202 = arith.constant 1 : i32
          %select_n3A_203 = arith.select %eq3A_201, %jit3A_202, %jit3A_199 : i32
          %rem3A_204 = arith.remsi %while3A_198, %select_n3A_203 : i32
          %ne3A_205 = arith.constant 0 : i32
          %ne3A_206 = arith.cmpi ne, %rem3A_204, %ne3A_205 : i32
          %lt3A_207 = arith.constant 0 : i32
          %lt3A_208 = arith.cmpi slt, %rem3A_204, %lt3A_207 : i32
          %lt3A_209 = arith.constant 0 : i32
          %lt3A_210 = arith.cmpi slt, %select_n3A_203, %lt3A_209 : i32
          %ne3A_211 = arith.xori %lt3A_208, %lt3A_210 : i1
          %and3A_212 = arith.andi %ne3A_211, %ne3A_206 : i1
          %add3A_213 = arith.addi %rem3A_204, %select_n3A_203 : i32
          %select_n3A_214 = arith.select %and3A_212, %add3A_213, %rem3A_204 : i32
          %jit3A_215 = arith.constant 2 : i32
          %eq3A_216 = arith.constant 0 : i32
          %eq3A_217 = arith.cmpi eq, %jit3A_215, %eq3A_216 : i32
          %jit3A_218 = arith.constant 1 : i32
          %select_n3A_219 = arith.select %eq3A_217, %jit3A_218, %jit3A_215 : i32
          %rem3A_220 = arith.remsi %while3A_198, %select_n3A_219 : i32
          %ne3A_221 = arith.constant 0 : i32
          %ne3A_222 = arith.cmpi ne, %rem3A_220, %ne3A_221 : i32
          %lt3A_223 = arith.constant 0 : i32
          %lt3A_224 = arith.cmpi slt, %rem3A_220, %lt3A_223 : i32
          %lt3A_225 = arith.constant 0 : i32
          %lt3A_226 = arith.cmpi slt, %select_n3A_219, %lt3A_225 : i32
          %ne3A_227 = arith.xori %lt3A_224, %lt3A_226 : i1
          %and3A_228 = arith.andi %ne3A_227, %ne3A_222 : i1
          %add3A_229 = arith.addi %rem3A_220, %select_n3A_219 : i32
          %select_n3A_230 = arith.select %and3A_228, %add3A_229, %rem3A_220 : i32
          %dma_wait3A_231 = arith.constant 0 : i32
          %dma_wait3A_232 = arith.constant 0 : i32
          %dma_wait3A_233 = arith.constant 0 : i32
          %dma_wait3A_234 = tpu.memref_slice %arg13[%select_n3A_214, %dma_wait3A_232, %dma_wait3A_233] : memref<3x16x32xf32, #tpu.memory_space<vmem>> -> memref<1x16x32xf32, #tpu.memory_space<vmem>>
          %dma_wait3A_235 = tpu.memref_squeeze %dma_wait3A_234 : memref<1x16x32xf32, #tpu.memory_space<vmem>> -> memref<16x32xf32, #tpu.memory_space<vmem>>
          %dma_wait3A_236 = arith.constant 0 : i32
          %dma_wait3A_237 = tpu.memref_slice %arg12[%select_n3A_214, %dma_wait3A_231, %dma_wait3A_236] : memref<3x2x16xi32, #tpu.memory_space<vmem>> -> memref<1x1x16xi32, #tpu.memory_space<vmem>>
          %dma_wait3A_238 = tpu.memref_squeeze %dma_wait3A_237 : memref<1x1x16xi32, #tpu.memory_space<vmem>> -> memref<16xi32, #tpu.memory_space<vmem>>
          %dma_wait3A_239 = arith.constant 0 : i32
          %dma_wait3A_240 = arith.constant 0 : i32
          %dma_wait3A_241 = tpu.memref_slice %arg2[%dma_wait3A_239, %dma_wait3A_240] : memref<50000x32xf32, #tpu.memory_space<hbm>> -> memref<50000x32xf32, #tpu.memory_space<hbm>>
          %dma_wait3A_242 = tpu.memref_slice %arg18[%select_n3A_214] : memref<3x!tpu.dma_semaphore, #tpu.memory_space<semaphore_mem>> -> memref<1x!tpu.dma_semaphore, #tpu.memory_space<semaphore_mem>>
          %dma_wait3A_243 = tpu.memref_squeeze %dma_wait3A_242 : memref<1x!tpu.dma_semaphore, #tpu.memory_space<semaphore_mem>> -> memref<!tpu.dma_semaphore, #tpu.memory_space<semaphore_mem>>
          tpu.wait_indirect_dma semaphore(%dma_wait3A_243 : memref<!tpu.dma_semaphore, #tpu.memory_space<semaphore_mem>>) src(%dma_wait3A_241 : memref<50000x32xf32, #tpu.memory_space<hbm>>) dst(%dma_wait3A_235 : memref<16x32xf32, #tpu.memory_space<vmem>>)
          %dma_wait3A_244 = arith.constant 1 : i32
          %dma_wait3A_245 = arith.constant 0 : i32
          %dma_wait3A_246 = arith.constant 0 : i32
          %dma_wait3A_247 = tpu.memref_slice %arg14[%select_n3A_214, %dma_wait3A_245, %dma_wait3A_246] : memref<3x16x16xf32, #tpu.memory_space<vmem>> -> memref<1x16x16xf32, #tpu.memory_space<vmem>>
          %dma_wait3A_248 = tpu.memref_squeeze %dma_wait3A_247 : memref<1x16x16xf32, #tpu.memory_space<vmem>> -> memref<16x16xf32, #tpu.memory_space<vmem>>
          %dma_wait3A_249 = arith.constant 0 : i32
          %dma_wait3A_250 = tpu.memref_slice %arg12[%select_n3A_214, %dma_wait3A_244, %dma_wait3A_249] : memref<3x2x16xi32, #tpu.memory_space<vmem>> -> memref<1x1x16xi32, #tpu.memory_space<vmem>>
          %dma_wait3A_251 = tpu.memref_squeeze %dma_wait3A_250 : memref<1x1x16xi32, #tpu.memory_space<vmem>> -> memref<16xi32, #tpu.memory_space<vmem>>
          %dma_wait3A_252 = arith.constant 0 : i32
          %dma_wait3A_253 = arith.constant 0 : i32
          %dma_wait3A_254 = tpu.memref_slice %arg3[%dma_wait3A_252, %dma_wait3A_253] : memref<50000x16xf32, #tpu.memory_space<hbm>> -> memref<50000x16xf32, #tpu.memory_space<hbm>>
          %dma_wait3A_255 = tpu.memref_slice %arg18[%select_n3A_214] : memref<3x!tpu.dma_semaphore, #tpu.memory_space<semaphore_mem>> -> memref<1x!tpu.dma_semaphore, #tpu.memory_space<semaphore_mem>>
          %dma_wait3A_256 = tpu.memref_squeeze %dma_wait3A_255 : memref<1x!tpu.dma_semaphore, #tpu.memory_space<semaphore_mem>> -> memref<!tpu.dma_semaphore, #tpu.memory_space<semaphore_mem>>
          tpu.wait_indirect_dma semaphore(%dma_wait3A_256 : memref<!tpu.dma_semaphore, #tpu.memory_space<semaphore_mem>>) src(%dma_wait3A_254 : memref<50000x16xf32, #tpu.memory_space<hbm>>) dst(%dma_wait3A_248 : memref<16x16xf32, #tpu.memory_space<vmem>>)
          %ge3A_257 = arith.constant 2 : i32
          %ge3A_258 = arith.cmpi sge, %while3A_198, %ge3A_257 : i32
          %convert_element_type3A_259 = arith.extui %ge3A_258 : i1 to i32
          %cond3A_260 = arith.constant 0 : i32
          %cond3A_261 = arith.cmpi ne, %convert_element_type3A_259, %cond3A_260 : i32
          scf.if %cond3A_261 {
            %dma_wait3A_529 = arith.constant 0 : i32
            %dma_wait3A_530 = arith.constant 0 : i32
            %dma_wait3A_531 = tpu.memref_slice %arg16[%select_n3A_230, %dma_wait3A_529, %dma_wait3A_530] : memref<2x16x352xf32, #tpu.memory_space<vmem>> -> memref<1x16x352xf32, #tpu.memory_space<vmem>>
            %dma_wait3A_532 = tpu.memref_squeeze %dma_wait3A_531 : memref<1x16x352xf32, #tpu.memory_space<vmem>> -> memref<16x352xf32, #tpu.memory_space<vmem>>
            %dma_wait3A_533 = arith.constant 0 : i32
            %dma_wait3A_534 = tpu.memref_slice %arg11[%select_n3A_230, %dma_wait3A_533] : memref<2x16xi32, #tpu.memory_space<vmem>> -> memref<1x16xi32, #tpu.memory_space<vmem>>
            %dma_wait3A_535 = tpu.memref_squeeze %dma_wait3A_534 : memref<1x16xi32, #tpu.memory_space<vmem>> -> memref<16xi32, #tpu.memory_space<vmem>>
            %dma_wait3A_536 = arith.constant 0 : i32
            %dma_wait3A_537 = arith.constant 0 : i32
            %dma_wait3A_538 = tpu.memref_slice %arg6[%dma_wait3A_536, %dma_wait3A_537] : memref<5120x352xf32, #tpu.memory_space<vmem_shared>> -> memref<5120x352xf32, #tpu.memory_space<vmem_shared>>
            %dma_wait3A_539 = tpu.memref_slice %arg19[%select_n3A_230] : memref<2x!tpu.dma_semaphore, #tpu.memory_space<semaphore_mem>> -> memref<1x!tpu.dma_semaphore, #tpu.memory_space<semaphore_mem>>
            %dma_wait3A_540 = tpu.memref_squeeze %dma_wait3A_539 : memref<1x!tpu.dma_semaphore, #tpu.memory_space<semaphore_mem>> -> memref<!tpu.dma_semaphore, #tpu.memory_space<semaphore_mem>>
            tpu.wait_indirect_dma semaphore(%dma_wait3A_540 : memref<!tpu.dma_semaphore, #tpu.memory_space<semaphore_mem>>) src(%dma_wait3A_532 : memref<16x352xf32, #tpu.memory_space<vmem>>) dst(%dma_wait3A_538 : memref<5120x352xf32, #tpu.memory_space<vmem_shared>>)
          } else {
          }
          %broadcast_in_dim3A_262 = arith.constant 0 : i32
          %broadcast_in_dim3A_263 = vector.broadcast %broadcast_in_dim3A_262 : i32 to vector<16xi32>
          %add3A_264 = vector.broadcast %select_n3A_214 : i32 to vector<16xi32>
          %add3A_265 = arith.addi %broadcast_in_dim3A_263, %add3A_264 : vector<16xi32>
          %broadcast_in_dim3A_266 = arith.constant 20 : i32
          %broadcast_in_dim3A_267 = vector.broadcast %broadcast_in_dim3A_266 : i32 to vector<16xi32>
          %gather3A = tpu.vector_load_idx %arg13[%add3A_265, %iota3A, %broadcast_in_dim3A_267] : memref<3x16x32xf32, #tpu.memory_space<vmem>>[vector<16xi32>, vector<16xi32>, vector<16xi32>], vector<16xf32>,
          %broadcast_in_dim3A_268 = arith.constant 21 : i32
          %broadcast_in_dim3A_269 = vector.broadcast %broadcast_in_dim3A_268 : i32 to vector<16xi32>
          %gather3A_270 = tpu.vector_load_idx %arg13[%add3A_265, %iota3A, %broadcast_in_dim3A_269] : memref<3x16x32xf32, #tpu.memory_space<vmem>>[vector<16xi32>, vector<16xi32>, vector<16xi32>], vector<16xf32>,
          %broadcast_in_dim3A_271 = arith.constant 22 : i32
          %broadcast_in_dim3A_272 = vector.broadcast %broadcast_in_dim3A_271 : i32 to vector<16xi32>
          %gather3A_273 = tpu.vector_load_idx %arg13[%add3A_265, %iota3A, %broadcast_in_dim3A_272] : memref<3x16x32xf32, #tpu.memory_space<vmem>>[vector<16xi32>, vector<16xi32>, vector<16xi32>], vector<16xf32>,
          %broadcast_in_dim3A_274 = arith.constant 0 : i32
          %broadcast_in_dim3A_275 = vector.broadcast %broadcast_in_dim3A_274 : i32 to vector<16xi32>
          %gather3A_276 = tpu.vector_load_idx %arg14[%add3A_265, %iota3A, %broadcast_in_dim3A_275] : memref<3x16x16xf32, #tpu.memory_space<vmem>>[vector<16xi32>, vector<16xi32>, vector<16xi32>], vector<16xf32>,
          %broadcast_in_dim3A_277 = arith.constant 1 : i32
          %broadcast_in_dim3A_278 = vector.broadcast %broadcast_in_dim3A_277 : i32 to vector<16xi32>
          %gather3A_279 = tpu.vector_load_idx %arg14[%add3A_265, %iota3A, %broadcast_in_dim3A_278] : memref<3x16x16xf32, #tpu.memory_space<vmem>>[vector<16xi32>, vector<16xi32>, vector<16xi32>], vector<16xf32>,
          %broadcast_in_dim3A_280 = arith.constant 2 : i32
          %broadcast_in_dim3A_281 = vector.broadcast %broadcast_in_dim3A_280 : i32 to vector<16xi32>
          %gather3A_282 = tpu.vector_load_idx %arg14[%add3A_265, %iota3A, %broadcast_in_dim3A_281] : memref<3x16x16xf32, #tpu.memory_space<vmem>>[vector<16xi32>, vector<16xi32>, vector<16xi32>], vector<16xf32>,
          %sub3A_283 = arith.subf %gather3A_276, %gather3A : vector<16xf32>
          %sub3A_284 = arith.subf %gather3A_279, %gather3A_270 : vector<16xf32>
          %sub3A_285 = arith.subf %gather3A_282, %gather3A_273 : vector<16xf32>
          %mul3A_286 = arith.mulf %sub3A_283, %sub3A_283 : vector<16xf32>
          %mul3A_287 = arith.mulf %sub3A_284, %sub3A_284 : vector<16xf32>
          %add3A_288 = arith.addf %mul3A_286, %mul3A_287 : vector<16xf32>
          %mul3A_289 = arith.mulf %sub3A_285, %sub3A_285 : vector<16xf32>
          %add3A_290 = arith.addf %add3A_288, %mul3A_289 : vector<16xf32>
          %max3A = arith.constant 1.000000e-24 : f32
          %max3A_291 = vector.broadcast %max3A : f32 to vector<16xf32>
          %max3A_292 = arith.maximumf %add3A_290, %max3A_291 : vector<16xf32>
          %bitcast3A = vector.bitcast %max3A_292 : vector<16xf32> to vector<16xi32>
          %shift_right_arithmetic3A = arith.constant 1 : i32
          %shift_right_arithmetic3A_293 = vector.broadcast %shift_right_arithmetic3A : i32 to vector<16xi32>
          %shift_right_arithmetic3A_294 = arith.shrsi %bitcast3A, %shift_right_arithmetic3A_293 : vector<16xi32>
          %sub3A_295 = arith.constant 1597463007 : i32
          %sub3A_296 = vector.broadcast %sub3A_295 : i32 to vector<16xi32>
          %sub3A_297 = arith.subi %sub3A_296, %shift_right_arithmetic3A_294 : vector<16xi32>
          %bitcast3A_298 = vector.bitcast %sub3A_297 : vector<16xi32> to vector<16xf32>
          %mul3A_299 = arith.constant 5.000000e-01 : f32
          %mul3A_300 = vector.broadcast %mul3A_299 : f32 to vector<16xf32>
          %mul3A_301 = arith.mulf %mul3A_300, %max3A_292 : vector<16xf32>
          %mul3A_302 = arith.mulf %mul3A_301, %bitcast3A_298 : vector<16xf32>
          %mul3A_303 = arith.mulf %mul3A_302, %bitcast3A_298 : vector<16xf32>
          %sub3A_304 = arith.constant 1.500000e+00 : f32
          %sub3A_305 = vector.broadcast %sub3A_304 : f32 to vector<16xf32>
          %sub3A_306 = arith.subf %sub3A_305, %mul3A_303 : vector<16xf32>
          %mul3A_307 = arith.mulf %bitcast3A_298, %sub3A_306 : vector<16xf32>
          %mul3A_308 = arith.constant 5.000000e-01 : f32
          %mul3A_309 = vector.broadcast %mul3A_308 : f32 to vector<16xf32>
          %mul3A_310 = arith.mulf %mul3A_309, %max3A_292 : vector<16xf32>
          %mul3A_311 = arith.mulf %mul3A_310, %mul3A_307 : vector<16xf32>
          %mul3A_312 = arith.mulf %mul3A_311, %mul3A_307 : vector<16xf32>
          %sub3A_313 = arith.constant 1.500000e+00 : f32
          %sub3A_314 = vector.broadcast %sub3A_313 : f32 to vector<16xf32>
          %sub3A_315 = arith.subf %sub3A_314, %mul3A_312 : vector<16xf32>
          %mul3A_316 = arith.mulf %mul3A_307, %sub3A_315 : vector<16xf32>
          %mul3A_317 = arith.constant 5.000000e-01 : f32
          %mul3A_318 = vector.broadcast %mul3A_317 : f32 to vector<16xf32>
          %mul3A_319 = arith.mulf %mul3A_318, %max3A_292 : vector<16xf32>
          %mul3A_320 = arith.mulf %mul3A_319, %mul3A_316 : vector<16xf32>
          %mul3A_321 = arith.mulf %mul3A_320, %mul3A_316 : vector<16xf32>
          %sub3A_322 = arith.constant 1.500000e+00 : f32
          %sub3A_323 = vector.broadcast %sub3A_322 : f32 to vector<16xf32>
          %sub3A_324 = arith.subf %sub3A_323, %mul3A_321 : vector<16xf32>
          %mul3A_325 = arith.mulf %mul3A_316, %sub3A_324 : vector<16xf32>
          %mul3A_326 = arith.mulf %sub3A_283, %mul3A_325 : vector<16xf32>
          %mul3A_327 = arith.mulf %sub3A_284, %mul3A_325 : vector<16xf32>
          %mul3A_328 = arith.mulf %sub3A_285, %mul3A_325 : vector<16xf32>
          %mul3A_329 = arith.mulf %mul3A_326, %mul3A_326 : vector<16xf32>
          %mul3A_330 = arith.mulf %mul3A_327, %mul3A_327 : vector<16xf32>
          %mul3A_331 = arith.mulf %mul3A_328, %mul3A_328 : vector<16xf32>
          %broadcast_in_dim3A_332 = arith.constant 0.282094806 : f32
          %broadcast_in_dim3A_333 = vector.broadcast %broadcast_in_dim3A_332 : f32 to vector<16xf32>
          %swap3A = arith.constant 0 : i32
          %swap3A_334 = arith.index_cast %swap3A : i32 to index
          %swap3A_335 = arith.constant 0 : index
          %swap3A_336 = tpu.vector_load %arg15[%swap3A_334, %swap3A_335] {strides = array<i32>} : memref<16x16xf32, #tpu.memory_space<vmem>>, vector<16xf32>,
          tpu.vector_store %arg15[%swap3A_334, %swap3A_335], %broadcast_in_dim3A_333 {strides = array<i32>} : memref<16x16xf32, #tpu.memory_space<vmem>>, vector<16xf32>,
          %mul3A_337 = arith.constant 0.488602519 : f32
          %mul3A_338 = vector.broadcast %mul3A_337 : f32 to vector<16xf32>
          %mul3A_339 = arith.mulf %mul3A_338, %mul3A_327 : vector<16xf32>
          %swap3A_340 = arith.constant 1 : i32
          %swap3A_341 = arith.index_cast %swap3A_340 : i32 to index
          %swap3A_342 = arith.constant 0 : index
          %swap3A_343 = tpu.vector_load %arg15[%swap3A_341, %swap3A_342] {strides = array<i32>} : memref<16x16xf32, #tpu.memory_space<vmem>>, vector<16xf32>,
          tpu.vector_store %arg15[%swap3A_341, %swap3A_342], %mul3A_339 {strides = array<i32>} : memref<16x16xf32, #tpu.memory_space<vmem>>, vector<16xf32>,
          %mul3A_344 = arith.constant 0.488602519 : f32
          %mul3A_345 = vector.broadcast %mul3A_344 : f32 to vector<16xf32>
          %mul3A_346 = arith.mulf %mul3A_345, %mul3A_328 : vector<16xf32>
          %swap3A_347 = arith.constant 2 : i32
          %swap3A_348 = arith.index_cast %swap3A_347 : i32 to index
          %swap3A_349 = arith.constant 0 : index
          %swap3A_350 = tpu.vector_load %arg15[%swap3A_348, %swap3A_349] {strides = array<i32>} : memref<16x16xf32, #tpu.memory_space<vmem>>, vector<16xf32>,
          tpu.vector_store %arg15[%swap3A_348, %swap3A_349], %mul3A_346 {strides = array<i32>} : memref<16x16xf32, #tpu.memory_space<vmem>>, vector<16xf32>,
          %mul3A_351 = arith.constant 0.488602519 : f32
          %mul3A_352 = vector.broadcast %mul3A_351 : f32 to vector<16xf32>
          %mul3A_353 = arith.mulf %mul3A_352, %mul3A_326 : vector<16xf32>
          %swap3A_354 = arith.constant 3 : i32
          %swap3A_355 = arith.index_cast %swap3A_354 : i32 to index
          %swap3A_356 = arith.constant 0 : index
          %swap3A_357 = tpu.vector_load %arg15[%swap3A_355, %swap3A_356] {strides = array<i32>} : memref<16x16xf32, #tpu.memory_space<vmem>>, vector<16xf32>,
          tpu.vector_store %arg15[%swap3A_355, %swap3A_356], %mul3A_353 {strides = array<i32>} : memref<16x16xf32, #tpu.memory_space<vmem>>, vector<16xf32>,
          %mul3A_358 = arith.constant 1.09254849 : f32
          %mul3A_359 = vector.broadcast %mul3A_358 : f32 to vector<16xf32>
          %mul3A_360 = arith.mulf %mul3A_359, %mul3A_326 : vector<16xf32>
          %mul3A_361 = arith.mulf %mul3A_360, %mul3A_327 : vector<16xf32>
          %swap3A_362 = arith.constant 4 : i32
          %swap3A_363 = arith.index_cast %swap3A_362 : i32 to index
          %swap3A_364 = arith.constant 0 : index
          %swap3A_365 = tpu.vector_load %arg15[%swap3A_363, %swap3A_364] {strides = array<i32>} : memref<16x16xf32, #tpu.memory_space<vmem>>, vector<16xf32>,
          tpu.vector_store %arg15[%swap3A_363, %swap3A_364], %mul3A_361 {strides = array<i32>} : memref<16x16xf32, #tpu.memory_space<vmem>>, vector<16xf32>,
          %mul3A_366 = arith.constant 1.09254849 : f32
          %mul3A_367 = vector.broadcast %mul3A_366 : f32 to vector<16xf32>
          %mul3A_368 = arith.mulf %mul3A_367, %mul3A_327 : vector<16xf32>
          %mul3A_369 = arith.mulf %mul3A_368, %mul3A_328 : vector<16xf32>
          %swap3A_370 = arith.constant 5 : i32
          %swap3A_371 = arith.index_cast %swap3A_370 : i32 to index
          %swap3A_372 = arith.constant 0 : index
          %swap3A_373 = tpu.vector_load %arg15[%swap3A_371, %swap3A_372] {strides = array<i32>} : memref<16x16xf32, #tpu.memory_space<vmem>>, vector<16xf32>,
          tpu.vector_store %arg15[%swap3A_371, %swap3A_372], %mul3A_369 {strides = array<i32>} : memref<16x16xf32, #tpu.memory_space<vmem>>, vector<16xf32>,
          %mul3A_374 = arith.constant 3.000000e+00 : f32
          %mul3A_375 = vector.broadcast %mul3A_374 : f32 to vector<16xf32>
          %mul3A_376 = arith.mulf %mul3A_375, %mul3A_331 : vector<16xf32>
          %sub3A_377 = arith.constant 1.000000e+00 : f32
          %sub3A_378 = vector.broadcast %sub3A_377 : f32 to vector<16xf32>
          %sub3A_379 = arith.subf %mul3A_376, %sub3A_378 : vector<16xf32>
          %mul3A_380 = arith.constant 0.31539157 : f32
          %mul3A_381 = vector.broadcast %mul3A_380 : f32 to vector<16xf32>
          %mul3A_382 = arith.mulf %mul3A_381, %sub3A_379 : vector<16xf32>
          %swap3A_383 = arith.constant 6 : i32
          %swap3A_384 = arith.index_cast %swap3A_383 : i32 to index
          %swap3A_385 = arith.constant 0 : index
          %swap3A_386 = tpu.vector_load %arg15[%swap3A_384, %swap3A_385] {strides = array<i32>} : memref<16x16xf32, #tpu.memory_space<vmem>>, vector<16xf32>,
          tpu.vector_store %arg15[%swap3A_384, %swap3A_385], %mul3A_382 {strides = array<i32>} : memref<16x16xf32, #tpu.memory_space<vmem>>, vector<16xf32>,
          %mul3A_387 = arith.constant 1.09254849 : f32
          %mul3A_388 = vector.broadcast %mul3A_387 : f32 to vector<16xf32>
          %mul3A_389 = arith.mulf %mul3A_388, %mul3A_326 : vector<16xf32>
          %mul3A_390 = arith.mulf %mul3A_389, %mul3A_328 : vector<16xf32>
          %swap3A_391 = arith.constant 7 : i32
          %swap3A_392 = arith.index_cast %swap3A_391 : i32 to index
          %swap3A_393 = arith.constant 0 : index
          %swap3A_394 = tpu.vector_load %arg15[%swap3A_392, %swap3A_393] {strides = array<i32>} : memref<16x16xf32, #tpu.memory_space<vmem>>, vector<16xf32>,
          tpu.vector_store %arg15[%swap3A_392, %swap3A_393], %mul3A_390 {strides = array<i32>} : memref<16x16xf32, #tpu.memory_space<vmem>>, vector<16xf32>,
          %sub3A_395 = arith.subf %mul3A_329, %mul3A_330 : vector<16xf32>
          %mul3A_396 = arith.constant 0.546274245 : f32
          %mul3A_397 = vector.broadcast %mul3A_396 : f32 to vector<16xf32>
          %mul3A_398 = arith.mulf %mul3A_397, %sub3A_395 : vector<16xf32>
          %swap3A_399 = arith.constant 8 : i32
          %swap3A_400 = arith.index_cast %swap3A_399 : i32 to index
          %swap3A_401 = arith.constant 0 : index
          %swap3A_402 = tpu.vector_load %arg15[%swap3A_400, %swap3A_401] {strides = array<i32>} : memref<16x16xf32, #tpu.memory_space<vmem>>, vector<16xf32>,
          tpu.vector_store %arg15[%swap3A_400, %swap3A_401], %mul3A_398 {strides = array<i32>} : memref<16x16xf32, #tpu.memory_space<vmem>>, vector<16xf32>,
          %mul3A_403 = arith.constant 0.590043604 : f32
          %mul3A_404 = vector.broadcast %mul3A_403 : f32 to vector<16xf32>
          %mul3A_405 = arith.mulf %mul3A_404, %mul3A_327 : vector<16xf32>
          %mul3A_406 = arith.constant 3.000000e+00 : f32
          %mul3A_407 = vector.broadcast %mul3A_406 : f32 to vector<16xf32>
          %mul3A_408 = arith.mulf %mul3A_407, %mul3A_329 : vector<16xf32>
          %sub3A_409 = arith.subf %mul3A_408, %mul3A_330 : vector<16xf32>
          %mul3A_410 = arith.mulf %mul3A_405, %sub3A_409 : vector<16xf32>
          %swap3A_411 = arith.constant 9 : i32
          %swap3A_412 = arith.index_cast %swap3A_411 : i32 to index
          %swap3A_413 = arith.constant 0 : index
          %swap3A_414 = tpu.vector_load %arg15[%swap3A_412, %swap3A_413] {strides = array<i32>} : memref<16x16xf32, #tpu.memory_space<vmem>>, vector<16xf32>,
          tpu.vector_store %arg15[%swap3A_412, %swap3A_413], %mul3A_410 {strides = array<i32>} : memref<16x16xf32, #tpu.memory_space<vmem>>, vector<16xf32>,
          %mul3A_415 = arith.constant 2.89061141 : f32
          %mul3A_416 = vector.broadcast %mul3A_415 : f32 to vector<16xf32>
          %mul3A_417 = arith.mulf %mul3A_416, %mul3A_326 : vector<16xf32>
          %mul3A_418 = arith.mulf %mul3A_417, %mul3A_327 : vector<16xf32>
          %mul3A_419 = arith.mulf %mul3A_418, %mul3A_328 : vector<16xf32>
          %swap3A_420 = arith.constant 10 : i32
          %swap3A_421 = arith.index_cast %swap3A_420 : i32 to index
          %swap3A_422 = arith.constant 0 : index
          %swap3A_423 = tpu.vector_load %arg15[%swap3A_421, %swap3A_422] {strides = array<i32>} : memref<16x16xf32, #tpu.memory_space<vmem>>, vector<16xf32>,
          tpu.vector_store %arg15[%swap3A_421, %swap3A_422], %mul3A_419 {strides = array<i32>} : memref<16x16xf32, #tpu.memory_space<vmem>>, vector<16xf32>,
          %mul3A_424 = arith.constant 0.457045794 : f32
          %mul3A_425 = vector.broadcast %mul3A_424 : f32 to vector<16xf32>
          %mul3A_426 = arith.mulf %mul3A_425, %mul3A_327 : vector<16xf32>
          %mul3A_427 = arith.constant 5.000000e+00 : f32
          %mul3A_428 = vector.broadcast %mul3A_427 : f32 to vector<16xf32>
          %mul3A_429 = arith.mulf %mul3A_428, %mul3A_331 : vector<16xf32>
          %sub3A_430 = arith.constant 1.000000e+00 : f32
          %sub3A_431 = vector.broadcast %sub3A_430 : f32 to vector<16xf32>
          %sub3A_432 = arith.subf %mul3A_429, %sub3A_431 : vector<16xf32>
          %mul3A_433 = arith.mulf %mul3A_426, %sub3A_432 : vector<16xf32>
          %swap3A_434 = arith.constant 11 : i32
          %swap3A_435 = arith.index_cast %swap3A_434 : i32 to index
          %swap3A_436 = arith.constant 0 : index
          %swap3A_437 = tpu.vector_load %arg15[%swap3A_435, %swap3A_436] {strides = array<i32>} : memref<16x16xf32, #tpu.memory_space<vmem>>, vector<16xf32>,
          tpu.vector_store %arg15[%swap3A_435, %swap3A_436], %mul3A_433 {strides = array<i32>} : memref<16x16xf32, #tpu.memory_space<vmem>>, vector<16xf32>,
          %mul3A_438 = arith.constant 0.373176336 : f32
          %mul3A_439 = vector.broadcast %mul3A_438 : f32 to vector<16xf32>
          %mul3A_440 = arith.mulf %mul3A_439, %mul3A_328 : vector<16xf32>
          %mul3A_441 = arith.constant 5.000000e+00 : f32
          %mul3A_442 = vector.broadcast %mul3A_441 : f32 to vector<16xf32>
          %mul3A_443 = arith.mulf %mul3A_442, %mul3A_331 : vector<16xf32>
          %sub3A_444 = arith.constant 3.000000e+00 : f32
          %sub3A_445 = vector.broadcast %sub3A_444 : f32 to vector<16xf32>
          %sub3A_446 = arith.subf %mul3A_443, %sub3A_445 : vector<16xf32>
          %mul3A_447 = arith.mulf %mul3A_440, %sub3A_446 : vector<16xf32>
          %swap3A_448 = arith.constant 12 : i32
          %swap3A_449 = arith.index_cast %swap3A_448 : i32 to index
          %swap3A_450 = arith.constant 0 : index
          %swap3A_451 = tpu.vector_load %arg15[%swap3A_449, %swap3A_450] {strides = array<i32>} : memref<16x16xf32, #tpu.memory_space<vmem>>, vector<16xf32>,
          tpu.vector_store %arg15[%swap3A_449, %swap3A_450], %mul3A_447 {strides = array<i32>} : memref<16x16xf32, #tpu.memory_space<vmem>>, vector<16xf32>,
          %mul3A_452 = arith.constant 0.457045794 : f32
          %mul3A_453 = vector.broadcast %mul3A_452 : f32 to vector<16xf32>
          %mul3A_454 = arith.mulf %mul3A_453, %mul3A_326 : vector<16xf32>
          %mul3A_455 = arith.constant 5.000000e+00 : f32
          %mul3A_456 = vector.broadcast %mul3A_455 : f32 to vector<16xf32>
          %mul3A_457 = arith.mulf %mul3A_456, %mul3A_331 : vector<16xf32>
          %sub3A_458 = arith.constant 1.000000e+00 : f32
          %sub3A_459 = vector.broadcast %sub3A_458 : f32 to vector<16xf32>
          %sub3A_460 = arith.subf %mul3A_457, %sub3A_459 : vector<16xf32>
          %mul3A_461 = arith.mulf %mul3A_454, %sub3A_460 : vector<16xf32>
          %swap3A_462 = arith.constant 13 : i32
          %swap3A_463 = arith.index_cast %swap3A_462 : i32 to index
          %swap3A_464 = arith.constant 0 : index
          %swap3A_465 = tpu.vector_load %arg15[%swap3A_463, %swap3A_464] {strides = array<i32>} : memref<16x16xf32, #tpu.memory_space<vmem>>, vector<16xf32>,
          tpu.vector_store %arg15[%swap3A_463, %swap3A_464], %mul3A_461 {strides = array<i32>} : memref<16x16xf32, #tpu.memory_space<vmem>>, vector<16xf32>,
          %mul3A_466 = arith.constant 1.44530571 : f32
          %mul3A_467 = vector.broadcast %mul3A_466 : f32 to vector<16xf32>
          %mul3A_468 = arith.mulf %mul3A_467, %mul3A_328 : vector<16xf32>
          %sub3A_469 = arith.subf %mul3A_329, %mul3A_330 : vector<16xf32>
          %mul3A_470 = arith.mulf %mul3A_468, %sub3A_469 : vector<16xf32>
          %swap3A_471 = arith.constant 14 : i32
          %swap3A_472 = arith.index_cast %swap3A_471 : i32 to index
          %swap3A_473 = arith.constant 0 : index
          %swap3A_474 = tpu.vector_load %arg15[%swap3A_472, %swap3A_473] {strides = array<i32>} : memref<16x16xf32, #tpu.memory_space<vmem>>, vector<16xf32>,
          tpu.vector_store %arg15[%swap3A_472, %swap3A_473], %mul3A_470 {strides = array<i32>} : memref<16x16xf32, #tpu.memory_space<vmem>>, vector<16xf32>,
          %mul3A_475 = arith.constant 0.590043604 : f32
          %mul3A_476 = vector.broadcast %mul3A_475 : f32 to vector<16xf32>
          %mul3A_477 = arith.mulf %mul3A_476, %mul3A_326 : vector<16xf32>
          %mul3A_478 = arith.constant 3.000000e+00 : f32
          %mul3A_479 = vector.broadcast %mul3A_478 : f32 to vector<16xf32>
          %mul3A_480 = arith.mulf %mul3A_479, %mul3A_329 : vector<16xf32>
          %sub3A_481 = arith.subf %mul3A_480, %mul3A_330 : vector<16xf32>
          %mul3A_482 = arith.mulf %mul3A_477, %sub3A_481 : vector<16xf32>
          %swap3A_483 = arith.constant 15 : i32
          %swap3A_484 = arith.index_cast %swap3A_483 : i32 to index
          %swap3A_485 = arith.constant 0 : index
          %swap3A_486 = tpu.vector_load %arg15[%swap3A_484, %swap3A_485] {strides = array<i32>} : memref<16x16xf32, #tpu.memory_space<vmem>>, vector<16xf32>,
          tpu.vector_store %arg15[%swap3A_484, %swap3A_485], %mul3A_482 {strides = array<i32>} : memref<16x16xf32, #tpu.memory_space<vmem>>, vector<16xf32>,
          %get3A = arith.constant 1 : i32
          %get3A_487 = arith.index_cast %select_n3A_214 : i32 to index
          %get3A_488 = arith.index_cast %get3A : i32 to index
          %get3A_489 = arith.constant 0 : index
          %get3A_490 = tpu.vector_load %arg12[%get3A_487, %get3A_488, %get3A_489] {strides = array<i32>} : memref<3x2x16xi32, #tpu.memory_space<vmem>>, vector<16xi32>,
          %mul3A_491 = arith.constant 16 : i32
          %mul3A_492 = arith.muli %while3A_198, %mul3A_491 : i32
          %add3A_493 = vector.broadcast %mul3A_492 : i32 to vector<16xi32>
          %add3A_494 = arith.addi %iota3A, %add3A_493 : vector<16xi32>
          %lt3A_495 = vector.broadcast %scan3A_135 : i32 to vector<16xi32>
          %lt3A_496 = arith.cmpi slt, %add3A_494, %lt3A_495 : vector<16xi32>
          %sub3A_497 = vector.broadcast %mul3A_9 : i32 to vector<16xi32>
          %sub3A_498 = arith.subi %get3A_490, %sub3A_497 : vector<16xi32>
          %jit3A_499 = arith.constant 5000 : i32
          %broadcast_in_dim3A_500 = vector.broadcast %jit3A_499 : i32 to vector<16xi32>
          %select_n3A_501 = arith.select %lt3A_496, %sub3A_498, %broadcast_in_dim3A_500 : vector<16xi1>, vector<16xi32>
          %swap3A_502 = arith.index_cast %select_n3A_230 : i32 to index
          %swap3A_503 = arith.constant 0 : index
          %swap3A_504 = tpu.vector_load %arg11[%swap3A_502, %swap3A_503] {strides = array<i32>} : memref<2x16xi32, #tpu.memory_space<vmem>>, vector<16xi32>,
          tpu.vector_store %arg11[%swap3A_502, %swap3A_503], %select_n3A_501 {strides = array<i32>} : memref<2x16xi32, #tpu.memory_space<vmem>>, vector<16xi32>,
          %scan3A_505 = arith.constant 0 : i32
          %scan3A_506 = arith.constant 0 : i32
          %scan3A_507 = arith.constant 16 : i32
          %scan3A_508 = arith.addi %scan3A_506, %scan3A_507 : i32
          %scan3A_509 = arith.constant 1 : i32
          scf.for %scan3A_529 = %scan3A_506 to %scan3A_508 step %scan3A_509  : i32 {
            %broadcast_in_dim3A_530 = arith.constant 0 : i32
            %broadcast_in_dim3A_531 = vector.broadcast %broadcast_in_dim3A_530 : i32 to vector<16xi32>
            %add3A_532 = vector.broadcast %scan3A_529 : i32 to vector<16xi32>
            %add3A_533 = arith.addi %broadcast_in_dim3A_531, %add3A_532 : vector<16xi32>
            %gather3A_534 = tpu.vector_load_idx %arg15[%iota3A, %add3A_533] : memref<16x16xf32, #tpu.memory_space<vmem>>[vector<16xi32>, vector<16xi32>], vector<16xf32>,
            %get3A_535 = arith.index_cast %select_n3A_214 : i32 to index
            %get3A_536 = arith.index_cast %scan3A_529 : i32 to index
            %get3A_537 = arith.constant 0 : index
            %get3A_538 = tpu.vector_load %arg13[%get3A_535, %get3A_536, %get3A_537] {strides = array<i32>} : memref<3x16x32xf32, #tpu.memory_space<vmem>>, vector<16xf32>,
            %swap3A_539 = arith.index_cast %select_n3A_230 : i32 to index
            %swap3A_540 = arith.index_cast %scan3A_529 : i32 to index
            %swap3A_541 = arith.constant 0 : index
            %swap3A_542 = tpu.vector_load %arg16[%swap3A_539, %swap3A_540, %swap3A_541] {strides = array<i32>} : memref<2x16x352xf32, #tpu.memory_space<vmem>>, vector<16xf32>,
            tpu.vector_store %arg16[%swap3A_539, %swap3A_540, %swap3A_541], %get3A_538 {strides = array<i32>} : memref<2x16x352xf32, #tpu.memory_space<vmem>>, vector<16xf32>,
            %get3A_543 = arith.index_cast %select_n3A_214 : i32 to index
            %get3A_544 = arith.index_cast %scan3A_529 : i32 to index
            %get3A_545 = arith.constant 16 : index
            %get3A_546 = tpu.vector_load %arg13[%get3A_543, %get3A_544, %get3A_545] {strides = array<i32>} : memref<3x16x32xf32, #tpu.memory_space<vmem>>, vector<16xf32>,
            %swap3A_547 = arith.index_cast %select_n3A_230 : i32 to index
            %swap3A_548 = arith.index_cast %scan3A_529 : i32 to index
            %swap3A_549 = arith.constant 16 : index
            %swap3A_550 = tpu.vector_load %arg16[%swap3A_547, %swap3A_548, %swap3A_549] {strides = array<i32>} : memref<2x16x352xf32, #tpu.memory_space<vmem>>, vector<16xf32>,
            tpu.vector_store %arg16[%swap3A_547, %swap3A_548, %swap3A_549], %get3A_546 {strides = array<i32>} : memref<2x16x352xf32, #tpu.memory_space<vmem>>, vector<16xf32>,
            %broadcast_in_dim3A_551 = arith.constant 0 : i32
            %broadcast_in_dim3A_552 = vector.broadcast %broadcast_in_dim3A_551 : i32 to vector<16xi32>
            %add3A_553 = vector.broadcast %select_n3A_214 : i32 to vector<16xi32>
            %add3A_554 = arith.addi %broadcast_in_dim3A_552, %add3A_553 : vector<16xi32>
            %broadcast_in_dim3A_555 = arith.constant 0 : i32
            %broadcast_in_dim3A_556 = vector.broadcast %broadcast_in_dim3A_555 : i32 to vector<16xi32>
            %add3A_557 = vector.broadcast %scan3A_529 : i32 to vector<16xi32>
            %add3A_558 = arith.addi %broadcast_in_dim3A_556, %add3A_557 : vector<16xi32>
            %broadcast_in_dim3A_559 = arith.constant 0 : i32
            %broadcast_in_dim3A_560 = vector.broadcast %broadcast_in_dim3A_559 : i32 to vector<16xi32>
            %gather3A_561 = tpu.vector_load_idx %arg13[%add3A_554, %add3A_558, %broadcast_in_dim3A_560] : memref<3x16x32xf32, #tpu.memory_space<vmem>>[vector<16xi32>, vector<16xi32>, vector<16xi32>], vector<16xf32>,
            %mul3A_562 = arith.mulf %gather3A_561, %gather3A_534 : vector<16xf32>
            %swap3A_563 = arith.index_cast %select_n3A_230 : i32 to index
            %swap3A_564 = arith.index_cast %scan3A_529 : i32 to index
            %swap3A_565 = arith.constant 20 : index
            %swap3A_566 = tpu.vector_load %arg16[%swap3A_563, %swap3A_564, %swap3A_565] {strides = array<i32>} : memref<2x16x352xf32, #tpu.memory_space<vmem>>, vector<16xf32>,
            tpu.vector_store %arg16[%swap3A_563, %swap3A_564, %swap3A_565], %mul3A_562 {strides = array<i32>} : memref<2x16x352xf32, #tpu.memory_space<vmem>>, vector<16xf32>,
            %broadcast_in_dim3A_567 = arith.constant 1 : i32
            %broadcast_in_dim3A_568 = vector.broadcast %broadcast_in_dim3A_567 : i32 to vector<16xi32>
            %gather3A_569 = tpu.vector_load_idx %arg13[%add3A_554, %add3A_558, %broadcast_in_dim3A_568] : memref<3x16x32xf32, #tpu.memory_space<vmem>>[vector<16xi32>, vector<16xi32>, vector<16xi32>], vector<16xf32>,
            %mul3A_570 = arith.mulf %gather3A_569, %gather3A_534 : vector<16xf32>
            %swap3A_571 = arith.index_cast %select_n3A_230 : i32 to index
            %swap3A_572 = arith.index_cast %scan3A_529 : i32 to index
            %swap3A_573 = arith.constant 36 : index
            %swap3A_574 = tpu.vector_load %arg16[%swap3A_571, %swap3A_572, %swap3A_573] {strides = array<i32>} : memref<2x16x352xf32, #tpu.memory_space<vmem>>, vector<16xf32>,
            tpu.vector_store %arg16[%swap3A_571, %swap3A_572, %swap3A_573], %mul3A_570 {strides = array<i32>} : memref<2x16x352xf32, #tpu.memory_space<vmem>>, vector<16xf32>,
            %broadcast_in_dim3A_575 = arith.constant 2 : i32
            %broadcast_in_dim3A_576 = vector.broadcast %broadcast_in_dim3A_575 : i32 to vector<16xi32>
            %gather3A_577 = tpu.vector_load_idx %arg13[%add3A_554, %add3A_558, %broadcast_in_dim3A_576] : memref<3x16x32xf32, #tpu.memory_space<vmem>>[vector<16xi32>, vector<16xi32>, vector<16xi32>], vector<16xf32>,
            %mul3A_578 = arith.mulf %gather3A_577, %gather3A_534 : vector<16xf32>
            %swap3A_579 = arith.index_cast %select_n3A_230 : i32 to index
            %swap3A_580 = arith.index_cast %scan3A_529 : i32 to index
            %swap3A_581 = arith.constant 52 : index
            %swap3A_582 = tpu.vector_load %arg16[%swap3A_579, %swap3A_580, %swap3A_581] {strides = array<i32>} : memref<2x16x352xf32, #tpu.memory_space<vmem>>, vector<16xf32>,
            tpu.vector_store %arg16[%swap3A_579, %swap3A_580, %swap3A_581], %mul3A_578 {strides = array<i32>} : memref<2x16x352xf32, #tpu.memory_space<vmem>>, vector<16xf32>,
            %broadcast_in_dim3A_583 = arith.constant 3 : i32
            %broadcast_in_dim3A_584 = vector.broadcast %broadcast_in_dim3A_583 : i32 to vector<16xi32>
            %gather3A_585 = tpu.vector_load_idx %arg13[%add3A_554, %add3A_558, %broadcast_in_dim3A_584] : memref<3x16x32xf32, #tpu.memory_space<vmem>>[vector<16xi32>, vector<16xi32>, vector<16xi32>], vector<16xf32>,
            %mul3A_586 = arith.mulf %gather3A_585, %gather3A_534 : vector<16xf32>
            %swap3A_587 = arith.index_cast %select_n3A_230 : i32 to index
            %swap3A_588 = arith.index_cast %scan3A_529 : i32 to index
            %swap3A_589 = arith.constant 68 : index
            %swap3A_590 = tpu.vector_load %arg16[%swap3A_587, %swap3A_588, %swap3A_589] {strides = array<i32>} : memref<2x16x352xf32, #tpu.memory_space<vmem>>, vector<16xf32>,
            tpu.vector_store %arg16[%swap3A_587, %swap3A_588, %swap3A_589], %mul3A_586 {strides = array<i32>} : memref<2x16x352xf32, #tpu.memory_space<vmem>>, vector<16xf32>,
            %broadcast_in_dim3A_591 = arith.constant 4 : i32
            %broadcast_in_dim3A_592 = vector.broadcast %broadcast_in_dim3A_591 : i32 to vector<16xi32>
            %gather3A_593 = tpu.vector_load_idx %arg13[%add3A_554, %add3A_558, %broadcast_in_dim3A_592] : memref<3x16x32xf32, #tpu.memory_space<vmem>>[vector<16xi32>, vector<16xi32>, vector<16xi32>], vector<16xf32>,
            %mul3A_594 = arith.mulf %gather3A_593, %gather3A_534 : vector<16xf32>
            %swap3A_595 = arith.index_cast %select_n3A_230 : i32 to index
            %swap3A_596 = arith.index_cast %scan3A_529 : i32 to index
            %swap3A_597 = arith.constant 84 : index
            %swap3A_598 = tpu.vector_load %arg16[%swap3A_595, %swap3A_596, %swap3A_597] {strides = array<i32>} : memref<2x16x352xf32, #tpu.memory_space<vmem>>, vector<16xf32>,
            tpu.vector_store %arg16[%swap3A_595, %swap3A_596, %swap3A_597], %mul3A_594 {strides = array<i32>} : memref<2x16x352xf32, #tpu.memory_space<vmem>>, vector<16xf32>,
            %broadcast_in_dim3A_599 = arith.constant 5 : i32
            %broadcast_in_dim3A_600 = vector.broadcast %broadcast_in_dim3A_599 : i32 to vector<16xi32>
            %gather3A_601 = tpu.vector_load_idx %arg13[%add3A_554, %add3A_558, %broadcast_in_dim3A_600] : memref<3x16x32xf32, #tpu.memory_space<vmem>>[vector<16xi32>, vector<16xi32>, vector<16xi32>], vector<16xf32>,
            %mul3A_602 = arith.mulf %gather3A_601, %gather3A_534 : vector<16xf32>
            %swap3A_603 = arith.index_cast %select_n3A_230 : i32 to index
            %swap3A_604 = arith.index_cast %scan3A_529 : i32 to index
            %swap3A_605 = arith.constant 100 : index
            %swap3A_606 = tpu.vector_load %arg16[%swap3A_603, %swap3A_604, %swap3A_605] {strides = array<i32>} : memref<2x16x352xf32, #tpu.memory_space<vmem>>, vector<16xf32>,
            tpu.vector_store %arg16[%swap3A_603, %swap3A_604, %swap3A_605], %mul3A_602 {strides = array<i32>} : memref<2x16x352xf32, #tpu.memory_space<vmem>>, vector<16xf32>,
            %broadcast_in_dim3A_607 = arith.constant 6 : i32
            %broadcast_in_dim3A_608 = vector.broadcast %broadcast_in_dim3A_607 : i32 to vector<16xi32>
            %gather3A_609 = tpu.vector_load_idx %arg13[%add3A_554, %add3A_558, %broadcast_in_dim3A_608] : memref<3x16x32xf32, #tpu.memory_space<vmem>>[vector<16xi32>, vector<16xi32>, vector<16xi32>], vector<16xf32>,
            %mul3A_610 = arith.mulf %gather3A_609, %gather3A_534 : vector<16xf32>
            %swap3A_611 = arith.index_cast %select_n3A_230 : i32 to index
            %swap3A_612 = arith.index_cast %scan3A_529 : i32 to index
            %swap3A_613 = arith.constant 116 : index
            %swap3A_614 = tpu.vector_load %arg16[%swap3A_611, %swap3A_612, %swap3A_613] {strides = array<i32>} : memref<2x16x352xf32, #tpu.memory_space<vmem>>, vector<16xf32>,
            tpu.vector_store %arg16[%swap3A_611, %swap3A_612, %swap3A_613], %mul3A_610 {strides = array<i32>} : memref<2x16x352xf32, #tpu.memory_space<vmem>>, vector<16xf32>,
            %broadcast_in_dim3A_615 = arith.constant 7 : i32
            %broadcast_in_dim3A_616 = vector.broadcast %broadcast_in_dim3A_615 : i32 to vector<16xi32>
            %gather3A_617 = tpu.vector_load_idx %arg13[%add3A_554, %add3A_558, %broadcast_in_dim3A_616] : memref<3x16x32xf32, #tpu.memory_space<vmem>>[vector<16xi32>, vector<16xi32>, vector<16xi32>], vector<16xf32>,
            %mul3A_618 = arith.mulf %gather3A_617, %gather3A_534 : vector<16xf32>
            %swap3A_619 = arith.index_cast %select_n3A_230 : i32 to index
            %swap3A_620 = arith.index_cast %scan3A_529 : i32 to index
            %swap3A_621 = arith.constant 132 : index
            %swap3A_622 = tpu.vector_load %arg16[%swap3A_619, %swap3A_620, %swap3A_621] {strides = array<i32>} : memref<2x16x352xf32, #tpu.memory_space<vmem>>, vector<16xf32>,
            tpu.vector_store %arg16[%swap3A_619, %swap3A_620, %swap3A_621], %mul3A_618 {strides = array<i32>} : memref<2x16x352xf32, #tpu.memory_space<vmem>>, vector<16xf32>,
            %broadcast_in_dim3A_623 = arith.constant 8 : i32
            %broadcast_in_dim3A_624 = vector.broadcast %broadcast_in_dim3A_623 : i32 to vector<16xi32>
            %gather3A_625 = tpu.vector_load_idx %arg13[%add3A_554, %add3A_558, %broadcast_in_dim3A_624] : memref<3x16x32xf32, #tpu.memory_space<vmem>>[vector<16xi32>, vector<16xi32>, vector<16xi32>], vector<16xf32>,
            %mul3A_626 = arith.mulf %gather3A_625, %gather3A_534 : vector<16xf32>
            %swap3A_627 = arith.index_cast %select_n3A_230 : i32 to index
            %swap3A_628 = arith.index_cast %scan3A_529 : i32 to index
            %swap3A_629 = arith.constant 148 : index
            %swap3A_630 = tpu.vector_load %arg16[%swap3A_627, %swap3A_628, %swap3A_629] {strides = array<i32>} : memref<2x16x352xf32, #tpu.memory_space<vmem>>, vector<16xf32>,
            tpu.vector_store %arg16[%swap3A_627, %swap3A_628, %swap3A_629], %mul3A_626 {strides = array<i32>} : memref<2x16x352xf32, #tpu.memory_space<vmem>>, vector<16xf32>,
            %broadcast_in_dim3A_631 = arith.constant 9 : i32
            %broadcast_in_dim3A_632 = vector.broadcast %broadcast_in_dim3A_631 : i32 to vector<16xi32>
            %gather3A_633 = tpu.vector_load_idx %arg13[%add3A_554, %add3A_558, %broadcast_in_dim3A_632] : memref<3x16x32xf32, #tpu.memory_space<vmem>>[vector<16xi32>, vector<16xi32>, vector<16xi32>], vector<16xf32>,
            %mul3A_634 = arith.mulf %gather3A_633, %gather3A_534 : vector<16xf32>
            %swap3A_635 = arith.index_cast %select_n3A_230 : i32 to index
            %swap3A_636 = arith.index_cast %scan3A_529 : i32 to index
            %swap3A_637 = arith.constant 164 : index
            %swap3A_638 = tpu.vector_load %arg16[%swap3A_635, %swap3A_636, %swap3A_637] {strides = array<i32>} : memref<2x16x352xf32, #tpu.memory_space<vmem>>, vector<16xf32>,
            tpu.vector_store %arg16[%swap3A_635, %swap3A_636, %swap3A_637], %mul3A_634 {strides = array<i32>} : memref<2x16x352xf32, #tpu.memory_space<vmem>>, vector<16xf32>,
            %broadcast_in_dim3A_639 = arith.constant 10 : i32
            %broadcast_in_dim3A_640 = vector.broadcast %broadcast_in_dim3A_639 : i32 to vector<16xi32>
            %gather3A_641 = tpu.vector_load_idx %arg13[%add3A_554, %add3A_558, %broadcast_in_dim3A_640] : memref<3x16x32xf32, #tpu.memory_space<vmem>>[vector<16xi32>, vector<16xi32>, vector<16xi32>], vector<16xf32>,
            %mul3A_642 = arith.mulf %gather3A_641, %gather3A_534 : vector<16xf32>
            %swap3A_643 = arith.index_cast %select_n3A_230 : i32 to index
            %swap3A_644 = arith.index_cast %scan3A_529 : i32 to index
            %swap3A_645 = arith.constant 180 : index
            %swap3A_646 = tpu.vector_load %arg16[%swap3A_643, %swap3A_644, %swap3A_645] {strides = array<i32>} : memref<2x16x352xf32, #tpu.memory_space<vmem>>, vector<16xf32>,
            tpu.vector_store %arg16[%swap3A_643, %swap3A_644, %swap3A_645], %mul3A_642 {strides = array<i32>} : memref<2x16x352xf32, #tpu.memory_space<vmem>>, vector<16xf32>,
            %broadcast_in_dim3A_647 = arith.constant 11 : i32
            %broadcast_in_dim3A_648 = vector.broadcast %broadcast_in_dim3A_647 : i32 to vector<16xi32>
            %gather3A_649 = tpu.vector_load_idx %arg13[%add3A_554, %add3A_558, %broadcast_in_dim3A_648] : memref<3x16x32xf32, #tpu.memory_space<vmem>>[vector<16xi32>, vector<16xi32>, vector<16xi32>], vector<16xf32>,
            %mul3A_650 = arith.mulf %gather3A_649, %gather3A_534 : vector<16xf32>
            %swap3A_651 = arith.index_cast %select_n3A_230 : i32 to index
            %swap3A_652 = arith.index_cast %scan3A_529 : i32 to index
            %swap3A_653 = arith.constant 196 : index
            %swap3A_654 = tpu.vector_load %arg16[%swap3A_651, %swap3A_652, %swap3A_653] {strides = array<i32>} : memref<2x16x352xf32, #tpu.memory_space<vmem>>, vector<16xf32>,
            tpu.vector_store %arg16[%swap3A_651, %swap3A_652, %swap3A_653], %mul3A_650 {strides = array<i32>} : memref<2x16x352xf32, #tpu.memory_space<vmem>>, vector<16xf32>,
            %broadcast_in_dim3A_655 = arith.constant 12 : i32
            %broadcast_in_dim3A_656 = vector.broadcast %broadcast_in_dim3A_655 : i32 to vector<16xi32>
            %gather3A_657 = tpu.vector_load_idx %arg13[%add3A_554, %add3A_558, %broadcast_in_dim3A_656] : memref<3x16x32xf32, #tpu.memory_space<vmem>>[vector<16xi32>, vector<16xi32>, vector<16xi32>], vector<16xf32>,
            %mul3A_658 = arith.mulf %gather3A_657, %gather3A_534 : vector<16xf32>
            %swap3A_659 = arith.index_cast %select_n3A_230 : i32 to index
            %swap3A_660 = arith.index_cast %scan3A_529 : i32 to index
            %swap3A_661 = arith.constant 212 : index
            %swap3A_662 = tpu.vector_load %arg16[%swap3A_659, %swap3A_660, %swap3A_661] {strides = array<i32>} : memref<2x16x352xf32, #tpu.memory_space<vmem>>, vector<16xf32>,
            tpu.vector_store %arg16[%swap3A_659, %swap3A_660, %swap3A_661], %mul3A_658 {strides = array<i32>} : memref<2x16x352xf32, #tpu.memory_space<vmem>>, vector<16xf32>,
            %broadcast_in_dim3A_663 = arith.constant 13 : i32
            %broadcast_in_dim3A_664 = vector.broadcast %broadcast_in_dim3A_663 : i32 to vector<16xi32>
            %gather3A_665 = tpu.vector_load_idx %arg13[%add3A_554, %add3A_558, %broadcast_in_dim3A_664] : memref<3x16x32xf32, #tpu.memory_space<vmem>>[vector<16xi32>, vector<16xi32>, vector<16xi32>], vector<16xf32>,
            %mul3A_666 = arith.mulf %gather3A_665, %gather3A_534 : vector<16xf32>
            %swap3A_667 = arith.index_cast %select_n3A_230 : i32 to index
            %swap3A_668 = arith.index_cast %scan3A_529 : i32 to index
            %swap3A_669 = arith.constant 228 : index
            %swap3A_670 = tpu.vector_load %arg16[%swap3A_667, %swap3A_668, %swap3A_669] {strides = array<i32>} : memref<2x16x352xf32, #tpu.memory_space<vmem>>, vector<16xf32>,
            tpu.vector_store %arg16[%swap3A_667, %swap3A_668, %swap3A_669], %mul3A_666 {strides = array<i32>} : memref<2x16x352xf32, #tpu.memory_space<vmem>>, vector<16xf32>,
            %broadcast_in_dim3A_671 = arith.constant 14 : i32
            %broadcast_in_dim3A_672 = vector.broadcast %broadcast_in_dim3A_671 : i32 to vector<16xi32>
            %gather3A_673 = tpu.vector_load_idx %arg13[%add3A_554, %add3A_558, %broadcast_in_dim3A_672] : memref<3x16x32xf32, #tpu.memory_space<vmem>>[vector<16xi32>, vector<16xi32>, vector<16xi32>], vector<16xf32>,
            %mul3A_674 = arith.mulf %gather3A_673, %gather3A_534 : vector<16xf32>
            %swap3A_675 = arith.index_cast %select_n3A_230 : i32 to index
            %swap3A_676 = arith.index_cast %scan3A_529 : i32 to index
            %swap3A_677 = arith.constant 244 : index
            %swap3A_678 = tpu.vector_load %arg16[%swap3A_675, %swap3A_676, %swap3A_677] {strides = array<i32>} : memref<2x16x352xf32, #tpu.memory_space<vmem>>, vector<16xf32>,
            tpu.vector_store %arg16[%swap3A_675, %swap3A_676, %swap3A_677], %mul3A_674 {strides = array<i32>} : memref<2x16x352xf32, #tpu.memory_space<vmem>>, vector<16xf32>,
            %broadcast_in_dim3A_679 = arith.constant 15 : i32
            %broadcast_in_dim3A_680 = vector.broadcast %broadcast_in_dim3A_679 : i32 to vector<16xi32>
            %gather3A_681 = tpu.vector_load_idx %arg13[%add3A_554, %add3A_558, %broadcast_in_dim3A_680] : memref<3x16x32xf32, #tpu.memory_space<vmem>>[vector<16xi32>, vector<16xi32>, vector<16xi32>], vector<16xf32>,
            %mul3A_682 = arith.mulf %gather3A_681, %gather3A_534 : vector<16xf32>
            %swap3A_683 = arith.index_cast %select_n3A_230 : i32 to index
            %swap3A_684 = arith.index_cast %scan3A_529 : i32 to index
            %swap3A_685 = arith.constant 260 : index
            %swap3A_686 = tpu.vector_load %arg16[%swap3A_683, %swap3A_684, %swap3A_685] {strides = array<i32>} : memref<2x16x352xf32, #tpu.memory_space<vmem>>, vector<16xf32>,
            tpu.vector_store %arg16[%swap3A_683, %swap3A_684, %swap3A_685], %mul3A_682 {strides = array<i32>} : memref<2x16x352xf32, #tpu.memory_space<vmem>>, vector<16xf32>,
            %broadcast_in_dim3A_687 = arith.constant 16 : i32
            %broadcast_in_dim3A_688 = vector.broadcast %broadcast_in_dim3A_687 : i32 to vector<16xi32>
            %gather3A_689 = tpu.vector_load_idx %arg13[%add3A_554, %add3A_558, %broadcast_in_dim3A_688] : memref<3x16x32xf32, #tpu.memory_space<vmem>>[vector<16xi32>, vector<16xi32>, vector<16xi32>], vector<16xf32>,
            %mul3A_690 = arith.mulf %gather3A_689, %gather3A_534 : vector<16xf32>
            %swap3A_691 = arith.index_cast %select_n3A_230 : i32 to index
            %swap3A_692 = arith.index_cast %scan3A_529 : i32 to index
            %swap3A_693 = arith.constant 276 : index
            %swap3A_694 = tpu.vector_load %arg16[%swap3A_691, %swap3A_692, %swap3A_693] {strides = array<i32>} : memref<2x16x352xf32, #tpu.memory_space<vmem>>, vector<16xf32>,
            tpu.vector_store %arg16[%swap3A_691, %swap3A_692, %swap3A_693], %mul3A_690 {strides = array<i32>} : memref<2x16x352xf32, #tpu.memory_space<vmem>>, vector<16xf32>,
            %broadcast_in_dim3A_695 = arith.constant 17 : i32
            %broadcast_in_dim3A_696 = vector.broadcast %broadcast_in_dim3A_695 : i32 to vector<16xi32>
            %gather3A_697 = tpu.vector_load_idx %arg13[%add3A_554, %add3A_558, %broadcast_in_dim3A_696] : memref<3x16x32xf32, #tpu.memory_space<vmem>>[vector<16xi32>, vector<16xi32>, vector<16xi32>], vector<16xf32>,
            %mul3A_698 = arith.mulf %gather3A_697, %gather3A_534 : vector<16xf32>
            %swap3A_699 = arith.index_cast %select_n3A_230 : i32 to index
            %swap3A_700 = arith.index_cast %scan3A_529 : i32 to index
            %swap3A_701 = arith.constant 292 : index
            %swap3A_702 = tpu.vector_load %arg16[%swap3A_699, %swap3A_700, %swap3A_701] {strides = array<i32>} : memref<2x16x352xf32, #tpu.memory_space<vmem>>, vector<16xf32>,
            tpu.vector_store %arg16[%swap3A_699, %swap3A_700, %swap3A_701], %mul3A_698 {strides = array<i32>} : memref<2x16x352xf32, #tpu.memory_space<vmem>>, vector<16xf32>,
            %broadcast_in_dim3A_703 = arith.constant 18 : i32
            %broadcast_in_dim3A_704 = vector.broadcast %broadcast_in_dim3A_703 : i32 to vector<16xi32>
            %gather3A_705 = tpu.vector_load_idx %arg13[%add3A_554, %add3A_558, %broadcast_in_dim3A_704] : memref<3x16x32xf32, #tpu.memory_space<vmem>>[vector<16xi32>, vector<16xi32>, vector<16xi32>], vector<16xf32>,
            %mul3A_706 = arith.mulf %gather3A_705, %gather3A_534 : vector<16xf32>
            %swap3A_707 = arith.index_cast %select_n3A_230 : i32 to index
            %swap3A_708 = arith.index_cast %scan3A_529 : i32 to index
            %swap3A_709 = arith.constant 308 : index
            %swap3A_710 = tpu.vector_load %arg16[%swap3A_707, %swap3A_708, %swap3A_709] {strides = array<i32>} : memref<2x16x352xf32, #tpu.memory_space<vmem>>, vector<16xf32>,
            tpu.vector_store %arg16[%swap3A_707, %swap3A_708, %swap3A_709], %mul3A_706 {strides = array<i32>} : memref<2x16x352xf32, #tpu.memory_space<vmem>>, vector<16xf32>,
            %broadcast_in_dim3A_711 = arith.constant 19 : i32
            %broadcast_in_dim3A_712 = vector.broadcast %broadcast_in_dim3A_711 : i32 to vector<16xi32>
            %gather3A_713 = tpu.vector_load_idx %arg13[%add3A_554, %add3A_558, %broadcast_in_dim3A_712] : memref<3x16x32xf32, #tpu.memory_space<vmem>>[vector<16xi32>, vector<16xi32>, vector<16xi32>], vector<16xf32>,
            %mul3A_714 = arith.mulf %gather3A_713, %gather3A_534 : vector<16xf32>
            %swap3A_715 = arith.index_cast %select_n3A_230 : i32 to index
            %swap3A_716 = arith.index_cast %scan3A_529 : i32 to index
            %swap3A_717 = arith.constant 324 : index
            %swap3A_718 = tpu.vector_load %arg16[%swap3A_715, %swap3A_716, %swap3A_717] {strides = array<i32>} : memref<2x16x352xf32, #tpu.memory_space<vmem>>, vector<16xf32>,
            tpu.vector_store %arg16[%swap3A_715, %swap3A_716, %swap3A_717], %mul3A_714 {strides = array<i32>} : memref<2x16x352xf32, #tpu.memory_space<vmem>>, vector<16xf32>,
          }
          %scan3A_510 = arith.constant 16 : i32
          %dma_start3A_511 = arith.constant 0 : i32
          %dma_start3A_512 = arith.constant 0 : i32
          %dma_start3A_513 = tpu.memref_slice %arg16[%select_n3A_230, %dma_start3A_511, %dma_start3A_512] : memref<2x16x352xf32, #tpu.memory_space<vmem>> -> memref<1x16x352xf32, #tpu.memory_space<vmem>>
          %dma_start3A_514 = tpu.memref_squeeze %dma_start3A_513 : memref<1x16x352xf32, #tpu.memory_space<vmem>> -> memref<16x352xf32, #tpu.memory_space<vmem>>
          %dma_start3A_515 = arith.constant 0 : i32
          %dma_start3A_516 = tpu.memref_slice %arg11[%select_n3A_230, %dma_start3A_515] : memref<2x16xi32, #tpu.memory_space<vmem>> -> memref<1x16xi32, #tpu.memory_space<vmem>>
          %dma_start3A_517 = tpu.memref_squeeze %dma_start3A_516 : memref<1x16xi32, #tpu.memory_space<vmem>> -> memref<16xi32, #tpu.memory_space<vmem>>
          %dma_start3A_518 = arith.constant 0 : i32
          %dma_start3A_519 = arith.constant 0 : i32
          %dma_start3A_520 = tpu.memref_slice %arg6[%dma_start3A_518, %dma_start3A_519] : memref<5120x352xf32, #tpu.memory_space<vmem_shared>> -> memref<5120x352xf32, #tpu.memory_space<vmem_shared>>
          %dma_start3A_521 = tpu.memref_slice %arg19[%select_n3A_230] : memref<2x!tpu.dma_semaphore, #tpu.memory_space<semaphore_mem>> -> memref<1x!tpu.dma_semaphore, #tpu.memory_space<semaphore_mem>>
          %dma_start3A_522 = tpu.memref_squeeze %dma_start3A_521 : memref<1x!tpu.dma_semaphore, #tpu.memory_space<semaphore_mem>> -> memref<!tpu.dma_semaphore, #tpu.memory_space<semaphore_mem>>
          tpu.enqueue_indirect_dma source(%dma_start3A_514 : memref<16x352xf32, #tpu.memory_space<vmem>>) target(%dma_start3A_520 : memref<5120x352xf32, #tpu.memory_space<vmem_shared>>) offsets(%dma_start3A_517 : memref<16xi32, #tpu.memory_space<vmem>>) semaphore(%dma_start3A_522 : memref<!tpu.dma_semaphore, #tpu.memory_space<semaphore_mem>>) {add = true}
          %add3A_523 = arith.constant 3 : i32
          %add3A_524 = arith.addi %while3A_198, %add3A_523 : i32
          %lt3A_525 = arith.cmpi slt, %add3A_524, %select_n3A : i32
          %convert_element_type3A_526 = arith.extui %lt3A_525 : i1 to i32
          %cond3A_527 = arith.constant 0 : i32
          %cond3A_528 = arith.cmpi ne, %convert_element_type3A_526, %cond3A_527 : i32
          scf.if %cond3A_528 {
            %add3A_529 = arith.constant 3 : i32
            %add3A_530 = arith.addi %while3A_198, %add3A_529 : i32
            %mul3A_531 = arith.constant 16 : i32
            %mul3A_532 = arith.muli %add3A_530, %mul3A_531 : i32
            %get3A_533 = arith.index_cast %mul3A_532 : i32 to index
            %get3A_534 = tpu.vector_load %arg10[%get3A_533] {strides = array<i32>} : memref<1032xi32, #tpu.memory_space<vmem>>, vector<16xi32>,
            %swap3A_535 = arith.constant 0 : i32
            %swap3A_536 = arith.index_cast %select_n3A_214 : i32 to index
            %swap3A_537 = arith.index_cast %swap3A_535 : i32 to index
            %swap3A_538 = arith.constant 0 : index
            %swap3A_539 = tpu.vector_load %arg12[%swap3A_536, %swap3A_537, %swap3A_538] {strides = array<i32>} : memref<3x2x16xi32, #tpu.memory_space<vmem>>, vector<16xi32>,
            tpu.vector_store %arg12[%swap3A_536, %swap3A_537, %swap3A_538], %get3A_534 {strides = array<i32>} : memref<3x2x16xi32, #tpu.memory_space<vmem>>, vector<16xi32>,
            %get3A_540 = arith.index_cast %mul3A_532 : i32 to index
            %get3A_541 = tpu.vector_load %arg9[%get3A_540] {strides = array<i32>} : memref<1032xi32, #tpu.memory_space<vmem>>, vector<16xi32>,
            %swap3A_542 = arith.constant 1 : i32
            %swap3A_543 = arith.index_cast %select_n3A_214 : i32 to index
            %swap3A_544 = arith.index_cast %swap3A_542 : i32 to index
            %swap3A_545 = arith.constant 0 : index
            %swap3A_546 = tpu.vector_load %arg12[%swap3A_543, %swap3A_544, %swap3A_545] {strides = array<i32>} : memref<3x2x16xi32, #tpu.memory_space<vmem>>, vector<16xi32>,
            tpu.vector_store %arg12[%swap3A_543, %swap3A_544, %swap3A_545], %get3A_541 {strides = array<i32>} : memref<3x2x16xi32, #tpu.memory_space<vmem>>, vector<16xi32>,
            %dma_start3A_547 = arith.constant 0 : i32
            %dma_start3A_548 = arith.constant 0 : i32
            %dma_start3A_549 = arith.constant 0 : i32
            %dma_start3A_550 = tpu.memref_slice %arg13[%select_n3A_214, %dma_start3A_548, %dma_start3A_549] : memref<3x16x32xf32, #tpu.memory_space<vmem>> -> memref<1x16x32xf32, #tpu.memory_space<vmem>>
            %dma_start3A_551 = tpu.memref_squeeze %dma_start3A_550 : memref<1x16x32xf32, #tpu.memory_space<vmem>> -> memref<16x32xf32, #tpu.memory_space<vmem>>
            %dma_start3A_552 = arith.constant 0 : i32
            %dma_start3A_553 = tpu.memref_slice %arg12[%select_n3A_214, %dma_start3A_547, %dma_start3A_552] : memref<3x2x16xi32, #tpu.memory_space<vmem>> -> memref<1x1x16xi32, #tpu.memory_space<vmem>>
            %dma_start3A_554 = tpu.memref_squeeze %dma_start3A_553 : memref<1x1x16xi32, #tpu.memory_space<vmem>> -> memref<16xi32, #tpu.memory_space<vmem>>
            %dma_start3A_555 = arith.constant 0 : i32
            %dma_start3A_556 = arith.constant 0 : i32
            %dma_start3A_557 = tpu.memref_slice %arg2[%dma_start3A_555, %dma_start3A_556] : memref<50000x32xf32, #tpu.memory_space<hbm>> -> memref<50000x32xf32, #tpu.memory_space<hbm>>
            %dma_start3A_558 = tpu.memref_slice %arg18[%select_n3A_214] : memref<3x!tpu.dma_semaphore, #tpu.memory_space<semaphore_mem>> -> memref<1x!tpu.dma_semaphore, #tpu.memory_space<semaphore_mem>>
            %dma_start3A_559 = tpu.memref_squeeze %dma_start3A_558 : memref<1x!tpu.dma_semaphore, #tpu.memory_space<semaphore_mem>> -> memref<!tpu.dma_semaphore, #tpu.memory_space<semaphore_mem>>
            tpu.enqueue_indirect_dma source(%dma_start3A_557 : memref<50000x32xf32, #tpu.memory_space<hbm>>) target(%dma_start3A_551 : memref<16x32xf32, #tpu.memory_space<vmem>>) offsets(%dma_start3A_554 : memref<16xi32, #tpu.memory_space<vmem>>) semaphore(%dma_start3A_559 : memref<!tpu.dma_semaphore, #tpu.memory_space<semaphore_mem>>)
            %dma_start3A_560 = arith.constant 1 : i32
            %dma_start3A_561 = arith.constant 0 : i32
            %dma_start3A_562 = arith.constant 0 : i32
            %dma_start3A_563 = tpu.memref_slice %arg14[%select_n3A_214, %dma_start3A_561, %dma_start3A_562] : memref<3x16x16xf32, #tpu.memory_space<vmem>> -> memref<1x16x16xf32, #tpu.memory_space<vmem>>
            %dma_start3A_564 = tpu.memref_squeeze %dma_start3A_563 : memref<1x16x16xf32, #tpu.memory_space<vmem>> -> memref<16x16xf32, #tpu.memory_space<vmem>>
            %dma_start3A_565 = arith.constant 0 : i32
            %dma_start3A_566 = tpu.memref_slice %arg12[%select_n3A_214, %dma_start3A_560, %dma_start3A_565] : memref<3x2x16xi32, #tpu.memory_space<vmem>> -> memref<1x1x16xi32, #tpu.memory_space<vmem>>
            %dma_start3A_567 = tpu.memref_squeeze %dma_start3A_566 : memref<1x1x16xi32, #tpu.memory_space<vmem>> -> memref<16xi32, #tpu.memory_space<vmem>>
            %dma_start3A_568 = arith.constant 0 : i32
            %dma_start3A_569 = arith.constant 0 : i32
            %dma_start3A_570 = tpu.memref_slice %arg3[%dma_start3A_568, %dma_start3A_569] : memref<50000x16xf32, #tpu.memory_space<hbm>> -> memref<50000x16xf32, #tpu.memory_space<hbm>>
            %dma_start3A_571 = tpu.memref_slice %arg18[%select_n3A_214] : memref<3x!tpu.dma_semaphore, #tpu.memory_space<semaphore_mem>> -> memref<1x!tpu.dma_semaphore, #tpu.memory_space<semaphore_mem>>
            %dma_start3A_572 = tpu.memref_squeeze %dma_start3A_571 : memref<1x!tpu.dma_semaphore, #tpu.memory_space<semaphore_mem>> -> memref<!tpu.dma_semaphore, #tpu.memory_space<semaphore_mem>>
            tpu.enqueue_indirect_dma source(%dma_start3A_570 : memref<50000x16xf32, #tpu.memory_space<hbm>>) target(%dma_start3A_564 : memref<16x16xf32, #tpu.memory_space<vmem>>) offsets(%dma_start3A_567 : memref<16xi32, #tpu.memory_space<vmem>>) semaphore(%dma_start3A_572 : memref<!tpu.dma_semaphore, #tpu.memory_space<semaphore_mem>>)
          } else {
          }
        }
        %while3A_188 = arith.constant 1 : i32
        scf.for %while3A_198 = %while3A_186 to %while3A_182 step %while3A_188  : i32 {
          %jit3A_199 = arith.constant 3 : i32
          %eq3A_200 = arith.constant 0 : i32
          %eq3A_201 = arith.cmpi eq, %jit3A_199, %eq3A_200 : i32
          %jit3A_202 = arith.constant 1 : i32
          %select_n3A_203 = arith.select %eq3A_201, %jit3A_202, %jit3A_199 : i32
          %rem3A_204 = arith.remsi %while3A_198, %select_n3A_203 : i32
          %ne3A_205 = arith.constant 0 : i32
          %ne3A_206 = arith.cmpi ne, %rem3A_204, %ne3A_205 : i32
          %lt3A_207 = arith.constant 0 : i32
          %lt3A_208 = arith.cmpi slt, %rem3A_204, %lt3A_207 : i32
          %lt3A_209 = arith.constant 0 : i32
          %lt3A_210 = arith.cmpi slt, %select_n3A_203, %lt3A_209 : i32
          %ne3A_211 = arith.xori %lt3A_208, %lt3A_210 : i1
          %and3A_212 = arith.andi %ne3A_211, %ne3A_206 : i1
          %add3A_213 = arith.addi %rem3A_204, %select_n3A_203 : i32
          %select_n3A_214 = arith.select %and3A_212, %add3A_213, %rem3A_204 : i32
          %jit3A_215 = arith.constant 2 : i32
          %eq3A_216 = arith.constant 0 : i32
          %eq3A_217 = arith.cmpi eq, %jit3A_215, %eq3A_216 : i32
          %jit3A_218 = arith.constant 1 : i32
          %select_n3A_219 = arith.select %eq3A_217, %jit3A_218, %jit3A_215 : i32
          %rem3A_220 = arith.remsi %while3A_198, %select_n3A_219 : i32
          %ne3A_221 = arith.constant 0 : i32
          %ne3A_222 = arith.cmpi ne, %rem3A_220, %ne3A_221 : i32
          %lt3A_223 = arith.constant 0 : i32
          %lt3A_224 = arith.cmpi slt, %rem3A_220, %lt3A_223 : i32
          %lt3A_225 = arith.constant 0 : i32
          %lt3A_226 = arith.cmpi slt, %select_n3A_219, %lt3A_225 : i32
          %ne3A_227 = arith.xori %lt3A_224, %lt3A_226 : i1
          %and3A_228 = arith.andi %ne3A_227, %ne3A_222 : i1
          %add3A_229 = arith.addi %rem3A_220, %select_n3A_219 : i32
          %select_n3A_230 = arith.select %and3A_228, %add3A_229, %rem3A_220 : i32
          %dma_wait3A_231 = arith.constant 0 : i32
          %dma_wait3A_232 = arith.constant 0 : i32
          %dma_wait3A_233 = arith.constant 0 : i32
          %dma_wait3A_234 = tpu.memref_slice %arg13[%select_n3A_214, %dma_wait3A_232, %dma_wait3A_233] : memref<3x16x32xf32, #tpu.memory_space<vmem>> -> memref<1x16x32xf32, #tpu.memory_space<vmem>>
          %dma_wait3A_235 = tpu.memref_squeeze %dma_wait3A_234 : memref<1x16x32xf32, #tpu.memory_space<vmem>> -> memref<16x32xf32, #tpu.memory_space<vmem>>
          %dma_wait3A_236 = arith.constant 0 : i32
          %dma_wait3A_237 = tpu.memref_slice %arg12[%select_n3A_214, %dma_wait3A_231, %dma_wait3A_236] : memref<3x2x16xi32, #tpu.memory_space<vmem>> -> memref<1x1x16xi32, #tpu.memory_space<vmem>>
          %dma_wait3A_238 = tpu.memref_squeeze %dma_wait3A_237 : memref<1x1x16xi32, #tpu.memory_space<vmem>> -> memref<16xi32, #tpu.memory_space<vmem>>
          %dma_wait3A_239 = arith.constant 0 : i32
          %dma_wait3A_240 = arith.constant 0 : i32
          %dma_wait3A_241 = tpu.memref_slice %arg2[%dma_wait3A_239, %dma_wait3A_240] : memref<50000x32xf32, #tpu.memory_space<hbm>> -> memref<50000x32xf32, #tpu.memory_space<hbm>>
          %dma_wait3A_242 = tpu.memref_slice %arg18[%select_n3A_214] : memref<3x!tpu.dma_semaphore, #tpu.memory_space<semaphore_mem>> -> memref<1x!tpu.dma_semaphore, #tpu.memory_space<semaphore_mem>>
          %dma_wait3A_243 = tpu.memref_squeeze %dma_wait3A_242 : memref<1x!tpu.dma_semaphore, #tpu.memory_space<semaphore_mem>> -> memref<!tpu.dma_semaphore, #tpu.memory_space<semaphore_mem>>
          tpu.wait_indirect_dma semaphore(%dma_wait3A_243 : memref<!tpu.dma_semaphore, #tpu.memory_space<semaphore_mem>>) src(%dma_wait3A_241 : memref<50000x32xf32, #tpu.memory_space<hbm>>) dst(%dma_wait3A_235 : memref<16x32xf32, #tpu.memory_space<vmem>>)
          %dma_wait3A_244 = arith.constant 1 : i32
          %dma_wait3A_245 = arith.constant 0 : i32
          %dma_wait3A_246 = arith.constant 0 : i32
          %dma_wait3A_247 = tpu.memref_slice %arg14[%select_n3A_214, %dma_wait3A_245, %dma_wait3A_246] : memref<3x16x16xf32, #tpu.memory_space<vmem>> -> memref<1x16x16xf32, #tpu.memory_space<vmem>>
          %dma_wait3A_248 = tpu.memref_squeeze %dma_wait3A_247 : memref<1x16x16xf32, #tpu.memory_space<vmem>> -> memref<16x16xf32, #tpu.memory_space<vmem>>
          %dma_wait3A_249 = arith.constant 0 : i32
          %dma_wait3A_250 = tpu.memref_slice %arg12[%select_n3A_214, %dma_wait3A_244, %dma_wait3A_249] : memref<3x2x16xi32, #tpu.memory_space<vmem>> -> memref<1x1x16xi32, #tpu.memory_space<vmem>>
          %dma_wait3A_251 = tpu.memref_squeeze %dma_wait3A_250 : memref<1x1x16xi32, #tpu.memory_space<vmem>> -> memref<16xi32, #tpu.memory_space<vmem>>
          %dma_wait3A_252 = arith.constant 0 : i32
          %dma_wait3A_253 = arith.constant 0 : i32
          %dma_wait3A_254 = tpu.memref_slice %arg3[%dma_wait3A_252, %dma_wait3A_253] : memref<50000x16xf32, #tpu.memory_space<hbm>> -> memref<50000x16xf32, #tpu.memory_space<hbm>>
          %dma_wait3A_255 = tpu.memref_slice %arg18[%select_n3A_214] : memref<3x!tpu.dma_semaphore, #tpu.memory_space<semaphore_mem>> -> memref<1x!tpu.dma_semaphore, #tpu.memory_space<semaphore_mem>>
          %dma_wait3A_256 = tpu.memref_squeeze %dma_wait3A_255 : memref<1x!tpu.dma_semaphore, #tpu.memory_space<semaphore_mem>> -> memref<!tpu.dma_semaphore, #tpu.memory_space<semaphore_mem>>
          tpu.wait_indirect_dma semaphore(%dma_wait3A_256 : memref<!tpu.dma_semaphore, #tpu.memory_space<semaphore_mem>>) src(%dma_wait3A_254 : memref<50000x16xf32, #tpu.memory_space<hbm>>) dst(%dma_wait3A_248 : memref<16x16xf32, #tpu.memory_space<vmem>>)
          %ge3A_257 = arith.constant 2 : i32
          %ge3A_258 = arith.cmpi sge, %while3A_198, %ge3A_257 : i32
          %convert_element_type3A_259 = arith.extui %ge3A_258 : i1 to i32
          %cond3A_260 = arith.constant 0 : i32
          %cond3A_261 = arith.cmpi ne, %convert_element_type3A_259, %cond3A_260 : i32
          scf.if %cond3A_261 {
            %dma_wait3A_529 = arith.constant 0 : i32
            %dma_wait3A_530 = arith.constant 0 : i32
            %dma_wait3A_531 = tpu.memref_slice %arg16[%select_n3A_230, %dma_wait3A_529, %dma_wait3A_530] : memref<2x16x352xf32, #tpu.memory_space<vmem>> -> memref<1x16x352xf32, #tpu.memory_space<vmem>>
            %dma_wait3A_532 = tpu.memref_squeeze %dma_wait3A_531 : memref<1x16x352xf32, #tpu.memory_space<vmem>> -> memref<16x352xf32, #tpu.memory_space<vmem>>
            %dma_wait3A_533 = arith.constant 0 : i32
            %dma_wait3A_534 = tpu.memref_slice %arg11[%select_n3A_230, %dma_wait3A_533] : memref<2x16xi32, #tpu.memory_space<vmem>> -> memref<1x16xi32, #tpu.memory_space<vmem>>
            %dma_wait3A_535 = tpu.memref_squeeze %dma_wait3A_534 : memref<1x16xi32, #tpu.memory_space<vmem>> -> memref<16xi32, #tpu.memory_space<vmem>>
            %dma_wait3A_536 = arith.constant 0 : i32
            %dma_wait3A_537 = arith.constant 0 : i32
            %dma_wait3A_538 = tpu.memref_slice %arg6[%dma_wait3A_536, %dma_wait3A_537] : memref<5120x352xf32, #tpu.memory_space<vmem_shared>> -> memref<5120x352xf32, #tpu.memory_space<vmem_shared>>
            %dma_wait3A_539 = tpu.memref_slice %arg19[%select_n3A_230] : memref<2x!tpu.dma_semaphore, #tpu.memory_space<semaphore_mem>> -> memref<1x!tpu.dma_semaphore, #tpu.memory_space<semaphore_mem>>
            %dma_wait3A_540 = tpu.memref_squeeze %dma_wait3A_539 : memref<1x!tpu.dma_semaphore, #tpu.memory_space<semaphore_mem>> -> memref<!tpu.dma_semaphore, #tpu.memory_space<semaphore_mem>>
            tpu.wait_indirect_dma semaphore(%dma_wait3A_540 : memref<!tpu.dma_semaphore, #tpu.memory_space<semaphore_mem>>) src(%dma_wait3A_532 : memref<16x352xf32, #tpu.memory_space<vmem>>) dst(%dma_wait3A_538 : memref<5120x352xf32, #tpu.memory_space<vmem_shared>>)
          } else {
          }
          %broadcast_in_dim3A_262 = arith.constant 0 : i32
          %broadcast_in_dim3A_263 = vector.broadcast %broadcast_in_dim3A_262 : i32 to vector<16xi32>
          %add3A_264 = vector.broadcast %select_n3A_214 : i32 to vector<16xi32>
          %add3A_265 = arith.addi %broadcast_in_dim3A_263, %add3A_264 : vector<16xi32>
          %broadcast_in_dim3A_266 = arith.constant 20 : i32
          %broadcast_in_dim3A_267 = vector.broadcast %broadcast_in_dim3A_266 : i32 to vector<16xi32>
          %gather3A = tpu.vector_load_idx %arg13[%add3A_265, %iota3A, %broadcast_in_dim3A_267] : memref<3x16x32xf32, #tpu.memory_space<vmem>>[vector<16xi32>, vector<16xi32>, vector<16xi32>], vector<16xf32>,
          %broadcast_in_dim3A_268 = arith.constant 21 : i32
          %broadcast_in_dim3A_269 = vector.broadcast %broadcast_in_dim3A_268 : i32 to vector<16xi32>
          %gather3A_270 = tpu.vector_load_idx %arg13[%add3A_265, %iota3A, %broadcast_in_dim3A_269] : memref<3x16x32xf32, #tpu.memory_space<vmem>>[vector<16xi32>, vector<16xi32>, vector<16xi32>], vector<16xf32>,
          %broadcast_in_dim3A_271 = arith.constant 22 : i32
          %broadcast_in_dim3A_272 = vector.broadcast %broadcast_in_dim3A_271 : i32 to vector<16xi32>
          %gather3A_273 = tpu.vector_load_idx %arg13[%add3A_265, %iota3A, %broadcast_in_dim3A_272] : memref<3x16x32xf32, #tpu.memory_space<vmem>>[vector<16xi32>, vector<16xi32>, vector<16xi32>], vector<16xf32>,
          %broadcast_in_dim3A_274 = arith.constant 0 : i32
          %broadcast_in_dim3A_275 = vector.broadcast %broadcast_in_dim3A_274 : i32 to vector<16xi32>
          %gather3A_276 = tpu.vector_load_idx %arg14[%add3A_265, %iota3A, %broadcast_in_dim3A_275] : memref<3x16x16xf32, #tpu.memory_space<vmem>>[vector<16xi32>, vector<16xi32>, vector<16xi32>], vector<16xf32>,
          %broadcast_in_dim3A_277 = arith.constant 1 : i32
          %broadcast_in_dim3A_278 = vector.broadcast %broadcast_in_dim3A_277 : i32 to vector<16xi32>
          %gather3A_279 = tpu.vector_load_idx %arg14[%add3A_265, %iota3A, %broadcast_in_dim3A_278] : memref<3x16x16xf32, #tpu.memory_space<vmem>>[vector<16xi32>, vector<16xi32>, vector<16xi32>], vector<16xf32>,
          %broadcast_in_dim3A_280 = arith.constant 2 : i32
          %broadcast_in_dim3A_281 = vector.broadcast %broadcast_in_dim3A_280 : i32 to vector<16xi32>
          %gather3A_282 = tpu.vector_load_idx %arg14[%add3A_265, %iota3A, %broadcast_in_dim3A_281] : memref<3x16x16xf32, #tpu.memory_space<vmem>>[vector<16xi32>, vector<16xi32>, vector<16xi32>], vector<16xf32>,
          %sub3A_283 = arith.subf %gather3A_276, %gather3A : vector<16xf32>
          %sub3A_284 = arith.subf %gather3A_279, %gather3A_270 : vector<16xf32>
          %sub3A_285 = arith.subf %gather3A_282, %gather3A_273 : vector<16xf32>
          %mul3A_286 = arith.mulf %sub3A_283, %sub3A_283 : vector<16xf32>
          %mul3A_287 = arith.mulf %sub3A_284, %sub3A_284 : vector<16xf32>
          %add3A_288 = arith.addf %mul3A_286, %mul3A_287 : vector<16xf32>
          %mul3A_289 = arith.mulf %sub3A_285, %sub3A_285 : vector<16xf32>
          %add3A_290 = arith.addf %add3A_288, %mul3A_289 : vector<16xf32>
          %max3A = arith.constant 1.000000e-24 : f32
          %max3A_291 = vector.broadcast %max3A : f32 to vector<16xf32>
          %max3A_292 = arith.maximumf %add3A_290, %max3A_291 : vector<16xf32>
          %bitcast3A = vector.bitcast %max3A_292 : vector<16xf32> to vector<16xi32>
          %shift_right_arithmetic3A = arith.constant 1 : i32
          %shift_right_arithmetic3A_293 = vector.broadcast %shift_right_arithmetic3A : i32 to vector<16xi32>
          %shift_right_arithmetic3A_294 = arith.shrsi %bitcast3A, %shift_right_arithmetic3A_293 : vector<16xi32>
          %sub3A_295 = arith.constant 1597463007 : i32
          %sub3A_296 = vector.broadcast %sub3A_295 : i32 to vector<16xi32>
          %sub3A_297 = arith.subi %sub3A_296, %shift_right_arithmetic3A_294 : vector<16xi32>
          %bitcast3A_298 = vector.bitcast %sub3A_297 : vector<16xi32> to vector<16xf32>
          %mul3A_299 = arith.constant 5.000000e-01 : f32
          %mul3A_300 = vector.broadcast %mul3A_299 : f32 to vector<16xf32>
          %mul3A_301 = arith.mulf %mul3A_300, %max3A_292 : vector<16xf32>
          %mul3A_302 = arith.mulf %mul3A_301, %bitcast3A_298 : vector<16xf32>
          %mul3A_303 = arith.mulf %mul3A_302, %bitcast3A_298 : vector<16xf32>
          %sub3A_304 = arith.constant 1.500000e+00 : f32
          %sub3A_305 = vector.broadcast %sub3A_304 : f32 to vector<16xf32>
          %sub3A_306 = arith.subf %sub3A_305, %mul3A_303 : vector<16xf32>
          %mul3A_307 = arith.mulf %bitcast3A_298, %sub3A_306 : vector<16xf32>
          %mul3A_308 = arith.constant 5.000000e-01 : f32
          %mul3A_309 = vector.broadcast %mul3A_308 : f32 to vector<16xf32>
          %mul3A_310 = arith.mulf %mul3A_309, %max3A_292 : vector<16xf32>
          %mul3A_311 = arith.mulf %mul3A_310, %mul3A_307 : vector<16xf32>
          %mul3A_312 = arith.mulf %mul3A_311, %mul3A_307 : vector<16xf32>
          %sub3A_313 = arith.constant 1.500000e+00 : f32
          %sub3A_314 = vector.broadcast %sub3A_313 : f32 to vector<16xf32>
          %sub3A_315 = arith.subf %sub3A_314, %mul3A_312 : vector<16xf32>
          %mul3A_316 = arith.mulf %mul3A_307, %sub3A_315 : vector<16xf32>
          %mul3A_317 = arith.constant 5.000000e-01 : f32
          %mul3A_318 = vector.broadcast %mul3A_317 : f32 to vector<16xf32>
          %mul3A_319 = arith.mulf %mul3A_318, %max3A_292 : vector<16xf32>
          %mul3A_320 = arith.mulf %mul3A_319, %mul3A_316 : vector<16xf32>
          %mul3A_321 = arith.mulf %mul3A_320, %mul3A_316 : vector<16xf32>
          %sub3A_322 = arith.constant 1.500000e+00 : f32
          %sub3A_323 = vector.broadcast %sub3A_322 : f32 to vector<16xf32>
          %sub3A_324 = arith.subf %sub3A_323, %mul3A_321 : vector<16xf32>
          %mul3A_325 = arith.mulf %mul3A_316, %sub3A_324 : vector<16xf32>
          %mul3A_326 = arith.mulf %sub3A_283, %mul3A_325 : vector<16xf32>
          %mul3A_327 = arith.mulf %sub3A_284, %mul3A_325 : vector<16xf32>
          %mul3A_328 = arith.mulf %sub3A_285, %mul3A_325 : vector<16xf32>
          %mul3A_329 = arith.mulf %mul3A_326, %mul3A_326 : vector<16xf32>
          %mul3A_330 = arith.mulf %mul3A_327, %mul3A_327 : vector<16xf32>
          %mul3A_331 = arith.mulf %mul3A_328, %mul3A_328 : vector<16xf32>
          %broadcast_in_dim3A_332 = arith.constant 0.282094806 : f32
          %broadcast_in_dim3A_333 = vector.broadcast %broadcast_in_dim3A_332 : f32 to vector<16xf32>
          %swap3A = arith.constant 0 : i32
          %swap3A_334 = arith.index_cast %swap3A : i32 to index
          %swap3A_335 = arith.constant 0 : index
          %swap3A_336 = tpu.vector_load %arg15[%swap3A_334, %swap3A_335] {strides = array<i32>} : memref<16x16xf32, #tpu.memory_space<vmem>>, vector<16xf32>,
          tpu.vector_store %arg15[%swap3A_334, %swap3A_335], %broadcast_in_dim3A_333 {strides = array<i32>} : memref<16x16xf32, #tpu.memory_space<vmem>>, vector<16xf32>,
          %mul3A_337 = arith.constant 0.488602519 : f32
          %mul3A_338 = vector.broadcast %mul3A_337 : f32 to vector<16xf32>
          %mul3A_339 = arith.mulf %mul3A_338, %mul3A_327 : vector<16xf32>
          %swap3A_340 = arith.constant 1 : i32
          %swap3A_341 = arith.index_cast %swap3A_340 : i32 to index
          %swap3A_342 = arith.constant 0 : index
          %swap3A_343 = tpu.vector_load %arg15[%swap3A_341, %swap3A_342] {strides = array<i32>} : memref<16x16xf32, #tpu.memory_space<vmem>>, vector<16xf32>,
          tpu.vector_store %arg15[%swap3A_341, %swap3A_342], %mul3A_339 {strides = array<i32>} : memref<16x16xf32, #tpu.memory_space<vmem>>, vector<16xf32>,
          %mul3A_344 = arith.constant 0.488602519 : f32
          %mul3A_345 = vector.broadcast %mul3A_344 : f32 to vector<16xf32>
          %mul3A_346 = arith.mulf %mul3A_345, %mul3A_328 : vector<16xf32>
          %swap3A_347 = arith.constant 2 : i32
          %swap3A_348 = arith.index_cast %swap3A_347 : i32 to index
          %swap3A_349 = arith.constant 0 : index
          %swap3A_350 = tpu.vector_load %arg15[%swap3A_348, %swap3A_349] {strides = array<i32>} : memref<16x16xf32, #tpu.memory_space<vmem>>, vector<16xf32>,
          tpu.vector_store %arg15[%swap3A_348, %swap3A_349], %mul3A_346 {strides = array<i32>} : memref<16x16xf32, #tpu.memory_space<vmem>>, vector<16xf32>,
          %mul3A_351 = arith.constant 0.488602519 : f32
          %mul3A_352 = vector.broadcast %mul3A_351 : f32 to vector<16xf32>
          %mul3A_353 = arith.mulf %mul3A_352, %mul3A_326 : vector<16xf32>
          %swap3A_354 = arith.constant 3 : i32
          %swap3A_355 = arith.index_cast %swap3A_354 : i32 to index
          %swap3A_356 = arith.constant 0 : index
          %swap3A_357 = tpu.vector_load %arg15[%swap3A_355, %swap3A_356] {strides = array<i32>} : memref<16x16xf32, #tpu.memory_space<vmem>>, vector<16xf32>,
          tpu.vector_store %arg15[%swap3A_355, %swap3A_356], %mul3A_353 {strides = array<i32>} : memref<16x16xf32, #tpu.memory_space<vmem>>, vector<16xf32>,
          %mul3A_358 = arith.constant 1.09254849 : f32
          %mul3A_359 = vector.broadcast %mul3A_358 : f32 to vector<16xf32>
          %mul3A_360 = arith.mulf %mul3A_359, %mul3A_326 : vector<16xf32>
          %mul3A_361 = arith.mulf %mul3A_360, %mul3A_327 : vector<16xf32>
          %swap3A_362 = arith.constant 4 : i32
          %swap3A_363 = arith.index_cast %swap3A_362 : i32 to index
          %swap3A_364 = arith.constant 0 : index
          %swap3A_365 = tpu.vector_load %arg15[%swap3A_363, %swap3A_364] {strides = array<i32>} : memref<16x16xf32, #tpu.memory_space<vmem>>, vector<16xf32>,
          tpu.vector_store %arg15[%swap3A_363, %swap3A_364], %mul3A_361 {strides = array<i32>} : memref<16x16xf32, #tpu.memory_space<vmem>>, vector<16xf32>,
          %mul3A_366 = arith.constant 1.09254849 : f32
          %mul3A_367 = vector.broadcast %mul3A_366 : f32 to vector<16xf32>
          %mul3A_368 = arith.mulf %mul3A_367, %mul3A_327 : vector<16xf32>
          %mul3A_369 = arith.mulf %mul3A_368, %mul3A_328 : vector<16xf32>
          %swap3A_370 = arith.constant 5 : i32
          %swap3A_371 = arith.index_cast %swap3A_370 : i32 to index
          %swap3A_372 = arith.constant 0 : index
          %swap3A_373 = tpu.vector_load %arg15[%swap3A_371, %swap3A_372] {strides = array<i32>} : memref<16x16xf32, #tpu.memory_space<vmem>>, vector<16xf32>,
          tpu.vector_store %arg15[%swap3A_371, %swap3A_372], %mul3A_369 {strides = array<i32>} : memref<16x16xf32, #tpu.memory_space<vmem>>, vector<16xf32>,
          %mul3A_374 = arith.constant 3.000000e+00 : f32
          %mul3A_375 = vector.broadcast %mul3A_374 : f32 to vector<16xf32>
          %mul3A_376 = arith.mulf %mul3A_375, %mul3A_331 : vector<16xf32>
          %sub3A_377 = arith.constant 1.000000e+00 : f32
          %sub3A_378 = vector.broadcast %sub3A_377 : f32 to vector<16xf32>
          %sub3A_379 = arith.subf %mul3A_376, %sub3A_378 : vector<16xf32>
          %mul3A_380 = arith.constant 0.31539157 : f32
          %mul3A_381 = vector.broadcast %mul3A_380 : f32 to vector<16xf32>
          %mul3A_382 = arith.mulf %mul3A_381, %sub3A_379 : vector<16xf32>
          %swap3A_383 = arith.constant 6 : i32
          %swap3A_384 = arith.index_cast %swap3A_383 : i32 to index
          %swap3A_385 = arith.constant 0 : index
          %swap3A_386 = tpu.vector_load %arg15[%swap3A_384, %swap3A_385] {strides = array<i32>} : memref<16x16xf32, #tpu.memory_space<vmem>>, vector<16xf32>,
          tpu.vector_store %arg15[%swap3A_384, %swap3A_385], %mul3A_382 {strides = array<i32>} : memref<16x16xf32, #tpu.memory_space<vmem>>, vector<16xf32>,
          %mul3A_387 = arith.constant 1.09254849 : f32
          %mul3A_388 = vector.broadcast %mul3A_387 : f32 to vector<16xf32>
          %mul3A_389 = arith.mulf %mul3A_388, %mul3A_326 : vector<16xf32>
          %mul3A_390 = arith.mulf %mul3A_389, %mul3A_328 : vector<16xf32>
          %swap3A_391 = arith.constant 7 : i32
          %swap3A_392 = arith.index_cast %swap3A_391 : i32 to index
          %swap3A_393 = arith.constant 0 : index
          %swap3A_394 = tpu.vector_load %arg15[%swap3A_392, %swap3A_393] {strides = array<i32>} : memref<16x16xf32, #tpu.memory_space<vmem>>, vector<16xf32>,
          tpu.vector_store %arg15[%swap3A_392, %swap3A_393], %mul3A_390 {strides = array<i32>} : memref<16x16xf32, #tpu.memory_space<vmem>>, vector<16xf32>,
          %sub3A_395 = arith.subf %mul3A_329, %mul3A_330 : vector<16xf32>
          %mul3A_396 = arith.constant 0.546274245 : f32
          %mul3A_397 = vector.broadcast %mul3A_396 : f32 to vector<16xf32>
          %mul3A_398 = arith.mulf %mul3A_397, %sub3A_395 : vector<16xf32>
          %swap3A_399 = arith.constant 8 : i32
          %swap3A_400 = arith.index_cast %swap3A_399 : i32 to index
          %swap3A_401 = arith.constant 0 : index
          %swap3A_402 = tpu.vector_load %arg15[%swap3A_400, %swap3A_401] {strides = array<i32>} : memref<16x16xf32, #tpu.memory_space<vmem>>, vector<16xf32>,
          tpu.vector_store %arg15[%swap3A_400, %swap3A_401], %mul3A_398 {strides = array<i32>} : memref<16x16xf32, #tpu.memory_space<vmem>>, vector<16xf32>,
          %mul3A_403 = arith.constant 0.590043604 : f32
          %mul3A_404 = vector.broadcast %mul3A_403 : f32 to vector<16xf32>
          %mul3A_405 = arith.mulf %mul3A_404, %mul3A_327 : vector<16xf32>
          %mul3A_406 = arith.constant 3.000000e+00 : f32
          %mul3A_407 = vector.broadcast %mul3A_406 : f32 to vector<16xf32>
          %mul3A_408 = arith.mulf %mul3A_407, %mul3A_329 : vector<16xf32>
          %sub3A_409 = arith.subf %mul3A_408, %mul3A_330 : vector<16xf32>
          %mul3A_410 = arith.mulf %mul3A_405, %sub3A_409 : vector<16xf32>
          %swap3A_411 = arith.constant 9 : i32
          %swap3A_412 = arith.index_cast %swap3A_411 : i32 to index
          %swap3A_413 = arith.constant 0 : index
          %swap3A_414 = tpu.vector_load %arg15[%swap3A_412, %swap3A_413] {strides = array<i32>} : memref<16x16xf32, #tpu.memory_space<vmem>>, vector<16xf32>,
          tpu.vector_store %arg15[%swap3A_412, %swap3A_413], %mul3A_410 {strides = array<i32>} : memref<16x16xf32, #tpu.memory_space<vmem>>, vector<16xf32>,
          %mul3A_415 = arith.constant 2.89061141 : f32
          %mul3A_416 = vector.broadcast %mul3A_415 : f32 to vector<16xf32>
          %mul3A_417 = arith.mulf %mul3A_416, %mul3A_326 : vector<16xf32>
          %mul3A_418 = arith.mulf %mul3A_417, %mul3A_327 : vector<16xf32>
          %mul3A_419 = arith.mulf %mul3A_418, %mul3A_328 : vector<16xf32>
          %swap3A_420 = arith.constant 10 : i32
          %swap3A_421 = arith.index_cast %swap3A_420 : i32 to index
          %swap3A_422 = arith.constant 0 : index
          %swap3A_423 = tpu.vector_load %arg15[%swap3A_421, %swap3A_422] {strides = array<i32>} : memref<16x16xf32, #tpu.memory_space<vmem>>, vector<16xf32>,
          tpu.vector_store %arg15[%swap3A_421, %swap3A_422], %mul3A_419 {strides = array<i32>} : memref<16x16xf32, #tpu.memory_space<vmem>>, vector<16xf32>,
          %mul3A_424 = arith.constant 0.457045794 : f32
          %mul3A_425 = vector.broadcast %mul3A_424 : f32 to vector<16xf32>
          %mul3A_426 = arith.mulf %mul3A_425, %mul3A_327 : vector<16xf32>
          %mul3A_427 = arith.constant 5.000000e+00 : f32
          %mul3A_428 = vector.broadcast %mul3A_427 : f32 to vector<16xf32>
          %mul3A_429 = arith.mulf %mul3A_428, %mul3A_331 : vector<16xf32>
          %sub3A_430 = arith.constant 1.000000e+00 : f32
          %sub3A_431 = vector.broadcast %sub3A_430 : f32 to vector<16xf32>
          %sub3A_432 = arith.subf %mul3A_429, %sub3A_431 : vector<16xf32>
          %mul3A_433 = arith.mulf %mul3A_426, %sub3A_432 : vector<16xf32>
          %swap3A_434 = arith.constant 11 : i32
          %swap3A_435 = arith.index_cast %swap3A_434 : i32 to index
          %swap3A_436 = arith.constant 0 : index
          %swap3A_437 = tpu.vector_load %arg15[%swap3A_435, %swap3A_436] {strides = array<i32>} : memref<16x16xf32, #tpu.memory_space<vmem>>, vector<16xf32>,
          tpu.vector_store %arg15[%swap3A_435, %swap3A_436], %mul3A_433 {strides = array<i32>} : memref<16x16xf32, #tpu.memory_space<vmem>>, vector<16xf32>,
          %mul3A_438 = arith.constant 0.373176336 : f32
          %mul3A_439 = vector.broadcast %mul3A_438 : f32 to vector<16xf32>
          %mul3A_440 = arith.mulf %mul3A_439, %mul3A_328 : vector<16xf32>
          %mul3A_441 = arith.constant 5.000000e+00 : f32
          %mul3A_442 = vector.broadcast %mul3A_441 : f32 to vector<16xf32>
          %mul3A_443 = arith.mulf %mul3A_442, %mul3A_331 : vector<16xf32>
          %sub3A_444 = arith.constant 3.000000e+00 : f32
          %sub3A_445 = vector.broadcast %sub3A_444 : f32 to vector<16xf32>
          %sub3A_446 = arith.subf %mul3A_443, %sub3A_445 : vector<16xf32>
          %mul3A_447 = arith.mulf %mul3A_440, %sub3A_446 : vector<16xf32>
          %swap3A_448 = arith.constant 12 : i32
          %swap3A_449 = arith.index_cast %swap3A_448 : i32 to index
          %swap3A_450 = arith.constant 0 : index
          %swap3A_451 = tpu.vector_load %arg15[%swap3A_449, %swap3A_450] {strides = array<i32>} : memref<16x16xf32, #tpu.memory_space<vmem>>, vector<16xf32>,
          tpu.vector_store %arg15[%swap3A_449, %swap3A_450], %mul3A_447 {strides = array<i32>} : memref<16x16xf32, #tpu.memory_space<vmem>>, vector<16xf32>,
          %mul3A_452 = arith.constant 0.457045794 : f32
          %mul3A_453 = vector.broadcast %mul3A_452 : f32 to vector<16xf32>
          %mul3A_454 = arith.mulf %mul3A_453, %mul3A_326 : vector<16xf32>
          %mul3A_455 = arith.constant 5.000000e+00 : f32
          %mul3A_456 = vector.broadcast %mul3A_455 : f32 to vector<16xf32>
          %mul3A_457 = arith.mulf %mul3A_456, %mul3A_331 : vector<16xf32>
          %sub3A_458 = arith.constant 1.000000e+00 : f32
          %sub3A_459 = vector.broadcast %sub3A_458 : f32 to vector<16xf32>
          %sub3A_460 = arith.subf %mul3A_457, %sub3A_459 : vector<16xf32>
          %mul3A_461 = arith.mulf %mul3A_454, %sub3A_460 : vector<16xf32>
          %swap3A_462 = arith.constant 13 : i32
          %swap3A_463 = arith.index_cast %swap3A_462 : i32 to index
          %swap3A_464 = arith.constant 0 : index
          %swap3A_465 = tpu.vector_load %arg15[%swap3A_463, %swap3A_464] {strides = array<i32>} : memref<16x16xf32, #tpu.memory_space<vmem>>, vector<16xf32>,
          tpu.vector_store %arg15[%swap3A_463, %swap3A_464], %mul3A_461 {strides = array<i32>} : memref<16x16xf32, #tpu.memory_space<vmem>>, vector<16xf32>,
          %mul3A_466 = arith.constant 1.44530571 : f32
          %mul3A_467 = vector.broadcast %mul3A_466 : f32 to vector<16xf32>
          %mul3A_468 = arith.mulf %mul3A_467, %mul3A_328 : vector<16xf32>
          %sub3A_469 = arith.subf %mul3A_329, %mul3A_330 : vector<16xf32>
          %mul3A_470 = arith.mulf %mul3A_468, %sub3A_469 : vector<16xf32>
          %swap3A_471 = arith.constant 14 : i32
          %swap3A_472 = arith.index_cast %swap3A_471 : i32 to index
          %swap3A_473 = arith.constant 0 : index
          %swap3A_474 = tpu.vector_load %arg15[%swap3A_472, %swap3A_473] {strides = array<i32>} : memref<16x16xf32, #tpu.memory_space<vmem>>, vector<16xf32>,
          tpu.vector_store %arg15[%swap3A_472, %swap3A_473], %mul3A_470 {strides = array<i32>} : memref<16x16xf32, #tpu.memory_space<vmem>>, vector<16xf32>,
          %mul3A_475 = arith.constant 0.590043604 : f32
          %mul3A_476 = vector.broadcast %mul3A_475 : f32 to vector<16xf32>
          %mul3A_477 = arith.mulf %mul3A_476, %mul3A_326 : vector<16xf32>
          %mul3A_478 = arith.constant 3.000000e+00 : f32
          %mul3A_479 = vector.broadcast %mul3A_478 : f32 to vector<16xf32>
          %mul3A_480 = arith.mulf %mul3A_479, %mul3A_329 : vector<16xf32>
          %sub3A_481 = arith.subf %mul3A_480, %mul3A_330 : vector<16xf32>
          %mul3A_482 = arith.mulf %mul3A_477, %sub3A_481 : vector<16xf32>
          %swap3A_483 = arith.constant 15 : i32
          %swap3A_484 = arith.index_cast %swap3A_483 : i32 to index
          %swap3A_485 = arith.constant 0 : index
          %swap3A_486 = tpu.vector_load %arg15[%swap3A_484, %swap3A_485] {strides = array<i32>} : memref<16x16xf32, #tpu.memory_space<vmem>>, vector<16xf32>,
          tpu.vector_store %arg15[%swap3A_484, %swap3A_485], %mul3A_482 {strides = array<i32>} : memref<16x16xf32, #tpu.memory_space<vmem>>, vector<16xf32>,
          %get3A = arith.constant 1 : i32
          %get3A_487 = arith.index_cast %select_n3A_214 : i32 to index
          %get3A_488 = arith.index_cast %get3A : i32 to index
          %get3A_489 = arith.constant 0 : index
          %get3A_490 = tpu.vector_load %arg12[%get3A_487, %get3A_488, %get3A_489] {strides = array<i32>} : memref<3x2x16xi32, #tpu.memory_space<vmem>>, vector<16xi32>,
          %mul3A_491 = arith.constant 16 : i32
          %mul3A_492 = arith.muli %while3A_198, %mul3A_491 : i32
          %add3A_493 = vector.broadcast %mul3A_492 : i32 to vector<16xi32>
          %add3A_494 = arith.addi %iota3A, %add3A_493 : vector<16xi32>
          %lt3A_495 = vector.broadcast %scan3A_135 : i32 to vector<16xi32>
          %lt3A_496 = arith.cmpi slt, %add3A_494, %lt3A_495 : vector<16xi32>
          %sub3A_497 = vector.broadcast %mul3A_9 : i32 to vector<16xi32>
          %sub3A_498 = arith.subi %get3A_490, %sub3A_497 : vector<16xi32>
          %jit3A_499 = arith.constant 5000 : i32
          %broadcast_in_dim3A_500 = vector.broadcast %jit3A_499 : i32 to vector<16xi32>
          %select_n3A_501 = arith.select %lt3A_496, %sub3A_498, %broadcast_in_dim3A_500 : vector<16xi1>, vector<16xi32>
          %swap3A_502 = arith.index_cast %select_n3A_230 : i32 to index
          %swap3A_503 = arith.constant 0 : index
          %swap3A_504 = tpu.vector_load %arg11[%swap3A_502, %swap3A_503] {strides = array<i32>} : memref<2x16xi32, #tpu.memory_space<vmem>>, vector<16xi32>,
          tpu.vector_store %arg11[%swap3A_502, %swap3A_503], %select_n3A_501 {strides = array<i32>} : memref<2x16xi32, #tpu.memory_space<vmem>>, vector<16xi32>,
          %scan3A_505 = arith.constant 0 : i32
          %scan3A_506 = arith.constant 0 : i32
          %scan3A_507 = arith.constant 16 : i32
          %scan3A_508 = arith.addi %scan3A_506, %scan3A_507 : i32
          %scan3A_509 = arith.constant 1 : i32
          scf.for %scan3A_529 = %scan3A_506 to %scan3A_508 step %scan3A_509  : i32 {
            %broadcast_in_dim3A_530 = arith.constant 0 : i32
            %broadcast_in_dim3A_531 = vector.broadcast %broadcast_in_dim3A_530 : i32 to vector<16xi32>
            %add3A_532 = vector.broadcast %scan3A_529 : i32 to vector<16xi32>
            %add3A_533 = arith.addi %broadcast_in_dim3A_531, %add3A_532 : vector<16xi32>
            %gather3A_534 = tpu.vector_load_idx %arg15[%iota3A, %add3A_533] : memref<16x16xf32, #tpu.memory_space<vmem>>[vector<16xi32>, vector<16xi32>], vector<16xf32>,
            %get3A_535 = arith.index_cast %select_n3A_214 : i32 to index
            %get3A_536 = arith.index_cast %scan3A_529 : i32 to index
            %get3A_537 = arith.constant 0 : index
            %get3A_538 = tpu.vector_load %arg13[%get3A_535, %get3A_536, %get3A_537] {strides = array<i32>} : memref<3x16x32xf32, #tpu.memory_space<vmem>>, vector<16xf32>,
            %swap3A_539 = arith.index_cast %select_n3A_230 : i32 to index
            %swap3A_540 = arith.index_cast %scan3A_529 : i32 to index
            %swap3A_541 = arith.constant 0 : index
            %swap3A_542 = tpu.vector_load %arg16[%swap3A_539, %swap3A_540, %swap3A_541] {strides = array<i32>} : memref<2x16x352xf32, #tpu.memory_space<vmem>>, vector<16xf32>,
            tpu.vector_store %arg16[%swap3A_539, %swap3A_540, %swap3A_541], %get3A_538 {strides = array<i32>} : memref<2x16x352xf32, #tpu.memory_space<vmem>>, vector<16xf32>,
            %get3A_543 = arith.index_cast %select_n3A_214 : i32 to index
            %get3A_544 = arith.index_cast %scan3A_529 : i32 to index
            %get3A_545 = arith.constant 16 : index
            %get3A_546 = tpu.vector_load %arg13[%get3A_543, %get3A_544, %get3A_545] {strides = array<i32>} : memref<3x16x32xf32, #tpu.memory_space<vmem>>, vector<16xf32>,
            %swap3A_547 = arith.index_cast %select_n3A_230 : i32 to index
            %swap3A_548 = arith.index_cast %scan3A_529 : i32 to index
            %swap3A_549 = arith.constant 16 : index
            %swap3A_550 = tpu.vector_load %arg16[%swap3A_547, %swap3A_548, %swap3A_549] {strides = array<i32>} : memref<2x16x352xf32, #tpu.memory_space<vmem>>, vector<16xf32>,
            tpu.vector_store %arg16[%swap3A_547, %swap3A_548, %swap3A_549], %get3A_546 {strides = array<i32>} : memref<2x16x352xf32, #tpu.memory_space<vmem>>, vector<16xf32>,
            %broadcast_in_dim3A_551 = arith.constant 0 : i32
            %broadcast_in_dim3A_552 = vector.broadcast %broadcast_in_dim3A_551 : i32 to vector<16xi32>
            %add3A_553 = vector.broadcast %select_n3A_214 : i32 to vector<16xi32>
            %add3A_554 = arith.addi %broadcast_in_dim3A_552, %add3A_553 : vector<16xi32>
            %broadcast_in_dim3A_555 = arith.constant 0 : i32
            %broadcast_in_dim3A_556 = vector.broadcast %broadcast_in_dim3A_555 : i32 to vector<16xi32>
            %add3A_557 = vector.broadcast %scan3A_529 : i32 to vector<16xi32>
            %add3A_558 = arith.addi %broadcast_in_dim3A_556, %add3A_557 : vector<16xi32>
            %broadcast_in_dim3A_559 = arith.constant 0 : i32
            %broadcast_in_dim3A_560 = vector.broadcast %broadcast_in_dim3A_559 : i32 to vector<16xi32>
            %gather3A_561 = tpu.vector_load_idx %arg13[%add3A_554, %add3A_558, %broadcast_in_dim3A_560] : memref<3x16x32xf32, #tpu.memory_space<vmem>>[vector<16xi32>, vector<16xi32>, vector<16xi32>], vector<16xf32>,
            %mul3A_562 = arith.mulf %gather3A_561, %gather3A_534 : vector<16xf32>
            %swap3A_563 = arith.index_cast %select_n3A_230 : i32 to index
            %swap3A_564 = arith.index_cast %scan3A_529 : i32 to index
            %swap3A_565 = arith.constant 20 : index
            %swap3A_566 = tpu.vector_load %arg16[%swap3A_563, %swap3A_564, %swap3A_565] {strides = array<i32>} : memref<2x16x352xf32, #tpu.memory_space<vmem>>, vector<16xf32>,
            tpu.vector_store %arg16[%swap3A_563, %swap3A_564, %swap3A_565], %mul3A_562 {strides = array<i32>} : memref<2x16x352xf32, #tpu.memory_space<vmem>>, vector<16xf32>,
            %broadcast_in_dim3A_567 = arith.constant 1 : i32
            %broadcast_in_dim3A_568 = vector.broadcast %broadcast_in_dim3A_567 : i32 to vector<16xi32>
            %gather3A_569 = tpu.vector_load_idx %arg13[%add3A_554, %add3A_558, %broadcast_in_dim3A_568] : memref<3x16x32xf32, #tpu.memory_space<vmem>>[vector<16xi32>, vector<16xi32>, vector<16xi32>], vector<16xf32>,
            %mul3A_570 = arith.mulf %gather3A_569, %gather3A_534 : vector<16xf32>
            %swap3A_571 = arith.index_cast %select_n3A_230 : i32 to index
            %swap3A_572 = arith.index_cast %scan3A_529 : i32 to index
            %swap3A_573 = arith.constant 36 : index
            %swap3A_574 = tpu.vector_load %arg16[%swap3A_571, %swap3A_572, %swap3A_573] {strides = array<i32>} : memref<2x16x352xf32, #tpu.memory_space<vmem>>, vector<16xf32>,
            tpu.vector_store %arg16[%swap3A_571, %swap3A_572, %swap3A_573], %mul3A_570 {strides = array<i32>} : memref<2x16x352xf32, #tpu.memory_space<vmem>>, vector<16xf32>,
            %broadcast_in_dim3A_575 = arith.constant 2 : i32
            %broadcast_in_dim3A_576 = vector.broadcast %broadcast_in_dim3A_575 : i32 to vector<16xi32>
            %gather3A_577 = tpu.vector_load_idx %arg13[%add3A_554, %add3A_558, %broadcast_in_dim3A_576] : memref<3x16x32xf32, #tpu.memory_space<vmem>>[vector<16xi32>, vector<16xi32>, vector<16xi32>], vector<16xf32>,
            %mul3A_578 = arith.mulf %gather3A_577, %gather3A_534 : vector<16xf32>
            %swap3A_579 = arith.index_cast %select_n3A_230 : i32 to index
            %swap3A_580 = arith.index_cast %scan3A_529 : i32 to index
            %swap3A_581 = arith.constant 52 : index
            %swap3A_582 = tpu.vector_load %arg16[%swap3A_579, %swap3A_580, %swap3A_581] {strides = array<i32>} : memref<2x16x352xf32, #tpu.memory_space<vmem>>, vector<16xf32>,
            tpu.vector_store %arg16[%swap3A_579, %swap3A_580, %swap3A_581], %mul3A_578 {strides = array<i32>} : memref<2x16x352xf32, #tpu.memory_space<vmem>>, vector<16xf32>,
            %broadcast_in_dim3A_583 = arith.constant 3 : i32
            %broadcast_in_dim3A_584 = vector.broadcast %broadcast_in_dim3A_583 : i32 to vector<16xi32>
            %gather3A_585 = tpu.vector_load_idx %arg13[%add3A_554, %add3A_558, %broadcast_in_dim3A_584] : memref<3x16x32xf32, #tpu.memory_space<vmem>>[vector<16xi32>, vector<16xi32>, vector<16xi32>], vector<16xf32>,
            %mul3A_586 = arith.mulf %gather3A_585, %gather3A_534 : vector<16xf32>
            %swap3A_587 = arith.index_cast %select_n3A_230 : i32 to index
            %swap3A_588 = arith.index_cast %scan3A_529 : i32 to index
            %swap3A_589 = arith.constant 68 : index
            %swap3A_590 = tpu.vector_load %arg16[%swap3A_587, %swap3A_588, %swap3A_589] {strides = array<i32>} : memref<2x16x352xf32, #tpu.memory_space<vmem>>, vector<16xf32>,
            tpu.vector_store %arg16[%swap3A_587, %swap3A_588, %swap3A_589], %mul3A_586 {strides = array<i32>} : memref<2x16x352xf32, #tpu.memory_space<vmem>>, vector<16xf32>,
            %broadcast_in_dim3A_591 = arith.constant 4 : i32
            %broadcast_in_dim3A_592 = vector.broadcast %broadcast_in_dim3A_591 : i32 to vector<16xi32>
            %gather3A_593 = tpu.vector_load_idx %arg13[%add3A_554, %add3A_558, %broadcast_in_dim3A_592] : memref<3x16x32xf32, #tpu.memory_space<vmem>>[vector<16xi32>, vector<16xi32>, vector<16xi32>], vector<16xf32>,
            %mul3A_594 = arith.mulf %gather3A_593, %gather3A_534 : vector<16xf32>
            %swap3A_595 = arith.index_cast %select_n3A_230 : i32 to index
            %swap3A_596 = arith.index_cast %scan3A_529 : i32 to index
            %swap3A_597 = arith.constant 84 : index
            %swap3A_598 = tpu.vector_load %arg16[%swap3A_595, %swap3A_596, %swap3A_597] {strides = array<i32>} : memref<2x16x352xf32, #tpu.memory_space<vmem>>, vector<16xf32>,
            tpu.vector_store %arg16[%swap3A_595, %swap3A_596, %swap3A_597], %mul3A_594 {strides = array<i32>} : memref<2x16x352xf32, #tpu.memory_space<vmem>>, vector<16xf32>,
            %broadcast_in_dim3A_599 = arith.constant 5 : i32
            %broadcast_in_dim3A_600 = vector.broadcast %broadcast_in_dim3A_599 : i32 to vector<16xi32>
            %gather3A_601 = tpu.vector_load_idx %arg13[%add3A_554, %add3A_558, %broadcast_in_dim3A_600] : memref<3x16x32xf32, #tpu.memory_space<vmem>>[vector<16xi32>, vector<16xi32>, vector<16xi32>], vector<16xf32>,
            %mul3A_602 = arith.mulf %gather3A_601, %gather3A_534 : vector<16xf32>
            %swap3A_603 = arith.index_cast %select_n3A_230 : i32 to index
            %swap3A_604 = arith.index_cast %scan3A_529 : i32 to index
            %swap3A_605 = arith.constant 100 : index
            %swap3A_606 = tpu.vector_load %arg16[%swap3A_603, %swap3A_604, %swap3A_605] {strides = array<i32>} : memref<2x16x352xf32, #tpu.memory_space<vmem>>, vector<16xf32>,
            tpu.vector_store %arg16[%swap3A_603, %swap3A_604, %swap3A_605], %mul3A_602 {strides = array<i32>} : memref<2x16x352xf32, #tpu.memory_space<vmem>>, vector<16xf32>,
            %broadcast_in_dim3A_607 = arith.constant 6 : i32
            %broadcast_in_dim3A_608 = vector.broadcast %broadcast_in_dim3A_607 : i32 to vector<16xi32>
            %gather3A_609 = tpu.vector_load_idx %arg13[%add3A_554, %add3A_558, %broadcast_in_dim3A_608] : memref<3x16x32xf32, #tpu.memory_space<vmem>>[vector<16xi32>, vector<16xi32>, vector<16xi32>], vector<16xf32>,
            %mul3A_610 = arith.mulf %gather3A_609, %gather3A_534 : vector<16xf32>
            %swap3A_611 = arith.index_cast %select_n3A_230 : i32 to index
            %swap3A_612 = arith.index_cast %scan3A_529 : i32 to index
            %swap3A_613 = arith.constant 116 : index
            %swap3A_614 = tpu.vector_load %arg16[%swap3A_611, %swap3A_612, %swap3A_613] {strides = array<i32>} : memref<2x16x352xf32, #tpu.memory_space<vmem>>, vector<16xf32>,
            tpu.vector_store %arg16[%swap3A_611, %swap3A_612, %swap3A_613], %mul3A_610 {strides = array<i32>} : memref<2x16x352xf32, #tpu.memory_space<vmem>>, vector<16xf32>,
            %broadcast_in_dim3A_615 = arith.constant 7 : i32
            %broadcast_in_dim3A_616 = vector.broadcast %broadcast_in_dim3A_615 : i32 to vector<16xi32>
            %gather3A_617 = tpu.vector_load_idx %arg13[%add3A_554, %add3A_558, %broadcast_in_dim3A_616] : memref<3x16x32xf32, #tpu.memory_space<vmem>>[vector<16xi32>, vector<16xi32>, vector<16xi32>], vector<16xf32>,
            %mul3A_618 = arith.mulf %gather3A_617, %gather3A_534 : vector<16xf32>
            %swap3A_619 = arith.index_cast %select_n3A_230 : i32 to index
            %swap3A_620 = arith.index_cast %scan3A_529 : i32 to index
            %swap3A_621 = arith.constant 132 : index
            %swap3A_622 = tpu.vector_load %arg16[%swap3A_619, %swap3A_620, %swap3A_621] {strides = array<i32>} : memref<2x16x352xf32, #tpu.memory_space<vmem>>, vector<16xf32>,
            tpu.vector_store %arg16[%swap3A_619, %swap3A_620, %swap3A_621], %mul3A_618 {strides = array<i32>} : memref<2x16x352xf32, #tpu.memory_space<vmem>>, vector<16xf32>,
            %broadcast_in_dim3A_623 = arith.constant 8 : i32
            %broadcast_in_dim3A_624 = vector.broadcast %broadcast_in_dim3A_623 : i32 to vector<16xi32>
            %gather3A_625 = tpu.vector_load_idx %arg13[%add3A_554, %add3A_558, %broadcast_in_dim3A_624] : memref<3x16x32xf32, #tpu.memory_space<vmem>>[vector<16xi32>, vector<16xi32>, vector<16xi32>], vector<16xf32>,
            %mul3A_626 = arith.mulf %gather3A_625, %gather3A_534 : vector<16xf32>
            %swap3A_627 = arith.index_cast %select_n3A_230 : i32 to index
            %swap3A_628 = arith.index_cast %scan3A_529 : i32 to index
            %swap3A_629 = arith.constant 148 : index
            %swap3A_630 = tpu.vector_load %arg16[%swap3A_627, %swap3A_628, %swap3A_629] {strides = array<i32>} : memref<2x16x352xf32, #tpu.memory_space<vmem>>, vector<16xf32>,
            tpu.vector_store %arg16[%swap3A_627, %swap3A_628, %swap3A_629], %mul3A_626 {strides = array<i32>} : memref<2x16x352xf32, #tpu.memory_space<vmem>>, vector<16xf32>,
            %broadcast_in_dim3A_631 = arith.constant 9 : i32
            %broadcast_in_dim3A_632 = vector.broadcast %broadcast_in_dim3A_631 : i32 to vector<16xi32>
            %gather3A_633 = tpu.vector_load_idx %arg13[%add3A_554, %add3A_558, %broadcast_in_dim3A_632] : memref<3x16x32xf32, #tpu.memory_space<vmem>>[vector<16xi32>, vector<16xi32>, vector<16xi32>], vector<16xf32>,
            %mul3A_634 = arith.mulf %gather3A_633, %gather3A_534 : vector<16xf32>
            %swap3A_635 = arith.index_cast %select_n3A_230 : i32 to index
            %swap3A_636 = arith.index_cast %scan3A_529 : i32 to index
            %swap3A_637 = arith.constant 164 : index
            %swap3A_638 = tpu.vector_load %arg16[%swap3A_635, %swap3A_636, %swap3A_637] {strides = array<i32>} : memref<2x16x352xf32, #tpu.memory_space<vmem>>, vector<16xf32>,
            tpu.vector_store %arg16[%swap3A_635, %swap3A_636, %swap3A_637], %mul3A_634 {strides = array<i32>} : memref<2x16x352xf32, #tpu.memory_space<vmem>>, vector<16xf32>,
            %broadcast_in_dim3A_639 = arith.constant 10 : i32
            %broadcast_in_dim3A_640 = vector.broadcast %broadcast_in_dim3A_639 : i32 to vector<16xi32>
            %gather3A_641 = tpu.vector_load_idx %arg13[%add3A_554, %add3A_558, %broadcast_in_dim3A_640] : memref<3x16x32xf32, #tpu.memory_space<vmem>>[vector<16xi32>, vector<16xi32>, vector<16xi32>], vector<16xf32>,
            %mul3A_642 = arith.mulf %gather3A_641, %gather3A_534 : vector<16xf32>
            %swap3A_643 = arith.index_cast %select_n3A_230 : i32 to index
            %swap3A_644 = arith.index_cast %scan3A_529 : i32 to index
            %swap3A_645 = arith.constant 180 : index
            %swap3A_646 = tpu.vector_load %arg16[%swap3A_643, %swap3A_644, %swap3A_645] {strides = array<i32>} : memref<2x16x352xf32, #tpu.memory_space<vmem>>, vector<16xf32>,
            tpu.vector_store %arg16[%swap3A_643, %swap3A_644, %swap3A_645], %mul3A_642 {strides = array<i32>} : memref<2x16x352xf32, #tpu.memory_space<vmem>>, vector<16xf32>,
            %broadcast_in_dim3A_647 = arith.constant 11 : i32
            %broadcast_in_dim3A_648 = vector.broadcast %broadcast_in_dim3A_647 : i32 to vector<16xi32>
            %gather3A_649 = tpu.vector_load_idx %arg13[%add3A_554, %add3A_558, %broadcast_in_dim3A_648] : memref<3x16x32xf32, #tpu.memory_space<vmem>>[vector<16xi32>, vector<16xi32>, vector<16xi32>], vector<16xf32>,
            %mul3A_650 = arith.mulf %gather3A_649, %gather3A_534 : vector<16xf32>
            %swap3A_651 = arith.index_cast %select_n3A_230 : i32 to index
            %swap3A_652 = arith.index_cast %scan3A_529 : i32 to index
            %swap3A_653 = arith.constant 196 : index
            %swap3A_654 = tpu.vector_load %arg16[%swap3A_651, %swap3A_652, %swap3A_653] {strides = array<i32>} : memref<2x16x352xf32, #tpu.memory_space<vmem>>, vector<16xf32>,
            tpu.vector_store %arg16[%swap3A_651, %swap3A_652, %swap3A_653], %mul3A_650 {strides = array<i32>} : memref<2x16x352xf32, #tpu.memory_space<vmem>>, vector<16xf32>,
            %broadcast_in_dim3A_655 = arith.constant 12 : i32
            %broadcast_in_dim3A_656 = vector.broadcast %broadcast_in_dim3A_655 : i32 to vector<16xi32>
            %gather3A_657 = tpu.vector_load_idx %arg13[%add3A_554, %add3A_558, %broadcast_in_dim3A_656] : memref<3x16x32xf32, #tpu.memory_space<vmem>>[vector<16xi32>, vector<16xi32>, vector<16xi32>], vector<16xf32>,
            %mul3A_658 = arith.mulf %gather3A_657, %gather3A_534 : vector<16xf32>
            %swap3A_659 = arith.index_cast %select_n3A_230 : i32 to index
            %swap3A_660 = arith.index_cast %scan3A_529 : i32 to index
            %swap3A_661 = arith.constant 212 : index
            %swap3A_662 = tpu.vector_load %arg16[%swap3A_659, %swap3A_660, %swap3A_661] {strides = array<i32>} : memref<2x16x352xf32, #tpu.memory_space<vmem>>, vector<16xf32>,
            tpu.vector_store %arg16[%swap3A_659, %swap3A_660, %swap3A_661], %mul3A_658 {strides = array<i32>} : memref<2x16x352xf32, #tpu.memory_space<vmem>>, vector<16xf32>,
            %broadcast_in_dim3A_663 = arith.constant 13 : i32
            %broadcast_in_dim3A_664 = vector.broadcast %broadcast_in_dim3A_663 : i32 to vector<16xi32>
            %gather3A_665 = tpu.vector_load_idx %arg13[%add3A_554, %add3A_558, %broadcast_in_dim3A_664] : memref<3x16x32xf32, #tpu.memory_space<vmem>>[vector<16xi32>, vector<16xi32>, vector<16xi32>], vector<16xf32>,
            %mul3A_666 = arith.mulf %gather3A_665, %gather3A_534 : vector<16xf32>
            %swap3A_667 = arith.index_cast %select_n3A_230 : i32 to index
            %swap3A_668 = arith.index_cast %scan3A_529 : i32 to index
            %swap3A_669 = arith.constant 228 : index
            %swap3A_670 = tpu.vector_load %arg16[%swap3A_667, %swap3A_668, %swap3A_669] {strides = array<i32>} : memref<2x16x352xf32, #tpu.memory_space<vmem>>, vector<16xf32>,
            tpu.vector_store %arg16[%swap3A_667, %swap3A_668, %swap3A_669], %mul3A_666 {strides = array<i32>} : memref<2x16x352xf32, #tpu.memory_space<vmem>>, vector<16xf32>,
            %broadcast_in_dim3A_671 = arith.constant 14 : i32
            %broadcast_in_dim3A_672 = vector.broadcast %broadcast_in_dim3A_671 : i32 to vector<16xi32>
            %gather3A_673 = tpu.vector_load_idx %arg13[%add3A_554, %add3A_558, %broadcast_in_dim3A_672] : memref<3x16x32xf32, #tpu.memory_space<vmem>>[vector<16xi32>, vector<16xi32>, vector<16xi32>], vector<16xf32>,
            %mul3A_674 = arith.mulf %gather3A_673, %gather3A_534 : vector<16xf32>
            %swap3A_675 = arith.index_cast %select_n3A_230 : i32 to index
            %swap3A_676 = arith.index_cast %scan3A_529 : i32 to index
            %swap3A_677 = arith.constant 244 : index
            %swap3A_678 = tpu.vector_load %arg16[%swap3A_675, %swap3A_676, %swap3A_677] {strides = array<i32>} : memref<2x16x352xf32, #tpu.memory_space<vmem>>, vector<16xf32>,
            tpu.vector_store %arg16[%swap3A_675, %swap3A_676, %swap3A_677], %mul3A_674 {strides = array<i32>} : memref<2x16x352xf32, #tpu.memory_space<vmem>>, vector<16xf32>,
            %broadcast_in_dim3A_679 = arith.constant 15 : i32
            %broadcast_in_dim3A_680 = vector.broadcast %broadcast_in_dim3A_679 : i32 to vector<16xi32>
            %gather3A_681 = tpu.vector_load_idx %arg13[%add3A_554, %add3A_558, %broadcast_in_dim3A_680] : memref<3x16x32xf32, #tpu.memory_space<vmem>>[vector<16xi32>, vector<16xi32>, vector<16xi32>], vector<16xf32>,
            %mul3A_682 = arith.mulf %gather3A_681, %gather3A_534 : vector<16xf32>
            %swap3A_683 = arith.index_cast %select_n3A_230 : i32 to index
            %swap3A_684 = arith.index_cast %scan3A_529 : i32 to index
            %swap3A_685 = arith.constant 260 : index
            %swap3A_686 = tpu.vector_load %arg16[%swap3A_683, %swap3A_684, %swap3A_685] {strides = array<i32>} : memref<2x16x352xf32, #tpu.memory_space<vmem>>, vector<16xf32>,
            tpu.vector_store %arg16[%swap3A_683, %swap3A_684, %swap3A_685], %mul3A_682 {strides = array<i32>} : memref<2x16x352xf32, #tpu.memory_space<vmem>>, vector<16xf32>,
            %broadcast_in_dim3A_687 = arith.constant 16 : i32
            %broadcast_in_dim3A_688 = vector.broadcast %broadcast_in_dim3A_687 : i32 to vector<16xi32>
            %gather3A_689 = tpu.vector_load_idx %arg13[%add3A_554, %add3A_558, %broadcast_in_dim3A_688] : memref<3x16x32xf32, #tpu.memory_space<vmem>>[vector<16xi32>, vector<16xi32>, vector<16xi32>], vector<16xf32>,
            %mul3A_690 = arith.mulf %gather3A_689, %gather3A_534 : vector<16xf32>
            %swap3A_691 = arith.index_cast %select_n3A_230 : i32 to index
            %swap3A_692 = arith.index_cast %scan3A_529 : i32 to index
            %swap3A_693 = arith.constant 276 : index
            %swap3A_694 = tpu.vector_load %arg16[%swap3A_691, %swap3A_692, %swap3A_693] {strides = array<i32>} : memref<2x16x352xf32, #tpu.memory_space<vmem>>, vector<16xf32>,
            tpu.vector_store %arg16[%swap3A_691, %swap3A_692, %swap3A_693], %mul3A_690 {strides = array<i32>} : memref<2x16x352xf32, #tpu.memory_space<vmem>>, vector<16xf32>,
            %broadcast_in_dim3A_695 = arith.constant 17 : i32
            %broadcast_in_dim3A_696 = vector.broadcast %broadcast_in_dim3A_695 : i32 to vector<16xi32>
            %gather3A_697 = tpu.vector_load_idx %arg13[%add3A_554, %add3A_558, %broadcast_in_dim3A_696] : memref<3x16x32xf32, #tpu.memory_space<vmem>>[vector<16xi32>, vector<16xi32>, vector<16xi32>], vector<16xf32>,
            %mul3A_698 = arith.mulf %gather3A_697, %gather3A_534 : vector<16xf32>
            %swap3A_699 = arith.index_cast %select_n3A_230 : i32 to index
            %swap3A_700 = arith.index_cast %scan3A_529 : i32 to index
            %swap3A_701 = arith.constant 292 : index
            %swap3A_702 = tpu.vector_load %arg16[%swap3A_699, %swap3A_700, %swap3A_701] {strides = array<i32>} : memref<2x16x352xf32, #tpu.memory_space<vmem>>, vector<16xf32>,
            tpu.vector_store %arg16[%swap3A_699, %swap3A_700, %swap3A_701], %mul3A_698 {strides = array<i32>} : memref<2x16x352xf32, #tpu.memory_space<vmem>>, vector<16xf32>,
            %broadcast_in_dim3A_703 = arith.constant 18 : i32
            %broadcast_in_dim3A_704 = vector.broadcast %broadcast_in_dim3A_703 : i32 to vector<16xi32>
            %gather3A_705 = tpu.vector_load_idx %arg13[%add3A_554, %add3A_558, %broadcast_in_dim3A_704] : memref<3x16x32xf32, #tpu.memory_space<vmem>>[vector<16xi32>, vector<16xi32>, vector<16xi32>], vector<16xf32>,
            %mul3A_706 = arith.mulf %gather3A_705, %gather3A_534 : vector<16xf32>
            %swap3A_707 = arith.index_cast %select_n3A_230 : i32 to index
            %swap3A_708 = arith.index_cast %scan3A_529 : i32 to index
            %swap3A_709 = arith.constant 308 : index
            %swap3A_710 = tpu.vector_load %arg16[%swap3A_707, %swap3A_708, %swap3A_709] {strides = array<i32>} : memref<2x16x352xf32, #tpu.memory_space<vmem>>, vector<16xf32>,
            tpu.vector_store %arg16[%swap3A_707, %swap3A_708, %swap3A_709], %mul3A_706 {strides = array<i32>} : memref<2x16x352xf32, #tpu.memory_space<vmem>>, vector<16xf32>,
            %broadcast_in_dim3A_711 = arith.constant 19 : i32
            %broadcast_in_dim3A_712 = vector.broadcast %broadcast_in_dim3A_711 : i32 to vector<16xi32>
            %gather3A_713 = tpu.vector_load_idx %arg13[%add3A_554, %add3A_558, %broadcast_in_dim3A_712] : memref<3x16x32xf32, #tpu.memory_space<vmem>>[vector<16xi32>, vector<16xi32>, vector<16xi32>], vector<16xf32>,
            %mul3A_714 = arith.mulf %gather3A_713, %gather3A_534 : vector<16xf32>
            %swap3A_715 = arith.index_cast %select_n3A_230 : i32 to index
            %swap3A_716 = arith.index_cast %scan3A_529 : i32 to index
            %swap3A_717 = arith.constant 324 : index
            %swap3A_718 = tpu.vector_load %arg16[%swap3A_715, %swap3A_716, %swap3A_717] {strides = array<i32>} : memref<2x16x352xf32, #tpu.memory_space<vmem>>, vector<16xf32>,
            tpu.vector_store %arg16[%swap3A_715, %swap3A_716, %swap3A_717], %mul3A_714 {strides = array<i32>} : memref<2x16x352xf32, #tpu.memory_space<vmem>>, vector<16xf32>,
          }
          %scan3A_510 = arith.constant 16 : i32
          %dma_start3A_511 = arith.constant 0 : i32
          %dma_start3A_512 = arith.constant 0 : i32
          %dma_start3A_513 = tpu.memref_slice %arg16[%select_n3A_230, %dma_start3A_511, %dma_start3A_512] : memref<2x16x352xf32, #tpu.memory_space<vmem>> -> memref<1x16x352xf32, #tpu.memory_space<vmem>>
          %dma_start3A_514 = tpu.memref_squeeze %dma_start3A_513 : memref<1x16x352xf32, #tpu.memory_space<vmem>> -> memref<16x352xf32, #tpu.memory_space<vmem>>
          %dma_start3A_515 = arith.constant 0 : i32
          %dma_start3A_516 = tpu.memref_slice %arg11[%select_n3A_230, %dma_start3A_515] : memref<2x16xi32, #tpu.memory_space<vmem>> -> memref<1x16xi32, #tpu.memory_space<vmem>>
          %dma_start3A_517 = tpu.memref_squeeze %dma_start3A_516 : memref<1x16xi32, #tpu.memory_space<vmem>> -> memref<16xi32, #tpu.memory_space<vmem>>
          %dma_start3A_518 = arith.constant 0 : i32
          %dma_start3A_519 = arith.constant 0 : i32
          %dma_start3A_520 = tpu.memref_slice %arg6[%dma_start3A_518, %dma_start3A_519] : memref<5120x352xf32, #tpu.memory_space<vmem_shared>> -> memref<5120x352xf32, #tpu.memory_space<vmem_shared>>
          %dma_start3A_521 = tpu.memref_slice %arg19[%select_n3A_230] : memref<2x!tpu.dma_semaphore, #tpu.memory_space<semaphore_mem>> -> memref<1x!tpu.dma_semaphore, #tpu.memory_space<semaphore_mem>>
          %dma_start3A_522 = tpu.memref_squeeze %dma_start3A_521 : memref<1x!tpu.dma_semaphore, #tpu.memory_space<semaphore_mem>> -> memref<!tpu.dma_semaphore, #tpu.memory_space<semaphore_mem>>
          tpu.enqueue_indirect_dma source(%dma_start3A_514 : memref<16x352xf32, #tpu.memory_space<vmem>>) target(%dma_start3A_520 : memref<5120x352xf32, #tpu.memory_space<vmem_shared>>) offsets(%dma_start3A_517 : memref<16xi32, #tpu.memory_space<vmem>>) semaphore(%dma_start3A_522 : memref<!tpu.dma_semaphore, #tpu.memory_space<semaphore_mem>>) {add = true}
          %add3A_523 = arith.constant 3 : i32
          %add3A_524 = arith.addi %while3A_198, %add3A_523 : i32
          %lt3A_525 = arith.cmpi slt, %add3A_524, %select_n3A : i32
          %convert_element_type3A_526 = arith.extui %lt3A_525 : i1 to i32
          %cond3A_527 = arith.constant 0 : i32
          %cond3A_528 = arith.cmpi ne, %convert_element_type3A_526, %cond3A_527 : i32
          scf.if %cond3A_528 {
            %add3A_529 = arith.constant 3 : i32
            %add3A_530 = arith.addi %while3A_198, %add3A_529 : i32
            %mul3A_531 = arith.constant 16 : i32
            %mul3A_532 = arith.muli %add3A_530, %mul3A_531 : i32
            %get3A_533 = arith.index_cast %mul3A_532 : i32 to index
            %get3A_534 = tpu.vector_load %arg10[%get3A_533] {strides = array<i32>} : memref<1032xi32, #tpu.memory_space<vmem>>, vector<16xi32>,
            %swap3A_535 = arith.constant 0 : i32
            %swap3A_536 = arith.index_cast %select_n3A_214 : i32 to index
            %swap3A_537 = arith.index_cast %swap3A_535 : i32 to index
            %swap3A_538 = arith.constant 0 : index
            %swap3A_539 = tpu.vector_load %arg12[%swap3A_536, %swap3A_537, %swap3A_538] {strides = array<i32>} : memref<3x2x16xi32, #tpu.memory_space<vmem>>, vector<16xi32>,
            tpu.vector_store %arg12[%swap3A_536, %swap3A_537, %swap3A_538], %get3A_534 {strides = array<i32>} : memref<3x2x16xi32, #tpu.memory_space<vmem>>, vector<16xi32>,
            %get3A_540 = arith.index_cast %mul3A_532 : i32 to index
            %get3A_541 = tpu.vector_load %arg9[%get3A_540] {strides = array<i32>} : memref<1032xi32, #tpu.memory_space<vmem>>, vector<16xi32>,
            %swap3A_542 = arith.constant 1 : i32
            %swap3A_543 = arith.index_cast %select_n3A_214 : i32 to index
            %swap3A_544 = arith.index_cast %swap3A_542 : i32 to index
            %swap3A_545 = arith.constant 0 : index
            %swap3A_546 = tpu.vector_load %arg12[%swap3A_543, %swap3A_544, %swap3A_545] {strides = array<i32>} : memref<3x2x16xi32, #tpu.memory_space<vmem>>, vector<16xi32>,
            tpu.vector_store %arg12[%swap3A_543, %swap3A_544, %swap3A_545], %get3A_541 {strides = array<i32>} : memref<3x2x16xi32, #tpu.memory_space<vmem>>, vector<16xi32>,
            %dma_start3A_547 = arith.constant 0 : i32
            %dma_start3A_548 = arith.constant 0 : i32
            %dma_start3A_549 = arith.constant 0 : i32
            %dma_start3A_550 = tpu.memref_slice %arg13[%select_n3A_214, %dma_start3A_548, %dma_start3A_549] : memref<3x16x32xf32, #tpu.memory_space<vmem>> -> memref<1x16x32xf32, #tpu.memory_space<vmem>>
            %dma_start3A_551 = tpu.memref_squeeze %dma_start3A_550 : memref<1x16x32xf32, #tpu.memory_space<vmem>> -> memref<16x32xf32, #tpu.memory_space<vmem>>
            %dma_start3A_552 = arith.constant 0 : i32
            %dma_start3A_553 = tpu.memref_slice %arg12[%select_n3A_214, %dma_start3A_547, %dma_start3A_552] : memref<3x2x16xi32, #tpu.memory_space<vmem>> -> memref<1x1x16xi32, #tpu.memory_space<vmem>>
            %dma_start3A_554 = tpu.memref_squeeze %dma_start3A_553 : memref<1x1x16xi32, #tpu.memory_space<vmem>> -> memref<16xi32, #tpu.memory_space<vmem>>
            %dma_start3A_555 = arith.constant 0 : i32
            %dma_start3A_556 = arith.constant 0 : i32
            %dma_start3A_557 = tpu.memref_slice %arg2[%dma_start3A_555, %dma_start3A_556] : memref<50000x32xf32, #tpu.memory_space<hbm>> -> memref<50000x32xf32, #tpu.memory_space<hbm>>
            %dma_start3A_558 = tpu.memref_slice %arg18[%select_n3A_214] : memref<3x!tpu.dma_semaphore, #tpu.memory_space<semaphore_mem>> -> memref<1x!tpu.dma_semaphore, #tpu.memory_space<semaphore_mem>>
            %dma_start3A_559 = tpu.memref_squeeze %dma_start3A_558 : memref<1x!tpu.dma_semaphore, #tpu.memory_space<semaphore_mem>> -> memref<!tpu.dma_semaphore, #tpu.memory_space<semaphore_mem>>
            tpu.enqueue_indirect_dma source(%dma_start3A_557 : memref<50000x32xf32, #tpu.memory_space<hbm>>) target(%dma_start3A_551 : memref<16x32xf32, #tpu.memory_space<vmem>>) offsets(%dma_start3A_554 : memref<16xi32, #tpu.memory_space<vmem>>) semaphore(%dma_start3A_559 : memref<!tpu.dma_semaphore, #tpu.memory_space<semaphore_mem>>)
            %dma_start3A_560 = arith.constant 1 : i32
            %dma_start3A_561 = arith.constant 0 : i32
            %dma_start3A_562 = arith.constant 0 : i32
            %dma_start3A_563 = tpu.memref_slice %arg14[%select_n3A_214, %dma_start3A_561, %dma_start3A_562] : memref<3x16x16xf32, #tpu.memory_space<vmem>> -> memref<1x16x16xf32, #tpu.memory_space<vmem>>
            %dma_start3A_564 = tpu.memref_squeeze %dma_start3A_563 : memref<1x16x16xf32, #tpu.memory_space<vmem>> -> memref<16x16xf32, #tpu.memory_space<vmem>>
            %dma_start3A_565 = arith.constant 0 : i32
            %dma_start3A_566 = tpu.memref_slice %arg12[%select_n3A_214, %dma_start3A_560, %dma_start3A_565] : memref<3x2x16xi32, #tpu.memory_space<vmem>> -> memref<1x1x16xi32, #tpu.memory_space<vmem>>
            %dma_start3A_567 = tpu.memref_squeeze %dma_start3A_566 : memref<1x1x16xi32, #tpu.memory_space<vmem>> -> memref<16xi32, #tpu.memory_space<vmem>>
            %dma_start3A_568 = arith.constant 0 : i32
            %dma_start3A_569 = arith.constant 0 : i32
            %dma_start3A_570 = tpu.memref_slice %arg3[%dma_start3A_568, %dma_start3A_569] : memref<50000x16xf32, #tpu.memory_space<hbm>> -> memref<50000x16xf32, #tpu.memory_space<hbm>>
            %dma_start3A_571 = tpu.memref_slice %arg18[%select_n3A_214] : memref<3x!tpu.dma_semaphore, #tpu.memory_space<semaphore_mem>> -> memref<1x!tpu.dma_semaphore, #tpu.memory_space<semaphore_mem>>
            %dma_start3A_572 = tpu.memref_squeeze %dma_start3A_571 : memref<1x!tpu.dma_semaphore, #tpu.memory_space<semaphore_mem>> -> memref<!tpu.dma_semaphore, #tpu.memory_space<semaphore_mem>>
            tpu.enqueue_indirect_dma source(%dma_start3A_570 : memref<50000x16xf32, #tpu.memory_space<hbm>>) target(%dma_start3A_564 : memref<16x16xf32, #tpu.memory_space<vmem>>) offsets(%dma_start3A_567 : memref<16xi32, #tpu.memory_space<vmem>>) semaphore(%dma_start3A_572 : memref<!tpu.dma_semaphore, #tpu.memory_space<semaphore_mem>>)
          } else {
          }
        }
        %ge3A = arith.constant 1 : i32
        %ge3A_189 = arith.cmpi sge, %select_n3A, %ge3A : i32
        %convert_element_type3A_190 = arith.extui %ge3A_189 : i1 to i32
        %cond3A_191 = arith.constant 0 : i32
        %cond3A_192 = arith.cmpi ne, %convert_element_type3A_190, %cond3A_191 : i32
        scf.if %cond3A_192 {
          %add3A_198 = arith.constant 1 : i32
          %add3A_199 = arith.addi %select_n3A, %add3A_198 : i32
          %jit3A_200 = arith.constant 2 : i32
          %eq3A_201 = arith.constant 0 : i32
          %eq3A_202 = arith.cmpi eq, %jit3A_200, %eq3A_201 : i32
          %jit3A_203 = arith.constant 1 : i32
          %select_n3A_204 = arith.select %eq3A_202, %jit3A_203, %jit3A_200 : i32
          %rem3A_205 = arith.remsi %add3A_199, %select_n3A_204 : i32
          %ne3A_206 = arith.constant 0 : i32
          %ne3A_207 = arith.cmpi ne, %rem3A_205, %ne3A_206 : i32
          %lt3A_208 = arith.constant 0 : i32
          %lt3A_209 = arith.cmpi slt, %rem3A_205, %lt3A_208 : i32
          %lt3A_210 = arith.constant 0 : i32
          %lt3A_211 = arith.cmpi slt, %select_n3A_204, %lt3A_210 : i32
          %ne3A_212 = arith.xori %lt3A_209, %lt3A_211 : i1
          %and3A_213 = arith.andi %ne3A_212, %ne3A_207 : i1
          %add3A_214 = arith.addi %rem3A_205, %select_n3A_204 : i32
          %select_n3A_215 = arith.select %and3A_213, %add3A_214, %rem3A_205 : i32
          %dma_wait3A_216 = arith.constant 0 : i32
          %dma_wait3A_217 = arith.constant 0 : i32
          %dma_wait3A_218 = arith.constant 0 : i32
          %dma_wait3A_219 = arith.constant 0 : i32
          %dma_wait3A_220 = tpu.memref_slice %arg16[%dma_wait3A_216, %dma_wait3A_218, %dma_wait3A_219] : memref<2x16x352xf32, #tpu.memory_space<vmem>> -> memref<1x16x352xf32, #tpu.memory_space<vmem>>
          %dma_wait3A_221 = tpu.memref_squeeze %dma_wait3A_220 : memref<1x16x352xf32, #tpu.memory_space<vmem>> -> memref<16x352xf32, #tpu.memory_space<vmem>>
          %dma_wait3A_222 = arith.constant 0 : i32
          %dma_wait3A_223 = tpu.memref_slice %arg11[%dma_wait3A_217, %dma_wait3A_222] : memref<2x16xi32, #tpu.memory_space<vmem>> -> memref<1x16xi32, #tpu.memory_space<vmem>>
          %dma_wait3A_224 = tpu.memref_squeeze %dma_wait3A_223 : memref<1x16xi32, #tpu.memory_space<vmem>> -> memref<16xi32, #tpu.memory_space<vmem>>
          %dma_wait3A_225 = arith.constant 0 : i32
          %dma_wait3A_226 = arith.constant 0 : i32
          %dma_wait3A_227 = tpu.memref_slice %arg6[%dma_wait3A_225, %dma_wait3A_226] : memref<5120x352xf32, #tpu.memory_space<vmem_shared>> -> memref<5120x352xf32, #tpu.memory_space<vmem_shared>>
          %dma_wait3A_228 = tpu.memref_slice %arg19[%select_n3A_215] : memref<2x!tpu.dma_semaphore, #tpu.memory_space<semaphore_mem>> -> memref<1x!tpu.dma_semaphore, #tpu.memory_space<semaphore_mem>>
          %dma_wait3A_229 = tpu.memref_squeeze %dma_wait3A_228 : memref<1x!tpu.dma_semaphore, #tpu.memory_space<semaphore_mem>> -> memref<!tpu.dma_semaphore, #tpu.memory_space<semaphore_mem>>
          tpu.wait_indirect_dma semaphore(%dma_wait3A_229 : memref<!tpu.dma_semaphore, #tpu.memory_space<semaphore_mem>>) src(%dma_wait3A_221 : memref<16x352xf32, #tpu.memory_space<vmem>>) dst(%dma_wait3A_227 : memref<5120x352xf32, #tpu.memory_space<vmem_shared>>)
        } else {
        }
        %ge3A_193 = arith.constant 2 : i32
        %ge3A_194 = arith.cmpi sge, %select_n3A, %ge3A_193 : i32
        %convert_element_type3A_195 = arith.extui %ge3A_194 : i1 to i32
        %cond3A_196 = arith.constant 0 : i32
        %cond3A_197 = arith.cmpi ne, %convert_element_type3A_195, %cond3A_196 : i32
        scf.if %cond3A_197 {
          %jit3A_198 = arith.constant 2 : i32
          %eq3A_199 = arith.constant 0 : i32
          %eq3A_200 = arith.cmpi eq, %jit3A_198, %eq3A_199 : i32
          %jit3A_201 = arith.constant 1 : i32
          %select_n3A_202 = arith.select %eq3A_200, %jit3A_201, %jit3A_198 : i32
          %rem3A_203 = arith.remsi %select_n3A, %select_n3A_202 : i32
          %ne3A_204 = arith.constant 0 : i32
          %ne3A_205 = arith.cmpi ne, %rem3A_203, %ne3A_204 : i32
          %lt3A_206 = arith.constant 0 : i32
          %lt3A_207 = arith.cmpi slt, %rem3A_203, %lt3A_206 : i32
          %lt3A_208 = arith.constant 0 : i32
          %lt3A_209 = arith.cmpi slt, %select_n3A_202, %lt3A_208 : i32
          %ne3A_210 = arith.xori %lt3A_207, %lt3A_209 : i1
          %and3A_211 = arith.andi %ne3A_210, %ne3A_205 : i1
          %add3A_212 = arith.addi %rem3A_203, %select_n3A_202 : i32
          %select_n3A_213 = arith.select %and3A_211, %add3A_212, %rem3A_203 : i32
          %dma_wait3A_214 = arith.constant 1 : i32
          %dma_wait3A_215 = arith.constant 1 : i32
          %dma_wait3A_216 = arith.constant 0 : i32
          %dma_wait3A_217 = arith.constant 0 : i32
          %dma_wait3A_218 = tpu.memref_slice %arg16[%dma_wait3A_214, %dma_wait3A_216, %dma_wait3A_217] : memref<2x16x352xf32, #tpu.memory_space<vmem>> -> memref<1x16x352xf32, #tpu.memory_space<vmem>>
          %dma_wait3A_219 = tpu.memref_squeeze %dma_wait3A_218 : memref<1x16x352xf32, #tpu.memory_space<vmem>> -> memref<16x352xf32, #tpu.memory_space<vmem>>
          %dma_wait3A_220 = arith.constant 0 : i32
          %dma_wait3A_221 = tpu.memref_slice %arg11[%dma_wait3A_215, %dma_wait3A_220] : memref<2x16xi32, #tpu.memory_space<vmem>> -> memref<1x16xi32, #tpu.memory_space<vmem>>
          %dma_wait3A_222 = tpu.memref_squeeze %dma_wait3A_221 : memref<1x16xi32, #tpu.memory_space<vmem>> -> memref<16xi32, #tpu.memory_space<vmem>>
          %dma_wait3A_223 = arith.constant 0 : i32
          %dma_wait3A_224 = arith.constant 0 : i32
          %dma_wait3A_225 = tpu.memref_slice %arg6[%dma_wait3A_223, %dma_wait3A_224] : memref<5120x352xf32, #tpu.memory_space<vmem_shared>> -> memref<5120x352xf32, #tpu.memory_space<vmem_shared>>
          %dma_wait3A_226 = tpu.memref_slice %arg19[%select_n3A_213] : memref<2x!tpu.dma_semaphore, #tpu.memory_space<semaphore_mem>> -> memref<1x!tpu.dma_semaphore, #tpu.memory_space<semaphore_mem>>
          %dma_wait3A_227 = tpu.memref_squeeze %dma_wait3A_226 : memref<1x!tpu.dma_semaphore, #tpu.memory_space<semaphore_mem>> -> memref<!tpu.dma_semaphore, #tpu.memory_space<semaphore_mem>>
          tpu.wait_indirect_dma semaphore(%dma_wait3A_227 : memref<!tpu.dma_semaphore, #tpu.memory_space<semaphore_mem>>) src(%dma_wait3A_219 : memref<16x352xf32, #tpu.memory_space<vmem>>) dst(%dma_wait3A_225 : memref<5120x352xf32, #tpu.memory_space<vmem_shared>>)
        } else {
        }
      }
      %scan3A_101 = arith.constant 50 : i32
      %barrier3A_102 = arith.constant 0 : index
      tpu.barrier barrier_id(%barrier3A_102)
      %mul3A_103 = arith.constant 312 : i32
      %mul3A_104 = arith.muli %arg1, %mul3A_103 : i32
      %add3A_105 = arith.addi %mul3A_9, %mul3A_104 : i32
      "tpu.region"() ({
        %run_scoped3A_109 = tpu.sem_alloc : memref<!tpu.dma_semaphore, #tpu.memory_space<semaphore_mem>>
        %dma_start3A_110 = arith.constant 0 : i32
        %dma_start3A_111 = tpu.memref_slice %arg5[%add3A_105, %dma_start3A_110] : memref<50000x352xf32, #tpu.memory_space<hbm>> -> memref<312x352xf32, #tpu.memory_space<hbm>>
        %dma_start3A_112 = arith.constant 0 : i32
        %dma_start3A_113 = tpu.memref_slice %arg6[%mul3A_104, %dma_start3A_112] : memref<5120x352xf32, #tpu.memory_space<vmem_shared>> -> memref<312x352xf32, #tpu.memory_space<vmem_shared>>
        tpu.enqueue_dma source(%dma_start3A_113 : memref<312x352xf32, #tpu.memory_space<vmem_shared>>) target(%dma_start3A_111 : memref<312x352xf32, #tpu.memory_space<hbm>>) target_semaphore(%run_scoped3A_109 : memref<!tpu.dma_semaphore, #tpu.memory_space<semaphore_mem>>)
        %dma_wait3A = arith.constant 0 : i32
        %dma_wait3A_114 = tpu.memref_slice %arg5[%add3A_105, %dma_wait3A] : memref<50000x352xf32, #tpu.memory_space<hbm>> -> memref<312x352xf32, #tpu.memory_space<hbm>>
        %dma_wait3A_115 = arith.constant 0 : i32
        %dma_wait3A_116 = tpu.memref_slice %arg6[%mul3A_104, %dma_wait3A_115] : memref<5120x352xf32, #tpu.memory_space<vmem_shared>> -> memref<312x352xf32, #tpu.memory_space<vmem_shared>>
        tpu.wait_dma2 semaphore(%run_scoped3A_109 : memref<!tpu.dma_semaphore, #tpu.memory_space<semaphore_mem>>) src(%dma_wait3A_116 : memref<312x352xf32, #tpu.memory_space<vmem_shared>>) dst(%dma_wait3A_114 : memref<312x352xf32, #tpu.memory_space<hbm>>)
        tpu.yield
      }) : () -> ()
      %eq3A = arith.constant 0 : i32
      %eq3A_106 = arith.cmpi eq, %arg1, %eq3A : i32
      %convert_element_type3A = arith.extui %eq3A_106 : i1 to i32
      %cond3A = arith.constant 0 : i32
      %cond3A_107 = arith.cmpi ne, %convert_element_type3A, %cond3A : i32
      scf.if %cond3A_107 {
        %add3A_109 = arith.constant 4992 : i32
        %add3A_110 = arith.addi %mul3A_9, %add3A_109 : i32
        "tpu.region"() ({
          %run_scoped3A_111 = tpu.sem_alloc : memref<!tpu.dma_semaphore, #tpu.memory_space<semaphore_mem>>
          %dma_start3A_112 = arith.constant 0 : i32
          %dma_start3A_113 = tpu.memref_slice %arg5[%add3A_110, %dma_start3A_112] : memref<50000x352xf32, #tpu.memory_space<hbm>> -> memref<8x352xf32, #tpu.memory_space<hbm>>
          %dma_start3A_114 = arith.constant 4992 : i32
          %dma_start3A_115 = arith.constant 0 : i32
          %dma_start3A_116 = tpu.memref_slice %arg6[%dma_start3A_114, %dma_start3A_115] : memref<5120x352xf32, #tpu.memory_space<vmem_shared>> -> memref<8x352xf32, #tpu.memory_space<vmem_shared>>
          tpu.enqueue_dma source(%dma_start3A_116 : memref<8x352xf32, #tpu.memory_space<vmem_shared>>) target(%dma_start3A_113 : memref<8x352xf32, #tpu.memory_space<hbm>>) target_semaphore(%run_scoped3A_111 : memref<!tpu.dma_semaphore, #tpu.memory_space<semaphore_mem>>)
          %dma_wait3A = arith.constant 0 : i32
          %dma_wait3A_117 = tpu.memref_slice %arg5[%add3A_110, %dma_wait3A] : memref<50000x352xf32, #tpu.memory_space<hbm>> -> memref<8x352xf32, #tpu.memory_space<hbm>>
          %dma_wait3A_118 = arith.constant 4992 : i32
          %dma_wait3A_119 = arith.constant 0 : i32
          %dma_wait3A_120 = tpu.memref_slice %arg6[%dma_wait3A_118, %dma_wait3A_119] : memref<5120x352xf32, #tpu.memory_space<vmem_shared>> -> memref<8x352xf32, #tpu.memory_space<vmem_shared>>
          tpu.wait_dma2 semaphore(%run_scoped3A_111 : memref<!tpu.dma_semaphore, #tpu.memory_space<semaphore_mem>>) src(%dma_wait3A_120 : memref<8x352xf32, #tpu.memory_space<vmem_shared>>) dst(%dma_wait3A_117 : memref<8x352xf32, #tpu.memory_space<hbm>>)
          tpu.yield
        }) : () -> ()
      } else {
      }
      %barrier3A_108 = arith.constant 0 : index
      tpu.barrier barrier_id(%barrier3A_108)
    }
    %scan3A_5 = arith.constant 5 : i32
    return
  }
}

module attributes {stable_mosaic.version = 14 : i64} {
  func.func @_mlp_body(%arg0: i32, %arg1: memref<5000x20xf32, #tpu.memory_space<vmem>>, %arg2: memref<20x20xf32, #tpu.memory_space<vmem>>, %arg3: memref<1x20xf32, #tpu.memory_space<vmem>>, %arg4: memref<20x20xf32, #tpu.memory_space<vmem>>, %arg5: memref<1x20xf32, #tpu.memory_space<vmem>>, %arg6: memref<20x20xf32, #tpu.memory_space<vmem>>, %arg7: memref<1x20xf32, #tpu.memory_space<vmem>>, %arg8: memref<5000x20xf32, #tpu.memory_space<vmem>>) attributes {dimension_semantics = [#tpu.dimension_semantics<arbitrary>], iteration_bounds = array<i64: 10>, scalar_prefetch = 0 : i64, scratch_operands = 0 : i64, tpu.core_type = #tpu.core_type<tc>, window_params = [{transform_indices = @transform_0, window_bounds = array<i64: 5000, 20>}, {pipeline_mode = #tpu.pipeline_mode<synchronous>, transform_indices = @transform_1, window_bounds = array<i64: 20, 20>}, {pipeline_mode = #tpu.pipeline_mode<synchronous>, transform_indices = @transform_2, window_bounds = array<i64: 1, 20>}, {pipeline_mode = #tpu.pipeline_mode<synchronous>, transform_indices = @transform_3, window_bounds = array<i64: 20, 20>}, {pipeline_mode = #tpu.pipeline_mode<synchronous>, transform_indices = @transform_4, window_bounds = array<i64: 1, 20>}, {pipeline_mode = #tpu.pipeline_mode<synchronous>, transform_indices = @transform_5, window_bounds = array<i64: 20, 20>}, {pipeline_mode = #tpu.pipeline_mode<synchronous>, transform_indices = @transform_6, window_bounds = array<i64: 1, 20>}, {transform_indices = @transform_7, window_bounds = array<i64: 5000, 20>}]} {
    %get3A = arith.constant 0 : index
    %get3A_0 = arith.constant 0 : index
    %get3A_1 = vector.load %arg1[%get3A, %get3A_0] : memref<5000x20xf32, #tpu.memory_space<vmem>>, vector<5000x20xf32>
    %get3A_2 = arith.constant 0 : index
    %get3A_3 = arith.constant 0 : index
    %get3A_4 = vector.load %arg2[%get3A_2, %get3A_3] : memref<20x20xf32, #tpu.memory_space<vmem>>, vector<20x20xf32>
    %dot_general3A = arith.constant dense<0.000000e+00> : vector<5000x20xf32>
    %dot_general3A_5 = tpu.matmul %get3A_1, %get3A_4, %dot_general3A {dimension_numbers = #tpu.dot_dimension_numbers<[1], [0], [0], [1], [0, 0, 1, 1], [], []>, transpose_lhs_hint = false} : vector<5000x20xf32>, vector<20x20xf32>, vector<5000x20xf32> -> vector<5000x20xf32>
    %get3A_6 = arith.constant 0 : index
    %get3A_7 = arith.constant 0 : index
    %get3A_8 = vector.load %arg3[%get3A_6, %get3A_7] : memref<1x20xf32, #tpu.memory_space<vmem>>, vector<1x20xf32>
    %add3A = vector.broadcast %get3A_8 : vector<1x20xf32> to vector<5000x20xf32>
    %add3A_9 = arith.addf %dot_general3A_5, %add3A : vector<5000x20xf32>
    %max3A = arith.constant 0.000000e+00 : f32
    %max3A_10 = vector.broadcast %max3A : f32 to vector<5000x20xf32>
    %max3A_11 = arith.maximumf %add3A_9, %max3A_10 : vector<5000x20xf32>
    %get3A_12 = arith.constant 0 : index
    %get3A_13 = arith.constant 0 : index
    %get3A_14 = vector.load %arg4[%get3A_12, %get3A_13] : memref<20x20xf32, #tpu.memory_space<vmem>>, vector<20x20xf32>
    %dot_general3A_15 = arith.constant dense<0.000000e+00> : vector<5000x20xf32>
    %dot_general3A_16 = tpu.matmul %max3A_11, %get3A_14, %dot_general3A_15 {dimension_numbers = #tpu.dot_dimension_numbers<[1], [0], [0], [1], [0, 0, 1, 1], [], []>, transpose_lhs_hint = false} : vector<5000x20xf32>, vector<20x20xf32>, vector<5000x20xf32> -> vector<5000x20xf32>
    %get3A_17 = arith.constant 0 : index
    %get3A_18 = arith.constant 0 : index
    %get3A_19 = vector.load %arg5[%get3A_17, %get3A_18] : memref<1x20xf32, #tpu.memory_space<vmem>>, vector<1x20xf32>
    %add3A_20 = vector.broadcast %get3A_19 : vector<1x20xf32> to vector<5000x20xf32>
    %add3A_21 = arith.addf %dot_general3A_16, %add3A_20 : vector<5000x20xf32>
    %get3A_22 = arith.constant 0 : index
    %get3A_23 = arith.constant 0 : index
    %get3A_24 = vector.load %arg6[%get3A_22, %get3A_23] : memref<20x20xf32, #tpu.memory_space<vmem>>, vector<20x20xf32>
    %dot_general3A_25 = arith.constant dense<0.000000e+00> : vector<5000x20xf32>
    %dot_general3A_26 = tpu.matmul %get3A_1, %get3A_24, %dot_general3A_25 {dimension_numbers = #tpu.dot_dimension_numbers<[1], [0], [0], [1], [0, 0, 1, 1], [], []>, transpose_lhs_hint = false} : vector<5000x20xf32>, vector<20x20xf32>, vector<5000x20xf32> -> vector<5000x20xf32>
    %add3A_27 = arith.addf %add3A_21, %dot_general3A_26 : vector<5000x20xf32>
    %get3A_28 = arith.constant 0 : index
    %get3A_29 = arith.constant 0 : index
    %get3A_30 = vector.load %arg7[%get3A_28, %get3A_29] : memref<1x20xf32, #tpu.memory_space<vmem>>, vector<1x20xf32>
    %add3A_31 = vector.broadcast %get3A_30 : vector<1x20xf32> to vector<5000x20xf32>
    %add3A_32 = arith.addf %add3A_27, %add3A_31 : vector<5000x20xf32>
    %swap3A = arith.constant 0 : index
    %swap3A_33 = arith.constant 0 : index
    %swap3A_34 = vector.load %arg8[%swap3A, %swap3A_33] : memref<5000x20xf32, #tpu.memory_space<vmem>>, vector<5000x20xf32>
    tpu.vector_store %arg8[%swap3A, %swap3A_33], %add3A_32 {strides = array<i32>} : memref<5000x20xf32, #tpu.memory_space<vmem>>, vector<5000x20xf32>,
    return
  }
  func.func @transform_0(%arg0: i32) -> (i32, i32) {
    %c0_i32 = arith.constant 0 : i32
    %c0_i32_0 = arith.constant 0 : i32
    return %arg0, %c0_i32 : i32, i32
  }
  func.func @transform_1(%arg0: i32) -> (i32, i32) {
    %c0_i32 = arith.constant 0 : i32
    %c0_i32_0 = arith.constant 0 : i32
    %c0_i32_1 = arith.constant 0 : i32
    return %c0_i32, %c0_i32_0 : i32, i32
  }
  func.func @transform_2(%arg0: i32) -> (i32, i32) {
    %c0_i32 = arith.constant 0 : i32
    %c0_i32_0 = arith.constant 0 : i32
    %c0_i32_1 = arith.constant 0 : i32
    return %c0_i32, %c0_i32_0 : i32, i32
  }
  func.func @transform_3(%arg0: i32) -> (i32, i32) {
    %c0_i32 = arith.constant 0 : i32
    %c0_i32_0 = arith.constant 0 : i32
    %c0_i32_1 = arith.constant 0 : i32
    return %c0_i32, %c0_i32_0 : i32, i32
  }
  func.func @transform_4(%arg0: i32) -> (i32, i32) {
    %c0_i32 = arith.constant 0 : i32
    %c0_i32_0 = arith.constant 0 : i32
    %c0_i32_1 = arith.constant 0 : i32
    return %c0_i32, %c0_i32_0 : i32, i32
  }
  func.func @transform_5(%arg0: i32) -> (i32, i32) {
    %c0_i32 = arith.constant 0 : i32
    %c0_i32_0 = arith.constant 0 : i32
    %c0_i32_1 = arith.constant 0 : i32
    return %c0_i32, %c0_i32_0 : i32, i32
  }
  func.func @transform_6(%arg0: i32) -> (i32, i32) {
    %c0_i32 = arith.constant 0 : i32
    %c0_i32_0 = arith.constant 0 : i32
    %c0_i32_1 = arith.constant 0 : i32
    return %c0_i32, %c0_i32_0 : i32, i32
  }
  func.func @transform_7(%arg0: i32) -> (i32, i32) {
    %c0_i32 = arith.constant 0 : i32
    %c0_i32_0 = arith.constant 0 : i32
    return %arg0, %c0_i32 : i32, i32
  }
}

</mosaic_0001>

<sc_bundles>
// kernel: kernel.4.cloned.1.call-start
scs
__scs_entry_jumppad:
0x0: {  	(pc) =	sbr.rel $0x88, $3  }
0x1: {  	(tag) =	ssettag $0x0;
	lr =	simm.s32 $0x1  }
0x2: {  	[smem:$0x3F98] =	sst lr;
	_ =	strace $0xD0000000  }
0x3: {  	_ = 	snop  }
0x4: {  	_ = 	snop  }
0x5: {  	_ = 	snop  }
0x6: {  	_ = 	snop  }
0x7: {  	_ = 	snop  }
__scs_overlays_trampoline_lowered:
0x8: {  	[smem:$0x3FA7] =	sst s0  }
0x9: {  	[smem:$0x3FA8] =	sst s1  }
0xa: {  	[smem:$0x3FA9] =	sst s2  }
0xb: {  	[smem:$0x3FAA] =	sst s3  }
0xc: {  	[smem:$0x3FAB] =	sst s4  }
0xd: {  	[smem:$0x3FAC] =	sst s5  }
0xe: {  	[smem:$0x3FAD] =	sst s6  }
0xf: {  	[smem:$0x3FAE] =	sst s7  }
0x10: {  	[smem:$0x3FAF] =	sst s8  }
0x11: {  	[smem:$0x3FB0] =	sst s9;
	s0 =	simm.s32 @!p0 $0x0  }
0x12: {  	s1 =	sld [smem:$0x3F96];
	s0 =	simm.s32 @p0 $0x1  }
0x13: {  	[smem:$0x3FB1] =	sst s0;
	s0 =	simm.s32 @!p1 $0x0  }
0x14: {  	s2 =	sld [smem:$0x3F95];
	s0 =	simm.s32 @p1 $0x1  }
0x15: {  	[smem:$0x3FB2] =	sst s0;
	s0 =	simm.s32 @!p2 $0x0  }
0x16: {  	s3 =	sld [smem:$0x3FDB];
	s0 =	simm.s32 @p2 $0x1  }
0x17: {  	s4 =	simm.s32 $0x1BF5;
	[smem:$0x3FB4] =	sst s0  }
0x18: {  	s0 =	sld [smem:$0x3F97];
	_ =	swait.ge [sflag:s4], $0x0  }
0x19: {  	s7 =	sld [smem:$0x3F98]  }
0x1a: {  	s8 =	sadd.s32 $0xFFFFE003, lr  }
0x1b: {  	s9 =	sadd.s32 $0xFFFFFEF7, lr;
	s5 =	simm.s32 $0xFFFFFFFF;
	p2 =	slt.u32 s8, $0xFFFFF086  }
0x1c: {  	p1 =	slt.u32 s9, $0xF7A;
	s5 =	simm.s32 @!p2 $0x0  }
0x1d: {  	s5 =	simm.s32 @p1 $0x1;
	p0 =	seq.s32 s7, s2  }
0x1e: {  	s7 =	smul.u32 @!p0 $0xF7A, s2;
	p2 =	seq.s32 @!p0 s5, $0x0  }
0x1f: {  	s9 =	smul.u32 $0xF7A, s1;
	s8 =	simm.s32 @!p0 $0x1BF5;
	p2 =	por !p2, p0  }
0x20: {  	[sflag:s8] =	ssyncset.s32 @!p0 $0xFFFFF086;
	s6 =	sadd.s32 @!p0 s3, s7;
	s7 =	simm.s32 @!p0 $0x108  }
0x21: {  	s3 =	sadd.s32 s3, s9;
	s6 =	sadd.s32 @!p0 $0x88, s6;
	s7 =	simm.s32 @p2 $0x1082  }
0x22: {  	[simem:s7], [sflag:s8] =	dma.local @!p0 [hbm:s6], $0xF7A  }
0x23: {  	s9 =	sor.u32 $0xD0000000, s2;
	s6 =	simm.s32 $0x108;
	_ =	swait.ge @!p0 [sflag:s8], $0x0  }
0x24: {  	s3 =	sadd.s32 $0x88, s3;
	s6 =	simm.s32 @!p1 $0x1082;
	[sflag:s4] =	ssyncset.s32 $0xFFFFF086  }
0x25: {  	[simem:s6], [sflag:s4] =	dma.local [hbm:s3], $0xF7A  }
0x26: {  	[smem:$0x3F98] =	sst s1;
	(tag) =	ssettag s2;
	_ =	strace s9  }
0x27: {  	s1 =	sld [smem:$0x3FA8]  }
0x28: {  	s2 =	sld [smem:$0x3FA9]  }
0x29: {  	s4 =	sld [smem:$0x3FAB]  }
0x2a: {  	p0 =	seq.s32 s5, $0x0;
	s5 =	sld [smem:$0x3FAC]  }
0x2b: {  	s6 =	sld [smem:$0x3FAD]  }
0x2c: {  	s7 =	sld [smem:$0x3FAE]  }
0x2d: {  	s3 =	simm.s32 $0x108;
	s8 =	sld [smem:$0x3FAF]  }
0x2e: {  	s3 =	simm.s32 @!p0 $0x1082;
	s9 =	sld [smem:$0x3FB0]  }
0x2f: {  	lr =	sadd.s32 s0, s3;
	s0 =	sld [smem:$0x3FA7]  }
0x30: {  	s3 =	sld [smem:$0x3FAA]  }
0x31: {  	[smem:$0x3FB3] =	sst s10  }
0x32: {  	s10 =	sld [smem:$0x3FB1];
	_ =	sdelay $0x3  }
0x33: {  	p0 =	seq.s32 s10, $0x1;
	s10 =	sld [smem:$0x3FB3];
	_ =	sdelay $0x3  }
0x34: {  	[smem:$0x3FB3] =	sst s10  }
0x35: {  	s10 =	sld [smem:$0x3FB2];
	_ =	sdelay $0x3  }
0x36: {  	p1 =	seq.s32 s10, $0x1;
	s10 =	sld [smem:$0x3FB3];
	_ =	sdelay $0x3  }
0x37: {  	[smem:$0x3FB3] =	sst s10  }
0x38: {  	s10 =	sld [smem:$0x3FB4]  }
0x39: {  	_ = 	snop;
	(pc) =	sbr.ind lr, $3  }
0x3a: {  	_ = 	snop  }
0x3b: {  	_ = 	snop  }
0x3c: {  	p2 =	seq.s32 s10, $0x1;
	s10 =	sld [smem:$0x3FB3]  }
0x3d: {  	_ =	shalt  }
0x3e: {  	_ =	shalt  }
0x3f: {  	_ =	shalt  }
0x40: {  	_ =	shalt  }
0x41: {  	_ =	shalt  }
0x42: {  	_ =	shalt  }
0x43: {  	_ =	shalt  }
0x44: {  	_ =	shalt  }
0x45: {  	_ =	shalt  }
0x46: {  	_ =	shalt  }
0x47: {  	_ =	shalt  }
0x48: {  	_ =	shalt  }
0x49: {  	_ =	shalt  }
0x4a: {  	_ =	shalt  }
0x4b: {  	_ =	shalt  }
0x4c: {  	_ =	shalt  }
0x4d: {  	_ =	shalt  }
0x4e: {  	_ =	shalt  }
0x4f: {  	_ =	shalt  }
0x50: {  	_ =	shalt  }
0x51: {  	_ =	shalt  }
0x52: {  	_ =	shalt  }
0x53: {  	_ =	shalt  }
0x54: {  	_ =	shalt  }
0x55: {  	_ =	shalt  }
0x56: {  	_ =	shalt  }
0x57: {  	_ =	shalt  }
0x58: {  	_ =	shalt  }
0x59: {  	_ =	shalt  }
0x5a: {  	_ =	shalt  }
0x5b: {  	_ =	shalt  }
0x5c: {  	_ =	shalt  }
0x5d: {  	_ =	shalt  }
0x5e: {  	_ =	shalt  }
0x5f: {  	_ =	shalt  }
0x60: {  	_ =	shalt  }
0x61: {  	_ =	shalt  }
0x62: {  	_ =	shalt  }
0x63: {  	_ =	shalt  }
0x64: {  	_ =	shalt  }
0x65: {  	_ =	shalt  }
0x66: {  	_ =	shalt  }
0x67: {  	_ =	shalt  }
0x68: {  	_ =	shalt  }
0x69: {  	_ =	shalt  }
0x6a: {  	_ =	shalt  }
0x6b: {  	_ =	shalt  }
0x6c: {  	_ =	shalt  }
0x6d: {  	_ =	shalt  }
0x6e: {  	_ =	shalt  }
0x6f: {  	_ =	shalt  }
0x70: {  	_ =	shalt  }
0x71: {  	_ =	shalt  }
0x72: {  	_ =	shalt  }
0x73: {  	_ =	shalt  }
0x74: {  	_ =	shalt  }
0x75: {  	_ =	shalt  }
0x76: {  	_ =	shalt  }
0x77: {  	_ =	shalt  }
0x78: {  	_ =	shalt  }
0x79: {  	_ =	shalt  }
0x7a: {  	_ =	shalt  }
0x7b: {  	_ =	shalt  }
0x7c: {  	_ =	shalt  }
0x7d: {  	_ =	shalt  }
0x7e: {  	_ =	shalt  }
0x7f: {  	_ =	shalt  }
0x80: {  	_ =	shalt  }
0x81: {  	_ =	shalt  }
0x82: {  	_ =	shalt  }
0x83: {  	_ =	shalt  }
0x84: {  	_ =	shalt  }
0x85: {  	_ =	shalt  }
0x86: {  	_ =	shalt  }
0x87: {  	_ =	shalt  }
.Lfunc_end0:
.L_simem_size_0:
called_computation.1_lowered:
.L_overlay_start_0:
0x88: {  	s2 =	sld [smem:$0x3FD9]  }
0x89: {  	s3 =	sld [smem:$0x3FFE];
	_ =	sdelay $0x1  }
0x8a: {  	s1 =	srdreg.scid  }
0x8b: {  	s0 =	sand.u32 $0x1, s1  }
0x8c: {  	s14 =	sshll.u32 s0, $0xA;
	s2 =	sadd.s32 s3, s2  }
0x8d: {  	s2 =	sadd.s32 s2, s14  }
0x8e: {  	[smem:$0x3FBF] =	sst s2  }
0x8f: {  	_ = 	snop  }
0x90: {  	s2 =	sld [smem:$0x3FD0];
	_ =	sdelay $0x2  }
0x91: {  	s15 =	simm.s32 $0xA;
	s4 =	simm.s32 $0x10  }
0x92: {  	[smem:s4], [sflag:s15] =	dma.local [hbm:s2], $0x1  }
0x93: {  	_ =	swait.eq [sflag:s15], $0x1  }
0x94: {  	[sflag:s15] =	ssyncset.done $0x0  }
0x95: {  	s16 =	sld [smem:$0x10];
	[sflag:s15] =	ssyncadd.s32 $0xFFFFFFFF  }
0x96: {  	s17 =	sld [smem:$0x11];
	(tm) =	ssettm $0x1  }
0x97: {  	s18 =	sld [smem:$0x3FFB];
	_ =	sdelay $0x3  }
0x98: {  	_ =	strace s18  }
0x99: {  	s4 =	sld [smem:$0x3FFC];
	_ =	sdelay $0x3  }
0x9a: {  	_ =	strace s4  }
0x9b: {  	s4 =	sld [smem:$0x3FFD];
	_ =	sdelay $0x3  }
0x9c: {  	_ =	strace s4  }
0x9d: {  	_ =	strace $0x8FFFFFFF  }
0x9e: {  	s19 =	sld [smem:$0x3FDB];
	_ =	sdelay $0x1  }
0x9f: {  	s5 =	simm.s32 $_scs_section_size  }
0xa0: {  	s6 =	simm.s32 $_size__tile_overlayer_lowered;
	s7 =	simm.s32 $_tile_overlayer_lowered  }
0xa1: {  	s22 =	simm.s32 $0x1BFF;
	s21 =	sshll.u32 s7, $0x1;
	s4 =	sadd.s32 s5, s19  }
0xa2: {  	s8 =	simm.s32 $0x0;
	s20 =	sshll.u32 s6, $0x1;
	s6 =	sadd.s32 s21, s4  }
0xa3: {  	[timem:s8], [sflag:s22] =	dma.local [hbm:s6], s20  }
0xa4: {  	_ =	swait.ge [sflag:s22], s20  }
0xa5: {  	s5 =	ssub.s32 $0x0, s20;
	[sflag:s22] =	ssyncset.done $0x0  }
0xa6: {  	[sflag:s22] =	ssyncadd.s32 s5;
	_ =	sdelay $0x1  }
0xa7: {  	s23 =	simm.s32 $0x1B8B  }
0xa8: {  	_ =	swait.ge [sflag:s23], $0x1  }
0xa9: {  	[sflag:s23] =	ssyncset.done $0x0  }
0xaa: {  	s25 =	simm.s32 $0x1B8E;
	s24 =	sld [smem:$0x3FFE];
	[sflag:s23] =	ssyncadd.s32 $0xFFFFFFFF  }
0xab: {  	s26 =	simm.s32 $execute0_lowered;
	[smem:$0x3FD2] =	sst s25  }
0xac: {  	s6 =	sshll.u32 s26, $0x1;
	_ =	strace $0x80000046;
	[dreg:$0x1] =	wrdreg $0xFFFFFFFF  }
0xad: {  	s28 =	simm.s32 $_size_execute0_lowered;
	s4 =	sadd.s32 s4, s6;
	[dreg:$0x0] =	wrdreg $0x0  }
0xae: {  	s6 =	sshll.u32 s28, $0x1;
	[dreg:$0x2] =	wrdreg s4  }
0xaf: {  	[dreg:$0x3] =	wrdreg s6  }
0xb0: {  	[dreg:$0x4] =	wrdreg $0xC0  }
0xb1: {  	_ =	task [dreg:s8], $0x5FFFF  }
0xb2: {  	[dreg:$0x1] =	wrdreg $0xFFFFFFFF  }
0xb3: {  	[dreg:$0x0] =	wrdreg $0x60  }
0xb4: {  	[dreg:$0x2] =	wrdreg s17  }
0xb5: {  	[dreg:$0x3] =	wrdreg s16  }
0xb6: {  	[dreg:$0x4] =	wrdreg s24  }
0xb7: {  	[dreg:$0x5] =	wrdreg $0x0  }
0xb8: {  	[dreg:$0x6] =	wrdreg $0x9  }
0xb9: {  	_ =	task.clear_ibuf [dreg:s8], $0x7FFFF;
	_ =	strace $0x90000046  }
0xba: {  	s29 =	simm.s32 $0x9;
	_ =	strace $0x80000048  }
0xbb: {  	_ =	swait.ge [sflag:s29], $0x1  }
0xbc: {  	[sflag:s29] =	ssyncadd.s32 $0xFFFFFFFF  }
0xbd: {  	_ =	strace $0x90000048  }
0xbe: {  	_ =	sfence  }
0xbf: {  	s30 =	sld [smem:$0x0];
	_ =	sdelay $0x2  }
0xc0: {  	s31 =	sshll.u32 s1, $0xD;
	s1 =	sshrl.u32 s1, $0x2  }
0xc1: {  	s3 =	sand.u32 $0x4000, s31;
	s1 =	sadd.s32 s1, s30  }
0xc2: {  	s0 =	sor.u32 s3, s0;
	s1 =	sshll.u32 s1, $0x11  }
0xc3: {  	s0 =	sor.u32 s1, s0  }
0xc4: {  	s0 =	sadd.s32 $0x8F2B, s0  }
0xc5: {  	[sflag:s0] =	ssyncadd.remote.s32 $0x1  }
0xc6: {  	_ =	sfence.sel $0xFFFF  }
0xc7: {  	[dreg:$0x0] =	wrdreg $0xFFFFFFFF;
	(pc) =	sbr.abs _section_cstart, $3  }
0xc8: {  	[dreg:$0x1] =	wrdreg $0xFFFFFFFF  }
0xc9: {  	_ =	task.clear_ibuf [dreg:s8], $0x2FFFF;
	_ =	strace $0x9FFFFFFF  }
0xca: {  	(tm) =	ssettm $0x7FFFFFFF  }
0xcb: {  	_ =	shalt  }
tec
execute0_lowered:
.L_overlay_start_1:
0x0: {  	(tag) =	ssettag $0x1  }
0x1: {  	s1 =	rddreg [dreg:$0x0]  }
0x2: {  	s2 =	rddreg [dreg:$0x1]  }
0x3: {  	s0 =	rddreg [dreg:$0x2]  }
0x4: {  	s3 =	rddreg [dreg:$0x3]  }
0x5: {  	s7 =	simm.s32 $0x0;
	s8 =	stileid.u32;
	s4 =	srdreg.scid  }
0x6: {  	[smem:$0x7FF] =	sst s7;
	s5 =	smul.u32 $0x6E000, s8  }
0x7: {  	s4 =	sand.u32 $0x1, s4;
	s9 =	sadd.s32 $0x1A00, s0;
	s0 =	sadd.s32 $0x32800, s0  }
0x8: {  	s11 =	smul.u32 $0xC350, s8;
	_ =	strace $0x80000047;
	[dreg:$0x7] =	wrdreg s0  }
0x9: {  	s6 =	ssub.s32 $0x2, s4;
	s4 =	smul.u32 $0x5, s4;
	[dreg:$0x6] =	wrdreg s9  }
0xa: {  	s5 =	sshrl.u32 s5, $0x2;
	[dreg:$0x10] =	wrdreg s11  }
0xb: {  	s10 =	sadd.s32 s5, s3;
	[dreg:$0x9] =	wrdreg s4  }
0xc: {  	s26 =	sadd.s32 $0x1600, s10;
	[dreg:$0x8] =	wrdreg s10  }
0xd: {  	s29 =	sadd.s32 $0x2C00, s10;
	[dreg:$0xa] =	wrdreg s26  }
0xe: {  	s30 =	sadd.s32 $0x4200, s10;
	[dreg:$0xb] =	wrdreg s29  }
0xf: {  	s31 =	sadd.s32 $0x5800, s10;
	[dreg:$0xc] =	wrdreg s30  }
0x10: {  	s25 =	sshrl.u32 s6, $0x1;
	s5 =	sadd.s32 $0x6E00, s10;
	[dreg:$0xd] =	wrdreg s31  }
0x11: {  	s0 =	ssub.s32 s6, s25;
	s6 =	sadd.s32 $0x8400, s10;
	[dreg:$0xe] =	wrdreg s5  }
0x12: {  	s12 =	sadd.s32 $0x9A00, s10;
	[dreg:$0xf] =	wrdreg s6  }
0x13: {  	s13 =	sadd.s32 $0xB000, s10;
	[dreg:$0x11] =	wrdreg s12  }
0x14: {  	s15 =	sadd.s32 $0xC600, s10;
	[dreg:$0x12] =	wrdreg s13  }
0x15: {  	s16 =	sadd.s32 $0xDC00, s10;
	[dreg:$0x13] =	wrdreg s15  }
0x16: {  	s28 =	simm.s32 $0x0;
	s17 =	sadd.s32 $0xF200, s10;
	[dreg:$0x14] =	wrdreg s16  }
0x17: {  	s14 =	smul.u32 $0x6B400, s8;
	s0 =	smax.u32 s0, $0x1;
	[dreg:$0x15] =	wrdreg s17  }
0x18: {  	p0 =	sne.s32 s8, $0x0;
	s20 =	sadd.s32 $0x10800, s10;
	[dreg:$0x17] =	wrdreg s0  }
0x19: {  	s4 =	sshrl.u32 s14, $0x2;
	s21 =	sadd.s32 $0x11E00, s10;
	[dreg:$0x1a] =	wrdreg s20  }
0x1a: {  	s14 =	simm.s32 $0x1C3F8;
	s22 =	sadd.s32 $0x13400, s10;
	[dreg:$0x1b] =	wrdreg s21  }
0x1b: {  	s4 =	sadd.s32 s4, s3;
	s23 =	sadd.s32 $0x14A00, s10;
	[dreg:$0x1c] =	wrdreg s22  }
0x1c: {  	s24 =	sadd.s32 $0x16000, s10;
	s25 =	sadd.s32 $0x17600, s10;
	[dreg:$0x1d] =	wrdreg s23  }
0x1d: {  	s5 =	sshrl.u32 s11, $0x3;
	s19 =	sshrl.u32 s4, $0x3;
	[dreg:$0x1e] =	wrdreg s24  }
0x1e: {  	[dreg:$0x1f] =	wrdreg s25;
	s26 =	sadd.s32 $0x18C00, s10;
	s29 =	sadd.s32 $0x1A200, s10  }
0x1f: {  	s31 =	smul.u32 $0x138, s8;
	s8 =	simm.s32 $0x7;
	[dreg:$0x18] =	wrdreg s19  }
0x20: {  	s12 =	simm.s32 $0x1;
	s13 =	simm.s32 $0x1BFF0;
	[smem:$0x7FA] =	sst s26  }
.Ltmp0:
0x21: {  	v0 =	vlaneseq.u32;
	s18 =	sadd.s32 s9, s5;
	[smem:$0x7FB] =	sst s29;
	(pc) =	sbr.rel .LBB2_1-.Ltmp0, $4  }
0x22: {  	v1 =	vimm.f32 $0.0e+00;
	v2 =	vmul.u32 $0xFFFFFFFF, v0;
	v7 =	vmul.u32 $0x20, v0;
	s15 =	simm.s32 $0x10;
	s5 =	sadd.s32 $0x1AD000, s3;
	[dreg:$0x16] =	wrdreg s18  }
0x23: {  	v3 =	vimm.s32 $0x0;
	v10 =	vimm.f32 $2.820948060e-01;
	v4 =	vmul.u32 $0x10, v0;
	s17 =	simm.s32 $0x1C880;
	s0 =	sshrl.u32 @!p0 s5, $0x3;
	[smem:$0x7FD] =	sst s31  }
0x24: {  	v2 =	vadd.s32 $0x3E8, v2;
	v5 =	vor.u32 $0x14, v7;
	v6 =	vor.u32 $0x15, v7;
	s22 =	simm.s32 $0x0;
	s30 =	sadd.s32 $0x186A0, s18;
	[dreg:$0x19] =	wrdreg s0  }
0x25: {  	v7 =	vor.u32 $0x16, v7;
	v8 =	vor.u32 $0x1, v4;
	v9 =	vor.u32 $0x2, v4;
	s19 =	simm.s32 $0x1D180;
	s18 =	simm.s32 $0x1CE80;
	[smem:$0x7FC] =	sst s30  }
.LBB2_20:
0x26: {  	s7 =	rddreg [dreg:$0x5]  }
0x27: {  	s0 =	rddreg [dreg:$0x17];
	s7 =	sadd.s32 $0x1, s7  }
0x28: {  	p1 =	sne.s32 s7, s0  }
.Ltmp1:
0x29: {  	_ = 	snop;
	(pc) =	sbr.rel @!p1 .LBB2_21-.Ltmp1, $1  }
0x2a: {  	_ =	sdelay $0x3  }
.LBB2_1:
.Ltmp2:
0x2b: {  	(pc) =	sbr.rel .LBB2_2-.Ltmp2, $2  }
0x2c: {  	_ =	sdelay $0x2  }
0x2d: {  	[dreg:$0x5] =	wrdreg s7;
	s5 =	simm.s32 $0x0  }
.LBB2_19:
0x2e: {  	s0 =	sld [smem:$0x7FD]  }
0x2f: {  	s4 =	sld [smem:$0x7F9];
	_ =	sdelay $0x1  }
0x30: {  	[bflag:$0x0] =	sbarrier.arrive $0xFFFF  }
0x31: {  	s30 =	stileid.u32;
	s5 =	sld [smem:$0x7F8];
	s0 =	sadd.s32 s0, s4  }
0x32: {  	s6 =	rddreg [dreg:$0x7];
	s0 =	smul.u32 $0x2C, s0  }
0x33: {  	s8 =	simm.s32 $0x7;
	s7 =	rddreg [dreg:$0x18];
	s4 =	sshll.u32 s30, $0x6  }
0x34: {  	s4 =	sor.u32 $0x1C07, s4;
	s5 =	smul.u32 @!p0 $0x1ADB00, s5;
	s0 =	sadd.s32 s6, s0  }
0x35: {  	[hbm:s0], [sflag:s4] =	dma.local [spmem:s7], $0x35A0  }
0x36: {  	s0 =	sshrl.u32 @!p0 s5, $0x3;
	_ =	swait.ge [sflag:s8], $0x35A0  }
0x37: {  	s0 =	sadd.s32 @!p0 s6, s0;
	[sflag:s8] =	ssyncset.done $0x0  }
0x38: {  	s0 =	sadd.s32 @!p0 $0x35A00, s0;
	s5 =	rddreg [dreg:$0x19];
	[sflag:s8] =	ssyncadd.s32 $0xFFFFCA60  }
0x39: {  	[hbm:s0], [sflag:s4] =	dma.local @!p0 [spmem:s5], $0x160  }
0x3a: {  	s0 =	simm.s32 @!p0 $0x7  }
0x3b: {  	_ =	swait.ge @!p0 [sflag:s0], $0x160  }
0x3c: {  	s31 =	sld [smem:$0x7F7];
	_ =	sdelay $0x2  }
0x3d: {  	s5 =	sadd.s32 $0x1, s31  }
0x3e: {  	p1 =	sne.s32 s5, $0x5  }
.Ltmp3:
0x3f: {  	_ = 	snop;
	(pc) =	sbr.rel @!p1 .LBB2_20-.Ltmp3, $3  }
0x40: {  	[sflag:s0] =	ssyncset.done @!p0 $0x0  }
0x41: {  	[sflag:s0] =	ssyncadd.s32 @!p0 $0xFFFFFEA0  }
0x42: {  	[bflag:$0x0] =	sbarrier.arrive $0xFFFF;
	_ =	sdelay $0x1  }
.LBB2_2:
0x43: {  	s0 =	simm.s32 $0x0;
	s4 =	simm.s32 $0x580  }
.LBB2_3:
0x44: {  	p1 =	sne.s32 s4, $0x5280;
	[tilespmem:s0+$0x1D3D0] =	vst v1  }
0x45: {  	[tilespmem:s0+$0x1D280] =	vst v1  }
0x46: {  	[tilespmem:s0+$0x1D290] =	vst v1  }
0x47: {  	[tilespmem:s0+$0x1D2A0] =	vst v1  }
0x48: {  	[tilespmem:s0+$0x1D2B0] =	vst v1  }
0x49: {  	[tilespmem:s0+$0x1D2C0] =	vst v1  }
0x4a: {  	[tilespmem:s0+$0x1D2D0] =	vst v1  }
0x4b: {  	[tilespmem:s0+$0x1D2E0] =	vst v1  }
0x4c: {  	[tilespmem:s0+$0x1D2F0] =	vst v1  }
0x4d: {  	[tilespmem:s0+$0x1D300] =	vst v1  }
0x4e: {  	[tilespmem:s0+$0x1D310] =	vst v1  }
0x4f: {  	[tilespmem:s0+$0x1D320] =	vst v1  }
0x50: {  	[tilespmem:s0+$0x1D330] =	vst v1  }
0x51: {  	[tilespmem:s0+$0x1D340] =	vst v1  }
0x52: {  	[tilespmem:s0+$0x1D350] =	vst v1  }
0x53: {  	[tilespmem:s0+$0x1D360] =	vst v1  }
0x54: {  	[tilespmem:s0+$0x1D370] =	vst v1  }
.Ltmp4:
0x55: {  	[tilespmem:s0+$0x1D380] =	vst v1;
	(pc) =	sbr.rel @p1 .LBB2_3-.Ltmp4, $4  }
0x56: {  	[tilespmem:s0+$0x1D390] =	vst v1  }
0x57: {  	[tilespmem:s0+$0x1D3A0] =	vst v1  }
0x58: {  	[tilespmem:s0+$0x1D3B0] =	vst v1  }
0x59: {  	[tilespmem:s0+$0x1D3C0] =	vst v1;
	s0 =	sshra.s32 s4, $0x2;
	s4 =	sadd.s32 $0x580, s4  }
0x5a: {  	[tilespmem:s0+$0x1D3D0] =	vst v1  }
0x5b: {  	[tilespmem:s0+$0x1D280] =	vst v1  }
0x5c: {  	[tilespmem:s0+$0x1D290] =	vst v1  }
0x5d: {  	[tilespmem:s0+$0x1D2A0] =	vst v1  }
0x5e: {  	[tilespmem:s0+$0x1D2B0] =	vst v1  }
0x5f: {  	[tilespmem:s0+$0x1D2C0] =	vst v1  }
0x60: {  	[tilespmem:s0+$0x1D2D0] =	vst v1  }
0x61: {  	[tilespmem:s0+$0x1D2E0] =	vst v1  }
0x62: {  	[tilespmem:s0+$0x1D2F0] =	vst v1  }
0x63: {  	[tilespmem:s0+$0x1D300] =	vst v1  }
0x64: {  	[tilespmem:s0+$0x1D310] =	vst v1  }
0x65: {  	[tilespmem:s0+$0x1D320] =	vst v1  }
0x66: {  	[tilespmem:s0+$0x1D330] =	vst v1  }
0x67: {  	[tilespmem:s0+$0x1D340] =	vst v1  }
0x68: {  	[tilespmem:s0+$0x1D350] =	vst v1  }
0x69: {  	[tilespmem:s0+$0x1D360] =	vst v1  }
0x6a: {  	[tilespmem:s0+$0x1D370] =	vst v1  }
0x6b: {  	[tilespmem:s0+$0x1D380] =	vst v1  }
0x6c: {  	[tilespmem:s0+$0x1D390] =	vst v1  }
0x6d: {  	[tilespmem:s0+$0x1D3A0] =	vst v1  }
0x6e: {  	[tilespmem:s0+$0x1D3B0] =	vst v1  }
0x6f: {  	[tilespmem:s0+$0x1D3C0] =	vst v1;
	s10 =	rddreg [dreg:$0x8];
	s4 =	simm.s32 $0x1D280  }
0x70: {  	[spmem:s10] =	stream.linear.scatter [tilespmem:s4], [sflag:$0x7], $0x1600, $0x38;
	[tilespmem:$0x1FE80] =	vst v63  }
0x71: {  	_ =	swait.ge [sflag:s8], $0x1600  }
0x72: {  	[sflag:s8] =	ssyncset.done $0x0  }
0x73: {  	s11 =	rddreg [dreg:$0xa];
	[sflag:s8] =	ssyncadd.s32 $0xFFFFEA00  }
0x74: {  	[spmem:s11] =	stream.linear.scatter [tilespmem:s4], [sflag:$0x7], $0x1600, $0x38;
	[tilespmem:$0x1FE80] =	vst v63  }
0x75: {  	_ =	swait.ge [sflag:s8], $0x1600  }
0x76: {  	[sflag:s8] =	ssyncset.done $0x0  }
0x77: {  	s16 =	rddreg [dreg:$0xb];
	[sflag:s8] =	ssyncadd.s32 $0xFFFFEA00  }
0x78: {  	[spmem:s16] =	stream.linear.scatter [tilespmem:s4], [sflag:$0x7], $0x1600, $0x38;
	[tilespmem:$0x1FE80] =	vst v63  }
0x79: {  	_ =	swait.ge [sflag:s8], $0x1600  }
0x7a: {  	[sflag:s8] =	ssyncset.done $0x0  }
0x7b: {  	s20 =	rddreg [dreg:$0xc];
	[sflag:s8] =	ssyncadd.s32 $0xFFFFEA00  }
0x7c: {  	[spmem:s20] =	stream.linear.scatter [tilespmem:s4], [sflag:$0x7], $0x1600, $0x38;
	[tilespmem:$0x1FE80] =	vst v63  }
0x7d: {  	_ =	swait.ge [sflag:s8], $0x1600  }
0x7e: {  	[sflag:s8] =	ssyncset.done $0x0  }
0x7f: {  	s21 =	rddreg [dreg:$0xd];
	[sflag:s8] =	ssyncadd.s32 $0xFFFFEA00  }
0x80: {  	[spmem:s21] =	stream.linear.scatter [tilespmem:s4], [sflag:$0x7], $0x1600, $0x38;
	[tilespmem:$0x1FE80] =	vst v63  }
0x81: {  	_ =	swait.ge [sflag:s8], $0x1600  }
0x82: {  	[sflag:s8] =	ssyncset.done $0x0  }
0x83: {  	s23 =	rddreg [dreg:$0xe];
	[sflag:s8] =	ssyncadd.s32 $0xFFFFEA00  }
0x84: {  	[spmem:s23] =	stream.linear.scatter [tilespmem:s4], [sflag:$0x7], $0x1600, $0x38;
	[tilespmem:$0x1FE80] =	vst v63  }
0x85: {  	_ =	swait.ge [sflag:s8], $0x1600  }
0x86: {  	[sflag:s8] =	ssyncset.done $0x0  }
0x87: {  	s24 =	rddreg [dreg:$0xf];
	[sflag:s8] =	ssyncadd.s32 $0xFFFFEA00  }
0x88: {  	[spmem:s24] =	stream.linear.scatter [tilespmem:s4], [sflag:$0x7], $0x1600, $0x38;
	[tilespmem:$0x1FE80] =	vst v63  }
0x89: {  	_ =	swait.ge [sflag:s8], $0x1600  }
0x8a: {  	[sflag:s8] =	ssyncset.done $0x0  }
0x8b: {  	s25 =	rddreg [dreg:$0x11];
	[sflag:s8] =	ssyncadd.s32 $0xFFFFEA00  }
0x8c: {  	[spmem:s25] =	stream.linear.scatter [tilespmem:s4], [sflag:$0x7], $0x1600, $0x38;
	[tilespmem:$0x1FE80] =	vst v63  }
0x8d: {  	_ =	swait.ge [sflag:s8], $0x1600  }
0x8e: {  	[sflag:s8] =	ssyncset.done $0x0  }
0x8f: {  	s26 =	rddreg [dreg:$0x12];
	[sflag:s8] =	ssyncadd.s32 $0xFFFFEA00  }
0x90: {  	[spmem:s26] =	stream.linear.scatter [tilespmem:s4], [sflag:$0x7], $0x1600, $0x38;
	[tilespmem:$0x1FE80] =	vst v63  }
0x91: {  	_ =	swait.ge [sflag:s8], $0x1600  }
0x92: {  	[sflag:s8] =	ssyncset.done $0x0  }
0x93: {  	s29 =	rddreg [dreg:$0x13];
	[sflag:s8] =	ssyncadd.s32 $0xFFFFEA00  }
0x94: {  	[spmem:s29] =	stream.linear.scatter [tilespmem:s4], [sflag:$0x7], $0x1600, $0x38;
	[tilespmem:$0x1FE80] =	vst v63  }
0x95: {  	_ =	swait.ge [sflag:s8], $0x1600  }
0x96: {  	[sflag:s8] =	ssyncset.done $0x0  }
0x97: {  	s30 =	rddreg [dreg:$0x14];
	[sflag:s8] =	ssyncadd.s32 $0xFFFFEA00  }
0x98: {  	[spmem:s30] =	stream.linear.scatter [tilespmem:s4], [sflag:$0x7], $0x1600, $0x38;
	[tilespmem:$0x1FE80] =	vst v63  }
0x99: {  	_ =	swait.ge [sflag:s8], $0x1600  }
0x9a: {  	[sflag:s8] =	ssyncset.done $0x0  }
0x9b: {  	s31 =	rddreg [dreg:$0x15];
	[sflag:s8] =	ssyncadd.s32 $0xFFFFEA00  }
0x9c: {  	[spmem:s31] =	stream.linear.scatter [tilespmem:s4], [sflag:$0x7], $0x1600, $0x38;
	[tilespmem:$0x1FE80] =	vst v63  }
0x9d: {  	_ =	swait.ge [sflag:s8], $0x1600  }
0x9e: {  	[sflag:s8] =	ssyncset.done $0x0  }
0x9f: {  	s6 =	rddreg [dreg:$0x1a];
	[sflag:s8] =	ssyncadd.s32 $0xFFFFEA00  }
0xa0: {  	[spmem:s6] =	stream.linear.scatter [tilespmem:s4], [sflag:$0x7], $0x1600, $0x38;
	[tilespmem:$0x1FE80] =	vst v63  }
0xa1: {  	_ =	swait.ge [sflag:s8], $0x1600  }
0xa2: {  	[sflag:s8] =	ssyncset.done $0x0  }
0xa3: {  	s7 =	rddreg [dreg:$0x1b];
	[sflag:s8] =	ssyncadd.s32 $0xFFFFEA00  }
0xa4: {  	[spmem:s7] =	stream.linear.scatter [tilespmem:s4], [sflag:$0x7], $0x1600, $0x38;
	[tilespmem:$0x1FE80] =	vst v63  }
0xa5: {  	_ =	swait.ge [sflag:s8], $0x1600  }
0xa6: {  	[sflag:s8] =	ssyncset.done $0x0  }
0xa7: {  	s9 =	rddreg [dreg:$0x1c];
	[sflag:s8] =	ssyncadd.s32 $0xFFFFEA00  }
0xa8: {  	[spmem:s9] =	stream.linear.scatter [tilespmem:s4], [sflag:$0x7], $0x1600, $0x38;
	[tilespmem:$0x1FE80] =	vst v63  }
0xa9: {  	_ =	swait.ge [sflag:s8], $0x1600  }
0xaa: {  	[sflag:s8] =	ssyncset.done $0x0  }
0xab: {  	s10 =	rddreg [dreg:$0x1d];
	[sflag:s8] =	ssyncadd.s32 $0xFFFFEA00  }
0xac: {  	[spmem:s10] =	stream.linear.scatter [tilespmem:s4], [sflag:$0x7], $0x1600, $0x38;
	[tilespmem:$0x1FE80] =	vst v63  }
0xad: {  	_ =	swait.ge [sflag:s8], $0x1600  }
0xae: {  	[sflag:s8] =	ssyncset.done $0x0  }
0xaf: {  	s11 =	rddreg [dreg:$0x1e];
	[sflag:s8] =	ssyncadd.s32 $0xFFFFEA00  }
0xb0: {  	[spmem:s11] =	stream.linear.scatter [tilespmem:s4], [sflag:$0x7], $0x1600, $0x38;
	[tilespmem:$0x1FE80] =	vst v63  }
0xb1: {  	_ =	swait.ge [sflag:s8], $0x1600  }
0xb2: {  	[sflag:s8] =	ssyncset.done $0x0  }
0xb3: {  	s16 =	rddreg [dreg:$0x1f];
	[sflag:s8] =	ssyncadd.s32 $0xFFFFEA00  }
0xb4: {  	[spmem:s16] =	stream.linear.scatter [tilespmem:s4], [sflag:$0x7], $0x1600, $0x38;
	[tilespmem:$0x1FE80] =	vst v63  }
0xb5: {  	_ =	swait.ge [sflag:s8], $0x1600  }
0xb6: {  	s20 =	sld [smem:$0x7FA]  }
0xb7: {  	[sflag:s8] =	ssyncset.done $0x0  }
0xb8: {  	[sflag:s8] =	ssyncadd.s32 $0xFFFFEA00  }
0xb9: {  	[spmem:s20] =	stream.linear.scatter [tilespmem:s4], [sflag:$0x7], $0x1600, $0x38;
	[tilespmem:$0x1FE80] =	vst v63  }
0xba: {  	_ =	swait.ge [sflag:s8], $0x1600  }
0xbb: {  	s21 =	sld [smem:$0x7FB]  }
0xbc: {  	[sflag:s8] =	ssyncset.done $0x0  }
0xbd: {  	[sflag:s8] =	ssyncadd.s32 $0xFFFFEA00  }
0xbe: {  	[spmem:s21] =	stream.linear.scatter [tilespmem:s4], [sflag:$0x7], $0x1600, $0x38;
	[tilespmem:$0x1FE80] =	vst v63  }
0xbf: {  	_ =	swait.ge [sflag:s8], $0x1600  }
0xc0: {  	[sflag:s8] =	ssyncset.done $0x0  }
0xc1: {  	[smem:$0x7F7] =	sst s5;
	[sflag:s8] =	ssyncadd.s32 $0xFFFFEA00  }
0xc2: {  	s23 =	rddreg [dreg:$0x9];
	[bflag:$0x0] =	sbarrier.arrive $0xFFFF  }
0xc3: {  	s24 =	sadd.s32 s23, s5;
	s25 =	rddreg [dreg:$0x16]  }
.Ltmp5:
0xc4: {  	s26 =	simm.s32 $0x1BBF8;
	[smem:$0x7F8] =	sst s24;
	(pc) =	sbr.rel .LBB2_5-.Ltmp5, $4  }
0xc5: {  	s30 =	simm.s32 $0x1B800;
	s5 =	smul.u32 $0x1388, s24;
	s29 =	sld [smem:$0x7FC]  }
0xc6: {  	[tilespmem:s26], [sflag:$0x1] =	stream.linear.gather [hbm4b:s25+s22], $0x3E8, $0x38;
	[tilespmem:$0x1FE80] =	vst v63  }
0xc7: {  	s24 =	simm.s32 $0x0;
	s31 =	sadd.s32 $0x1388, s5;
	[smem:$0x7F9] =	sst s5  }
0xc8: {  	v11 =	vmov s5;
	v12 =	vmov s31;
	[tilespmem:s30], [sflag:$0x1] =	stream.linear.gather [hbm4b:s29+s22], $0x3E8, $0x38;
	[tilespmem:$0x1FE80] =	vst v63  }
.LBB2_18:
0xc9: {  	p1 =	sne.s32 s24, $0x32  }
.Ltmp6:
0xca: {  	_ = 	snop;
	(pc) =	sbr.rel @!p1 .LBB2_19-.Ltmp6, $1  }
0xcb: {  	_ =	sdelay $0x3  }
.LBB2_5:
0xcc: {  	_ =	swait.ge [sflag:s12], $0x3E8  }
0xcd: {  	[sflag:s12] =	ssyncset.done $0x0  }
0xce: {  	[sflag:s12] =	ssyncadd.s32 $0xFFFFFC18  }
0xcf: {  	_ =	swait.ge [sflag:s12], $0x3E8  }
0xd0: {  	[sflag:s12] =	ssyncset.done $0x0  }
0xd1: {  	s0 =	simm.s32 $0x1B800;
	[sflag:s12] =	ssyncadd.s32 $0xFFFFFC18  }
0xd2: {  	v13 =	vld [tilespmem:s0+$0x0];
	_ =	sdelay $0x4  }
0xd3: {  	v14 =	vmov s22;
	vm0 =	vge.s32 v13, v11;
	vm1 =	vlt.s32 v13, v12  }
0xd4: {  	vm15 =	vlt.u32 v14, v2;
	vm0 =	vmand vm0, vm1  }
0xd5: {  	vm0 =	vmand vm15, vm0  }
0xd6: {  	v14 =	vsel vm0, $0x1, v3  }
0xd7: {  	(xrf0) =	vadd.scan.msk.s32 $0xffff, v14;
	_ =	sdelay $0x2  }
0xd8: {  	v14 =	vmov s22  }
0xd9: {  	v14 =	vadd.s32 $0xFFFFFFFF, v14  }
0xda: {  	v14 =	vbroadcast v14, $0x0  }
0xdb: {  	v15, _, _ =	vpop (xrf0)  }
0xdc: {  	s4 =	simm.s32 $0x1BBF8;
	v14 =	vadd.s32 v15, v14;
	(v2sf) =	vpush v15, $0xF  }
0xdd: {  	v16 =	vld [tilespmem:s4+$0x0];
	_ =	sdelay $0x3  }
0xde: {  	[tilespmem:v14+s13+$0x0] =	vst.idx.msk vm0, v13  }
0xdf: {  	s7 =	simm.s32 $0x1B810;
	s6 =	simm.s32 $0x10;
	[tilespmem:v14+s14+$0x0] =	vst.idx.msk vm0, v16  }
0xe0: {  	s8 =	simm.s32 $0x20;
	s5 =	simm.s32 $0x0;
	s0 =	smov.u32 s24;
	v13 =	vld [tilespmem:s7+$0x0]  }
.LBB2_6:
0xe1: {  	p1 =	sne.s32 s8, $0x3E0;
	_ =	sdelay $0x3  }
0xe2: {  	v14 =	vmov s6;
	s6 =	smov.u32 s8;
	vm0 =	vge.s32 v13, v11;
	vm1 =	vlt.s32 v13, v12  }
0xe3: {  	vm0 =	vmand vm0, vm1;
	vm1 =	vlt.u32 v14, v2  }
0xe4: {  	vm0 =	vmand vm1, vm0  }
0xe5: {  	v14 =	vsel vm0, $0x1, v3;
	s9 =	spop (v2sf)  }
0xe6: {  	(xrf0) =	vadd.scan.msk.s32 $0xffff, v14;
	s5 =	sadd.s32 s5, s9  }
0xe7: {  	v14 =	vmov s5  }
0xe8: {  	v14 =	vadd.s32 $0xFFFFFFFF, v14  }
0xe9: {  	v14 =	vbroadcast v14, $0x0;
	_ =	sdelay $0x2  }
0xea: {  	v15, _, _ =	vpop (xrf0)  }
0xeb: {  	s4 =	sadd.s32 $0x10, s4;
	v14 =	vadd.s32 v15, v14;
	(v2sf) =	vpush v15, $0xF  }
0xec: {  	v15 =	vld [tilespmem:s4+$0x0];
	_ =	sdelay $0x1  }
.Ltmp7:
0xed: {  	(pc) =	sbr.rel @p1 .LBB2_6-.Ltmp7, $4  }
0xee: {  	_ = 	snop  }
0xef: {  	[tilespmem:v14+s13+$0x0] =	vst.idx.msk vm0, v13  }
0xf0: {  	s7 =	sadd.s32 $0x10, s7;
	[tilespmem:v14+s14+$0x0] =	vst.idx.msk vm0, v15  }
0xf1: {  	s8 =	sadd.s32 $0x10, s8;
	v13 =	vld [tilespmem:s7+$0x0]  }
0xf2: {  	_ =	sdelay $0x3  }
0xf3: {  	v14 =	vmov s6;
	vm0 =	vge.s32 v13, v11;
	vm1 =	vlt.s32 v13, v12  }
0xf4: {  	vm15 =	vlt.u32 v14, v2;
	vm0 =	vmand vm0, vm1  }
0xf5: {  	vm0 =	vmand vm15, vm0  }
0xf6: {  	v14 =	vsel vm0, $0x1, v3  }
0xf7: {  	(xrf0) =	vadd.scan.msk.s32 $0xffff, v14;
	_ =	sdelay $0x5  }
0xf8: {  	v14, _, _ =	vpop (xrf0)  }
0xf9: {  	(v2sf) =	vpush v14, $0xF;
	_ =	sdelay $0x8  }
0xfa: {  	s24 =	spop (v2sf)  }
0xfb: {  	s5 =	sadd.s32 s5, s24  }
0xfc: {  	v15 =	vmov s5  }
0xfd: {  	v15 =	vadd.s32 $0xFFFFFFFF, v15  }
0xfe: {  	v15 =	vbroadcast v15, $0x0;
	_ =	sdelay $0x1  }
0xff: {  	s4 =	sadd.s32 $0x10, s4;
	v14 =	vadd.s32 v14, v15;
	s25 =	spop (v2sf)  }
0x100: {  	v15 =	vld [tilespmem:s4+$0x0];
	s5 =	sadd.s32 s5, s25  }
0x101: {  	p1 =	seq.s32 s0, $0x31;
	s24 =	sadd.s32 $0x1, s0;
	v16 =	vadd.s32 s5, v0  }
0x102: {  	s0 =	smul.u32 @!p1 $0x3E8, s24  }
0x103: {  	s4 =	rddreg [dreg:$0x10]  }
0x104: {  	s0 =	sadd.s32 @!p1 s4, s0;
	[tilespmem:v14+s13+$0x0] =	vst.idx.msk vm0, v13  }
0x105: {  	s6 =	simm.s32 @!p1 $0x1BBF8;
	s4 =	rddreg [dreg:$0x6];
	s0 =	sshrl.u32 @!p1 s0, $0x3;
	[tilespmem:v14+s14+$0x0] =	vst.idx.msk vm0, v15  }
0x106: {  	s0 =	sadd.s32 @!p1 s4, s0;
	s4 =	simm.s32 @!p1 $0x0;
	s26 =	sadd.s32 $0xF, s5;
	[tilespmem:v16+s13+$0x0] =	vst.idx.msk $0xffff, v3  }
0x107: {  	s29 =	sand.u32 $0xF, s26;
	s30 =	sshra.s32 s26, $0x1F;
	p6 =	slt.s32 s26, $0x1;
	[tilespmem:v16+s14+$0x0] =	vst.idx.msk $0xffff, v3  }
0x108: {  	[tilespmem:s6], [sflag:$0x1] =	stream.linear.gather @!p1 [hbm4b:s0+s4], $0x3E8, $0x38;
	[tilespmem:$0x1FE80] =	vst v63  }
0x109: {  	p2 =	sne.s32 s29, $0x0;
	s0 =	sadd.s32 @!p1 $0x186A0, s0;
	s6 =	simm.s32 @!p1 $0x1B800  }
0x10a: {  	[tilespmem:s6], [sflag:$0x1] =	stream.linear.gather @!p1 [hbm4b:s0+s4], $0x3E8, $0x38;
	[tilespmem:$0x1FE80] =	vst v63  }
0x10b: {  	s31 =	sshrl.u32 s30, $0x1C;
	p1 =	por !p6, !p2  }
0x10c: {  	s0 =	sadd.s32 s31, s26;
	s4 =	simm.s32 $0x1;
	p1 =	por !p1, !p1  }
0x10d: {  	s0 =	sshra.s32 s0, $0x4;
	s4 =	simm.s32 @!p1 $0x0  }
0x10e: {  	s25 =	ssub.s32 s0, s4  }
0x10f: {  	p1 =	slt.s32 s25, $0x1  }
.Ltmp8:
0x110: {  	_ = 	snop;
	(pc) =	sbr.rel @p1 .LBB2_18-.Ltmp8, $1  }
0x111: {  	_ =	sdelay $0x3  }
0x112: {  	s7 =	smin.u32 s25, $0x3  }
0x113: {  	p2 =	sne.s32 s7, $0x1  }
.Ltmp9:
0x114: {  	_ = 	snop;
	(pc) =	sbr.rel @!p2 .LBB2_9-.Ltmp9, $4  }
0x115: {  	_ = 	snop  }
0x116: {  	s0 =	simm.s32 $0x1CE80;
	s4 =	simm.s32 $0x2  }
0x117: {  	s26 =	simm.s32 $0x1C880;
	s8 =	simm.s32 $0x1C3F8;
	s6 =	simm.s32 $0x1BFF0  }
0x118: {  	v13 =	vmov s5;
	s5 =	simm.s32 $0x1C830;
	p1 =	por $0x0, $0x0;
	v14 =	vld [tilespmem:s8+$0x0];
	s7 =	sadd.s32 $0xFFFFFFFF, s7  }
0x119: {  	_ =	sdelay $0x3  }
0x11a: {  	[tilespmem:s5+$0xFFFFFFF0] =	vst v14  }
0x11b: {  	v14 =	vld [tilespmem:s6+$0x0];
	_ =	sdelay $0x3  }
0x11c: {  	s8 =	simm.s32 $0x1C820;
	p3 =	sne.s32 s7, $0x1  }
.Ltmp10:
0x11d: {  	s21 =	simm.s32 $0x1C408;
	s23 =	sadd.s32 $0xFFFFFFFF, s7;
	[tilespmem:s5+$0x0] =	vst v14;
	(pc) =	sbr.rel @!p3 .LBB2_11-.Ltmp10, $4  }
0x11e: {  	[tilespmem:s26], [sflag:s4] =	stream.indirect.gather [hbm4b:s1+s15], $0x20, s8, s15, $0xb8;
	[tilespmem:$0x1FE80] =	vst v63  }
0x11f: {  	p2 =	por $0x1, $0x1;
	s9 =	simm.s32 $0x1BFF0;
	s10 =	simm.s32 $0x2  }
0x120: {  	[tilespmem:s0], [sflag:s4] =	stream.indirect.gather [hbm4b:s2+s15], $0x10, s5, s15, $0xb8;
	[tilespmem:$0x1FE80] =	vst v63  }
0x121: {  	s20 =	simm.s32 $0x1C880;
	s7 =	simm.s32 $0x1CE80;
	s8 =	simm.s32 $0x1C830;
	v14 =	vld [tilespmem:s21+$0x0]  }
.LBB2_12:
0x122: {  	p3 =	sne.s32 s23, $0x1;
	_ =	sdelay $0x2  }
0x123: {  	s8 =	sadd.s32 $0x20, s8  }
0x124: {  	s9 =	sadd.s32 $0x10, s9;
	[tilespmem:s8+$0xFFFFFFF0] =	vst v14  }
0x125: {  	v14 =	vld [tilespmem:s9+$0x0];
	_ =	sdelay $0x2  }
0x126: {  	s10 =	sadd.s32 $0x1, s10  }
.Ltmp11:
0x127: {  	s20 =	sadd.s32 $0x200, s20;
	s16 =	sadd.s32 $0xFFFFFFF0, s8;
	(pc) =	sbr.rel @p3 .LBB2_12-.Ltmp11, $4  }
0x128: {  	[tilespmem:s8+$0x0] =	vst v14;
	[tilespmem:s20], [sflag:s10] =	stream.indirect.gather [hbm4b:s1+s15], $0x20, s16, s15, $0xb8  }
0x129: {  	s21 =	sadd.s32 $0x10, s21;
	s7 =	sadd.s32 $0x100, s7  }
0x12a: {  	[tilespmem:s7], [sflag:s10] =	stream.indirect.gather [hbm4b:s2+s15], $0x10, s8, s15, $0xb8;
	[tilespmem:$0x1FE80] =	vst v63  }
0x12b: {  	s23 =	sadd.s32 $0xFFFFFFFF, s23;
	v14 =	vld [tilespmem:s21+$0x0]  }
.LBB2_13:
0x12c: {  	_ =	sdelay $0x1  }
0x12d: {  	s8 =	sadd.s32 @p2 $0x20, s8  }
0x12e: {  	s5 =	smov.u32 @p2 s8;
	s8 =	sadd.s32 @p2 $0x10, s9  }
0x12f: {  	s6 =	smov.u32 @p2 s8;
	[tilespmem:s5+$0xFFFFFFF0] =	vst v14  }
0x130: {  	v14 =	vld [tilespmem:s6+$0x0];
	_ =	sdelay $0x2  }
0x131: {  	s9 =	simm.s32 $0x1C880  }
0x132: {  	s8 =	sadd.s32 @p2 $0x200, s20;
	s31 =	sadd.s32 $0xFFFFFFF0, s5;
	s6 =	sadd.s32 @p2 $0x1, s10  }
0x133: {  	s9 =	smov.u32 @p2 s8;
	s4 =	smov.u32 @p2 s6;
	s6 =	sadd.s32 @p2 $0x100, s7;
	[tilespmem:s5+$0x0] =	vst v14  }
0x134: {  	[tilespmem:s9], [sflag:s4] =	stream.indirect.gather [hbm4b:s1+s15], $0x20, s31, s15, $0xb8;
	[tilespmem:$0x1FE80] =	vst v63  }
0x135: {  	s29 =	simm.s32 $0x0;
	s0 =	smov.u32 @p2 s6  }
0x136: {  	[tilespmem:s0], [sflag:s4] =	stream.indirect.gather [hbm4b:s2+s15], $0x10, s5, s15, $0xb8;
	[tilespmem:$0x1FE80] =	vst v63  }
.LBB2_14:
0x137: {  	s0 =	smulhi.u32 $0xAAAAAAAB, s29;
	_ =	sdelay $0x1  }
0x138: {  	s4 =	sshrl.u32 s0, $0x1  }
0x139: {  	s0 =	smul.u32 $0x3, s4;
	_ =	sdelay $0x1  }
0x13a: {  	s31 =	ssub.s32 s29, s0  }
0x13b: {  	s30 =	sadd.s32 $0x2, s31  }
0x13c: {  	_ =	swait.ge [sflag:s30], $0x200  }
0x13d: {  	[sflag:s30] =	ssyncset.done $0x0  }
0x13e: {  	v15 =	vmov s31;
	[sflag:s30] =	ssyncadd.s32 $0xFFFFFE00  }
0x13f: {  	v14 =	vshll.u32 v15, $0x9;
	_ =	swait.ge [sflag:s30], $0x100  }
0x140: {  	p2 =	slt.u32 s29, $0x2;
	s0 =	sand.u32 $0x1, s29;
	v16 =	vor.u32 v5, v14;
	[sflag:s30] =	ssyncset.done $0x0  }
0x141: {  	s5 =	sadd.s32 @!p2 $0x5, s0;
	v15 =	vshll.u32 v15, $0x8;
	v17 =	vor.u32 v6, v14;
	[sflag:s30] =	ssyncadd.s32 $0xFFFFFF00  }
0x142: {  	v18 =	vor.u32 v4, v15;
	_ =	swait.ge @!p2 [sflag:s5], $0x1600  }
0x143: {  	v19 =	vor.u32 v8, v15;
	[sflag:s5] =	ssyncset.done @!p2 $0x0  }
0x144: {  	v20 =	vor.u32 v7, v14;
	[sflag:s5] =	ssyncadd.s32 @!p2 $0xFFFFEA00  }
0x145: {  	v15 =	vor.u32 v9, v15;
	v16 =	vld.idx.msk [tilespmem:v16+s17+$0x0], $0xffff  }
0x146: {  	v17 =	vld.idx.msk [tilespmem:v17+s17+$0x0], $0xffff  }
0x147: {  	v18 =	vld.idx.msk [tilespmem:v18+s18+$0x0], $0xffff  }
0x148: {  	v19 =	vld.idx.msk [tilespmem:v19+s18+$0x0], $0xffff  }
0x149: {  	v20 =	vld.idx.msk [tilespmem:v20+s17+$0x0], $0xffff  }
0x14a: {  	v15 =	vld.idx.msk [tilespmem:v15+s18+$0x0], $0xffff;
	_ =	sdelay $0x2  }
0x14b: {  	v16 =	vsub.f32 v18, v16;
	v17 =	vsub.f32 v19, v17;
	_ =	sdelay $0x1  }
0x14c: {  	v15 =	vsub.f32 v15, v20;
	v18 =	vmul.f32 v16, v16;
	v19 =	vmul.f32 v17, v17;
	_ =	sdelay $0x1  }
0x14d: {  	v27 =	vmul.f32 v15, v15;
	v18 =	vadd.f32 v19, v18;
	_ =	sdelay $0x1  }
0x14e: {  	v18 =	vadd.f32 v27, v18;
	_ =	sdelay $0x1  }
0x14f: {  	v18 =	vmax.f32 v18, $1.000000020e-24  }
0x150: {  	v28 =	vshra.s32 v18, $0x1;
	v18 =	vmul.f32 $5.000000000e-01, v18  }
0x151: {  	v19 =	vsub.s32 $0x5F3759DF, v28  }
0x152: {  	v29 =	vmul.f32 v19, v18;
	_ =	sdelay $0x1  }
0x153: {  	v20 =	vmul.f32 v19, v29;
	_ =	sdelay $0x1  }
0x154: {  	v20 =	vsub.f32 $1.500000000e+00, v20;
	_ =	sdelay $0x1  }
0x155: {  	v19 =	vmul.f32 v19, v20;
	_ =	sdelay $0x1  }
0x156: {  	v20 =	vmul.f32 v19, v18;
	_ =	sdelay $0x1  }
0x157: {  	v20 =	vmul.f32 v20, v19;
	_ =	sdelay $0x1  }
0x158: {  	v20 =	vsub.f32 $1.500000000e+00, v20;
	_ =	sdelay $0x1  }
0x159: {  	v19 =	vmul.f32 v20, v19;
	_ =	sdelay $0x1  }
0x15a: {  	v18 =	vmul.f32 v19, v18;
	_ =	sdelay $0x1  }
0x15b: {  	v18 =	vmul.f32 v18, v19;
	_ =	sdelay $0x1  }
0x15c: {  	v18 =	vsub.f32 $1.500000000e+00, v18;
	_ =	sdelay $0x1  }
0x15d: {  	v18 =	vmul.f32 v18, v19;
	_ =	sdelay $0x1  }
0x15e: {  	v15 =	vmul.f32 v18, v15;
	v16 =	vmul.f32 v18, v16  }
0x15f: {  	v17 =	vmul.f32 v18, v17  }
0x160: {  	v30 =	vmul.f32 v15, v15;
	v31 =	vmul.f32 v16, v16  }
0x161: {  	v32 =	vmul.f32 $4.886025190e-01, v17;
	v21 =	vmul.f32 $4.886025190e-01, v15  }
0x162: {  	v23 =	vmul.f32 $1.092548490e+00, v16;
	v24 =	vmul.f32 $1.092548490e+00, v17  }
0x163: {  	[tilespmem:$0x1D180] =	vst v10;
	v25 =	vmul.f32 v17, v17;
	v33 =	vmul.f32 $4.886025190e-01, v16  }
0x164: {  	v38 =	vmul.f32 $2.890611410e+00, v16;
	v40 =	vmul.f32 $5.900436040e-01, v17;
	[tilespmem:$0x1D190] =	vst v32  }
0x165: {  	v22 =	vmul.f32 $3.000000000e+00, v30;
	[tilespmem:$0x1D1A0] =	vst v21;
	v34 =	vmul.f32 v23, v17  }
0x166: {  	v24 =	vmul.f32 v24, v15;
	[tilespmem:$0x1D1B0] =	vst v33;
	v36 =	vsub.f32 v31, v25;
	v19 =	vmul.f32 $3.000000000e+00, v31  }
0x167: {  	v37 =	vmul.f32 v23, v15;
	v41 =	vmul.f32 v38, v17;
	[tilespmem:$0x1D1C0] =	vst v34  }
0x168: {  	v18 =	vmul.f32 $5.000000000e+00, v30;
	v22 =	vadd.f32 $-1.000000000e+00, v22;
	[tilespmem:$0x1D1D0] =	vst v24;
	v39 =	vmul.f32 $5.462742450e-01, v36  }
0x169: {  	v44 =	vmul.f32 $3.731763360e-01, v15;
	v19 =	vsub.f32 v19, v25;
	[tilespmem:$0x1D1F0] =	vst v37;
	v20 =	vmul.f32 v41, v15  }
0x16a: {  	v17 =	vmul.f32 $4.570457940e-01, v17;
	v43 =	vadd.f32 $-1.000000000e+00, v18;
	v35 =	vmul.f32 $3.153915700e-01, v22;
	[tilespmem:$0x1D200] =	vst v39  }
0x16b: {  	v45 =	vmul.f32 $4.570457940e-01, v16;
	v18 =	vadd.f32 $-3.000000000e+00, v18;
	v42 =	vmul.f32 v19, v40;
	[tilespmem:$0x1D220] =	vst v20  }
0x16c: {  	v15 =	vmul.f32 $1.445305710e+00, v15;
	v17 =	vmul.f32 v43, v17;
	[tilespmem:$0x1D1E0] =	vst v35  }
0x16d: {  	v16 =	vmul.f32 $5.900436040e-01, v16;
	v18 =	vmul.f32 v18, v44;
	[tilespmem:$0x1D210] =	vst v42  }
0x16e: {  	v15 =	vmul.f32 v36, v15;
	[tilespmem:$0x1D230] =	vst v17  }
0x16f: {  	v16 =	vmul.f32 v19, v16;
	[tilespmem:$0x1D240] =	vst v18  }
0x170: {  	v17 =	vmul.f32 v43, v45;
	[tilespmem:$0x1D260] =	vst v15  }
0x171: {  	s10 =	sshll.u32 s31, $0x5;
	[tilespmem:$0x1D270] =	vst v16  }
0x172: {  	s23 =	sand.u32 $0x3FFFFFE0, s10;
	[tilespmem:$0x1D250] =	vst v17  }
0x173: {  	v15 =	vld [tilespmem:s23+$0x1C830];
	_ =	sdelay $0x2  }
0x174: {  	s11 =	sshll.u32 s29, $0x4  }
0x175: {  	s4 =	smul.u32 $0xFFFFE800, s4;
	v16 =	vor.u32 s11, v0  }
0x176: {  	vm0 =	vlt.s32 v16, v13;
	v15 =	vsub.s32 v15, v11  }
0x177: {  	s4 =	sshra.s32 s4, $0x2;
	s6 =	sshll.u32 s0, $0x4;
	v15 =	vnsel vm0, $0x1388, v15  }
0x178: {  	s7 =	sadd.s32 s4, s26;
	s5 =	simm.s32 $0x1;
	[tilespmem:s6+$0x1C800] =	vst v15  }
0x179: {  	s5 =	simm.s32 @!p1 $0x0;
	v15 =	vor.u32 s28, v4;
	v16 =	vld [tilespmem:s7+$0x0]  }
0x17a: {  	s16 =	smul.u32 $0x5800, s5;
	_ =	sdelay $0x1  }
0x17b: {  	s4 =	sshrl.u32 s16, $0x2  }
0x17c: {  	s21 =	sadd.s32 $0x1D324, s4  }
0x17d: {  	v17 =	vmov s28;
	v15 =	vld.idx.msk [tilespmem:v15+s19+$0x0], $0xffff;
	[tilespmem:s21+$0xFFFFFF5C] =	vst v16  }
0x17e: {  	v17 =	vshll.u32 v17, $0x5;
	v16 =	vld [tilespmem:s7+$0x10]  }
0x17f: {  	v17 =	vadd.s32 v14, v17;
	_ =	sdelay $0x3  }
0x180: {  	[tilespmem:s21+$0xFFFFFF6C] =	vst v16  }
0x181: {  	v16 =	vld.idx.msk [tilespmem:v17+s17+$0x0], $0xffff;
	_ =	sdelay $0x2  }
0x182: {  	v46 =	vor.u32 $0x1, v17;
	_ =	sdelay $0x1  }
0x183: {  	v16 =	vmul.f32 v16, v15;
	_ =	sdelay $0x1  }
0x184: {  	[tilespmem:s21+$0xFFFFFF70] =	vst v16  }
0x185: {  	v16 =	vld.idx.msk [tilespmem:v46+s17+$0x0], $0xffff;
	_ =	sdelay $0x2  }
0x186: {  	v47 =	vor.u32 $0x2, v17;
	_ =	sdelay $0x1  }
0x187: {  	v16 =	vmul.f32 v16, v15;
	_ =	sdelay $0x1  }
0x188: {  	[tilespmem:s21+$0xFFFFFF80] =	vst v16  }
0x189: {  	v16 =	vld.idx.msk [tilespmem:v47+s17+$0x0], $0xffff;
	_ =	sdelay $0x2  }
0x18a: {  	v48 =	vor.u32 $0x3, v17;
	_ =	sdelay $0x1  }
0x18b: {  	v16 =	vmul.f32 v16, v15;
	_ =	sdelay $0x1  }
0x18c: {  	[tilespmem:s21+$0xFFFFFF90] =	vst v16  }
0x18d: {  	v16 =	vld.idx.msk [tilespmem:v48+s17+$0x0], $0xffff;
	_ =	sdelay $0x2  }
0x18e: {  	v49 =	vor.u32 $0x4, v17;
	_ =	sdelay $0x1  }
0x18f: {  	v16 =	vmul.f32 v16, v15;
	_ =	sdelay $0x1  }
0x190: {  	[tilespmem:s21+$0xFFFFFFA0] =	vst v16  }
0x191: {  	v16 =	vld.idx.msk [tilespmem:v49+s17+$0x0], $0xffff;
	_ =	sdelay $0x2  }
0x192: {  	v50 =	vor.u32 $0x5, v17;
	_ =	sdelay $0x1  }
0x193: {  	v16 =	vmul.f32 v16, v15;
	_ =	sdelay $0x1  }
0x194: {  	[tilespmem:s21+$0xFFFFFFB0] =	vst v16  }
0x195: {  	v16 =	vld.idx.msk [tilespmem:v50+s17+$0x0], $0xffff;
	_ =	sdelay $0x2  }
0x196: {  	v51 =	vor.u32 $0x6, v17;
	_ =	sdelay $0x1  }
0x197: {  	v16 =	vmul.f32 v16, v15;
	_ =	sdelay $0x1  }
0x198: {  	[tilespmem:s21+$0xFFFFFFC0] =	vst v16  }
0x199: {  	v16 =	vld.idx.msk [tilespmem:v51+s17+$0x0], $0xffff;
	_ =	sdelay $0x2  }
0x19a: {  	v52 =	vor.u32 $0x7, v17;
	_ =	sdelay $0x1  }
0x19b: {  	v16 =	vmul.f32 v16, v15;
	_ =	sdelay $0x1  }
0x19c: {  	[tilespmem:s21+$0xFFFFFFD0] =	vst v16  }
0x19d: {  	v16 =	vld.idx.msk [tilespmem:v52+s17+$0x0], $0xffff;
	_ =	sdelay $0x2  }
0x19e: {  	v53 =	vor.u32 $0x8, v17;
	_ =	sdelay $0x1  }
0x19f: {  	v16 =	vmul.f32 v16, v15;
	_ =	sdelay $0x1  }
0x1a0: {  	[tilespmem:s21+$0xFFFFFFE0] =	vst v16  }
0x1a1: {  	v16 =	vld.idx.msk [tilespmem:v53+s17+$0x0], $0xffff;
	_ =	sdelay $0x2  }
0x1a2: {  	v54 =	vor.u32 $0x9, v17;
	_ =	sdelay $0x1  }
0x1a3: {  	v16 =	vmul.f32 v16, v15;
	_ =	sdelay $0x1  }
0x1a4: {  	[tilespmem:s21+$0xFFFFFFF0] =	vst v16  }
0x1a5: {  	v16 =	vld.idx.msk [tilespmem:v54+s17+$0x0], $0xffff;
	_ =	sdelay $0x2  }
0x1a6: {  	v55 =	vor.u32 $0xA, v17;
	_ =	sdelay $0x1  }
0x1a7: {  	v16 =	vmul.f32 v16, v15;
	_ =	sdelay $0x1  }
0x1a8: {  	[tilespmem:s21+$0x0] =	vst v16  }
0x1a9: {  	v16 =	vld.idx.msk [tilespmem:v55+s17+$0x0], $0xffff;
	_ =	sdelay $0x2  }
0x1aa: {  	v56 =	vor.u32 $0xB, v17;
	_ =	sdelay $0x1  }
0x1ab: {  	v16 =	vmul.f32 v16, v15;
	_ =	sdelay $0x1  }
0x1ac: {  	[tilespmem:s21+$0x10] =	vst v16  }
0x1ad: {  	v16 =	vld.idx.msk [tilespmem:v56+s17+$0x0], $0xffff;
	_ =	sdelay $0x2  }
0x1ae: {  	v57 =	vor.u32 $0xC, v17;
	_ =	sdelay $0x1  }
0x1af: {  	v16 =	vmul.f32 v16, v15;
	_ =	sdelay $0x1  }
0x1b0: {  	[tilespmem:s21+$0x20] =	vst v16  }
0x1b1: {  	v16 =	vld.idx.msk [tilespmem:v57+s17+$0x0], $0xffff;
	_ =	sdelay $0x2  }
0x1b2: {  	v58 =	vor.u32 $0xD, v17;
	_ =	sdelay $0x1  }
0x1b3: {  	v16 =	vmul.f32 v16, v15;
	_ =	sdelay $0x1  }
0x1b4: {  	[tilespmem:s21+$0x30] =	vst v16  }
0x1b5: {  	v16 =	vld.idx.msk [tilespmem:v58+s17+$0x0], $0xffff;
	_ =	sdelay $0x2  }
0x1b6: {  	v59 =	vor.u32 $0xE, v17;
	_ =	sdelay $0x1  }
0x1b7: {  	v16 =	vmul.f32 v16, v15;
	_ =	sdelay $0x1  }
0x1b8: {  	[tilespmem:s21+$0x40] =	vst v16  }
0x1b9: {  	v16 =	vld.idx.msk [tilespmem:v59+s17+$0x0], $0xffff;
	_ =	sdelay $0x2  }
0x1ba: {  	v60 =	vor.u32 $0xF, v17;
	_ =	sdelay $0x1  }
0x1bb: {  	v16 =	vmul.f32 v16, v15;
	_ =	sdelay $0x1  }
0x1bc: {  	[tilespmem:s21+$0x50] =	vst v16  }
0x1bd: {  	v16 =	vld.idx.msk [tilespmem:v60+s17+$0x0], $0xffff;
	_ =	sdelay $0x2  }
0x1be: {  	v61 =	vor.u32 $0x10, v17;
	_ =	sdelay $0x1  }
0x1bf: {  	v16 =	vmul.f32 v16, v15;
	_ =	sdelay $0x1  }
0x1c0: {  	[tilespmem:s21+$0x60] =	vst v16  }
0x1c1: {  	v16 =	vld.idx.msk [tilespmem:v61+s17+$0x0], $0xffff;
	_ =	sdelay $0x2  }
0x1c2: {  	v62 =	vor.u32 $0x11, v17;
	_ =	sdelay $0x1  }
0x1c3: {  	v16 =	vmul.f32 v16, v15;
	_ =	sdelay $0x1  }
0x1c4: {  	[tilespmem:s21+$0x70] =	vst v16  }
0x1c5: {  	v16 =	vld.idx.msk [tilespmem:v62+s17+$0x0], $0xffff;
	_ =	sdelay $0x2  }
0x1c6: {  	v63 =	vor.u32 $0x12, v17;
	_ =	sdelay $0x1  }
0x1c7: {  	v16 =	vmul.f32 v16, v15;
	_ =	sdelay $0x1  }
0x1c8: {  	[tilespmem:s21+$0x80] =	vst v16  }
0x1c9: {  	v16 =	vld.idx.msk [tilespmem:v63+s17+$0x0], $0xffff;
	_ =	sdelay $0x2  }
0x1ca: {  	v17 =	vor.u32 $0x13, v17;
	_ =	sdelay $0x1  }
0x1cb: {  	v16 =	vmul.f32 v16, v15;
	_ =	sdelay $0x1  }
0x1cc: {  	[tilespmem:s21+$0x90] =	vst v16  }
0x1cd: {  	v16 =	vld.idx.msk [tilespmem:v17+s17+$0x0], $0xffff  }
0x1ce: {  	s10 =	smul.u32 $0x5800, s0  }
0x1cf: {  	s8 =	sshll.u32 s31, $0x9  }
0x1d0: {  	s9 =	sand.u32 $0x3FFFFE00, s8;
	s8 =	sor.u32 $0x1C800, s6;
	s20 =	sshrl.u32 s10, $0x2  }
0x1d1: {  	s9 =	sadd.s32 $0x1C880, s9;
	s10 =	simm.s32 $0x1;
	s20 =	sadd.s32 $0x1D280, s20  }
0x1d2: {  	s5 =	sadd.s32 $0x1C820, s23;
	s4 =	sadd.s32 $0x1C830, s23;
	s6 =	simm.s32 $0x2;
	v15 =	vmul.f32 v16, v15  }
.LBB2_15:
0x1d3: {  	s7 =	sadd.s32 $0x20, s7  }
0x1d4: {  	v16 =	vor.u32 s10, v4;
	s11 =	smov.u32 s6;
	s16 =	sadd.s32 $0x1, s6;
	[tilespmem:s21+$0xA0] =	vst v15;
	s21 =	sadd.s32 $0x160, s21  }
0x1d5: {  	p2 =	sne.s32 s6, $0xF;
	v17 =	vld [tilespmem:s7+$0x0];
	_ =	sdelay $0x3  }
0x1d6: {  	v15 =	vld.idx.msk [tilespmem:v16+s19+$0x0], $0xffff  }
0x1d7: {  	v16 =	vmov s10;
	s10 =	smov.u32 s11;
	[tilespmem:s21+$0xFFFFFF5C] =	vst v17  }
0x1d8: {  	v16 =	vshll.u32 v16, $0x5;
	v17 =	vld [tilespmem:s7+$0x10]  }
0x1d9: {  	v16 =	vadd.s32 v14, v16;
	_ =	sdelay $0x3  }
0x1da: {  	[tilespmem:s21+$0xFFFFFF6C] =	vst v17  }
0x1db: {  	v17 =	vld.idx.msk [tilespmem:v16+s17+$0x0], $0xffff;
	_ =	sdelay $0x3  }
0x1dc: {  	v18 =	vor.u32 $0x1, v16;
	_ =	sdelay $0x1  }
0x1dd: {  	v17 =	vmul.f32 v17, v15;
	_ =	sdelay $0x1  }
0x1de: {  	[tilespmem:s21+$0xFFFFFF70] =	vst v17  }
0x1df: {  	v17 =	vld.idx.msk [tilespmem:v18+s17+$0x0], $0xffff;
	_ =	sdelay $0x3  }
0x1e0: {  	v18 =	vor.u32 $0x2, v16;
	_ =	sdelay $0x1  }
0x1e1: {  	v17 =	vmul.f32 v17, v15;
	_ =	sdelay $0x1  }
0x1e2: {  	[tilespmem:s21+$0xFFFFFF80] =	vst v17  }
0x1e3: {  	v17 =	vld.idx.msk [tilespmem:v18+s17+$0x0], $0xffff;
	_ =	sdelay $0x3  }
0x1e4: {  	v18 =	vor.u32 $0x3, v16;
	_ =	sdelay $0x1  }
0x1e5: {  	v17 =	vmul.f32 v17, v15;
	_ =	sdelay $0x1  }
0x1e6: {  	[tilespmem:s21+$0xFFFFFF90] =	vst v17  }
0x1e7: {  	v17 =	vld.idx.msk [tilespmem:v18+s17+$0x0], $0xffff;
	_ =	sdelay $0x3  }
0x1e8: {  	v18 =	vor.u32 $0x4, v16;
	_ =	sdelay $0x1  }
0x1e9: {  	v17 =	vmul.f32 v17, v15;
	_ =	sdelay $0x1  }
0x1ea: {  	[tilespmem:s21+$0xFFFFFFA0] =	vst v17  }
0x1eb: {  	v17 =	vld.idx.msk [tilespmem:v18+s17+$0x0], $0xffff;
	_ =	sdelay $0x3  }
0x1ec: {  	v18 =	vor.u32 $0x5, v16;
	_ =	sdelay $0x1  }
0x1ed: {  	v17 =	vmul.f32 v17, v15;
	_ =	sdelay $0x1  }
0x1ee: {  	[tilespmem:s21+$0xFFFFFFB0] =	vst v17  }
0x1ef: {  	v17 =	vld.idx.msk [tilespmem:v18+s17+$0x0], $0xffff;
	_ =	sdelay $0x3  }
0x1f0: {  	v18 =	vor.u32 $0x6, v16;
	_ =	sdelay $0x1  }
0x1f1: {  	v17 =	vmul.f32 v17, v15;
	_ =	sdelay $0x1  }
0x1f2: {  	[tilespmem:s21+$0xFFFFFFC0] =	vst v17  }
0x1f3: {  	v17 =	vld.idx.msk [tilespmem:v18+s17+$0x0], $0xffff;
	_ =	sdelay $0x3  }
0x1f4: {  	v18 =	vor.u32 $0x7, v16;
	_ =	sdelay $0x1  }
0x1f5: {  	v17 =	vmul.f32 v17, v15;
	_ =	sdelay $0x1  }
0x1f6: {  	[tilespmem:s21+$0xFFFFFFD0] =	vst v17  }
0x1f7: {  	v17 =	vld.idx.msk [tilespmem:v18+s17+$0x0], $0xffff;
	_ =	sdelay $0x3  }
0x1f8: {  	v18 =	vor.u32 $0x8, v16;
	_ =	sdelay $0x1  }
0x1f9: {  	v17 =	vmul.f32 v17, v15;
	_ =	sdelay $0x1  }
0x1fa: {  	[tilespmem:s21+$0xFFFFFFE0] =	vst v17  }
0x1fb: {  	v17 =	vld.idx.msk [tilespmem:v18+s17+$0x0], $0xffff;
	_ =	sdelay $0x3  }
0x1fc: {  	v18 =	vor.u32 $0x9, v16;
	_ =	sdelay $0x1  }
0x1fd: {  	v17 =	vmul.f32 v17, v15;
	_ =	sdelay $0x1  }
0x1fe: {  	[tilespmem:s21+$0xFFFFFFF0] =	vst v17  }
0x1ff: {  	v17 =	vld.idx.msk [tilespmem:v18+s17+$0x0], $0xffff;
	_ =	sdelay $0x3  }
0x200: {  	v18 =	vor.u32 $0xA, v16;
	_ =	sdelay $0x1  }
0x201: {  	v17 =	vmul.f32 v17, v15;
	_ =	sdelay $0x1  }
0x202: {  	[tilespmem:s21+$0x0] =	vst v17  }
0x203: {  	v17 =	vld.idx.msk [tilespmem:v18+s17+$0x0], $0xffff;
	_ =	sdelay $0x3  }
0x204: {  	v18 =	vor.u32 $0xB, v16;
	_ =	sdelay $0x1  }
0x205: {  	v17 =	vmul.f32 v17, v15;
	_ =	sdelay $0x1  }
0x206: {  	[tilespmem:s21+$0x10] =	vst v17  }
0x207: {  	v17 =	vld.idx.msk [tilespmem:v18+s17+$0x0], $0xffff;
	_ =	sdelay $0x3  }
0x208: {  	v18 =	vor.u32 $0xC, v16;
	_ =	sdelay $0x1  }
0x209: {  	v17 =	vmul.f32 v17, v15;
	_ =	sdelay $0x1  }
0x20a: {  	[tilespmem:s21+$0x20] =	vst v17  }
0x20b: {  	v17 =	vld.idx.msk [tilespmem:v18+s17+$0x0], $0xffff;
	_ =	sdelay $0x3  }
0x20c: {  	v18 =	vor.u32 $0xD, v16;
	_ =	sdelay $0x1  }
0x20d: {  	v17 =	vmul.f32 v17, v15;
	_ =	sdelay $0x1  }
0x20e: {  	[tilespmem:s21+$0x30] =	vst v17  }
0x20f: {  	v17 =	vld.idx.msk [tilespmem:v18+s17+$0x0], $0xffff;
	_ =	sdelay $0x3  }
0x210: {  	v18 =	vor.u32 $0xE, v16;
	_ =	sdelay $0x1  }
0x211: {  	v17 =	vmul.f32 v17, v15;
	_ =	sdelay $0x1  }
0x212: {  	[tilespmem:s21+$0x40] =	vst v17  }
0x213: {  	v17 =	vld.idx.msk [tilespmem:v18+s17+$0x0], $0xffff;
	_ =	sdelay $0x3  }
0x214: {  	v18 =	vor.u32 $0xF, v16;
	_ =	sdelay $0x1  }
0x215: {  	v17 =	vmul.f32 v17, v15;
	_ =	sdelay $0x1  }
0x216: {  	[tilespmem:s21+$0x50] =	vst v17  }
0x217: {  	v17 =	vld.idx.msk [tilespmem:v18+s17+$0x0], $0xffff;
	_ =	sdelay $0x3  }
0x218: {  	v18 =	vor.u32 $0x10, v16;
	_ =	sdelay $0x1  }
0x219: {  	v17 =	vmul.f32 v17, v15;
	_ =	sdelay $0x1  }
0x21a: {  	[tilespmem:s21+$0x60] =	vst v17  }
0x21b: {  	v17 =	vld.idx.msk [tilespmem:v18+s17+$0x0], $0xffff;
	_ =	sdelay $0x3  }
0x21c: {  	v18 =	vor.u32 $0x11, v16;
	_ =	sdelay $0x1  }
0x21d: {  	v17 =	vmul.f32 v17, v15;
	_ =	sdelay $0x1  }
0x21e: {  	[tilespmem:s21+$0x70] =	vst v17  }
0x21f: {  	v17 =	vld.idx.msk [tilespmem:v18+s17+$0x0], $0xffff;
	_ =	sdelay $0x3  }
0x220: {  	v18 =	vor.u32 $0x12, v16;
	_ =	sdelay $0x1  }
0x221: {  	v17 =	vmul.f32 v17, v15;
	_ =	sdelay $0x1  }
0x222: {  	[tilespmem:s21+$0x80] =	vst v17  }
0x223: {  	v17 =	vld.idx.msk [tilespmem:v18+s17+$0x0], $0xffff;
	_ =	sdelay $0x3  }
0x224: {  	v16 =	vor.u32 $0x13, v16;
	_ =	sdelay $0x1  }
0x225: {  	v17 =	vmul.f32 v17, v15;
	_ =	sdelay $0x1  }
0x226: {  	[tilespmem:s21+$0x90] =	vst v17  }
0x227: {  	v16 =	vld.idx.msk [tilespmem:v16+s17+$0x0], $0xffff;
	_ =	sdelay $0x1  }
.Ltmp12:
0x228: {  	(pc) =	sbr.rel @p2 .LBB2_15-.Ltmp12, $2  }
0x229: {  	_ =	sdelay $0x2  }
0x22a: {  	s6 =	smov.u32 s16;
	v15 =	vmul.f32 v16, v15  }
0x22b: {  	_ = 	snop  }
0x22c: {  	s7 =	sadd.s32 $0x20, s7;
	[tilespmem:s21+$0xA0] =	vst v15  }
0x22d: {  	v16 =	vor.u32 s10, v4;
	v15 =	vld [tilespmem:s7+$0x0];
	_ =	sdelay $0x3  }
0x22e: {  	s6 =	sadd.s32 $0x160, s21  }
0x22f: {  	v17 =	vmov s10;
	v16 =	vld.idx.msk [tilespmem:v16+s19+$0x0], $0xffff;
	[tilespmem:s6+$0xFFFFFF5C] =	vst v15  }
0x230: {  	v17 =	vshll.u32 v17, $0x5;
	v15 =	vld [tilespmem:s7+$0x10]  }
0x231: {  	v14 =	vadd.s32 v14, v17;
	_ =	sdelay $0x3  }
0x232: {  	[tilespmem:s6+$0xFFFFFF6C] =	vst v15  }
0x233: {  	v15 =	vld.idx.msk [tilespmem:v14+s17+$0x0], $0xffff;
	_ =	sdelay $0x2  }
0x234: {  	v17 =	vor.u32 $0x1, v14;
	_ =	sdelay $0x1  }
0x235: {  	v15 =	vmul.f32 v15, v16;
	_ =	sdelay $0x1  }
0x236: {  	[tilespmem:s6+$0xFFFFFF70] =	vst v15  }
0x237: {  	v15 =	vld.idx.msk [tilespmem:v17+s17+$0x0], $0xffff;
	_ =	sdelay $0x2  }
0x238: {  	v47 =	vor.u32 $0x2, v14;
	_ =	sdelay $0x1  }
0x239: {  	v15 =	vmul.f32 v15, v16;
	_ =	sdelay $0x1  }
0x23a: {  	[tilespmem:s6+$0xFFFFFF80] =	vst v15  }
0x23b: {  	v15 =	vld.idx.msk [tilespmem:v47+s17+$0x0], $0xffff;
	_ =	sdelay $0x2  }
0x23c: {  	v48 =	vor.u32 $0x3, v14;
	_ =	sdelay $0x1  }
0x23d: {  	v15 =	vmul.f32 v15, v16;
	_ =	sdelay $0x1  }
0x23e: {  	[tilespmem:s6+$0xFFFFFF90] =	vst v15  }
0x23f: {  	v15 =	vld.idx.msk [tilespmem:v48+s17+$0x0], $0xffff;
	_ =	sdelay $0x2  }
0x240: {  	v49 =	vor.u32 $0x4, v14;
	_ =	sdelay $0x1  }
0x241: {  	v15 =	vmul.f32 v15, v16;
	_ =	sdelay $0x1  }
0x242: {  	[tilespmem:s6+$0xFFFFFFA0] =	vst v15  }
0x243: {  	v15 =	vld.idx.msk [tilespmem:v49+s17+$0x0], $0xffff;
	_ =	sdelay $0x2  }
0x244: {  	v50 =	vor.u32 $0x5, v14;
	_ =	sdelay $0x1  }
0x245: {  	v15 =	vmul.f32 v15, v16;
	_ =	sdelay $0x1  }
0x246: {  	[tilespmem:s6+$0xFFFFFFB0] =	vst v15  }
0x247: {  	v15 =	vld.idx.msk [tilespmem:v50+s17+$0x0], $0xffff;
	_ =	sdelay $0x2  }
0x248: {  	v51 =	vor.u32 $0x6, v14;
	_ =	sdelay $0x1  }
0x249: {  	v15 =	vmul.f32 v15, v16;
	_ =	sdelay $0x1  }
0x24a: {  	[tilespmem:s6+$0xFFFFFFC0] =	vst v15  }
0x24b: {  	v15 =	vld.idx.msk [tilespmem:v51+s17+$0x0], $0xffff;
	_ =	sdelay $0x2  }
0x24c: {  	v52 =	vor.u32 $0x7, v14;
	_ =	sdelay $0x1  }
0x24d: {  	v15 =	vmul.f32 v15, v16;
	_ =	sdelay $0x1  }
0x24e: {  	[tilespmem:s6+$0xFFFFFFD0] =	vst v15  }
0x24f: {  	v15 =	vld.idx.msk [tilespmem:v52+s17+$0x0], $0xffff;
	_ =	sdelay $0x2  }
0x250: {  	v53 =	vor.u32 $0x8, v14;
	_ =	sdelay $0x1  }
0x251: {  	v15 =	vmul.f32 v15, v16;
	_ =	sdelay $0x1  }
0x252: {  	[tilespmem:s6+$0xFFFFFFE0] =	vst v15  }
0x253: {  	v15 =	vld.idx.msk [tilespmem:v53+s17+$0x0], $0xffff;
	_ =	sdelay $0x2  }
0x254: {  	v54 =	vor.u32 $0x9, v14;
	_ =	sdelay $0x1  }
0x255: {  	v15 =	vmul.f32 v15, v16;
	_ =	sdelay $0x1  }
0x256: {  	[tilespmem:s6+$0xFFFFFFF0] =	vst v15  }
0x257: {  	v15 =	vld.idx.msk [tilespmem:v54+s17+$0x0], $0xffff;
	_ =	sdelay $0x2  }
0x258: {  	v55 =	vor.u32 $0xA, v14;
	_ =	sdelay $0x1  }
0x259: {  	v15 =	vmul.f32 v15, v16;
	_ =	sdelay $0x1  }
0x25a: {  	[tilespmem:s6+$0x0] =	vst v15  }
0x25b: {  	v15 =	vld.idx.msk [tilespmem:v55+s17+$0x0], $0xffff;
	_ =	sdelay $0x2  }
0x25c: {  	v56 =	vor.u32 $0xB, v14;
	_ =	sdelay $0x1  }
0x25d: {  	v15 =	vmul.f32 v15, v16;
	_ =	sdelay $0x1  }
0x25e: {  	[tilespmem:s6+$0x10] =	vst v15  }
0x25f: {  	v15 =	vld.idx.msk [tilespmem:v56+s17+$0x0], $0xffff;
	_ =	sdelay $0x2  }
0x260: {  	v57 =	vor.u32 $0xC, v14;
	_ =	sdelay $0x1  }
0x261: {  	v15 =	vmul.f32 v15, v16;
	_ =	sdelay $0x1  }
0x262: {  	[tilespmem:s6+$0x20] =	vst v15  }
0x263: {  	v15 =	vld.idx.msk [tilespmem:v57+s17+$0x0], $0xffff;
	_ =	sdelay $0x2  }
0x264: {  	v58 =	vor.u32 $0xD, v14;
	_ =	sdelay $0x1  }
0x265: {  	v15 =	vmul.f32 v15, v16;
	_ =	sdelay $0x1  }
0x266: {  	[tilespmem:s6+$0x30] =	vst v15  }
0x267: {  	v15 =	vld.idx.msk [tilespmem:v58+s17+$0x0], $0xffff;
	_ =	sdelay $0x2  }
0x268: {  	v59 =	vor.u32 $0xE, v14;
	_ =	sdelay $0x1  }
0x269: {  	v15 =	vmul.f32 v15, v16;
	_ =	sdelay $0x1  }
0x26a: {  	[tilespmem:s6+$0x40] =	vst v15  }
0x26b: {  	v15 =	vld.idx.msk [tilespmem:v59+s17+$0x0], $0xffff;
	_ =	sdelay $0x2  }
0x26c: {  	v60 =	vor.u32 $0xF, v14;
	_ =	sdelay $0x1  }
0x26d: {  	v15 =	vmul.f32 v15, v16;
	_ =	sdelay $0x1  }
0x26e: {  	[tilespmem:s6+$0x50] =	vst v15  }
0x26f: {  	v15 =	vld.idx.msk [tilespmem:v60+s17+$0x0], $0xffff;
	_ =	sdelay $0x2  }
0x270: {  	v61 =	vor.u32 $0x10, v14;
	_ =	sdelay $0x1  }
0x271: {  	v15 =	vmul.f32 v15, v16;
	_ =	sdelay $0x1  }
0x272: {  	[tilespmem:s6+$0x60] =	vst v15  }
0x273: {  	v15 =	vld.idx.msk [tilespmem:v61+s17+$0x0], $0xffff;
	_ =	sdelay $0x2  }
0x274: {  	v62 =	vor.u32 $0x11, v14;
	_ =	sdelay $0x1  }
0x275: {  	v15 =	vmul.f32 v15, v16;
	_ =	sdelay $0x1  }
0x276: {  	[tilespmem:s6+$0x70] =	vst v15  }
0x277: {  	v15 =	vld.idx.msk [tilespmem:v62+s17+$0x0], $0xffff;
	_ =	sdelay $0x2  }
0x278: {  	v63 =	vor.u32 $0x12, v14;
	_ =	sdelay $0x1  }
0x279: {  	v15 =	vmul.f32 v15, v16;
	_ =	sdelay $0x1  }
0x27a: {  	[tilespmem:s6+$0x80] =	vst v15  }
0x27b: {  	v15 =	vld.idx.msk [tilespmem:v63+s17+$0x0], $0xffff;
	_ =	sdelay $0x2  }
0x27c: {  	v14 =	vor.u32 $0x13, v14;
	_ =	sdelay $0x1  }
0x27d: {  	v15 =	vmul.f32 v15, v16;
	_ =	sdelay $0x1  }
0x27e: {  	[tilespmem:s6+$0x90] =	vst v15  }
0x27f: {  	v14 =	vld.idx.msk [tilespmem:v14+s17+$0x0], $0xffff;
	_ =	sdelay $0x4  }
0x280: {  	v14 =	vmul.f32 v14, v16;
	_ =	sdelay $0x1  }
0x281: {  	s0 =	sadd.s32 $0x5, s0;
	[tilespmem:s6+$0xA0] =	vst v14  }
0x282: {  	[spmem:s3] =	stream.indirect.scatter.add.f32 [tilespmem:s20], [sflag:s0], $0x160, s8, s15, $0xb8;
	[tilespmem:$0x1FE80] =	vst v63  }
0x283: {  	s0 =	sadd.s32 $0x3, s29  }
0x284: {  	p2 =	sge.s32 s0, s25  }
0x285: {  	s0 =	sshll.u32 @!p2 s0, $0x4  }
0x286: {  	v14 =	vld @!p2 [tilespmem:s0+$0x1C3F8];
	_ =	sdelay $0x4  }
0x287: {  	[tilespmem:s23+$0x1C820] =	vst @!p2 v14  }
0x288: {  	v14 =	vld @!p2 [tilespmem:s0+$0x1BFF0];
	_ =	sdelay $0x4  }
0x289: {  	s0 =	simm.s32 @!p2 $0x10;
	[tilespmem:s23+$0x1C830] =	vst @!p2 v14  }
0x28a: {  	[tilespmem:s9], [sflag:s30] =	stream.indirect.gather @!p2 [hbm4b:s1+s0], $0x20, s5, s0, $0xb8;
	[tilespmem:$0x1FE80] =	vst v63  }
0x28b: {  	s5 =	sshll.u32 @!p2 s31, $0x8  }
0x28c: {  	s5 =	sand.u32 @!p2 $0x3FFFFF00, s5  }
0x28d: {  	s29 =	sadd.s32 $0x1, s29;
	s5 =	sadd.s32 @!p2 $0x1CE80, s5  }
0x28e: {  	[tilespmem:s5], [sflag:s30] =	stream.indirect.gather @!p2 [hbm4b:s2+s0], $0x10, s4, s0, $0xb8;
	[tilespmem:$0x1FE80] =	vst v63  }
0x28f: {  	p2 =	sne.s32 s29, s25  }
.Ltmp13:
0x290: {  	_ = 	snop;
	(pc) =	sbr.rel @p2 .LBB2_14-.Ltmp13, $2  }
0x291: {  	_ =	sdelay $0x2  }
0x292: {  	p1 =	por !p1, !p1;
	s26 =	sadd.s32 $0x200, s26  }
0x293: {  	s0 =	sand.u32 $0x1, s25  }
0x294: {  	s4 =	sxor.u32 $0x1, s0  }
0x295: {  	s4 =	sadd.s32 $0x5, s4  }
0x296: {  	_ =	swait.ge [sflag:s4], $0x1600  }
.Ltmp14:
0x297: {  	p1 =	seq.s32 s25, $0x1;
	[sflag:s4] =	ssyncset.done $0x0;
	(pc) =	sbr.rel .LBB2_18-.Ltmp14, $4  }
0x298: {  	s0 =	sadd.s32 @!p1 $0x5, s0;
	[sflag:s4] =	ssyncadd.s32 $0xFFFFEA00  }
0x299: {  	_ =	swait.ge @!p1 [sflag:s0], $0x1600  }
0x29a: {  	[sflag:s0] =	ssyncset.done @!p1 $0x0  }
0x29b: {  	[sflag:s0] =	ssyncadd.s32 @!p1 $0xFFFFEA00  }
.LBB2_9:
.Ltmp15:
0x29c: {  	(pc) =	sbr.rel .LBB2_13-.Ltmp15, $3  }
0x29d: {  	_ =	sdelay $0x1  }
0x29e: {  	s8 =	simm.s32 $0x1C830;
	s9 =	simm.s32 $0x1BFF0;
	s10 =	simm.s32 $0x2  }
0x29f: {  	s20 =	simm.s32 $0x1C880;
	s7 =	simm.s32 $0x1CE80;
	p2 =	por $0x0, $0x0  }
.LBB2_11:
.Ltmp16:
0x2a0: {  	(pc) =	sbr.rel .LBB2_13-.Ltmp16, $3  }
0x2a1: {  	_ =	sdelay $0x1  }
0x2a2: {  	s8 =	simm.s32 $0x1C830;
	s9 =	simm.s32 $0x1BFF0  }
0x2a3: {  	s10 =	simm.s32 $0x2;
	s20 =	simm.s32 $0x1C880;
	s7 =	simm.s32 $0x1CE80  }
.LBB2_21:
0x2a4: {  	_ =	sfence.sel $0x180000  }
0x2a5: {  	[bflag:$0x0] =	sbarrier.arrive $0xFFFF  }
0x2a6: {  	_ =	strace $0x90000047  }
0x2a7: {  	[bflag:$0x2] =	sbarrier.arrive $0xFFFF  }
0x2a8: {  	s0 =	rddreg [dreg:$0x4]  }
0x2a9: {  	s0 =	sadd.s32 @!p0 $0x100000, s0  }
0x2aa: {  	[sflag:s0] =	ssyncadd.tile.s32 @!p0 $0x1;
	_ =	shalt  }
.Lfunc_end2:
_tile_overlayer_lowered:
.L_overlay_start_2:
0x2ab: {  	(tag) =	ssettag $0x2  }
0x2ac: {  	s0 =	rddreg [dreg:$0x0];
	s2 =	stileid.u32  }
0x2ad: {  	s1 =	rddreg [dreg:$0x1];
	p0 =	sne.s32 s2, $0x0  }
0x2ae: {  	s3 =	rddreg [dreg:$0x2];
	[bflag:$0x3] =	sbarrier.arrive $0xFFFF;
	s2 =	simm.s32 @!p0 $0x1C07  }
0x2af: {  	[timem:s3], [sflag:s2] =	dma.local @!p0 [hbm:s0], s1  }
0x2b0: {  	s0 =	simm.s32 @!p0 $0x7  }
0x2b1: {  	_ =	swait.ge @!p0 [sflag:s0], s1  }
0x2b2: {  	s1 =	ssub.s32 @!p0 $0x0, s1;
	[sflag:s0] =	ssyncset.done @!p0 $0x0  }
0x2b3: {  	[sflag:s0] =	ssyncadd.s32 @!p0 s1  }
0x2b4: {  	[bflag:$0x3] =	sbarrier.arrive $0xFFFF  }
0x2b5: {  	_ =	shalt  }

// kernel: sparse-core-data-format-call.cloned.1.call-start
scs
called_computation_lowered:
.L_overlay_start_0:
0x0: {  	s2 =	sld [smem:$0x3FD9]  }
0x1: {  	s3 =	sld [smem:$0x3FFE];
	_ =	sdelay $0x1  }
0x2: {  	s1 =	srdreg.scid  }
0x3: {  	s0 =	sand.u32 $0x1, s1  }
0x4: {  	s15 =	sshll.u32 s0, $0xA;
	s2 =	sadd.s32 s3, s2  }
0x5: {  	s2 =	sadd.s32 s2, s15  }
0x6: {  	[smem:$0x3FBF] =	sst s2  }
0x7: {  	_ = 	snop  }
0x8: {  	s2 =	sld [smem:$0x3FD0];
	_ =	sdelay $0x2  }
0x9: {  	s16 =	simm.s32 $0xA;
	s4 =	simm.s32 $0x10  }
0xa: {  	[smem:s4], [sflag:s16] =	dma.local [hbm:s2], $0x1  }
0xb: {  	_ =	swait.eq [sflag:s16], $0x1  }
0xc: {  	[sflag:s16] =	ssyncset.done $0x0  }
0xd: {  	[sflag:s16] =	ssyncadd.s32 $0xFFFFFFFF  }
0xe: {  	s17 =	sld [smem:$0x11];
	(tm) =	ssettm $0x1  }
0xf: {  	s18 =	sld [smem:$0x3FFB];
	_ =	sdelay $0x3  }
0x10: {  	_ =	strace s18  }
0x11: {  	s3 =	sld [smem:$0x3FFC];
	_ =	sdelay $0x3  }
0x12: {  	_ =	strace s3  }
0x13: {  	s3 =	sld [smem:$0x3FFD];
	_ =	sdelay $0x3  }
0x14: {  	_ =	strace s3  }
0x15: {  	_ =	strace $0x8FFFFFFF  }
0x16: {  	s19 =	sld [smem:$0x3FDB];
	_ =	sdelay $0x1  }
0x17: {  	s20 =	simm.s32 $_scs_section_size  }
0x18: {  	s5 =	simm.s32 $_size__tile_overlayer_lowered;
	s6 =	simm.s32 $_tile_overlayer_lowered  }
0x19: {  	s23 =	simm.s32 $0x1BFF;
	s22 =	sshll.u32 s6, $0x1;
	s3 =	sadd.s32 s20, s19  }
0x1a: {  	s7 =	simm.s32 $0x0;
	s21 =	sshll.u32 s5, $0x1;
	s5 =	sadd.s32 s22, s3  }
0x1b: {  	[timem:s7], [sflag:s23] =	dma.local [hbm:s5], s21  }
0x1c: {  	_ =	swait.ge [sflag:s23], s21  }
0x1d: {  	s4 =	ssub.s32 $0x0, s21;
	[sflag:s23] =	ssyncset.done $0x0  }
0x1e: {  	[sflag:s23] =	ssyncadd.s32 s4;
	_ =	sdelay $0x1  }
0x1f: {  	s24 =	simm.s32 $0x1B8B  }
0x20: {  	_ =	swait.ge [sflag:s24], $0x1  }
0x21: {  	[sflag:s24] =	ssyncset.done $0x0  }
0x22: {  	s26 =	simm.s32 $0x1B8E;
	s25 =	sld [smem:$0x3FFE];
	[sflag:s24] =	ssyncadd.s32 $0xFFFFFFFF  }
0x23: {  	s27 =	simm.s32 $execute0_lowered;
	[smem:$0x3FD2] =	sst s26  }
0x24: {  	s5 =	sshll.u32 s27, $0x1;
	_ =	strace $0x80000049;
	[dreg:$0x1] =	wrdreg $0xFFFFFFFF  }
0x25: {  	s28 =	simm.s32 $_size_execute0_lowered;
	s3 =	sadd.s32 s3, s5;
	[dreg:$0x0] =	wrdreg $0x0  }
0x26: {  	s5 =	sshll.u32 s28, $0x1;
	[dreg:$0x2] =	wrdreg s3  }
0x27: {  	[dreg:$0x3] =	wrdreg s5  }
0x28: {  	[dreg:$0x4] =	wrdreg $0xC0  }
0x29: {  	_ =	task [dreg:s7], $0x5FFFF  }
0x2a: {  	[dreg:$0x1] =	wrdreg $0xFFFFFFFF  }
0x2b: {  	[dreg:$0x0] =	wrdreg $0x60  }
0x2c: {  	[dreg:$0x2] =	wrdreg s25  }
0x2d: {  	[dreg:$0x3] =	wrdreg s17  }
0x2e: {  	[dreg:$0x4] =	wrdreg $0x9  }
0x2f: {  	_ =	task.clear_ibuf [dreg:s7], $0x5FFFF;
	_ =	strace $0x90000049  }
0x30: {  	s29 =	simm.s32 $0x9;
	_ =	strace $0x8000004B  }
0x31: {  	_ =	swait.ge [sflag:s29], $0x1  }
0x32: {  	[sflag:s29] =	ssyncadd.s32 $0xFFFFFFFF  }
0x33: {  	_ =	strace $0x9000004B  }
0x34: {  	_ =	sfence  }
0x35: {  	s30 =	sld [smem:$0x0];
	_ =	sdelay $0x2  }
0x36: {  	s31 =	sshll.u32 s1, $0xD;
	s1 =	sshrl.u32 s1, $0x2  }
0x37: {  	s3 =	sand.u32 $0x4000, s31;
	s1 =	sadd.s32 s1, s30  }
0x38: {  	s0 =	sor.u32 s3, s0;
	s1 =	sshll.u32 s1, $0x11  }
0x39: {  	s0 =	sor.u32 s1, s0  }
0x3a: {  	s0 =	sadd.s32 $0x8F2B, s0  }
0x3b: {  	[sflag:s0] =	ssyncadd.remote.s32 $0x1  }
0x3c: {  	_ =	sfence.sel $0xFFFF  }
0x3d: {  	[dreg:$0x0] =	wrdreg $0xFFFFFFFF;
	(pc) =	sbr.abs _section_cstart, $3  }
0x3e: {  	[dreg:$0x1] =	wrdreg $0xFFFFFFFF  }
0x3f: {  	_ =	task.clear_ibuf [dreg:s7], $0x2FFFF;
	_ =	strace $0x9FFFFFFF  }
0x40: {  	(tm) =	ssettm $0x7FFFFFFF  }
0x41: {  	_ =	shalt  }
tec
execute0_lowered:
.L_overlay_start_1:
0x0: {  	(tag) =	ssettag $0x1  }
0x1: {  	s0 =	srdreg.scid  }
0x2: {  	s0 =	sshll.u32 s0, $0x4  }
0x3: {  	s2 =	stileid.u32;
	s0 =	sand.u32 $0x10, s0  }
0x4: {  	s0 =	sor.u32 s2, s0  }
0x5: {  	s12 =	sshll.u32 s0, $0x7  }
0x6: {  	s1 =	rddreg [dreg:$0x0];
	s0 =	ssub.s32 $0xC300, s12  }
0x7: {  	_ =	strace $0x8000004A;
	s29 =	simm.s32 $0x1;
	s0 =	sshrl.u32 s0, $0xC  }
0x8: {  	s30 =	simm.s32 $0x2;
	s14 =	simm.s32 $0x0;
	s0 =	smul.u32 $0x3, s0  }
.Ltmp0:
0x9: {  	s9 =	simm.s32 $0x0;
	s1 =	sadd.s32 $0x24BA00, s1;
	(pc) =	sbr.rel .LBB1_1-.Ltmp0, $4  }
0xa: {  	s8 =	simm.s32 $0x0;
	s11 =	simm.s32 $0x0;
	[dreg:$0x4] =	wrdreg s1  }
0xb: {  	s10 =	simm.s32 $0x0;
	[dreg:$0x3] =	wrdreg s12;
	s31 =	sadd.s32 $0x3, s0  }
0xc: {  	[sflag:s29] =	ssyncpa.u1 $0x0;
	s7 =	sadd.s32 $0x4, s0;
	[dreg:$0x5] =	wrdreg s31  }
0xd: {  	s13 =	simm.s32 $0x0;
	[sflag:s30] =	ssyncpa.u1 $0x0;
	[dreg:$0x6] =	wrdreg s7  }
.LBB1_12:
0xe: {  	s8 =	rddreg [dreg:$0x7]  }
0xf: {  	s1 =	sshll.u32 s11, $0x3;
	s25 =	sand.u32 $0x7F, s11;
	s5 =	rddreg [dreg:$0xb]  }
0x10: {  	p1 =	sgt.s32 s11, $0xC300;
	s26 =	rddreg [dreg:$0xa];
	s0 =	sshrl.u32 s8, $0x3  }
0x11: {  	s4 =	smov.u32 s11;
	s30 =	rddreg [dreg:$0x1];
	s0 =	smul.u32 $0x61C00, s0  }
0x12: {  	s31 =	simm.s32 $0x61C00;
	s1 =	sand.u32 $0xFFFFFC00, s1;
	s2 =	sshll.u32 s8, $0x7  }
0x13: {  	s9 =	rddreg [dreg:$0x8];
	s24 =	sand.u32 $0x380, s2;
	s0 =	sadd.s32 s1, s0  }
0x14: {  	p0 =	sgt.s32 s8, $0xD8;
	s3 =	smov.u32 s8;
	s0 =	sor.u32 s24, s0  }
0x15: {  	s4 =	simm.s32 @!p1 $0xC300;
	s1 =	sor.u32 s25, s0;
	s0 =	smulhi.u32 $0xA79C7B17, s0  }
0x16: {  	s3 =	simm.s32 @!p0 $0xD8;
	s4 =	sadd.s32 s26, s4;
	s2 =	smulhi.u32 $0xA79C7B17, s1  }
0x17: {  	s3 =	sadd.s32 s5, s3;
	s7 =	sadd.s32 $0xFFFF3D00, s4;
	s0 =	sshrl.u32 s0, $0xF  }
0x18: {  	s4 =	ssub.s32 $0xC380, s4;
	s2 =	sshrl.u32 s2, $0xF;
	s27 =	smulhi.u32 $0xBE82FB, s0  }
0x19: {  	s6 =	sadd.s32 $0xFFFFFF28, s3;
	p1 =	sgt.s32 s7, $0x7F;
	s2 =	smul.u32 $0xC380, s2  }
0x1a: {  	s3 =	ssub.s32 $0x158, s3;
	p0 =	sgt.s32 s6, $0x7F;
	s5 =	smul.u32 $0x158, s27  }
0x1b: {  	s14 =	rddreg [dreg:$0x9];
	s4 =	simm.s32 @p1 $0x0;
	s3 =	simm.s32 @p0 $0x0  }
0x1c: {  	s28 =	smul.u32 s4, s3;
	s1 =	ssub.s32 s1, s2;
	s0 =	ssub.s32 s0, s5  }
0x1d: {  	s29 =	sshrl.u32 s1, $0x3;
	s1 =	sand.u32 $0x7, s1;
	s0 =	smul.u32 $0x1870, s0  }
0x1e: {  	s7 =	rddreg [dreg:$0x6];
	s3 =	sadd.s32 s30, s29;
	s1 =	sshll.u32 s1, $0x12  }
0x1f: {  	s2 =	sand.u32 $0x3FFFFFFF, s28;
	s1 =	sor.u32 $0x400, s1;
	s0 =	sadd.s32 s0, s3  }
0x20: {  	[hbm4b:s0+s1] =	stream.strided.scatter [tilespmem:s18], [sflag:$0x2], s2, s31, s1, $0x20;
	[tilespmem:$0x10100] =	vst v63  }
.LBB1_13:
0x21: {  	p0 =	slt.u32 s13, $0x2  }
0x22: {  	s1 =	smov.u32 s14;
	s2 =	smov.u32 s9;
	p1 =	sgt.s32 @!p0 s14, $0xD8  }
0x23: {  	s0 =	sshra.s32 @!p0 s14, $0x1F;
	p2 =	sgt.s32 @!p0 s9, $0xC300;
	s3 =	sshra.s32 @!p0 s9, $0x1F  }
0x24: {  	p1 =	por !p1, p0;
	s0 =	sand.u32 @!p0 s0, s14;
	p2 =	por !p2, p0  }
0x25: {  	s3 =	sand.u32 @!p0 s3, s9;
	s1 =	simm.s32 @p1 $0xD8;
	s2 =	simm.s32 @p2 $0xC300  }
0x26: {  	s0 =	ssub.s32 @!p0 s1, s0;
	s1 =	ssub.s32 @!p0 s2, s3  }
0x27: {  	s2 =	sadd.s32 @!p0 $0xFFFFFF28, s0;
	s3 =	sadd.s32 @!p0 $0xFFFF3D00, s1  }
0x28: {  	s0 =	ssub.s32 @!p0 $0x158, s0;
	p1 =	sgt.s32 @!p0 s2, $0x7F;
	p2 =	sgt.s32 @!p0 s3, $0x7F  }
0x29: {  	s1 =	ssub.s32 @!p0 $0xC380, s1;
	p1 =	por !p1, p0;
	p2 =	por !p2, p0  }
0x2a: {  	s0 =	simm.s32 @!p1 $0x0;
	s1 =	simm.s32 @!p2 $0x0  }
0x2b: {  	s0 =	smul.u32 @!p0 s1, s0  }
0x2c: {  	s4 =	smov.u32 s12;
	s2 =	simm.s32 @!p0 $0x2;
	s1 =	sadd.s32 $0x80, s10  }
0x2d: {  	s3 =	sadd.s32 $0x1000, s12;
	p1 =	sgt.s32 s1, $0x153;
	s0 =	sand.u32 @!p0 $0x3FFFFFFF, s0  }
0x2e: {  	s4 =	smov.u32 @p1 s3;
	_ =	swait.ge @!p0 [sflag:s2], s0  }
0x2f: {  	s1 =	simm.s32 @p1 $0x0;
	p1 =	sgt.s32 s4, $0xC34F;
	s3 =	rddreg [dreg:$0x3]  }
0x30: {  	s4 =	smov.u32 @p1 s3;
	p1 =	sne.s32 s13, s7  }
.Ltmp1:
0x31: {  	_ = 	snop;
	(pc) =	sbr.rel @!p1 .LBB1_14-.Ltmp1, $4  }
0x32: {  	s14 =	smov.u32 s8  }
0x33: {  	s9 =	smov.u32 s11;
	s8 =	smov.u32 s10;
	s11 =	smov.u32 s12  }
0x34: {  	s0 =	ssub.s32 @!p0 $0x0, s0;
	s10 =	smov.u32 s1;
	[sflag:s2] =	ssyncset.done @!p0 $0x0  }
0x35: {  	s13 =	sadd.s32 $0x1, s13;
	[sflag:s2] =	ssyncadd.s32 @!p0 s0;
	s12 =	smov.u32 s4  }
.LBB1_1:
0x36: {  	s0 =	rddreg [dreg:$0x5]  }
0x37: {  	s3 =	smov.u32 s12;
	p0 =	sge.u32 s13, s0  }
0x38: {  	s5 =	smov.u32 s10;
	s0 =	sshrl.u32 @!p0 s12, $0x3;
	s1 =	sshll.u32 @!p0 s10, $0x3  }
0x39: {  	s2 =	sshll.u32 @!p0 s12, $0x7;
	p1 =	sgt.s32 @!p0 s12, $0xC2D0;
	s0 =	smul.u32 @!p0 $0xC00, s0  }
0x3a: {  	s4 =	sshra.s32 @!p0 s12, $0x1F;
	s1 =	sand.u32 @!p0 $0xFFFFFC00, s1;
	p1 =	por !p1, p0  }
0x3b: {  	s3 =	simm.s32 @p1 $0xC2D0;
	s0 =	sadd.s32 @!p0 s0, s1;
	s1 =	sand.u32 @!p0 $0x380, s2  }
0x3c: {  	p1 =	sgt.s32 @!p0 s10, $0x100;
	s2 =	sand.u32 @!p0 $0x7F, s10;
	s0 =	sor.u32 @!p0 s1, s0  }
0x3d: {  	s6 =	sshra.s32 @!p0 s10, $0x1F;
	p1 =	por !p1, p0;
	s1 =	sor.u32 @!p0 s2, s0  }
0x3e: {  	s6 =	sand.u32 @!p0 s6, s10;
	s5 =	simm.s32 @p1 $0x100;
	s2 =	smulhi.u32 @!p0 $0xAAAAAAAB, s1  }
0x3f: {  	s4 =	sand.u32 @!p0 s4, s12;
	s0 =	smulhi.u32 @!p0 $0xAAAAAAAB, s0;
	s5 =	ssub.s32 @!p0 s5, s6  }
0x40: {  	s3 =	ssub.s32 @!p0 s3, s4;
	s6 =	sadd.s32 @!p0 $0xFFFFFF00, s5;
	s2 =	sshrl.u32 @!p0 s2, $0x8  }
0x41: {  	s0 =	sshrl.u32 @!p0 s0, $0x8;
	p2 =	sgt.s32 @!p0 s6, $0x7F;
	s2 =	smul.u32 @!p0 $0x180, s2  }
0x42: {  	s5 =	ssub.s32 @!p0 $0x180, s5;
	s4 =	smulhi.u32 @!p0 $0x14F8B59, s0;
	p2 =	por !p2, p0  }
0x43: {  	s1 =	ssub.s32 @!p0 s1, s2;
	s2 =	sadd.s32 @!p0 $0xFFFF3D30, s3;
	s3 =	ssub.s32 @!p0 $0xC350, s3  }
0x44: {  	p1 =	sgt.s32 @!p0 s2, $0x7F;
	s2 =	sshrl.u32 @!p0 s4, $0x8;
	s4 =	sxor.u32 @!p0 $0xFFFFFFFF, s13  }
0x45: {  	s2 =	smul.u32 @!p0 $0xC350, s2;
	p1 =	por !p1, p0;
	s4 =	sshll.u32 @!p0 s4, $0xE  }
0x46: {  	s5 =	simm.s32 @!p2 $0x0;
	s3 =	simm.s32 @!p1 $0x0;
	s4 =	sand.u32 @!p0 $0x4000, s4  }
0x47: {  	s0 =	ssub.s32 @!p0 s0, s2;
	s2 =	smul.u32 @!p0 s3, s5;
	s3 =	sshrl.u32 @!p0 s1, $0x3  }
0x48: {  	s1 =	sand.u32 @!p0 $0x7, s1;
	s5 =	rddreg [dreg:$0x4];
	s0 =	smul.u32 @!p0 $0x30, s0  }
0x49: {  	s3 =	sadd.s32 @!p0 s5, s3;
	s1 =	sshll.u32 @!p0 s1, $0x12;
	s2 =	sand.u32 @!p0 $0x3FFFFFFF, s2  }
0x4a: {  	s1 =	sor.u32 @!p0 $0x400, s1;
	s0 =	sadd.s32 @!p0 s0, s3;
	s3 =	simm.s32 @!p0 $0xC00  }
0x4b: {  	[tilespmem:s4], [sflag:$0x1] =	stream.strided.gather @!p0 [hbm4b:s0+s1], s2, s3, s1, $0x38;
	[tilespmem:$0x10100] =	vst v63  }
0x4c: {  	p0 =	seq.s32 s13, $0x0  }
0x4d: {  	p1 =	sge.u32 @!p0 s13, s7  }
0x4e: {  	p0 =	por p0, p1  }
.Ltmp2:
0x4f: {  	_ = 	snop;
	(pc) =	sbr.rel @p0 .LBB1_13-.Ltmp2, $1  }
0x50: {  	_ =	sdelay $0x3  }
0x51: {  	s0 =	ssub.s32 $0x0, s11;
	s1 =	sshra.s32 s11, $0x1F;
	p0 =	sgt.s32 s11, $0xC2D0  }
0x52: {  	s2 =	smov.u32 s11;
	s25 =	ssub.s32 $0x0, s8;
	s26 =	sshra.s32 s8, $0x1F  }
0x53: {  	s3 =	smov.u32 s8;
	s2 =	simm.s32 @!p0 $0xC2D0;
	p0 =	sgt.s32 s8, $0x100  }
0x54: {  	s4 =	sand.u32 s0, s1;
	s1 =	sand.u32 s25, s26;
	s3 =	simm.s32 @!p0 $0x100  }
0x55: {  	s2 =	sadd.s32 s4, s2;
	[dreg:$0xb] =	wrdreg s1;
	s1 =	sadd.s32 s1, s3  }
0x56: {  	s27 =	sadd.s32 $0xFFFF3D30, s2;
	s2 =	ssub.s32 $0xC350, s2;
	s28 =	sadd.s32 $0xFFFFFF00, s1  }
0x57: {  	p0 =	sgt.s32 s27, $0x7F;
	s0 =	ssub.s32 $0x180, s1;
	p1 =	sgt.s32 s28, $0x7F  }
0x58: {  	s2 =	simm.s32 @p0 $0x0;
	s0 =	simm.s32 @p1 $0x0  }
0x59: {  	s29 =	smul.u32 s2, s0;
	s2 =	sadd.s32 $0x80, s11  }
0x5a: {  	p0 =	slt.s32 s2, $0xC350  }
0x5b: {  	s2 =	simm.s32 @!p0 $0xC350  }
0x5c: {  	[dreg:$0x9] =	wrdreg s14;
	s19 =	ssub.s32 s2, s11  }
0x5d: {  	[dreg:$0x8] =	wrdreg s9;
	p0 =	slt.s32 s19, $0x1  }
.Ltmp3:
0x5e: {  	[dreg:$0x7] =	wrdreg s8;
	s30 =	simm.s32 $0x1;
	(pc) =	sbr.rel @p0 .LBB1_12-.Ltmp3, $4  }
0x5f: {  	[dreg:$0xa] =	wrdreg s4;
	s0 =	sand.u32 $0x1, s13;
	s1 =	sand.u32 $0x3FFFFFFF, s29  }
0x60: {  	s31 =	smul.u32 $0x4080, s0;
	_ =	swait.ge [sflag:s30], s1  }
0x61: {  	s1 =	ssub.s32 $0x0, s1;
	[sflag:s30] =	ssyncset.done $0x0  }
0x62: {  	s18 =	sor.u32 $0x8000, s31;
	[sflag:s30] =	ssyncadd.s32 s1  }
0x63: {  	s2 =	rddreg [dreg:$0x7]  }
0x64: {  	s1 =	sadd.s32 $0x80, s2  }
0x65: {  	p0 =	slt.s32 s1, $0x154  }
.Ltmp4:
0x66: {  	s1 =	simm.s32 @!p0 $0x154;
	(pc) =	sbr.rel .LBB1_4-.Ltmp4, $4  }
0x67: {  	s22 =	sshll.u32 s0, $0xE;
	s1 =	ssub.s32 s1, s2  }
0x68: {  	s24 =	simm.s32 $0x0;
	s25 =	simm.s32 $0x400;
	s1 =	sadd.s32 $0xF, s1  }
0x69: {  	s20 =	sand.u32 $0xFFFFFFF0, s1;
	s21 =	sand.u32 $0xFFFFFF00, s1;
	s31 =	sshll.u32 s1, $0x3  }
0x6a: {  	p0 =	slt.s32 s1, $0x100;
	s23 =	sand.u32 $0xFFFFF800, s31;
	p1 =	sge.s32 s21, s20  }
.LBB1_11:
0x6b: {  	s24 =	sadd.s32 $0x1, s24  }
0x6c: {  	p2 =	sne.s32 s24, s19  }
.Ltmp5:
0x6d: {  	_ = 	snop;
	(pc) =	sbr.rel @!p2 .LBB1_12-.Ltmp5, $2  }
0x6e: {  	_ =	sdelay $0x2  }
0x6f: {  	s25 =	sadd.s32 $0x80, s25  }
.LBB1_4:
.Ltmp6:
0x70: {  	(pc) =	sbr.rel @p0 .LBB1_8-.Ltmp6, $2  }
0x71: {  	_ =	sdelay $0x2  }
0x72: {  	s26 =	sshll.u32 s24, $0x7;
	s27 =	sand.u32 $0x7F, s24  }
0x73: {  	s0 =	sshll.u32 s24, $0x3  }
0x74: {  	s5 =	sand.u32 $0x380, s26;
	s3 =	sshrl.u32 s0, $0x7;
	s2 =	sadd.s32 $0x800, s0  }
0x75: {  	s6 =	sadd.s32 $0x1000, s0;
	s17 =	sadd.s32 s5, s22;
	s16 =	sadd.s32 $0x1800, s0  }
0x76: {  	s9 =	sadd.s32 $0x2800, s0;
	s1 =	sand.u32 $0x78, s3;
	s2 =	sshrl.u32 s2, $0x7  }
0x77: {  	s15 =	sshrl.u32 s6, $0x7;
	s6 =	sshrl.u32 s16, $0x7;
	s14 =	sshrl.u32 s9, $0x7  }
0x78: {  	s16 =	sadd.s32 $0x3000, s0;
	s4 =	smul.u32 $0x204, s1;
	s2 =	sand.u32 $0x78, s2  }
0x79: {  	s0 =	sadd.s32 $0x3800, s0;
	s5 =	sand.u32 $0x78, s15;
	s2 =	smul.u32 $0x204, s2  }
0x7a: {  	v0 =	vmov s17;
	s17 =	sand.u32 $0x3C00, s25;
	s1 =	sxor.u32 $0x40, s1;
	s5 =	smul.u32 $0x204, s5  }
0x7b: {  	s7 =	sand.u32 $0x78, s6;
	s1 =	smul.u32 $0x204, s1;
	s4 =	sshrl.u32 s4, $0x2  }
0x7c: {  	s4 =	sadd.s32 s4, s18;
	s2 =	sshrl.u32 s2, $0x2;
	s8 =	sshrl.u32 s5, $0x2  }
0x7d: {  	s1 =	sshrl.u32 s1, $0x2;
	s2 =	sadd.s32 s2, s18;
	s28 =	sadd.s32 s27, s4  }
0x7e: {  	s4 =	sadd.s32 s8, s18;
	s15 =	sadd.s32 s1, s18;
	s8 =	sshrl.u32 s0, $0x7  }
0x7f: {  	s29 =	sadd.s32 s27, s2;
	s2 =	smul.u32 $0x204, s7;
	s30 =	sadd.s32 s27, s4  }
0x80: {  	s4 =	sand.u32 $0x78, s14;
	s31 =	sadd.s32 s27, s15;
	s7 =	sshrl.u32 s16, $0x7  }
0x81: {  	s9 =	sand.u32 $0x78, s8;
	s14 =	sadd.s32 $0x10, s3;
	s15 =	sadd.s32 $0x20, s3  }
0x82: {  	s4 =	smul.u32 $0x204, s4;
	s5 =	sand.u32 $0x78, s14;
	s6 =	sand.u32 $0x78, s15  }
0x83: {  	s14 =	sadd.s32 $0x60, s3;
	s2 =	sshrl.u32 s2, $0x2;
	s5 =	smul.u32 $0x204, s5  }
0x84: {  	s6 =	smul.u32 $0x204, s6;
	s14 =	sand.u32 $0x78, s14;
	s2 =	sadd.s32 s2, s18  }
0x85: {  	s4 =	sshrl.u32 s4, $0x2;
	s14 =	smul.u32 $0x204, s14;
	s1 =	sadd.s32 s27, s2  }
0x86: {  	s2 =	sand.u32 $0x78, s7;
	s4 =	sadd.s32 s4, s18;
	s5 =	sshrl.u32 s5, $0x2  }
0x87: {  	s7 =	sadd.s32 $0x30, s3;
	s0 =	sadd.s32 s27, s4;
	s4 =	smul.u32 $0x204, s9  }
0x88: {  	s16 =	sadd.s32 s5, s18;
	s5 =	sand.u32 $0x78, s7;
	s7 =	sadd.s32 $0x50, s3  }
0x89: {  	s6 =	sshrl.u32 s6, $0x2;
	s3 =	sadd.s32 $0x70, s3;
	s7 =	sand.u32 $0x78, s7  }
0x8a: {  	v1 =	vld.idx.msk [tilespmem:v0+s17+$0x0 ss:$0x1], $0xffff;
	s3 =	sand.u32 $0x78, s3;
	s4 =	sshrl.u32 s4, $0x2;
	s7 =	smul.u32 $0x204, s7  }
0x8b: {  	s14 =	sshrl.u32 s14, $0x2;
	s3 =	smul.u32 $0x204, s3;
	s4 =	sadd.s32 s4, s18  }
0x8c: {  	s15 =	sadd.s32 s6, s18;
	s14 =	sadd.s32 s14, s18;
	s8 =	sadd.s32 s27, s4  }
0x8d: {  	s4 =	sadd.s32 s27, s15;
	s7 =	sshrl.u32 s7, $0x2;
	s3 =	sshrl.u32 s3, $0x2  }
0x8e: {  	s15 =	sadd.s32 $0xFFFFFC00, s25;
	s7 =	sadd.s32 s7, s18;
	s9 =	sadd.s32 s3, s18  }
0x8f: {  	[tilespmem:s28+$0x0 ss:$0x81] =	vst.msk $0xffff, v1;
	v1 =	vld.idx.msk [tilespmem:v0+s17+$0x20 ss:$0x1], $0xffff;
	s3 =	sadd.s32 s27, s7;
	s7 =	sadd.s32 s27, s14;
	s14 =	sand.u32 $0x3C00, s15  }
0x90: {  	v2 =	vld.idx.msk [tilespmem:v0+s14+$0x70 ss:$0x1], $0xffff  }
0x91: {  	v3 =	vld.idx.msk [tilespmem:v0+s14+$0x0 ss:$0x1], $0xffff  }
0x92: {  	v4 =	vld.idx.msk [tilespmem:v0+s14+$0x10 ss:$0x1], $0xffff  }
0x93: {  	v5 =	vld.idx.msk [tilespmem:v0+s14+$0x20 ss:$0x1], $0xffff  }
0x94: {  	v6 =	vld.idx.msk [tilespmem:v0+s14+$0x30 ss:$0x1], $0xffff  }
0x95: {  	v7 =	vld.idx.msk [tilespmem:v0+s14+$0x40 ss:$0x1], $0xffff;
	[tilespmem:s8+$0x0 ss:$0x81] =	vst.msk $0xffff, v2  }
0x96: {  	s2 =	smul.u32 $0x204, s2;
	v8 =	vld.idx.msk [tilespmem:v0+s14+$0x50 ss:$0x1], $0xffff;
	[tilespmem:s28+$0x0 ss:$0x81] =	vst.msk $0xffff, v3  }
0x97: {  	p2 =	sgt.s32 s21, $0x100;
	s5 =	smul.u32 $0x204, s5;
	v9 =	vld.idx.msk [tilespmem:v0+s14+$0x60 ss:$0x1], $0xffff;
	[tilespmem:s29+$0x0 ss:$0x81] =	vst.msk $0xffff, v4  }
.Ltmp7:
0x98: {  	v4 =	vld.idx.msk [tilespmem:v0+s17+$0x10 ss:$0x1], $0xffff;
	[tilespmem:s30+$0x0 ss:$0x81] =	vst.msk $0xffff, v5;
	(pc) =	sbr.rel @!p2 .LBB1_7-.Ltmp7, $4  }
0x99: {  	s2 =	sshrl.u32 s2, $0x2;
	s5 =	sshrl.u32 s5, $0x2;
	[tilespmem:s1+$0x0 ss:$0x81] =	vst.msk $0xffff, v6;
	v2 =	vld.idx.msk [tilespmem:v0+s17+$0x30 ss:$0x1], $0xffff  }
0x9a: {  	s2 =	sadd.s32 s2, s18;
	s5 =	sadd.s32 s5, s18;
	[tilespmem:s31+$0x0 ss:$0x81] =	vst.msk $0xffff, v7;
	v3 =	vld.idx.msk [tilespmem:v0+s17+$0x40 ss:$0x1], $0xffff  }
0x9b: {  	s6 =	sadd.s32 s27, s16;
	s2 =	sadd.s32 s27, s2;
	s5 =	sadd.s32 s27, s5;
	[tilespmem:s0+$0x0 ss:$0x81] =	vst.msk $0xffff, v8;
	v5 =	vld.idx.msk [tilespmem:v0+s17+$0x50 ss:$0x1], $0xffff  }
0x9c: {  	s16 =	sadd.s32 s27, s9;
	s15 =	sadd.s32 $0x800, s25;
	s14 =	simm.s32 $0x100;
	[tilespmem:s2+$0x0 ss:$0x81] =	vst.msk $0xffff, v9;
	v6 =	vld.idx.msk [tilespmem:v0+s17+$0x60 ss:$0x1], $0xffff  }
.LBB1_6:
0x9d: {  	s9 =	sadd.s32 $0xFFFFFC00, s15;
	s14 =	sadd.s32 $0x100, s14;
	[tilespmem:s6+$0x0 ss:$0x81] =	vst.msk $0xffff, v4;
	v4 =	vld.idx.msk [tilespmem:v0+s17+$0x70 ss:$0x1], $0xffff;
	s17 =	sand.u32 $0x3C00, s15  }
0x9e: {  	s9 =	sand.u32 $0x3C00, s9;
	v7 =	vld.idx.msk [tilespmem:v0+s17+$0x0 ss:$0x1], $0xffff;
	p2 =	slt.s32 s14, s21;
	[tilespmem:s4+$0x0 ss:$0x81] =	vst.msk $0xffff, v1  }
0x9f: {  	v1 =	vld.idx.msk [tilespmem:v0+s9+$0x70 ss:$0x1], $0xffff;
	[tilespmem:s5+$0x0 ss:$0x81] =	vst.msk $0xffff, v2  }
0xa0: {  	v2 =	vld.idx.msk [tilespmem:v0+s9+$0x0 ss:$0x1], $0xffff;
	[tilespmem:s31+$0x0 ss:$0x81] =	vst.msk $0xffff, v3  }
0xa1: {  	v3 =	vld.idx.msk [tilespmem:v0+s9+$0x10 ss:$0x1], $0xffff;
	[tilespmem:s3+$0x0 ss:$0x81] =	vst.msk $0xffff, v5  }
0xa2: {  	v5 =	vld.idx.msk [tilespmem:v0+s9+$0x20 ss:$0x1], $0xffff;
	[tilespmem:s7+$0x0 ss:$0x81] =	vst.msk $0xffff, v6  }
0xa3: {  	v6 =	vld.idx.msk [tilespmem:v0+s9+$0x30 ss:$0x1], $0xffff;
	[tilespmem:s16+$0x0 ss:$0x81] =	vst.msk $0xffff, v4  }
0xa4: {  	v8 =	vld.idx.msk [tilespmem:v0+s9+$0x40 ss:$0x1], $0xffff;
	[tilespmem:s28+$0x0 ss:$0x81] =	vst.msk $0xffff, v7  }
0xa5: {  	v7 =	vld.idx.msk [tilespmem:v0+s9+$0x50 ss:$0x1], $0xffff;
	[tilespmem:s8+$0x0 ss:$0x81] =	vst.msk $0xffff, v1  }
0xa6: {  	[tilespmem:s28+$0x0 ss:$0x81] =	vst.msk $0xffff, v2;
	v9 =	vld.idx.msk [tilespmem:v0+s9+$0x60 ss:$0x1], $0xffff  }
0xa7: {  	[tilespmem:s29+$0x0 ss:$0x81] =	vst.msk $0xffff, v3;
	v4 =	vld.idx.msk [tilespmem:v0+s17+$0x10 ss:$0x1], $0xffff  }
.Ltmp8:
0xa8: {  	[tilespmem:s30+$0x0 ss:$0x81] =	vst.msk $0xffff, v5;
	v1 =	vld.idx.msk [tilespmem:v0+s17+$0x20 ss:$0x1], $0xffff;
	(pc) =	sbr.rel @p2 .LBB1_6-.Ltmp8, $4  }
0xa9: {  	[tilespmem:s1+$0x0 ss:$0x81] =	vst.msk $0xffff, v6;
	v2 =	vld.idx.msk [tilespmem:v0+s17+$0x30 ss:$0x1], $0xffff  }
0xaa: {  	[tilespmem:s31+$0x0 ss:$0x81] =	vst.msk $0xffff, v8;
	v3 =	vld.idx.msk [tilespmem:v0+s17+$0x40 ss:$0x1], $0xffff  }
0xab: {  	[tilespmem:s0+$0x0 ss:$0x81] =	vst.msk $0xffff, v7;
	v5 =	vld.idx.msk [tilespmem:v0+s17+$0x50 ss:$0x1], $0xffff  }
0xac: {  	s15 =	sadd.s32 $0x800, s15;
	[tilespmem:s2+$0x0 ss:$0x81] =	vst.msk $0xffff, v9;
	v6 =	vld.idx.msk [tilespmem:v0+s17+$0x60 ss:$0x1], $0xffff  }
.LBB1_7:
0xad: {  	_ =	sdelay $0x2  }
0xae: {  	[tilespmem:s6+$0x0 ss:$0x81] =	vst.msk $0xffff, v4  }
0xaf: {  	v0 =	vld.idx.msk [tilespmem:v0+s17+$0x70 ss:$0x1], $0xffff;
	[tilespmem:s4+$0x0 ss:$0x81] =	vst.msk $0xffff, v1  }
0xb0: {  	[tilespmem:s5+$0x0 ss:$0x81] =	vst.msk $0xffff, v2  }
0xb1: {  	[tilespmem:s31+$0x0 ss:$0x81] =	vst.msk $0xffff, v3  }
0xb2: {  	[tilespmem:s3+$0x0 ss:$0x81] =	vst.msk $0xffff, v5  }
0xb3: {  	[tilespmem:s7+$0x0 ss:$0x81] =	vst.msk $0xffff, v6  }
0xb4: {  	[tilespmem:s16+$0x0 ss:$0x81] =	vst.msk $0xffff, v0  }
.LBB1_8:
.Ltmp9:
0xb5: {  	(pc) =	sbr.rel @p1 .LBB1_11-.Ltmp9, $1  }
0xb6: {  	_ =	sdelay $0x3  }
0xb7: {  	s1 =	sand.u32 $0x380, s26;
	s0 =	sshrl.u32 s24, $0x4;
	s2 =	sadd.s32 s27, s18  }
0xb8: {  	s3 =	smov.u32 s23;
	s4 =	smov.u32 s21;
	s1 =	sadd.s32 s1, s22  }
.LBB1_10:
0xb9: {  	s5 =	sand.u32 $0x3C00, s3  }
0xba: {  	s5 =	sadd.s32 s26, s5  }
0xbb: {  	s5 =	sand.u32 $0x3C00, s5  }
0xbc: {  	s6 =	sand.u32 $0x70, s4;
	s30 =	sadd.s32 s4, s0;
	s5 =	sadd.s32 s5, s1  }
0xbd: {  	s4 =	sadd.s32 $0x10, s4;
	s31 =	sand.u32 $0x78, s30;
	s5 =	sadd.s32 s6, s5  }
0xbe: {  	p2 =	slt.s32 s4, s20;
	v0 =	vld [tilespmem:s5+$0x0];
	s5 =	smul.u32 $0x204, s31  }
.Ltmp10:
0xbf: {  	_ = 	snop;
	(pc) =	sbr.rel @p2 .LBB1_10-.Ltmp10, $4  }
0xc0: {  	_ = 	snop  }
0xc1: {  	s5 =	sshrl.u32 s5, $0x2  }
0xc2: {  	s5 =	sadd.s32 s5, s2  }
0xc3: {  	s3 =	sadd.s32 $0x80, s3;
	[tilespmem:s5+$0x0 ss:$0x81] =	vst.msk $0xffff, v0  }
.Ltmp11:
0xc4: {  	_ = 	snop;
	(pc) =	sbr.rel .LBB1_11-.Ltmp11, $1  }
0xc5: {  	_ =	sdelay $0x3  }
.LBB1_14:
0xc6: {  	_ =	sfence.sel $0x180000  }
0xc7: {  	s0 =	simm.s32 $0x1;
	[bflag:$0x0] =	sbarrier.arrive $0xFFFF  }
0xc8: {  	s30 =	simm.s32 $0x2;
	[sflag:s0] =	ssyncpa.u1 $0x1  }
0xc9: {  	[sflag:s30] =	ssyncpa.u1 $0x1  }
0xca: {  	_ =	strace $0x9000004A  }
0xcb: {  	s31 =	stileid.u32;
	[bflag:$0x2] =	sbarrier.arrive $0xFFFF  }
0xcc: {  	p0 =	sne.s32 s31, $0x0;
	s0 =	rddreg [dreg:$0x2]  }
0xcd: {  	s0 =	sadd.s32 @!p0 $0x100000, s0  }
0xce: {  	[sflag:s0] =	ssyncadd.tile.s32 @!p0 $0x1;
	_ =	shalt  }
.Lfunc_end1:
_tile_overlayer_lowered:
.L_overlay_start_2:
0xcf: {  	(tag) =	ssettag $0x2  }
0xd0: {  	s0 =	rddreg [dreg:$0x0];
	s2 =	stileid.u32  }
0xd1: {  	s1 =	rddreg [dreg:$0x1];
	p0 =	sne.s32 s2, $0x0  }
0xd2: {  	s3 =	rddreg [dreg:$0x2];
	[bflag:$0x3] =	sbarrier.arrive $0xFFFF;
	s2 =	simm.s32 @!p0 $0x1C01  }
0xd3: {  	[timem:s3], [sflag:s2] =	dma.local @!p0 [hbm:s0], s1  }
0xd4: {  	s0 =	simm.s32 @!p0 $0x1  }
0xd5: {  	_ =	swait.ge @!p0 [sflag:s0], s1  }
0xd6: {  	s1 =	ssub.s32 @!p0 $0x0, s1;
	[sflag:s0] =	ssyncset.done @!p0 $0x0  }
0xd7: {  	[sflag:s0] =	ssyncadd.s32 @!p0 s1  }
0xd8: {  	[bflag:$0x3] =	sbarrier.arrive $0xFFFF  }
0xd9: {  	_ =	shalt  }

</sc_bundles>
